<compile_context>
chip_gen: v7x
topology: tpu7x:2x2x1
jax: 0.10.2.dev20260603
libtpu: 0.0.44.dev20260713+nightly
codegen_flags: <defaults>
</compile_context>

<pallas_src>
import jax
import jax.numpy as jnp
from jax import lax
from jax.experimental import pallas as pl
from jax.experimental.pallas import tpu as pltpu
from jax.experimental.pallas import tpu_sc as plsc

N_TASKS = 10000
FRONTIER = 10
X_DIM = 2048
CODE_DIM = 512
BATCH = 4096

NC, NS, L = 2, 16, 16
NW = NC * NS
CHUNK = BATCH // NW
NGROUPS = CHUNK // L
NVEC = BATCH // L
SW = 128

BM = 512
GRID = BATCH // BM


def _enc_body(x_ref, we_ref, wd_ref, score_ref, c_ref):
    c = jnp.tanh(jnp.dot(x_ref[...], we_ref[...],
                         preferred_element_type=jnp.float32))
    xr = jnp.dot(c, wd_ref[...], preferred_element_type=jnp.float32)
    d = x_ref[...] - xr
    score = -0.5 * (jnp.sum(d * d, axis=1) + jnp.sum(c * c, axis=1))
    score_ref[...] = score.reshape(1, 1, BM)
    c_ref[...] = c


def _dec_body(x_ref, c_ref, wd_ref, se_ref, obj_ref):
    c = c_ref[...]
    xr = jnp.dot(c, wd_ref[...], preferred_element_type=jnp.float32)
    d = x_ref[...] - xr
    lik = -0.5 * jnp.sum(d * d, axis=1)
    prior = -0.5 * jnp.sum(c * c, axis=1)
    obj = lik + jnp.log(se_ref[0, 0, :]) + prior
    obj_ref[...] = obj.reshape(1, 1, BM)


def _sc_table_body(i_hbm, w_hbm, i_loc, wlast, w_chunk, sem):
    cid = lax.axis_index("c")
    sid = lax.axis_index("s")
    wid = cid * NS + sid
    base = wid * CHUNK
    lane = jnp.arange(L, dtype=jnp.int32)

    pltpu.sync_copy(i_hbm, i_loc)

    def table_step(v, carry):
        idx16 = i_loc[pl.ds(v * L, L)]
        b16 = lane + v * L
        for l in range(L):
            idx_l = jnp.where(lane == l, idx16, N_TASKS)
            plsc.store_scatter(wlast, [idx_l], b16)
        return carry

    lax.fori_loop(0, NVEC, table_step, 0)

    for g in range(NGROUPS):
        iv = i_loc[pl.ds(base + g * L, L)]
        w_chunk[pl.ds(g * L, L)] = plsc.load_gather(wlast, [iv])
    pltpu.sync_copy(w_chunk, w_hbm.at[pl.ds(base, CHUNK)])


def _sc_body(i_hbm, score_hbm, mem_s_hbm, mem_c_hbm, c_prop_hbm, w_hbm,
             cs_hbm, sumexp_hbm,
             score_loc, w_loc,
             i_chunk, srows, sumexp_chunk, j_vec, w_vec, dst_vec, cbuf, sem):
    cid = lax.axis_index("c")
    sid = lax.axis_index("s")
    wid = cid * NS + sid
    base = wid * CHUNK
    lane = jnp.arange(L, dtype=jnp.int32)

    pltpu.sync_copy(score_hbm, score_loc)
    pltpu.sync_copy(w_hbm.at[pl.ds(base, CHUNK)], w_loc)

    pltpu.sync_copy(i_hbm.at[pl.ds(base, CHUNK)], i_chunk)
    pltpu.async_copy(mem_s_hbm.at[i_chunk], srows, sem).wait()

    n_mem = jnp.int32(0)
    for g in range(NGROUPS):
        iv = i_chunk[pl.ds(g * L, L)]
        row0 = lane + g * L
        sv = [plsc.load_gather(srows, [row0, jnp.full((L,), f, jnp.int32)])
              for f in range(FRONTIER)]
        cur_min = sv[0]
        for f in range(1, FRONTIER):
            cur_min = jnp.minimum(cur_min, sv[f])
        m = jnp.full((L,), 99, dtype=jnp.int32)
        for f in range(FRONTIER):
            m = jnp.minimum(m, jnp.where(sv[f] == cur_min, f, 99))
        w = w_loc[pl.ds(g * L, L)]
        score_w = plsc.load_gather(score_loc, [w])
        better = score_w > cur_min
        new_s = jnp.where(better, score_w, cur_min)
        upd = [jnp.where(m == f, new_s, sv[f]) for f in range(FRONTIER)]
        vmax = upd[0]
        for f in range(1, FRONTIER):
            vmax = jnp.maximum(vmax, upd[f])
        j = jnp.full((L,), 99, dtype=jnp.int32)
        for f in range(FRONTIER):
            j = jnp.minimum(j, jnp.where(upd[f] == vmax, f, 99))
        sumexp = jnp.exp(upd[0] - vmax)
        for f in range(1, FRONTIER):
            sumexp = sumexp + jnp.exp(upd[f] - vmax)
        use_new = (j == m) & better
        bglob = base + g * L + lane
        sumexp_chunk[pl.ds(g * L, L)] = sumexp
        j_vec[pl.ds(g * L, L)] = j * N_TASKS + iv
        w_vec[pl.ds(g * L, L)] = w
        dst_vec[pl.ds(g * L, L)] = jnp.where(use_new, BATCH, bglob)
        n_mem = n_mem + jnp.sum(jnp.where(use_new, 0, 1))
    pltpu.sync_copy(sumexp_chunk, sumexp_hbm.at[pl.ds(base, CHUNK)])

    pltpu.async_copy(c_prop_hbm.at[w_vec], cbuf, sem).wait()
    pltpu.sync_copy(cbuf, cs_hbm.at[pl.ds(base, CHUNK)])

    @pl.when(n_mem > 0)
    def _patch():
        pltpu.async_copy(mem_c_hbm.at[j_vec], cbuf, sem).wait()
        pltpu.async_copy(cbuf, cs_hbm.at[dst_vec], sem).wait()


_sc_table_call = pl.kernel(
    _sc_table_body,
    out_type=[jax.ShapeDtypeStruct((BATCH,), jnp.int32)],
    mesh=plsc.VectorSubcoreMesh(core_axis_name="c", subcore_axis_name="s"),
    compiler_params=pltpu.CompilerParams(needs_layout_passes=False),
    scratch_types=[
        pltpu.VMEM((BATCH,), jnp.int32),
        pltpu.VMEM((N_TASKS + L,), jnp.int32),
        pltpu.VMEM((CHUNK,), jnp.int32),
        pltpu.SemaphoreType.DMA,
    ],
)

_sc_call = pl.kernel(
    _sc_body,
    out_type=[
        jax.ShapeDtypeStruct((BATCH + 8, CODE_DIM), jnp.float32),
        jax.ShapeDtypeStruct((BATCH,), jnp.float32),
    ],
    mesh=plsc.VectorSubcoreMesh(core_axis_name="c", subcore_axis_name="s"),
    compiler_params=pltpu.CompilerParams(needs_layout_passes=False),
    scratch_types=[
        pltpu.VMEM((BATCH,), jnp.float32),
        pltpu.VMEM((CHUNK,), jnp.int32),
        pltpu.VMEM((CHUNK,), jnp.int32),
        pltpu.VMEM((CHUNK, SW), jnp.float32),
        pltpu.VMEM((CHUNK,), jnp.float32),
        pltpu.VMEM((CHUNK,), jnp.int32),
        pltpu.VMEM((CHUNK,), jnp.int32),
        pltpu.VMEM((CHUNK,), jnp.int32),
        pltpu.VMEM((CHUNK, CODE_DIM), jnp.float32),
        pltpu.SemaphoreType.DMA,
    ],
)


def kernel(x, i, W_enc, W_dec, mem_c, mem_s):
    score3, c_prop = pl.pallas_call(
        _enc_body,
        grid=(GRID,),
        in_specs=[
            pl.BlockSpec((BM, X_DIM), lambda b: (b, 0)),
            pl.BlockSpec((X_DIM, CODE_DIM), lambda b: (0, 0)),
            pl.BlockSpec((CODE_DIM, X_DIM), lambda b: (0, 0)),
        ],
        out_specs=[
            pl.BlockSpec((1, 1, BM), lambda b: (b, 0, 0)),
            pl.BlockSpec((BM, CODE_DIM), lambda b: (b, 0)),
        ],
        out_shape=[
            jax.ShapeDtypeStruct((GRID, 1, BM), jnp.float32),
            jax.ShapeDtypeStruct((BATCH, CODE_DIM), jnp.float32),
        ],
    )(x, W_enc, W_dec)
    score = score3.reshape(BATCH)

    mem_s_pad = jnp.pad(mem_s, ((0, 0), (0, SW - FRONTIER)))
    mem_c_flat = jnp.transpose(mem_c, (1, 0, 2)).reshape(
        FRONTIER * N_TASKS, CODE_DIM)
    (wfull,) = _sc_table_call(i)
    c_sel_ext, sumexp = _sc_call(
        i, score, mem_s_pad, mem_c_flat, c_prop, wfull)

    obj3 = pl.pallas_call(
        _dec_body,
        grid=(GRID,),
        in_specs=[
            pl.BlockSpec((BM, X_DIM), lambda b: (b, 0)),
            pl.BlockSpec((BM, CODE_DIM), lambda b: (b, 0)),
            pl.BlockSpec((CODE_DIM, X_DIM), lambda b: (0, 0)),
            pl.BlockSpec((1, 1, BM), lambda b: (b, 0, 0)),
        ],
        out_specs=pl.BlockSpec((1, 1, BM), lambda b: (b, 0, 0)),
        out_shape=jax.ShapeDtypeStruct((GRID, 1, BM), jnp.float32),
    )(x, c_sel_ext, W_dec, sumexp.reshape(GRID, 1, BM))
    return obj3.reshape(BATCH)

# --- scband reference (transcript-rebuilt; emitter-appended) ---
"""Pipeline reference for scband-mws-23270132810129 (READ-ONLY COPY).

The authoritative reference and input builder live on the scoring server;
editing this copy changes nothing except your own understanding.
"""

import jax, jax.numpy as jnp
import numpy as np

N_TASKS = 10000
FRONTIER = 10
X_DIM = 2048
CODE_DIM = 512
BATCH = 4096


def setup_inputs(seed: int = 0) -> dict:
    key = jax.random.key(seed)
    k = jax.random.split(key, 6)
    x = jax.random.normal(k[0], (BATCH, X_DIM), dtype=jnp.float32)
    i = jax.random.randint(k[1], (BATCH,), 0, N_TASKS)
    W_enc = jax.random.normal(k[2], (X_DIM, CODE_DIM), dtype=jnp.float32) * (1.0 / np.sqrt(X_DIM))
    W_dec = jax.random.normal(k[3], (CODE_DIM, X_DIM), dtype=jnp.float32) * (1.0 / np.sqrt(CODE_DIM))
    mem_c = jax.random.normal(k[4], (N_TASKS, FRONTIER, CODE_DIM), dtype=jnp.float32)
    mem_s = jax.random.normal(k[5], (N_TASKS, FRONTIER), dtype=jnp.float32) * 10.0 - 2000.0
    return {"x": x, "i": i, "W_enc": W_enc, "W_dec": W_dec, "mem_c": mem_c, "mem_s": mem_s}


def reference(x, i, W_enc, W_dec, mem_c, mem_s):
    # Memoised Wake-Sleep core: propose codes via encoder, score with prior+likelihood,
    # scatter-update per-task frontier memory (replace worst slot if better),
    # then sample (mode) from the mixture and compute the MWS objective.
    B = x.shape[0]
    rows = jnp.arange(B)

    # encoder proposal c = enc(x)
    c_prop = jnp.tanh(x @ W_enc)
    # decoder likelihood of x under proposed code (Gaussian)
    x_rec = c_prop @ W_dec
    likelihood_p = -0.5 * jnp.sum((x - x_rec) ** 2, axis=-1)
    # standard normal prior score
    prior_p = -0.5 * jnp.sum(c_prop ** 2, axis=-1)
    score = prior_p + likelihood_p

    # _updateMemory: replace the minimum-score slot of each task's frontier if improved
    s_i = mem_s[i]                                   # [B, F] gather
    min_idx = jnp.argmin(s_i, axis=-1)               # [B]
    cur_min = s_i[rows, min_idx]
    better = score > cur_min
    old_c = mem_c[i, min_idx]                        # [B, code_dim] gather
    new_c = jnp.where(better[:, None], c_prop, old_c)
    new_s = jnp.where(better, score, cur_min)
    mem_c = mem_c.at[i, min_idx].set(new_c)          # scatter-overwrite into memory
    mem_s = mem_s.at[i, min_idx].set(new_s)

    # _getDist: categorical over mixture weights (= memory scores); deterministic mode sample
    logw = jax.nn.log_softmax(mem_s[i], axis=-1)
    j = jnp.argmax(logw, axis=-1)
    c = mem_c[i, j]                                  # gather selected component

    # score selected component
    x_rec2 = c @ W_dec
    likelihood = -0.5 * jnp.sum((x - x_rec2) ** 2, axis=-1)
    prior = -0.5 * jnp.sum(c ** 2, axis=-1)
    lp = logw[rows, j]
    kl = lp - prior
    elbo = likelihood - kl
    p_obj = elbo + jax.lax.stop_gradient(elbo) * lp
    objective = p_obj - jax.lax.stop_gradient(p_obj) + jax.lax.stop_gradient(elbo)
    return objective

if __name__ == "__main__":
    import jax
    _d = setup_inputs()
    print(jax.jit(kernel)(*tuple(_d.values())))

</pallas_src>

<mosaic_0001>
#map = affine_map<(d0, d1) -> (0)>
module attributes {stable_mosaic.version = 14 : i64} {
  func.func @_sc_table_body(%arg0: i32, %arg1: i32, %arg2: memref<4096xi32, #tpu.memory_space<hbm>>, %arg3: memref<4096xi32, #tpu.memory_space<hbm>>, %arg4: memref<4096xi32, #tpu.memory_space<vmem>>, %arg5: memref<10016xi32, #tpu.memory_space<vmem>>, %arg6: memref<128xi32, #tpu.memory_space<vmem>>, %arg7: memref<!tpu.dma_semaphore, #tpu.memory_space<semaphore_mem>>) attributes {dimension_semantics = [#tpu.dimension_semantics<core_parallel>, #tpu.dimension_semantics<subcore_parallel>], iteration_bounds = array<i64: 2, 16>, scalar_prefetch = 0 : i64, scratch_operands = 4 : i64, tpu.core_type = #tpu.core_type<sc_vector_subcore>, window_params = [{transform_indices = #map}, {transform_indices = #map}]} {
    %mul3A = arith.constant 16 : i32
    %mul3A_0 = arith.muli %arg0, %mul3A : i32
    %add3A = arith.addi %mul3A_0, %arg1 : i32
    %mul3A_1 = arith.constant 128 : i32
    %mul3A_2 = arith.muli %add3A, %mul3A_1 : i32
    %iota3A = tpu.iota {dimensions = array<i32: 0>} : vector<16xi32>
    "tpu.region"() ({
      %run_scoped3A = tpu.sem_alloc : memref<!tpu.dma_semaphore, #tpu.memory_space<semaphore_mem>>
      tpu.enqueue_dma source(%arg2 : memref<4096xi32, #tpu.memory_space<hbm>>) target(%arg4 : memref<4096xi32, #tpu.memory_space<vmem>>) target_semaphore(%run_scoped3A : memref<!tpu.dma_semaphore, #tpu.memory_space<semaphore_mem>>)
      tpu.wait_dma2 semaphore(%run_scoped3A : memref<!tpu.dma_semaphore, #tpu.memory_space<semaphore_mem>>) src(%arg2 : memref<4096xi32, #tpu.memory_space<hbm>>) dst(%arg4 : memref<4096xi32, #tpu.memory_space<vmem>>)
      tpu.yield
    }) : () -> ()
    %scan3A = arith.constant 0 : i32
    %scan3A_3 = arith.constant 0 : i32
    %scan3A_4 = arith.constant 256 : i32
    %scan3A_5 = arith.addi %scan3A_3, %scan3A_4 : i32
    %scan3A_6 = arith.constant 1 : i32
    scf.for %scan3A_61 = %scan3A_3 to %scan3A_5 step %scan3A_6  : i32 {
      %mul3A_62 = arith.constant 16 : i32
      %mul3A_63 = arith.muli %scan3A_61, %mul3A_62 : i32
      %get3A_64 = arith.index_cast %mul3A_63 : i32 to index
      %get3A_65 = tpu.vector_load %arg4[%get3A_64] {strides = array<i32>} : memref<4096xi32, #tpu.memory_space<vmem>>, vector<16xi32>,
      %mul3A_66 = arith.constant 16 : i32
      %mul3A_67 = arith.muli %scan3A_61, %mul3A_66 : i32
      %add3A_68 = vector.broadcast %mul3A_67 : i32 to vector<16xi32>
      %add3A_69 = arith.addi %iota3A, %add3A_68 : vector<16xi32>
      %eq3A = arith.constant 0 : i32
      %eq3A_70 = vector.broadcast %eq3A : i32 to vector<16xi32>
      %eq3A_71 = arith.cmpi eq, %iota3A, %eq3A_70 : vector<16xi32>
      %jit3A = arith.constant 10000 : i32
      %broadcast_in_dim3A = vector.broadcast %jit3A : i32 to vector<16xi32>
      %select_n3A = arith.select %eq3A_71, %get3A_65, %broadcast_in_dim3A : vector<16xi1>, vector<16xi32>
      tpu.vector_store_idx %arg5[%select_n3A], %add3A_69 : memref<10016xi32, #tpu.memory_space<vmem>>[vector<16xi32>], vector<16xi32>,
      %eq3A_72 = arith.constant 1 : i32
      %eq3A_73 = vector.broadcast %eq3A_72 : i32 to vector<16xi32>
      %eq3A_74 = arith.cmpi eq, %iota3A, %eq3A_73 : vector<16xi32>
      %jit3A_75 = arith.constant 10000 : i32
      %broadcast_in_dim3A_76 = vector.broadcast %jit3A_75 : i32 to vector<16xi32>
      %select_n3A_77 = arith.select %eq3A_74, %get3A_65, %broadcast_in_dim3A_76 : vector<16xi1>, vector<16xi32>
      tpu.vector_store_idx %arg5[%select_n3A_77], %add3A_69 : memref<10016xi32, #tpu.memory_space<vmem>>[vector<16xi32>], vector<16xi32>,
      %eq3A_78 = arith.constant 2 : i32
      %eq3A_79 = vector.broadcast %eq3A_78 : i32 to vector<16xi32>
      %eq3A_80 = arith.cmpi eq, %iota3A, %eq3A_79 : vector<16xi32>
      %jit3A_81 = arith.constant 10000 : i32
      %broadcast_in_dim3A_82 = vector.broadcast %jit3A_81 : i32 to vector<16xi32>
      %select_n3A_83 = arith.select %eq3A_80, %get3A_65, %broadcast_in_dim3A_82 : vector<16xi1>, vector<16xi32>
      tpu.vector_store_idx %arg5[%select_n3A_83], %add3A_69 : memref<10016xi32, #tpu.memory_space<vmem>>[vector<16xi32>], vector<16xi32>,
      %eq3A_84 = arith.constant 3 : i32
      %eq3A_85 = vector.broadcast %eq3A_84 : i32 to vector<16xi32>
      %eq3A_86 = arith.cmpi eq, %iota3A, %eq3A_85 : vector<16xi32>
      %jit3A_87 = arith.constant 10000 : i32
      %broadcast_in_dim3A_88 = vector.broadcast %jit3A_87 : i32 to vector<16xi32>
      %select_n3A_89 = arith.select %eq3A_86, %get3A_65, %broadcast_in_dim3A_88 : vector<16xi1>, vector<16xi32>
      tpu.vector_store_idx %arg5[%select_n3A_89], %add3A_69 : memref<10016xi32, #tpu.memory_space<vmem>>[vector<16xi32>], vector<16xi32>,
      %eq3A_90 = arith.constant 4 : i32
      %eq3A_91 = vector.broadcast %eq3A_90 : i32 to vector<16xi32>
      %eq3A_92 = arith.cmpi eq, %iota3A, %eq3A_91 : vector<16xi32>
      %jit3A_93 = arith.constant 10000 : i32
      %broadcast_in_dim3A_94 = vector.broadcast %jit3A_93 : i32 to vector<16xi32>
      %select_n3A_95 = arith.select %eq3A_92, %get3A_65, %broadcast_in_dim3A_94 : vector<16xi1>, vector<16xi32>
      tpu.vector_store_idx %arg5[%select_n3A_95], %add3A_69 : memref<10016xi32, #tpu.memory_space<vmem>>[vector<16xi32>], vector<16xi32>,
      %eq3A_96 = arith.constant 5 : i32
      %eq3A_97 = vector.broadcast %eq3A_96 : i32 to vector<16xi32>
      %eq3A_98 = arith.cmpi eq, %iota3A, %eq3A_97 : vector<16xi32>
      %jit3A_99 = arith.constant 10000 : i32
      %broadcast_in_dim3A_100 = vector.broadcast %jit3A_99 : i32 to vector<16xi32>
      %select_n3A_101 = arith.select %eq3A_98, %get3A_65, %broadcast_in_dim3A_100 : vector<16xi1>, vector<16xi32>
      tpu.vector_store_idx %arg5[%select_n3A_101], %add3A_69 : memref<10016xi32, #tpu.memory_space<vmem>>[vector<16xi32>], vector<16xi32>,
      %eq3A_102 = arith.constant 6 : i32
      %eq3A_103 = vector.broadcast %eq3A_102 : i32 to vector<16xi32>
      %eq3A_104 = arith.cmpi eq, %iota3A, %eq3A_103 : vector<16xi32>
      %jit3A_105 = arith.constant 10000 : i32
      %broadcast_in_dim3A_106 = vector.broadcast %jit3A_105 : i32 to vector<16xi32>
      %select_n3A_107 = arith.select %eq3A_104, %get3A_65, %broadcast_in_dim3A_106 : vector<16xi1>, vector<16xi32>
      tpu.vector_store_idx %arg5[%select_n3A_107], %add3A_69 : memref<10016xi32, #tpu.memory_space<vmem>>[vector<16xi32>], vector<16xi32>,
      %eq3A_108 = arith.constant 7 : i32
      %eq3A_109 = vector.broadcast %eq3A_108 : i32 to vector<16xi32>
      %eq3A_110 = arith.cmpi eq, %iota3A, %eq3A_109 : vector<16xi32>
      %jit3A_111 = arith.constant 10000 : i32
      %broadcast_in_dim3A_112 = vector.broadcast %jit3A_111 : i32 to vector<16xi32>
      %select_n3A_113 = arith.select %eq3A_110, %get3A_65, %broadcast_in_dim3A_112 : vector<16xi1>, vector<16xi32>
      tpu.vector_store_idx %arg5[%select_n3A_113], %add3A_69 : memref<10016xi32, #tpu.memory_space<vmem>>[vector<16xi32>], vector<16xi32>,
      %eq3A_114 = arith.constant 8 : i32
      %eq3A_115 = vector.broadcast %eq3A_114 : i32 to vector<16xi32>
      %eq3A_116 = arith.cmpi eq, %iota3A, %eq3A_115 : vector<16xi32>
      %jit3A_117 = arith.constant 10000 : i32
      %broadcast_in_dim3A_118 = vector.broadcast %jit3A_117 : i32 to vector<16xi32>
      %select_n3A_119 = arith.select %eq3A_116, %get3A_65, %broadcast_in_dim3A_118 : vector<16xi1>, vector<16xi32>
      tpu.vector_store_idx %arg5[%select_n3A_119], %add3A_69 : memref<10016xi32, #tpu.memory_space<vmem>>[vector<16xi32>], vector<16xi32>,
      %eq3A_120 = arith.constant 9 : i32
      %eq3A_121 = vector.broadcast %eq3A_120 : i32 to vector<16xi32>
      %eq3A_122 = arith.cmpi eq, %iota3A, %eq3A_121 : vector<16xi32>
      %jit3A_123 = arith.constant 10000 : i32
      %broadcast_in_dim3A_124 = vector.broadcast %jit3A_123 : i32 to vector<16xi32>
      %select_n3A_125 = arith.select %eq3A_122, %get3A_65, %broadcast_in_dim3A_124 : vector<16xi1>, vector<16xi32>
      tpu.vector_store_idx %arg5[%select_n3A_125], %add3A_69 : memref<10016xi32, #tpu.memory_space<vmem>>[vector<16xi32>], vector<16xi32>,
      %eq3A_126 = arith.constant 10 : i32
      %eq3A_127 = vector.broadcast %eq3A_126 : i32 to vector<16xi32>
      %eq3A_128 = arith.cmpi eq, %iota3A, %eq3A_127 : vector<16xi32>
      %jit3A_129 = arith.constant 10000 : i32
      %broadcast_in_dim3A_130 = vector.broadcast %jit3A_129 : i32 to vector<16xi32>
      %select_n3A_131 = arith.select %eq3A_128, %get3A_65, %broadcast_in_dim3A_130 : vector<16xi1>, vector<16xi32>
      tpu.vector_store_idx %arg5[%select_n3A_131], %add3A_69 : memref<10016xi32, #tpu.memory_space<vmem>>[vector<16xi32>], vector<16xi32>,
      %eq3A_132 = arith.constant 11 : i32
      %eq3A_133 = vector.broadcast %eq3A_132 : i32 to vector<16xi32>
      %eq3A_134 = arith.cmpi eq, %iota3A, %eq3A_133 : vector<16xi32>
      %jit3A_135 = arith.constant 10000 : i32
      %broadcast_in_dim3A_136 = vector.broadcast %jit3A_135 : i32 to vector<16xi32>
      %select_n3A_137 = arith.select %eq3A_134, %get3A_65, %broadcast_in_dim3A_136 : vector<16xi1>, vector<16xi32>
      tpu.vector_store_idx %arg5[%select_n3A_137], %add3A_69 : memref<10016xi32, #tpu.memory_space<vmem>>[vector<16xi32>], vector<16xi32>,
      %eq3A_138 = arith.constant 12 : i32
      %eq3A_139 = vector.broadcast %eq3A_138 : i32 to vector<16xi32>
      %eq3A_140 = arith.cmpi eq, %iota3A, %eq3A_139 : vector<16xi32>
      %jit3A_141 = arith.constant 10000 : i32
      %broadcast_in_dim3A_142 = vector.broadcast %jit3A_141 : i32 to vector<16xi32>
      %select_n3A_143 = arith.select %eq3A_140, %get3A_65, %broadcast_in_dim3A_142 : vector<16xi1>, vector<16xi32>
      tpu.vector_store_idx %arg5[%select_n3A_143], %add3A_69 : memref<10016xi32, #tpu.memory_space<vmem>>[vector<16xi32>], vector<16xi32>,
      %eq3A_144 = arith.constant 13 : i32
      %eq3A_145 = vector.broadcast %eq3A_144 : i32 to vector<16xi32>
      %eq3A_146 = arith.cmpi eq, %iota3A, %eq3A_145 : vector<16xi32>
      %jit3A_147 = arith.constant 10000 : i32
      %broadcast_in_dim3A_148 = vector.broadcast %jit3A_147 : i32 to vector<16xi32>
      %select_n3A_149 = arith.select %eq3A_146, %get3A_65, %broadcast_in_dim3A_148 : vector<16xi1>, vector<16xi32>
      tpu.vector_store_idx %arg5[%select_n3A_149], %add3A_69 : memref<10016xi32, #tpu.memory_space<vmem>>[vector<16xi32>], vector<16xi32>,
      %eq3A_150 = arith.constant 14 : i32
      %eq3A_151 = vector.broadcast %eq3A_150 : i32 to vector<16xi32>
      %eq3A_152 = arith.cmpi eq, %iota3A, %eq3A_151 : vector<16xi32>
      %jit3A_153 = arith.constant 10000 : i32
      %broadcast_in_dim3A_154 = vector.broadcast %jit3A_153 : i32 to vector<16xi32>
      %select_n3A_155 = arith.select %eq3A_152, %get3A_65, %broadcast_in_dim3A_154 : vector<16xi1>, vector<16xi32>
      tpu.vector_store_idx %arg5[%select_n3A_155], %add3A_69 : memref<10016xi32, #tpu.memory_space<vmem>>[vector<16xi32>], vector<16xi32>,
      %eq3A_156 = arith.constant 15 : i32
      %eq3A_157 = vector.broadcast %eq3A_156 : i32 to vector<16xi32>
      %eq3A_158 = arith.cmpi eq, %iota3A, %eq3A_157 : vector<16xi32>
      %jit3A_159 = arith.constant 10000 : i32
      %broadcast_in_dim3A_160 = vector.broadcast %jit3A_159 : i32 to vector<16xi32>
      %select_n3A_161 = arith.select %eq3A_158, %get3A_65, %broadcast_in_dim3A_160 : vector<16xi1>, vector<16xi32>
      tpu.vector_store_idx %arg5[%select_n3A_161], %add3A_69 : memref<10016xi32, #tpu.memory_space<vmem>>[vector<16xi32>], vector<16xi32>,
    }
    %scan3A_7 = arith.constant 256 : i32
    %add3A_8 = arith.constant 0 : i32
    %add3A_9 = arith.addi %mul3A_2, %add3A_8 : i32
    %get3A = arith.index_cast %add3A_9 : i32 to index
    %get3A_10 = tpu.vector_load %arg4[%get3A] {strides = array<i32>} : memref<4096xi32, #tpu.memory_space<vmem>>, vector<16xi32>,
    %gather3A = tpu.vector_load_idx %arg5[%get3A_10] : memref<10016xi32, #tpu.memory_space<vmem>>[vector<16xi32>], vector<16xi32>,
    %swap3A = arith.constant 0 : index
    %swap3A_11 = tpu.vector_load %arg6[%swap3A] {strides = array<i32>} : memref<128xi32, #tpu.memory_space<vmem>>, vector<16xi32>,
    tpu.vector_store %arg6[%swap3A], %gather3A {strides = array<i32>} : memref<128xi32, #tpu.memory_space<vmem>>, vector<16xi32>,
    %add3A_12 = arith.constant 16 : i32
    %add3A_13 = arith.addi %mul3A_2, %add3A_12 : i32
    %get3A_14 = arith.index_cast %add3A_13 : i32 to index
    %get3A_15 = tpu.vector_load %arg4[%get3A_14] {strides = array<i32>} : memref<4096xi32, #tpu.memory_space<vmem>>, vector<16xi32>,
    %gather3A_16 = tpu.vector_load_idx %arg5[%get3A_15] : memref<10016xi32, #tpu.memory_space<vmem>>[vector<16xi32>], vector<16xi32>,
    %swap3A_17 = arith.constant 16 : index
    %swap3A_18 = tpu.vector_load %arg6[%swap3A_17] {strides = array<i32>} : memref<128xi32, #tpu.memory_space<vmem>>, vector<16xi32>,
    tpu.vector_store %arg6[%swap3A_17], %gather3A_16 {strides = array<i32>} : memref<128xi32, #tpu.memory_space<vmem>>, vector<16xi32>,
    %add3A_19 = arith.constant 32 : i32
    %add3A_20 = arith.addi %mul3A_2, %add3A_19 : i32
    %get3A_21 = arith.index_cast %add3A_20 : i32 to index
    %get3A_22 = tpu.vector_load %arg4[%get3A_21] {strides = array<i32>} : memref<4096xi32, #tpu.memory_space<vmem>>, vector<16xi32>,
    %gather3A_23 = tpu.vector_load_idx %arg5[%get3A_22] : memref<10016xi32, #tpu.memory_space<vmem>>[vector<16xi32>], vector<16xi32>,
    %swap3A_24 = arith.constant 32 : index
    %swap3A_25 = tpu.vector_load %arg6[%swap3A_24] {strides = array<i32>} : memref<128xi32, #tpu.memory_space<vmem>>, vector<16xi32>,
    tpu.vector_store %arg6[%swap3A_24], %gather3A_23 {strides = array<i32>} : memref<128xi32, #tpu.memory_space<vmem>>, vector<16xi32>,
    %add3A_26 = arith.constant 48 : i32
    %add3A_27 = arith.addi %mul3A_2, %add3A_26 : i32
    %get3A_28 = arith.index_cast %add3A_27 : i32 to index
    %get3A_29 = tpu.vector_load %arg4[%get3A_28] {strides = array<i32>} : memref<4096xi32, #tpu.memory_space<vmem>>, vector<16xi32>,
    %gather3A_30 = tpu.vector_load_idx %arg5[%get3A_29] : memref<10016xi32, #tpu.memory_space<vmem>>[vector<16xi32>], vector<16xi32>,
    %swap3A_31 = arith.constant 48 : index
    %swap3A_32 = tpu.vector_load %arg6[%swap3A_31] {strides = array<i32>} : memref<128xi32, #tpu.memory_space<vmem>>, vector<16xi32>,
    tpu.vector_store %arg6[%swap3A_31], %gather3A_30 {strides = array<i32>} : memref<128xi32, #tpu.memory_space<vmem>>, vector<16xi32>,
    %add3A_33 = arith.constant 64 : i32
    %add3A_34 = arith.addi %mul3A_2, %add3A_33 : i32
    %get3A_35 = arith.index_cast %add3A_34 : i32 to index
    %get3A_36 = tpu.vector_load %arg4[%get3A_35] {strides = array<i32>} : memref<4096xi32, #tpu.memory_space<vmem>>, vector<16xi32>,
    %gather3A_37 = tpu.vector_load_idx %arg5[%get3A_36] : memref<10016xi32, #tpu.memory_space<vmem>>[vector<16xi32>], vector<16xi32>,
    %swap3A_38 = arith.constant 64 : index
    %swap3A_39 = tpu.vector_load %arg6[%swap3A_38] {strides = array<i32>} : memref<128xi32, #tpu.memory_space<vmem>>, vector<16xi32>,
    tpu.vector_store %arg6[%swap3A_38], %gather3A_37 {strides = array<i32>} : memref<128xi32, #tpu.memory_space<vmem>>, vector<16xi32>,
    %add3A_40 = arith.constant 80 : i32
    %add3A_41 = arith.addi %mul3A_2, %add3A_40 : i32
    %get3A_42 = arith.index_cast %add3A_41 : i32 to index
    %get3A_43 = tpu.vector_load %arg4[%get3A_42] {strides = array<i32>} : memref<4096xi32, #tpu.memory_space<vmem>>, vector<16xi32>,
    %gather3A_44 = tpu.vector_load_idx %arg5[%get3A_43] : memref<10016xi32, #tpu.memory_space<vmem>>[vector<16xi32>], vector<16xi32>,
    %swap3A_45 = arith.constant 80 : index
    %swap3A_46 = tpu.vector_load %arg6[%swap3A_45] {strides = array<i32>} : memref<128xi32, #tpu.memory_space<vmem>>, vector<16xi32>,
    tpu.vector_store %arg6[%swap3A_45], %gather3A_44 {strides = array<i32>} : memref<128xi32, #tpu.memory_space<vmem>>, vector<16xi32>,
    %add3A_47 = arith.constant 96 : i32
    %add3A_48 = arith.addi %mul3A_2, %add3A_47 : i32
    %get3A_49 = arith.index_cast %add3A_48 : i32 to index
    %get3A_50 = tpu.vector_load %arg4[%get3A_49] {strides = array<i32>} : memref<4096xi32, #tpu.memory_space<vmem>>, vector<16xi32>,
    %gather3A_51 = tpu.vector_load_idx %arg5[%get3A_50] : memref<10016xi32, #tpu.memory_space<vmem>>[vector<16xi32>], vector<16xi32>,
    %swap3A_52 = arith.constant 96 : index
    %swap3A_53 = tpu.vector_load %arg6[%swap3A_52] {strides = array<i32>} : memref<128xi32, #tpu.memory_space<vmem>>, vector<16xi32>,
    tpu.vector_store %arg6[%swap3A_52], %gather3A_51 {strides = array<i32>} : memref<128xi32, #tpu.memory_space<vmem>>, vector<16xi32>,
    %add3A_54 = arith.constant 112 : i32
    %add3A_55 = arith.addi %mul3A_2, %add3A_54 : i32
    %get3A_56 = arith.index_cast %add3A_55 : i32 to index
    %get3A_57 = tpu.vector_load %arg4[%get3A_56] {strides = array<i32>} : memref<4096xi32, #tpu.memory_space<vmem>>, vector<16xi32>,
    %gather3A_58 = tpu.vector_load_idx %arg5[%get3A_57] : memref<10016xi32, #tpu.memory_space<vmem>>[vector<16xi32>], vector<16xi32>,
    %swap3A_59 = arith.constant 112 : index
    %swap3A_60 = tpu.vector_load %arg6[%swap3A_59] {strides = array<i32>} : memref<128xi32, #tpu.memory_space<vmem>>, vector<16xi32>,
    tpu.vector_store %arg6[%swap3A_59], %gather3A_58 {strides = array<i32>} : memref<128xi32, #tpu.memory_space<vmem>>, vector<16xi32>,
    "tpu.region"() ({
      %run_scoped3A = tpu.sem_alloc : memref<!tpu.dma_semaphore, #tpu.memory_space<semaphore_mem>>
      %dma_start3A = tpu.memref_slice %arg3[%mul3A_2] : memref<4096xi32, #tpu.memory_space<hbm>> -> memref<128xi32, #tpu.memory_space<hbm>>
      %dma_start3A_61 = tpu.memref_slice %arg3[%mul3A_2] : memref<4096xi32, #tpu.memory_space<hbm>> -> memref<128xi32, #tpu.memory_space<hbm>>
      tpu.enqueue_dma source(%arg6 : memref<128xi32, #tpu.memory_space<vmem>>) target(%dma_start3A_61 : memref<128xi32, #tpu.memory_space<hbm>>) target_semaphore(%run_scoped3A : memref<!tpu.dma_semaphore, #tpu.memory_space<semaphore_mem>>)
      %dma_wait3A = tpu.memref_slice %arg3[%mul3A_2] : memref<4096xi32, #tpu.memory_space<hbm>> -> memref<128xi32, #tpu.memory_space<hbm>>
      %dma_wait3A_62 = tpu.memref_slice %arg3[%mul3A_2] : memref<4096xi32, #tpu.memory_space<hbm>> -> memref<128xi32, #tpu.memory_space<hbm>>
      tpu.wait_dma2 semaphore(%run_scoped3A : memref<!tpu.dma_semaphore, #tpu.memory_space<semaphore_mem>>) src(%arg6 : memref<128xi32, #tpu.memory_space<vmem>>) dst(%dma_wait3A_62 : memref<128xi32, #tpu.memory_space<hbm>>)
      tpu.yield
    }) : () -> ()
    return
  }
}

#map = affine_map<(d0, d1) -> (0)>
#map1 = affine_map<(d0, d1) -> (0, 0)>
module attributes {stable_mosaic.version = 14 : i64} {
  func.func @_sc_body(%arg0: i32, %arg1: i32, %arg2: memref<4096xi32, #tpu.memory_space<hbm>>, %arg3: memref<4096xf32, #tpu.memory_space<hbm>>, %arg4: memref<10000x128xf32, #tpu.memory_space<hbm>>, %arg5: memref<100000x512xf32, #tpu.memory_space<hbm>>, %arg6: memref<4096x512xf32, #tpu.memory_space<hbm>>, %arg7: memref<4096xi32, #tpu.memory_space<hbm>>, %arg8: memref<4104x512xf32, #tpu.memory_space<hbm>>, %arg9: memref<4096xf32, #tpu.memory_space<hbm>>, %arg10: memref<4096xf32, #tpu.memory_space<vmem>>, %arg11: memref<128xi32, #tpu.memory_space<vmem>>, %arg12: memref<128xi32, #tpu.memory_space<vmem>>, %arg13: memref<128x128xf32, #tpu.memory_space<vmem>>, %arg14: memref<128xf32, #tpu.memory_space<vmem>>, %arg15: memref<128xi32, #tpu.memory_space<vmem>>, %arg16: memref<128xi32, #tpu.memory_space<vmem>>, %arg17: memref<128xi32, #tpu.memory_space<vmem>>, %arg18: memref<128x512xf32, #tpu.memory_space<vmem>>, %arg19: memref<!tpu.dma_semaphore, #tpu.memory_space<semaphore_mem>>) attributes {dimension_semantics = [#tpu.dimension_semantics<core_parallel>, #tpu.dimension_semantics<subcore_parallel>], iteration_bounds = array<i64: 2, 16>, scalar_prefetch = 0 : i64, scratch_operands = 10 : i64, tpu.core_type = #tpu.core_type<sc_vector_subcore>, window_params = [{transform_indices = #map}, {transform_indices = #map}, {transform_indices = #map1}, {transform_indices = #map1}, {transform_indices = #map1}, {transform_indices = #map}, {transform_indices = #map1}, {transform_indices = #map}]} {
    %mul3A = arith.constant 16 : i32
    %mul3A_0 = arith.muli %arg0, %mul3A : i32
    %add3A = arith.addi %mul3A_0, %arg1 : i32
    %mul3A_1 = arith.constant 128 : i32
    %mul3A_2 = arith.muli %add3A, %mul3A_1 : i32
    %iota3A = tpu.iota {dimensions = array<i32: 0>} : vector<16xi32>
    "tpu.region"() ({
      %run_scoped3A = tpu.sem_alloc : memref<!tpu.dma_semaphore, #tpu.memory_space<semaphore_mem>>
      tpu.enqueue_dma source(%arg3 : memref<4096xf32, #tpu.memory_space<hbm>>) target(%arg10 : memref<4096xf32, #tpu.memory_space<vmem>>) target_semaphore(%run_scoped3A : memref<!tpu.dma_semaphore, #tpu.memory_space<semaphore_mem>>)
      tpu.wait_dma2 semaphore(%run_scoped3A : memref<!tpu.dma_semaphore, #tpu.memory_space<semaphore_mem>>) src(%arg3 : memref<4096xf32, #tpu.memory_space<hbm>>) dst(%arg10 : memref<4096xf32, #tpu.memory_space<vmem>>)
      tpu.yield
    }) : () -> ()
    "tpu.region"() ({
      %run_scoped3A = tpu.sem_alloc : memref<!tpu.dma_semaphore, #tpu.memory_space<semaphore_mem>>
      %dma_start3A_2419 = tpu.memref_slice %arg7[%mul3A_2] : memref<4096xi32, #tpu.memory_space<hbm>> -> memref<128xi32, #tpu.memory_space<hbm>>
      %dma_start3A_2420 = tpu.memref_slice %arg7[%mul3A_2] : memref<4096xi32, #tpu.memory_space<hbm>> -> memref<128xi32, #tpu.memory_space<hbm>>
      tpu.enqueue_dma source(%dma_start3A_2420 : memref<128xi32, #tpu.memory_space<hbm>>) target(%arg11 : memref<128xi32, #tpu.memory_space<vmem>>) target_semaphore(%run_scoped3A : memref<!tpu.dma_semaphore, #tpu.memory_space<semaphore_mem>>)
      %dma_wait3A_2421 = tpu.memref_slice %arg7[%mul3A_2] : memref<4096xi32, #tpu.memory_space<hbm>> -> memref<128xi32, #tpu.memory_space<hbm>>
      %dma_wait3A_2422 = tpu.memref_slice %arg7[%mul3A_2] : memref<4096xi32, #tpu.memory_space<hbm>> -> memref<128xi32, #tpu.memory_space<hbm>>
      tpu.wait_dma2 semaphore(%run_scoped3A : memref<!tpu.dma_semaphore, #tpu.memory_space<semaphore_mem>>) src(%dma_wait3A_2422 : memref<128xi32, #tpu.memory_space<hbm>>) dst(%arg11 : memref<128xi32, #tpu.memory_space<vmem>>)
      tpu.yield
    }) : () -> ()
    "tpu.region"() ({
      %run_scoped3A = tpu.sem_alloc : memref<!tpu.dma_semaphore, #tpu.memory_space<semaphore_mem>>
      %dma_start3A_2419 = tpu.memref_slice %arg2[%mul3A_2] : memref<4096xi32, #tpu.memory_space<hbm>> -> memref<128xi32, #tpu.memory_space<hbm>>
      %dma_start3A_2420 = tpu.memref_slice %arg2[%mul3A_2] : memref<4096xi32, #tpu.memory_space<hbm>> -> memref<128xi32, #tpu.memory_space<hbm>>
      tpu.enqueue_dma source(%dma_start3A_2420 : memref<128xi32, #tpu.memory_space<hbm>>) target(%arg12 : memref<128xi32, #tpu.memory_space<vmem>>) target_semaphore(%run_scoped3A : memref<!tpu.dma_semaphore, #tpu.memory_space<semaphore_mem>>)
      %dma_wait3A_2421 = tpu.memref_slice %arg2[%mul3A_2] : memref<4096xi32, #tpu.memory_space<hbm>> -> memref<128xi32, #tpu.memory_space<hbm>>
      %dma_wait3A_2422 = tpu.memref_slice %arg2[%mul3A_2] : memref<4096xi32, #tpu.memory_space<hbm>> -> memref<128xi32, #tpu.memory_space<hbm>>
      tpu.wait_dma2 semaphore(%run_scoped3A : memref<!tpu.dma_semaphore, #tpu.memory_space<semaphore_mem>>) src(%dma_wait3A_2422 : memref<128xi32, #tpu.memory_space<hbm>>) dst(%arg12 : memref<128xi32, #tpu.memory_space<vmem>>)
      tpu.yield
    }) : () -> ()
    %dma_start3A = arith.constant 0 : i32
    %dma_start3A_3 = arith.constant 0 : i32
    %dma_start3A_4 = tpu.memref_slice %arg4[%dma_start3A, %dma_start3A_3] : memref<10000x128xf32, #tpu.memory_space<hbm>> -> memref<10000x128xf32, #tpu.memory_space<hbm>>
    tpu.enqueue_indirect_dma source(%dma_start3A_4 : memref<10000x128xf32, #tpu.memory_space<hbm>>) target(%arg13 : memref<128x128xf32, #tpu.memory_space<vmem>>) offsets(%arg12 : memref<128xi32, #tpu.memory_space<vmem>>) semaphore(%arg19 : memref<!tpu.dma_semaphore, #tpu.memory_space<semaphore_mem>>)
    %dma_wait3A = arith.constant 0 : i32
    %dma_wait3A_5 = arith.constant 0 : i32
    %dma_wait3A_6 = tpu.memref_slice %arg4[%dma_wait3A, %dma_wait3A_5] : memref<10000x128xf32, #tpu.memory_space<hbm>> -> memref<10000x128xf32, #tpu.memory_space<hbm>>
    tpu.wait_indirect_dma semaphore(%arg19 : memref<!tpu.dma_semaphore, #tpu.memory_space<semaphore_mem>>) src(%dma_wait3A_6 : memref<10000x128xf32, #tpu.memory_space<hbm>>) dst(%arg13 : memref<128x128xf32, #tpu.memory_space<vmem>>)
    %get3A = arith.constant 0 : index
    %get3A_7 = tpu.vector_load %arg12[%get3A] {strides = array<i32>} : memref<128xi32, #tpu.memory_space<vmem>>, vector<16xi32>,
    %add3A_8 = arith.constant 0 : i32
    %add3A_9 = vector.broadcast %add3A_8 : i32 to vector<16xi32>
    %add3A_10 = arith.addi %iota3A, %add3A_9 : vector<16xi32>
    %broadcast_in_dim3A = arith.constant 0 : i32
    %broadcast_in_dim3A_11 = vector.broadcast %broadcast_in_dim3A : i32 to vector<16xi32>
    %gather3A = tpu.vector_load_idx %arg13[%add3A_10, %broadcast_in_dim3A_11] : memref<128x128xf32, #tpu.memory_space<vmem>>[vector<16xi32>, vector<16xi32>], vector<16xf32>,
    %broadcast_in_dim3A_12 = arith.constant 1 : i32
    %broadcast_in_dim3A_13 = vector.broadcast %broadcast_in_dim3A_12 : i32 to vector<16xi32>
    %gather3A_14 = tpu.vector_load_idx %arg13[%add3A_10, %broadcast_in_dim3A_13] : memref<128x128xf32, #tpu.memory_space<vmem>>[vector<16xi32>, vector<16xi32>], vector<16xf32>,
    %broadcast_in_dim3A_15 = arith.constant 2 : i32
    %broadcast_in_dim3A_16 = vector.broadcast %broadcast_in_dim3A_15 : i32 to vector<16xi32>
    %gather3A_17 = tpu.vector_load_idx %arg13[%add3A_10, %broadcast_in_dim3A_16] : memref<128x128xf32, #tpu.memory_space<vmem>>[vector<16xi32>, vector<16xi32>], vector<16xf32>,
    %broadcast_in_dim3A_18 = arith.constant 3 : i32
    %broadcast_in_dim3A_19 = vector.broadcast %broadcast_in_dim3A_18 : i32 to vector<16xi32>
    %gather3A_20 = tpu.vector_load_idx %arg13[%add3A_10, %broadcast_in_dim3A_19] : memref<128x128xf32, #tpu.memory_space<vmem>>[vector<16xi32>, vector<16xi32>], vector<16xf32>,
    %broadcast_in_dim3A_21 = arith.constant 4 : i32
    %broadcast_in_dim3A_22 = vector.broadcast %broadcast_in_dim3A_21 : i32 to vector<16xi32>
    %gather3A_23 = tpu.vector_load_idx %arg13[%add3A_10, %broadcast_in_dim3A_22] : memref<128x128xf32, #tpu.memory_space<vmem>>[vector<16xi32>, vector<16xi32>], vector<16xf32>,
    %broadcast_in_dim3A_24 = arith.constant 5 : i32
    %broadcast_in_dim3A_25 = vector.broadcast %broadcast_in_dim3A_24 : i32 to vector<16xi32>
    %gather3A_26 = tpu.vector_load_idx %arg13[%add3A_10, %broadcast_in_dim3A_25] : memref<128x128xf32, #tpu.memory_space<vmem>>[vector<16xi32>, vector<16xi32>], vector<16xf32>,
    %broadcast_in_dim3A_27 = arith.constant 6 : i32
    %broadcast_in_dim3A_28 = vector.broadcast %broadcast_in_dim3A_27 : i32 to vector<16xi32>
    %gather3A_29 = tpu.vector_load_idx %arg13[%add3A_10, %broadcast_in_dim3A_28] : memref<128x128xf32, #tpu.memory_space<vmem>>[vector<16xi32>, vector<16xi32>], vector<16xf32>,
    %broadcast_in_dim3A_30 = arith.constant 7 : i32
    %broadcast_in_dim3A_31 = vector.broadcast %broadcast_in_dim3A_30 : i32 to vector<16xi32>
    %gather3A_32 = tpu.vector_load_idx %arg13[%add3A_10, %broadcast_in_dim3A_31] : memref<128x128xf32, #tpu.memory_space<vmem>>[vector<16xi32>, vector<16xi32>], vector<16xf32>,
    %broadcast_in_dim3A_33 = arith.constant 8 : i32
    %broadcast_in_dim3A_34 = vector.broadcast %broadcast_in_dim3A_33 : i32 to vector<16xi32>
    %gather3A_35 = tpu.vector_load_idx %arg13[%add3A_10, %broadcast_in_dim3A_34] : memref<128x128xf32, #tpu.memory_space<vmem>>[vector<16xi32>, vector<16xi32>], vector<16xf32>,
    %broadcast_in_dim3A_36 = arith.constant 9 : i32
    %broadcast_in_dim3A_37 = vector.broadcast %broadcast_in_dim3A_36 : i32 to vector<16xi32>
    %gather3A_38 = tpu.vector_load_idx %arg13[%add3A_10, %broadcast_in_dim3A_37] : memref<128x128xf32, #tpu.memory_space<vmem>>[vector<16xi32>, vector<16xi32>], vector<16xf32>,
    %min3A = arith.minimumf %gather3A, %gather3A_14 : vector<16xf32>
    %min3A_39 = arith.minimumf %min3A, %gather3A_17 : vector<16xf32>
    %min3A_40 = arith.minimumf %min3A_39, %gather3A_20 : vector<16xf32>
    %min3A_41 = arith.minimumf %min3A_40, %gather3A_23 : vector<16xf32>
    %min3A_42 = arith.minimumf %min3A_41, %gather3A_26 : vector<16xf32>
    %min3A_43 = arith.minimumf %min3A_42, %gather3A_29 : vector<16xf32>
    %min3A_44 = arith.minimumf %min3A_43, %gather3A_32 : vector<16xf32>
    %min3A_45 = arith.minimumf %min3A_44, %gather3A_35 : vector<16xf32>
    %min3A_46 = arith.minimumf %min3A_45, %gather3A_38 : vector<16xf32>
    %broadcast_in_dim3A_47 = arith.constant 99 : i32
    %broadcast_in_dim3A_48 = vector.broadcast %broadcast_in_dim3A_47 : i32 to vector<16xi32>
    %eq3A = arith.cmpf oeq, %gather3A, %min3A_46 : vector<16xf32>
    %jit3A = arith.constant 0 : i32
    %jit3A_49 = arith.constant 99 : i32
    %broadcast_in_dim3A_50 = vector.broadcast %jit3A : i32 to vector<16xi32>
    %broadcast_in_dim3A_51 = vector.broadcast %jit3A_49 : i32 to vector<16xi32>
    %select_n3A = arith.select %eq3A, %broadcast_in_dim3A_50, %broadcast_in_dim3A_51 : vector<16xi1>, vector<16xi32>
    %min3A_52 = arith.minsi %broadcast_in_dim3A_48, %select_n3A : vector<16xi32>
    %eq3A_53 = arith.cmpf oeq, %gather3A_14, %min3A_46 : vector<16xf32>
    %jit3A_54 = arith.constant 1 : i32
    %jit3A_55 = arith.constant 99 : i32
    %broadcast_in_dim3A_56 = vector.broadcast %jit3A_54 : i32 to vector<16xi32>
    %broadcast_in_dim3A_57 = vector.broadcast %jit3A_55 : i32 to vector<16xi32>
    %select_n3A_58 = arith.select %eq3A_53, %broadcast_in_dim3A_56, %broadcast_in_dim3A_57 : vector<16xi1>, vector<16xi32>
    %min3A_59 = arith.minsi %min3A_52, %select_n3A_58 : vector<16xi32>
    %eq3A_60 = arith.cmpf oeq, %gather3A_17, %min3A_46 : vector<16xf32>
    %jit3A_61 = arith.constant 2 : i32
    %jit3A_62 = arith.constant 99 : i32
    %broadcast_in_dim3A_63 = vector.broadcast %jit3A_61 : i32 to vector<16xi32>
    %broadcast_in_dim3A_64 = vector.broadcast %jit3A_62 : i32 to vector<16xi32>
    %select_n3A_65 = arith.select %eq3A_60, %broadcast_in_dim3A_63, %broadcast_in_dim3A_64 : vector<16xi1>, vector<16xi32>
    %min3A_66 = arith.minsi %min3A_59, %select_n3A_65 : vector<16xi32>
    %eq3A_67 = arith.cmpf oeq, %gather3A_20, %min3A_46 : vector<16xf32>
    %jit3A_68 = arith.constant 3 : i32
    %jit3A_69 = arith.constant 99 : i32
    %broadcast_in_dim3A_70 = vector.broadcast %jit3A_68 : i32 to vector<16xi32>
    %broadcast_in_dim3A_71 = vector.broadcast %jit3A_69 : i32 to vector<16xi32>
    %select_n3A_72 = arith.select %eq3A_67, %broadcast_in_dim3A_70, %broadcast_in_dim3A_71 : vector<16xi1>, vector<16xi32>
    %min3A_73 = arith.minsi %min3A_66, %select_n3A_72 : vector<16xi32>
    %eq3A_74 = arith.cmpf oeq, %gather3A_23, %min3A_46 : vector<16xf32>
    %jit3A_75 = arith.constant 4 : i32
    %jit3A_76 = arith.constant 99 : i32
    %broadcast_in_dim3A_77 = vector.broadcast %jit3A_75 : i32 to vector<16xi32>
    %broadcast_in_dim3A_78 = vector.broadcast %jit3A_76 : i32 to vector<16xi32>
    %select_n3A_79 = arith.select %eq3A_74, %broadcast_in_dim3A_77, %broadcast_in_dim3A_78 : vector<16xi1>, vector<16xi32>
    %min3A_80 = arith.minsi %min3A_73, %select_n3A_79 : vector<16xi32>
    %eq3A_81 = arith.cmpf oeq, %gather3A_26, %min3A_46 : vector<16xf32>
    %jit3A_82 = arith.constant 5 : i32
    %jit3A_83 = arith.constant 99 : i32
    %broadcast_in_dim3A_84 = vector.broadcast %jit3A_82 : i32 to vector<16xi32>
    %broadcast_in_dim3A_85 = vector.broadcast %jit3A_83 : i32 to vector<16xi32>
    %select_n3A_86 = arith.select %eq3A_81, %broadcast_in_dim3A_84, %broadcast_in_dim3A_85 : vector<16xi1>, vector<16xi32>
    %min3A_87 = arith.minsi %min3A_80, %select_n3A_86 : vector<16xi32>
    %eq3A_88 = arith.cmpf oeq, %gather3A_29, %min3A_46 : vector<16xf32>
    %jit3A_89 = arith.constant 6 : i32
    %jit3A_90 = arith.constant 99 : i32
    %broadcast_in_dim3A_91 = vector.broadcast %jit3A_89 : i32 to vector<16xi32>
    %broadcast_in_dim3A_92 = vector.broadcast %jit3A_90 : i32 to vector<16xi32>
    %select_n3A_93 = arith.select %eq3A_88, %broadcast_in_dim3A_91, %broadcast_in_dim3A_92 : vector<16xi1>, vector<16xi32>
    %min3A_94 = arith.minsi %min3A_87, %select_n3A_93 : vector<16xi32>
    %eq3A_95 = arith.cmpf oeq, %gather3A_32, %min3A_46 : vector<16xf32>
    %jit3A_96 = arith.constant 7 : i32
    %jit3A_97 = arith.constant 99 : i32
    %broadcast_in_dim3A_98 = vector.broadcast %jit3A_96 : i32 to vector<16xi32>
    %broadcast_in_dim3A_99 = vector.broadcast %jit3A_97 : i32 to vector<16xi32>
    %select_n3A_100 = arith.select %eq3A_95, %broadcast_in_dim3A_98, %broadcast_in_dim3A_99 : vector<16xi1>, vector<16xi32>
    %min3A_101 = arith.minsi %min3A_94, %select_n3A_100 : vector<16xi32>
    %eq3A_102 = arith.cmpf oeq, %gather3A_35, %min3A_46 : vector<16xf32>
    %jit3A_103 = arith.constant 8 : i32
    %jit3A_104 = arith.constant 99 : i32
    %broadcast_in_dim3A_105 = vector.broadcast %jit3A_103 : i32 to vector<16xi32>
    %broadcast_in_dim3A_106 = vector.broadcast %jit3A_104 : i32 to vector<16xi32>
    %select_n3A_107 = arith.select %eq3A_102, %broadcast_in_dim3A_105, %broadcast_in_dim3A_106 : vector<16xi1>, vector<16xi32>
    %min3A_108 = arith.minsi %min3A_101, %select_n3A_107 : vector<16xi32>
    %eq3A_109 = arith.cmpf oeq, %gather3A_38, %min3A_46 : vector<16xf32>
    %jit3A_110 = arith.constant 9 : i32
    %jit3A_111 = arith.constant 99 : i32
    %broadcast_in_dim3A_112 = vector.broadcast %jit3A_110 : i32 to vector<16xi32>
    %broadcast_in_dim3A_113 = vector.broadcast %jit3A_111 : i32 to vector<16xi32>
    %select_n3A_114 = arith.select %eq3A_109, %broadcast_in_dim3A_112, %broadcast_in_dim3A_113 : vector<16xi1>, vector<16xi32>
    %min3A_115 = arith.minsi %min3A_108, %select_n3A_114 : vector<16xi32>
    %get3A_116 = arith.constant 0 : index
    %get3A_117 = tpu.vector_load %arg11[%get3A_116] {strides = array<i32>} : memref<128xi32, #tpu.memory_space<vmem>>, vector<16xi32>,
    %gather3A_118 = tpu.vector_load_idx %arg10[%get3A_117] : memref<4096xf32, #tpu.memory_space<vmem>>[vector<16xi32>], vector<16xf32>,
    %gt3A = arith.cmpf ogt, %gather3A_118, %min3A_46 : vector<16xf32>
    %select_n3A_119 = arith.select %gt3A, %gather3A_118, %min3A_46 : vector<16xi1>, vector<16xf32>
    %eq3A_120 = arith.constant 0 : i32
    %eq3A_121 = vector.broadcast %eq3A_120 : i32 to vector<16xi32>
    %eq3A_122 = arith.cmpi eq, %min3A_115, %eq3A_121 : vector<16xi32>
    %select_n3A_123 = arith.select %eq3A_122, %select_n3A_119, %gather3A : vector<16xi1>, vector<16xf32>
    %eq3A_124 = arith.constant 1 : i32
    %eq3A_125 = vector.broadcast %eq3A_124 : i32 to vector<16xi32>
    %eq3A_126 = arith.cmpi eq, %min3A_115, %eq3A_125 : vector<16xi32>
    %select_n3A_127 = arith.select %eq3A_126, %select_n3A_119, %gather3A_14 : vector<16xi1>, vector<16xf32>
    %eq3A_128 = arith.constant 2 : i32
    %eq3A_129 = vector.broadcast %eq3A_128 : i32 to vector<16xi32>
    %eq3A_130 = arith.cmpi eq, %min3A_115, %eq3A_129 : vector<16xi32>
    %select_n3A_131 = arith.select %eq3A_130, %select_n3A_119, %gather3A_17 : vector<16xi1>, vector<16xf32>
    %eq3A_132 = arith.constant 3 : i32
    %eq3A_133 = vector.broadcast %eq3A_132 : i32 to vector<16xi32>
    %eq3A_134 = arith.cmpi eq, %min3A_115, %eq3A_133 : vector<16xi32>
    %select_n3A_135 = arith.select %eq3A_134, %select_n3A_119, %gather3A_20 : vector<16xi1>, vector<16xf32>
    %eq3A_136 = arith.constant 4 : i32
    %eq3A_137 = vector.broadcast %eq3A_136 : i32 to vector<16xi32>
    %eq3A_138 = arith.cmpi eq, %min3A_115, %eq3A_137 : vector<16xi32>
    %select_n3A_139 = arith.select %eq3A_138, %select_n3A_119, %gather3A_23 : vector<16xi1>, vector<16xf32>
    %eq3A_140 = arith.constant 5 : i32
    %eq3A_141 = vector.broadcast %eq3A_140 : i32 to vector<16xi32>
    %eq3A_142 = arith.cmpi eq, %min3A_115, %eq3A_141 : vector<16xi32>
    %select_n3A_143 = arith.select %eq3A_142, %select_n3A_119, %gather3A_26 : vector<16xi1>, vector<16xf32>
    %eq3A_144 = arith.constant 6 : i32
    %eq3A_145 = vector.broadcast %eq3A_144 : i32 to vector<16xi32>
    %eq3A_146 = arith.cmpi eq, %min3A_115, %eq3A_145 : vector<16xi32>
    %select_n3A_147 = arith.select %eq3A_146, %select_n3A_119, %gather3A_29 : vector<16xi1>, vector<16xf32>
    %eq3A_148 = arith.constant 7 : i32
    %eq3A_149 = vector.broadcast %eq3A_148 : i32 to vector<16xi32>
    %eq3A_150 = arith.cmpi eq, %min3A_115, %eq3A_149 : vector<16xi32>
    %select_n3A_151 = arith.select %eq3A_150, %select_n3A_119, %gather3A_32 : vector<16xi1>, vector<16xf32>
    %eq3A_152 = arith.constant 8 : i32
    %eq3A_153 = vector.broadcast %eq3A_152 : i32 to vector<16xi32>
    %eq3A_154 = arith.cmpi eq, %min3A_115, %eq3A_153 : vector<16xi32>
    %select_n3A_155 = arith.select %eq3A_154, %select_n3A_119, %gather3A_35 : vector<16xi1>, vector<16xf32>
    %eq3A_156 = arith.constant 9 : i32
    %eq3A_157 = vector.broadcast %eq3A_156 : i32 to vector<16xi32>
    %eq3A_158 = arith.cmpi eq, %min3A_115, %eq3A_157 : vector<16xi32>
    %select_n3A_159 = arith.select %eq3A_158, %select_n3A_119, %gather3A_38 : vector<16xi1>, vector<16xf32>
    %max3A = arith.maximumf %select_n3A_123, %select_n3A_127 : vector<16xf32>
    %max3A_160 = arith.maximumf %max3A, %select_n3A_131 : vector<16xf32>
    %max3A_161 = arith.maximumf %max3A_160, %select_n3A_135 : vector<16xf32>
    %max3A_162 = arith.maximumf %max3A_161, %select_n3A_139 : vector<16xf32>
    %max3A_163 = arith.maximumf %max3A_162, %select_n3A_143 : vector<16xf32>
    %max3A_164 = arith.maximumf %max3A_163, %select_n3A_147 : vector<16xf32>
    %max3A_165 = arith.maximumf %max3A_164, %select_n3A_151 : vector<16xf32>
    %max3A_166 = arith.maximumf %max3A_165, %select_n3A_155 : vector<16xf32>
    %max3A_167 = arith.maximumf %max3A_166, %select_n3A_159 : vector<16xf32>
    %broadcast_in_dim3A_168 = arith.constant 99 : i32
    %broadcast_in_dim3A_169 = vector.broadcast %broadcast_in_dim3A_168 : i32 to vector<16xi32>
    %eq3A_170 = arith.cmpf oeq, %select_n3A_123, %max3A_167 : vector<16xf32>
    %jit3A_171 = arith.constant 0 : i32
    %jit3A_172 = arith.constant 99 : i32
    %broadcast_in_dim3A_173 = vector.broadcast %jit3A_171 : i32 to vector<16xi32>
    %broadcast_in_dim3A_174 = vector.broadcast %jit3A_172 : i32 to vector<16xi32>
    %select_n3A_175 = arith.select %eq3A_170, %broadcast_in_dim3A_173, %broadcast_in_dim3A_174 : vector<16xi1>, vector<16xi32>
    %min3A_176 = arith.minsi %broadcast_in_dim3A_169, %select_n3A_175 : vector<16xi32>
    %eq3A_177 = arith.cmpf oeq, %select_n3A_127, %max3A_167 : vector<16xf32>
    %jit3A_178 = arith.constant 1 : i32
    %jit3A_179 = arith.constant 99 : i32
    %broadcast_in_dim3A_180 = vector.broadcast %jit3A_178 : i32 to vector<16xi32>
    %broadcast_in_dim3A_181 = vector.broadcast %jit3A_179 : i32 to vector<16xi32>
    %select_n3A_182 = arith.select %eq3A_177, %broadcast_in_dim3A_180, %broadcast_in_dim3A_181 : vector<16xi1>, vector<16xi32>
    %min3A_183 = arith.minsi %min3A_176, %select_n3A_182 : vector<16xi32>
    %eq3A_184 = arith.cmpf oeq, %select_n3A_131, %max3A_167 : vector<16xf32>
    %jit3A_185 = arith.constant 2 : i32
    %jit3A_186 = arith.constant 99 : i32
    %broadcast_in_dim3A_187 = vector.broadcast %jit3A_185 : i32 to vector<16xi32>
    %broadcast_in_dim3A_188 = vector.broadcast %jit3A_186 : i32 to vector<16xi32>
    %select_n3A_189 = arith.select %eq3A_184, %broadcast_in_dim3A_187, %broadcast_in_dim3A_188 : vector<16xi1>, vector<16xi32>
    %min3A_190 = arith.minsi %min3A_183, %select_n3A_189 : vector<16xi32>
    %eq3A_191 = arith.cmpf oeq, %select_n3A_135, %max3A_167 : vector<16xf32>
    %jit3A_192 = arith.constant 3 : i32
    %jit3A_193 = arith.constant 99 : i32
    %broadcast_in_dim3A_194 = vector.broadcast %jit3A_192 : i32 to vector<16xi32>
    %broadcast_in_dim3A_195 = vector.broadcast %jit3A_193 : i32 to vector<16xi32>
    %select_n3A_196 = arith.select %eq3A_191, %broadcast_in_dim3A_194, %broadcast_in_dim3A_195 : vector<16xi1>, vector<16xi32>
    %min3A_197 = arith.minsi %min3A_190, %select_n3A_196 : vector<16xi32>
    %eq3A_198 = arith.cmpf oeq, %select_n3A_139, %max3A_167 : vector<16xf32>
    %jit3A_199 = arith.constant 4 : i32
    %jit3A_200 = arith.constant 99 : i32
    %broadcast_in_dim3A_201 = vector.broadcast %jit3A_199 : i32 to vector<16xi32>
    %broadcast_in_dim3A_202 = vector.broadcast %jit3A_200 : i32 to vector<16xi32>
    %select_n3A_203 = arith.select %eq3A_198, %broadcast_in_dim3A_201, %broadcast_in_dim3A_202 : vector<16xi1>, vector<16xi32>
    %min3A_204 = arith.minsi %min3A_197, %select_n3A_203 : vector<16xi32>
    %eq3A_205 = arith.cmpf oeq, %select_n3A_143, %max3A_167 : vector<16xf32>
    %jit3A_206 = arith.constant 5 : i32
    %jit3A_207 = arith.constant 99 : i32
    %broadcast_in_dim3A_208 = vector.broadcast %jit3A_206 : i32 to vector<16xi32>
    %broadcast_in_dim3A_209 = vector.broadcast %jit3A_207 : i32 to vector<16xi32>
    %select_n3A_210 = arith.select %eq3A_205, %broadcast_in_dim3A_208, %broadcast_in_dim3A_209 : vector<16xi1>, vector<16xi32>
    %min3A_211 = arith.minsi %min3A_204, %select_n3A_210 : vector<16xi32>
    %eq3A_212 = arith.cmpf oeq, %select_n3A_147, %max3A_167 : vector<16xf32>
    %jit3A_213 = arith.constant 6 : i32
    %jit3A_214 = arith.constant 99 : i32
    %broadcast_in_dim3A_215 = vector.broadcast %jit3A_213 : i32 to vector<16xi32>
    %broadcast_in_dim3A_216 = vector.broadcast %jit3A_214 : i32 to vector<16xi32>
    %select_n3A_217 = arith.select %eq3A_212, %broadcast_in_dim3A_215, %broadcast_in_dim3A_216 : vector<16xi1>, vector<16xi32>
    %min3A_218 = arith.minsi %min3A_211, %select_n3A_217 : vector<16xi32>
    %eq3A_219 = arith.cmpf oeq, %select_n3A_151, %max3A_167 : vector<16xf32>
    %jit3A_220 = arith.constant 7 : i32
    %jit3A_221 = arith.constant 99 : i32
    %broadcast_in_dim3A_222 = vector.broadcast %jit3A_220 : i32 to vector<16xi32>
    %broadcast_in_dim3A_223 = vector.broadcast %jit3A_221 : i32 to vector<16xi32>
    %select_n3A_224 = arith.select %eq3A_219, %broadcast_in_dim3A_222, %broadcast_in_dim3A_223 : vector<16xi1>, vector<16xi32>
    %min3A_225 = arith.minsi %min3A_218, %select_n3A_224 : vector<16xi32>
    %eq3A_226 = arith.cmpf oeq, %select_n3A_155, %max3A_167 : vector<16xf32>
    %jit3A_227 = arith.constant 8 : i32
    %jit3A_228 = arith.constant 99 : i32
    %broadcast_in_dim3A_229 = vector.broadcast %jit3A_227 : i32 to vector<16xi32>
    %broadcast_in_dim3A_230 = vector.broadcast %jit3A_228 : i32 to vector<16xi32>
    %select_n3A_231 = arith.select %eq3A_226, %broadcast_in_dim3A_229, %broadcast_in_dim3A_230 : vector<16xi1>, vector<16xi32>
    %min3A_232 = arith.minsi %min3A_225, %select_n3A_231 : vector<16xi32>
    %eq3A_233 = arith.cmpf oeq, %select_n3A_159, %max3A_167 : vector<16xf32>
    %jit3A_234 = arith.constant 9 : i32
    %jit3A_235 = arith.constant 99 : i32
    %broadcast_in_dim3A_236 = vector.broadcast %jit3A_234 : i32 to vector<16xi32>
    %broadcast_in_dim3A_237 = vector.broadcast %jit3A_235 : i32 to vector<16xi32>
    %select_n3A_238 = arith.select %eq3A_233, %broadcast_in_dim3A_236, %broadcast_in_dim3A_237 : vector<16xi1>, vector<16xi32>
    %min3A_239 = arith.minsi %min3A_232, %select_n3A_238 : vector<16xi32>
    %sub3A = arith.subf %select_n3A_123, %max3A_167 : vector<16xf32>
    %exp3A = math.exp %sub3A : vector<16xf32>
    %sub3A_240 = arith.subf %select_n3A_127, %max3A_167 : vector<16xf32>
    %exp3A_241 = math.exp %sub3A_240 : vector<16xf32>
    %add3A_242 = arith.addf %exp3A, %exp3A_241 : vector<16xf32>
    %sub3A_243 = arith.subf %select_n3A_131, %max3A_167 : vector<16xf32>
    %exp3A_244 = math.exp %sub3A_243 : vector<16xf32>
    %add3A_245 = arith.addf %add3A_242, %exp3A_244 : vector<16xf32>
    %sub3A_246 = arith.subf %select_n3A_135, %max3A_167 : vector<16xf32>
    %exp3A_247 = math.exp %sub3A_246 : vector<16xf32>
    %add3A_248 = arith.addf %add3A_245, %exp3A_247 : vector<16xf32>
    %sub3A_249 = arith.subf %select_n3A_139, %max3A_167 : vector<16xf32>
    %exp3A_250 = math.exp %sub3A_249 : vector<16xf32>
    %add3A_251 = arith.addf %add3A_248, %exp3A_250 : vector<16xf32>
    %sub3A_252 = arith.subf %select_n3A_143, %max3A_167 : vector<16xf32>
    %exp3A_253 = math.exp %sub3A_252 : vector<16xf32>
    %add3A_254 = arith.addf %add3A_251, %exp3A_253 : vector<16xf32>
    %sub3A_255 = arith.subf %select_n3A_147, %max3A_167 : vector<16xf32>
    %exp3A_256 = math.exp %sub3A_255 : vector<16xf32>
    %add3A_257 = arith.addf %add3A_254, %exp3A_256 : vector<16xf32>
    %sub3A_258 = arith.subf %select_n3A_151, %max3A_167 : vector<16xf32>
    %exp3A_259 = math.exp %sub3A_258 : vector<16xf32>
    %add3A_260 = arith.addf %add3A_257, %exp3A_259 : vector<16xf32>
    %sub3A_261 = arith.subf %select_n3A_155, %max3A_167 : vector<16xf32>
    %exp3A_262 = math.exp %sub3A_261 : vector<16xf32>
    %add3A_263 = arith.addf %add3A_260, %exp3A_262 : vector<16xf32>
    %sub3A_264 = arith.subf %select_n3A_159, %max3A_167 : vector<16xf32>
    %exp3A_265 = math.exp %sub3A_264 : vector<16xf32>
    %add3A_266 = arith.addf %add3A_263, %exp3A_265 : vector<16xf32>
    %eq3A_267 = arith.cmpi eq, %min3A_239, %min3A_115 : vector<16xi32>
    %and3A = arith.andi %eq3A_267, %gt3A : vector<16xi1>
    %add3A_268 = arith.constant 0 : i32
    %add3A_269 = arith.addi %mul3A_2, %add3A_268 : i32
    %add3A_270 = vector.broadcast %add3A_269 : i32 to vector<16xi32>
    %add3A_271 = arith.addi %add3A_270, %iota3A : vector<16xi32>
    %swap3A = arith.constant 0 : index
    %swap3A_272 = tpu.vector_load %arg14[%swap3A] {strides = array<i32>} : memref<128xf32, #tpu.memory_space<vmem>>, vector<16xf32>,
    tpu.vector_store %arg14[%swap3A], %add3A_266 {strides = array<i32>} : memref<128xf32, #tpu.memory_space<vmem>>, vector<16xf32>,
    %mul3A_273 = arith.constant 10000 : i32
    %mul3A_274 = vector.broadcast %mul3A_273 : i32 to vector<16xi32>
    %mul3A_275 = arith.muli %min3A_239, %mul3A_274 : vector<16xi32>
    %add3A_276 = arith.addi %mul3A_275, %get3A_7 : vector<16xi32>
    %swap3A_277 = arith.constant 0 : index
    %swap3A_278 = tpu.vector_load %arg15[%swap3A_277] {strides = array<i32>} : memref<128xi32, #tpu.memory_space<vmem>>, vector<16xi32>,
    tpu.vector_store %arg15[%swap3A_277], %add3A_276 {strides = array<i32>} : memref<128xi32, #tpu.memory_space<vmem>>, vector<16xi32>,
    %swap3A_279 = arith.constant 0 : index
    %swap3A_280 = tpu.vector_load %arg16[%swap3A_279] {strides = array<i32>} : memref<128xi32, #tpu.memory_space<vmem>>, vector<16xi32>,
    tpu.vector_store %arg16[%swap3A_279], %get3A_117 {strides = array<i32>} : memref<128xi32, #tpu.memory_space<vmem>>, vector<16xi32>,
    %jit3A_281 = arith.constant 4096 : i32
    %broadcast_in_dim3A_282 = vector.broadcast %jit3A_281 : i32 to vector<16xi32>
    %select_n3A_283 = arith.select %and3A, %broadcast_in_dim3A_282, %add3A_271 : vector<16xi1>, vector<16xi32>
    %swap3A_284 = arith.constant 0 : index
    %swap3A_285 = tpu.vector_load %arg17[%swap3A_284] {strides = array<i32>} : memref<128xi32, #tpu.memory_space<vmem>>, vector<16xi32>,
    tpu.vector_store %arg17[%swap3A_284], %select_n3A_283 {strides = array<i32>} : memref<128xi32, #tpu.memory_space<vmem>>, vector<16xi32>,
    %jit3A_286 = arith.constant 0 : i32
    %jit3A_287 = arith.constant 1 : i32
    %broadcast_in_dim3A_288 = vector.broadcast %jit3A_286 : i32 to vector<16xi32>
    %broadcast_in_dim3A_289 = vector.broadcast %jit3A_287 : i32 to vector<16xi32>
    %select_n3A_290 = arith.select %and3A, %broadcast_in_dim3A_288, %broadcast_in_dim3A_289 : vector<16xi1>, vector<16xi32>
    %reduce_sum3A = arith.constant true
    %reduce_sum3A_291 = vector.broadcast %reduce_sum3A : i1 to vector<16xi1>
    %reduce_sum3A_292 = tpu.scan <sum>, %select_n3A_290 masked %reduce_sum3A_291 : vector<16xi32>, vector<16xi1> -> vector<16xi32>
    %reduce_sum3A_293 = vector.extract %reduce_sum3A_292[15] : i32 from vector<16xi32>
    %add3A_294 = arith.constant 0 : i32
    %add3A_295 = arith.addi %add3A_294, %reduce_sum3A_293 : i32
    %get3A_296 = arith.constant 16 : index
    %get3A_297 = tpu.vector_load %arg12[%get3A_296] {strides = array<i32>} : memref<128xi32, #tpu.memory_space<vmem>>, vector<16xi32>,
    %add3A_298 = arith.constant 16 : i32
    %add3A_299 = vector.broadcast %add3A_298 : i32 to vector<16xi32>
    %add3A_300 = arith.addi %iota3A, %add3A_299 : vector<16xi32>
    %broadcast_in_dim3A_301 = arith.constant 0 : i32
    %broadcast_in_dim3A_302 = vector.broadcast %broadcast_in_dim3A_301 : i32 to vector<16xi32>
    %gather3A_303 = tpu.vector_load_idx %arg13[%add3A_300, %broadcast_in_dim3A_302] : memref<128x128xf32, #tpu.memory_space<vmem>>[vector<16xi32>, vector<16xi32>], vector<16xf32>,
    %broadcast_in_dim3A_304 = arith.constant 1 : i32
    %broadcast_in_dim3A_305 = vector.broadcast %broadcast_in_dim3A_304 : i32 to vector<16xi32>
    %gather3A_306 = tpu.vector_load_idx %arg13[%add3A_300, %broadcast_in_dim3A_305] : memref<128x128xf32, #tpu.memory_space<vmem>>[vector<16xi32>, vector<16xi32>], vector<16xf32>,
    %broadcast_in_dim3A_307 = arith.constant 2 : i32
    %broadcast_in_dim3A_308 = vector.broadcast %broadcast_in_dim3A_307 : i32 to vector<16xi32>
    %gather3A_309 = tpu.vector_load_idx %arg13[%add3A_300, %broadcast_in_dim3A_308] : memref<128x128xf32, #tpu.memory_space<vmem>>[vector<16xi32>, vector<16xi32>], vector<16xf32>,
    %broadcast_in_dim3A_310 = arith.constant 3 : i32
    %broadcast_in_dim3A_311 = vector.broadcast %broadcast_in_dim3A_310 : i32 to vector<16xi32>
    %gather3A_312 = tpu.vector_load_idx %arg13[%add3A_300, %broadcast_in_dim3A_311] : memref<128x128xf32, #tpu.memory_space<vmem>>[vector<16xi32>, vector<16xi32>], vector<16xf32>,
    %broadcast_in_dim3A_313 = arith.constant 4 : i32
    %broadcast_in_dim3A_314 = vector.broadcast %broadcast_in_dim3A_313 : i32 to vector<16xi32>
    %gather3A_315 = tpu.vector_load_idx %arg13[%add3A_300, %broadcast_in_dim3A_314] : memref<128x128xf32, #tpu.memory_space<vmem>>[vector<16xi32>, vector<16xi32>], vector<16xf32>,
    %broadcast_in_dim3A_316 = arith.constant 5 : i32
    %broadcast_in_dim3A_317 = vector.broadcast %broadcast_in_dim3A_316 : i32 to vector<16xi32>
    %gather3A_318 = tpu.vector_load_idx %arg13[%add3A_300, %broadcast_in_dim3A_317] : memref<128x128xf32, #tpu.memory_space<vmem>>[vector<16xi32>, vector<16xi32>], vector<16xf32>,
    %broadcast_in_dim3A_319 = arith.constant 6 : i32
    %broadcast_in_dim3A_320 = vector.broadcast %broadcast_in_dim3A_319 : i32 to vector<16xi32>
    %gather3A_321 = tpu.vector_load_idx %arg13[%add3A_300, %broadcast_in_dim3A_320] : memref<128x128xf32, #tpu.memory_space<vmem>>[vector<16xi32>, vector<16xi32>], vector<16xf32>,
    %broadcast_in_dim3A_322 = arith.constant 7 : i32
    %broadcast_in_dim3A_323 = vector.broadcast %broadcast_in_dim3A_322 : i32 to vector<16xi32>
    %gather3A_324 = tpu.vector_load_idx %arg13[%add3A_300, %broadcast_in_dim3A_323] : memref<128x128xf32, #tpu.memory_space<vmem>>[vector<16xi32>, vector<16xi32>], vector<16xf32>,
    %broadcast_in_dim3A_325 = arith.constant 8 : i32
    %broadcast_in_dim3A_326 = vector.broadcast %broadcast_in_dim3A_325 : i32 to vector<16xi32>
    %gather3A_327 = tpu.vector_load_idx %arg13[%add3A_300, %broadcast_in_dim3A_326] : memref<128x128xf32, #tpu.memory_space<vmem>>[vector<16xi32>, vector<16xi32>], vector<16xf32>,
    %broadcast_in_dim3A_328 = arith.constant 9 : i32
    %broadcast_in_dim3A_329 = vector.broadcast %broadcast_in_dim3A_328 : i32 to vector<16xi32>
    %gather3A_330 = tpu.vector_load_idx %arg13[%add3A_300, %broadcast_in_dim3A_329] : memref<128x128xf32, #tpu.memory_space<vmem>>[vector<16xi32>, vector<16xi32>], vector<16xf32>,
    %min3A_331 = arith.minimumf %gather3A_303, %gather3A_306 : vector<16xf32>
    %min3A_332 = arith.minimumf %min3A_331, %gather3A_309 : vector<16xf32>
    %min3A_333 = arith.minimumf %min3A_332, %gather3A_312 : vector<16xf32>
    %min3A_334 = arith.minimumf %min3A_333, %gather3A_315 : vector<16xf32>
    %min3A_335 = arith.minimumf %min3A_334, %gather3A_318 : vector<16xf32>
    %min3A_336 = arith.minimumf %min3A_335, %gather3A_321 : vector<16xf32>
    %min3A_337 = arith.minimumf %min3A_336, %gather3A_324 : vector<16xf32>
    %min3A_338 = arith.minimumf %min3A_337, %gather3A_327 : vector<16xf32>
    %min3A_339 = arith.minimumf %min3A_338, %gather3A_330 : vector<16xf32>
    %broadcast_in_dim3A_340 = arith.constant 99 : i32
    %broadcast_in_dim3A_341 = vector.broadcast %broadcast_in_dim3A_340 : i32 to vector<16xi32>
    %eq3A_342 = arith.cmpf oeq, %gather3A_303, %min3A_339 : vector<16xf32>
    %jit3A_343 = arith.constant 0 : i32
    %jit3A_344 = arith.constant 99 : i32
    %broadcast_in_dim3A_345 = vector.broadcast %jit3A_343 : i32 to vector<16xi32>
    %broadcast_in_dim3A_346 = vector.broadcast %jit3A_344 : i32 to vector<16xi32>
    %select_n3A_347 = arith.select %eq3A_342, %broadcast_in_dim3A_345, %broadcast_in_dim3A_346 : vector<16xi1>, vector<16xi32>
    %min3A_348 = arith.minsi %broadcast_in_dim3A_341, %select_n3A_347 : vector<16xi32>
    %eq3A_349 = arith.cmpf oeq, %gather3A_306, %min3A_339 : vector<16xf32>
    %jit3A_350 = arith.constant 1 : i32
    %jit3A_351 = arith.constant 99 : i32
    %broadcast_in_dim3A_352 = vector.broadcast %jit3A_350 : i32 to vector<16xi32>
    %broadcast_in_dim3A_353 = vector.broadcast %jit3A_351 : i32 to vector<16xi32>
    %select_n3A_354 = arith.select %eq3A_349, %broadcast_in_dim3A_352, %broadcast_in_dim3A_353 : vector<16xi1>, vector<16xi32>
    %min3A_355 = arith.minsi %min3A_348, %select_n3A_354 : vector<16xi32>
    %eq3A_356 = arith.cmpf oeq, %gather3A_309, %min3A_339 : vector<16xf32>
    %jit3A_357 = arith.constant 2 : i32
    %jit3A_358 = arith.constant 99 : i32
    %broadcast_in_dim3A_359 = vector.broadcast %jit3A_357 : i32 to vector<16xi32>
    %broadcast_in_dim3A_360 = vector.broadcast %jit3A_358 : i32 to vector<16xi32>
    %select_n3A_361 = arith.select %eq3A_356, %broadcast_in_dim3A_359, %broadcast_in_dim3A_360 : vector<16xi1>, vector<16xi32>
    %min3A_362 = arith.minsi %min3A_355, %select_n3A_361 : vector<16xi32>
    %eq3A_363 = arith.cmpf oeq, %gather3A_312, %min3A_339 : vector<16xf32>
    %jit3A_364 = arith.constant 3 : i32
    %jit3A_365 = arith.constant 99 : i32
    %broadcast_in_dim3A_366 = vector.broadcast %jit3A_364 : i32 to vector<16xi32>
    %broadcast_in_dim3A_367 = vector.broadcast %jit3A_365 : i32 to vector<16xi32>
    %select_n3A_368 = arith.select %eq3A_363, %broadcast_in_dim3A_366, %broadcast_in_dim3A_367 : vector<16xi1>, vector<16xi32>
    %min3A_369 = arith.minsi %min3A_362, %select_n3A_368 : vector<16xi32>
    %eq3A_370 = arith.cmpf oeq, %gather3A_315, %min3A_339 : vector<16xf32>
    %jit3A_371 = arith.constant 4 : i32
    %jit3A_372 = arith.constant 99 : i32
    %broadcast_in_dim3A_373 = vector.broadcast %jit3A_371 : i32 to vector<16xi32>
    %broadcast_in_dim3A_374 = vector.broadcast %jit3A_372 : i32 to vector<16xi32>
    %select_n3A_375 = arith.select %eq3A_370, %broadcast_in_dim3A_373, %broadcast_in_dim3A_374 : vector<16xi1>, vector<16xi32>
    %min3A_376 = arith.minsi %min3A_369, %select_n3A_375 : vector<16xi32>
    %eq3A_377 = arith.cmpf oeq, %gather3A_318, %min3A_339 : vector<16xf32>
    %jit3A_378 = arith.constant 5 : i32
    %jit3A_379 = arith.constant 99 : i32
    %broadcast_in_dim3A_380 = vector.broadcast %jit3A_378 : i32 to vector<16xi32>
    %broadcast_in_dim3A_381 = vector.broadcast %jit3A_379 : i32 to vector<16xi32>
    %select_n3A_382 = arith.select %eq3A_377, %broadcast_in_dim3A_380, %broadcast_in_dim3A_381 : vector<16xi1>, vector<16xi32>
    %min3A_383 = arith.minsi %min3A_376, %select_n3A_382 : vector<16xi32>
    %eq3A_384 = arith.cmpf oeq, %gather3A_321, %min3A_339 : vector<16xf32>
    %jit3A_385 = arith.constant 6 : i32
    %jit3A_386 = arith.constant 99 : i32
    %broadcast_in_dim3A_387 = vector.broadcast %jit3A_385 : i32 to vector<16xi32>
    %broadcast_in_dim3A_388 = vector.broadcast %jit3A_386 : i32 to vector<16xi32>
    %select_n3A_389 = arith.select %eq3A_384, %broadcast_in_dim3A_387, %broadcast_in_dim3A_388 : vector<16xi1>, vector<16xi32>
    %min3A_390 = arith.minsi %min3A_383, %select_n3A_389 : vector<16xi32>
    %eq3A_391 = arith.cmpf oeq, %gather3A_324, %min3A_339 : vector<16xf32>
    %jit3A_392 = arith.constant 7 : i32
    %jit3A_393 = arith.constant 99 : i32
    %broadcast_in_dim3A_394 = vector.broadcast %jit3A_392 : i32 to vector<16xi32>
    %broadcast_in_dim3A_395 = vector.broadcast %jit3A_393 : i32 to vector<16xi32>
    %select_n3A_396 = arith.select %eq3A_391, %broadcast_in_dim3A_394, %broadcast_in_dim3A_395 : vector<16xi1>, vector<16xi32>
    %min3A_397 = arith.minsi %min3A_390, %select_n3A_396 : vector<16xi32>
    %eq3A_398 = arith.cmpf oeq, %gather3A_327, %min3A_339 : vector<16xf32>
    %jit3A_399 = arith.constant 8 : i32
    %jit3A_400 = arith.constant 99 : i32
    %broadcast_in_dim3A_401 = vector.broadcast %jit3A_399 : i32 to vector<16xi32>
    %broadcast_in_dim3A_402 = vector.broadcast %jit3A_400 : i32 to vector<16xi32>
    %select_n3A_403 = arith.select %eq3A_398, %broadcast_in_dim3A_401, %broadcast_in_dim3A_402 : vector<16xi1>, vector<16xi32>
    %min3A_404 = arith.minsi %min3A_397, %select_n3A_403 : vector<16xi32>
    %eq3A_405 = arith.cmpf oeq, %gather3A_330, %min3A_339 : vector<16xf32>
    %jit3A_406 = arith.constant 9 : i32
    %jit3A_407 = arith.constant 99 : i32
    %broadcast_in_dim3A_408 = vector.broadcast %jit3A_406 : i32 to vector<16xi32>
    %broadcast_in_dim3A_409 = vector.broadcast %jit3A_407 : i32 to vector<16xi32>
    %select_n3A_410 = arith.select %eq3A_405, %broadcast_in_dim3A_408, %broadcast_in_dim3A_409 : vector<16xi1>, vector<16xi32>
    %min3A_411 = arith.minsi %min3A_404, %select_n3A_410 : vector<16xi32>
    %get3A_412 = arith.constant 16 : index
    %get3A_413 = tpu.vector_load %arg11[%get3A_412] {strides = array<i32>} : memref<128xi32, #tpu.memory_space<vmem>>, vector<16xi32>,
    %gather3A_414 = tpu.vector_load_idx %arg10[%get3A_413] : memref<4096xf32, #tpu.memory_space<vmem>>[vector<16xi32>], vector<16xf32>,
    %gt3A_415 = arith.cmpf ogt, %gather3A_414, %min3A_339 : vector<16xf32>
    %select_n3A_416 = arith.select %gt3A_415, %gather3A_414, %min3A_339 : vector<16xi1>, vector<16xf32>
    %eq3A_417 = arith.constant 0 : i32
    %eq3A_418 = vector.broadcast %eq3A_417 : i32 to vector<16xi32>
    %eq3A_419 = arith.cmpi eq, %min3A_411, %eq3A_418 : vector<16xi32>
    %select_n3A_420 = arith.select %eq3A_419, %select_n3A_416, %gather3A_303 : vector<16xi1>, vector<16xf32>
    %eq3A_421 = arith.constant 1 : i32
    %eq3A_422 = vector.broadcast %eq3A_421 : i32 to vector<16xi32>
    %eq3A_423 = arith.cmpi eq, %min3A_411, %eq3A_422 : vector<16xi32>
    %select_n3A_424 = arith.select %eq3A_423, %select_n3A_416, %gather3A_306 : vector<16xi1>, vector<16xf32>
    %eq3A_425 = arith.constant 2 : i32
    %eq3A_426 = vector.broadcast %eq3A_425 : i32 to vector<16xi32>
    %eq3A_427 = arith.cmpi eq, %min3A_411, %eq3A_426 : vector<16xi32>
    %select_n3A_428 = arith.select %eq3A_427, %select_n3A_416, %gather3A_309 : vector<16xi1>, vector<16xf32>
    %eq3A_429 = arith.constant 3 : i32
    %eq3A_430 = vector.broadcast %eq3A_429 : i32 to vector<16xi32>
    %eq3A_431 = arith.cmpi eq, %min3A_411, %eq3A_430 : vector<16xi32>
    %select_n3A_432 = arith.select %eq3A_431, %select_n3A_416, %gather3A_312 : vector<16xi1>, vector<16xf32>
    %eq3A_433 = arith.constant 4 : i32
    %eq3A_434 = vector.broadcast %eq3A_433 : i32 to vector<16xi32>
    %eq3A_435 = arith.cmpi eq, %min3A_411, %eq3A_434 : vector<16xi32>
    %select_n3A_436 = arith.select %eq3A_435, %select_n3A_416, %gather3A_315 : vector<16xi1>, vector<16xf32>
    %eq3A_437 = arith.constant 5 : i32
    %eq3A_438 = vector.broadcast %eq3A_437 : i32 to vector<16xi32>
    %eq3A_439 = arith.cmpi eq, %min3A_411, %eq3A_438 : vector<16xi32>
    %select_n3A_440 = arith.select %eq3A_439, %select_n3A_416, %gather3A_318 : vector<16xi1>, vector<16xf32>
    %eq3A_441 = arith.constant 6 : i32
    %eq3A_442 = vector.broadcast %eq3A_441 : i32 to vector<16xi32>
    %eq3A_443 = arith.cmpi eq, %min3A_411, %eq3A_442 : vector<16xi32>
    %select_n3A_444 = arith.select %eq3A_443, %select_n3A_416, %gather3A_321 : vector<16xi1>, vector<16xf32>
    %eq3A_445 = arith.constant 7 : i32
    %eq3A_446 = vector.broadcast %eq3A_445 : i32 to vector<16xi32>
    %eq3A_447 = arith.cmpi eq, %min3A_411, %eq3A_446 : vector<16xi32>
    %select_n3A_448 = arith.select %eq3A_447, %select_n3A_416, %gather3A_324 : vector<16xi1>, vector<16xf32>
    %eq3A_449 = arith.constant 8 : i32
    %eq3A_450 = vector.broadcast %eq3A_449 : i32 to vector<16xi32>
    %eq3A_451 = arith.cmpi eq, %min3A_411, %eq3A_450 : vector<16xi32>
    %select_n3A_452 = arith.select %eq3A_451, %select_n3A_416, %gather3A_327 : vector<16xi1>, vector<16xf32>
    %eq3A_453 = arith.constant 9 : i32
    %eq3A_454 = vector.broadcast %eq3A_453 : i32 to vector<16xi32>
    %eq3A_455 = arith.cmpi eq, %min3A_411, %eq3A_454 : vector<16xi32>
    %select_n3A_456 = arith.select %eq3A_455, %select_n3A_416, %gather3A_330 : vector<16xi1>, vector<16xf32>
    %max3A_457 = arith.maximumf %select_n3A_420, %select_n3A_424 : vector<16xf32>
    %max3A_458 = arith.maximumf %max3A_457, %select_n3A_428 : vector<16xf32>
    %max3A_459 = arith.maximumf %max3A_458, %select_n3A_432 : vector<16xf32>
    %max3A_460 = arith.maximumf %max3A_459, %select_n3A_436 : vector<16xf32>
    %max3A_461 = arith.maximumf %max3A_460, %select_n3A_440 : vector<16xf32>
    %max3A_462 = arith.maximumf %max3A_461, %select_n3A_444 : vector<16xf32>
    %max3A_463 = arith.maximumf %max3A_462, %select_n3A_448 : vector<16xf32>
    %max3A_464 = arith.maximumf %max3A_463, %select_n3A_452 : vector<16xf32>
    %max3A_465 = arith.maximumf %max3A_464, %select_n3A_456 : vector<16xf32>
    %broadcast_in_dim3A_466 = arith.constant 99 : i32
    %broadcast_in_dim3A_467 = vector.broadcast %broadcast_in_dim3A_466 : i32 to vector<16xi32>
    %eq3A_468 = arith.cmpf oeq, %select_n3A_420, %max3A_465 : vector<16xf32>
    %jit3A_469 = arith.constant 0 : i32
    %jit3A_470 = arith.constant 99 : i32
    %broadcast_in_dim3A_471 = vector.broadcast %jit3A_469 : i32 to vector<16xi32>
    %broadcast_in_dim3A_472 = vector.broadcast %jit3A_470 : i32 to vector<16xi32>
    %select_n3A_473 = arith.select %eq3A_468, %broadcast_in_dim3A_471, %broadcast_in_dim3A_472 : vector<16xi1>, vector<16xi32>
    %min3A_474 = arith.minsi %broadcast_in_dim3A_467, %select_n3A_473 : vector<16xi32>
    %eq3A_475 = arith.cmpf oeq, %select_n3A_424, %max3A_465 : vector<16xf32>
    %jit3A_476 = arith.constant 1 : i32
    %jit3A_477 = arith.constant 99 : i32
    %broadcast_in_dim3A_478 = vector.broadcast %jit3A_476 : i32 to vector<16xi32>
    %broadcast_in_dim3A_479 = vector.broadcast %jit3A_477 : i32 to vector<16xi32>
    %select_n3A_480 = arith.select %eq3A_475, %broadcast_in_dim3A_478, %broadcast_in_dim3A_479 : vector<16xi1>, vector<16xi32>
    %min3A_481 = arith.minsi %min3A_474, %select_n3A_480 : vector<16xi32>
    %eq3A_482 = arith.cmpf oeq, %select_n3A_428, %max3A_465 : vector<16xf32>
    %jit3A_483 = arith.constant 2 : i32
    %jit3A_484 = arith.constant 99 : i32
    %broadcast_in_dim3A_485 = vector.broadcast %jit3A_483 : i32 to vector<16xi32>
    %broadcast_in_dim3A_486 = vector.broadcast %jit3A_484 : i32 to vector<16xi32>
    %select_n3A_487 = arith.select %eq3A_482, %broadcast_in_dim3A_485, %broadcast_in_dim3A_486 : vector<16xi1>, vector<16xi32>
    %min3A_488 = arith.minsi %min3A_481, %select_n3A_487 : vector<16xi32>
    %eq3A_489 = arith.cmpf oeq, %select_n3A_432, %max3A_465 : vector<16xf32>
    %jit3A_490 = arith.constant 3 : i32
    %jit3A_491 = arith.constant 99 : i32
    %broadcast_in_dim3A_492 = vector.broadcast %jit3A_490 : i32 to vector<16xi32>
    %broadcast_in_dim3A_493 = vector.broadcast %jit3A_491 : i32 to vector<16xi32>
    %select_n3A_494 = arith.select %eq3A_489, %broadcast_in_dim3A_492, %broadcast_in_dim3A_493 : vector<16xi1>, vector<16xi32>
    %min3A_495 = arith.minsi %min3A_488, %select_n3A_494 : vector<16xi32>
    %eq3A_496 = arith.cmpf oeq, %select_n3A_436, %max3A_465 : vector<16xf32>
    %jit3A_497 = arith.constant 4 : i32
    %jit3A_498 = arith.constant 99 : i32
    %broadcast_in_dim3A_499 = vector.broadcast %jit3A_497 : i32 to vector<16xi32>
    %broadcast_in_dim3A_500 = vector.broadcast %jit3A_498 : i32 to vector<16xi32>
    %select_n3A_501 = arith.select %eq3A_496, %broadcast_in_dim3A_499, %broadcast_in_dim3A_500 : vector<16xi1>, vector<16xi32>
    %min3A_502 = arith.minsi %min3A_495, %select_n3A_501 : vector<16xi32>
    %eq3A_503 = arith.cmpf oeq, %select_n3A_440, %max3A_465 : vector<16xf32>
    %jit3A_504 = arith.constant 5 : i32
    %jit3A_505 = arith.constant 99 : i32
    %broadcast_in_dim3A_506 = vector.broadcast %jit3A_504 : i32 to vector<16xi32>
    %broadcast_in_dim3A_507 = vector.broadcast %jit3A_505 : i32 to vector<16xi32>
    %select_n3A_508 = arith.select %eq3A_503, %broadcast_in_dim3A_506, %broadcast_in_dim3A_507 : vector<16xi1>, vector<16xi32>
    %min3A_509 = arith.minsi %min3A_502, %select_n3A_508 : vector<16xi32>
    %eq3A_510 = arith.cmpf oeq, %select_n3A_444, %max3A_465 : vector<16xf32>
    %jit3A_511 = arith.constant 6 : i32
    %jit3A_512 = arith.constant 99 : i32
    %broadcast_in_dim3A_513 = vector.broadcast %jit3A_511 : i32 to vector<16xi32>
    %broadcast_in_dim3A_514 = vector.broadcast %jit3A_512 : i32 to vector<16xi32>
    %select_n3A_515 = arith.select %eq3A_510, %broadcast_in_dim3A_513, %broadcast_in_dim3A_514 : vector<16xi1>, vector<16xi32>
    %min3A_516 = arith.minsi %min3A_509, %select_n3A_515 : vector<16xi32>
    %eq3A_517 = arith.cmpf oeq, %select_n3A_448, %max3A_465 : vector<16xf32>
    %jit3A_518 = arith.constant 7 : i32
    %jit3A_519 = arith.constant 99 : i32
    %broadcast_in_dim3A_520 = vector.broadcast %jit3A_518 : i32 to vector<16xi32>
    %broadcast_in_dim3A_521 = vector.broadcast %jit3A_519 : i32 to vector<16xi32>
    %select_n3A_522 = arith.select %eq3A_517, %broadcast_in_dim3A_520, %broadcast_in_dim3A_521 : vector<16xi1>, vector<16xi32>
    %min3A_523 = arith.minsi %min3A_516, %select_n3A_522 : vector<16xi32>
    %eq3A_524 = arith.cmpf oeq, %select_n3A_452, %max3A_465 : vector<16xf32>
    %jit3A_525 = arith.constant 8 : i32
    %jit3A_526 = arith.constant 99 : i32
    %broadcast_in_dim3A_527 = vector.broadcast %jit3A_525 : i32 to vector<16xi32>
    %broadcast_in_dim3A_528 = vector.broadcast %jit3A_526 : i32 to vector<16xi32>
    %select_n3A_529 = arith.select %eq3A_524, %broadcast_in_dim3A_527, %broadcast_in_dim3A_528 : vector<16xi1>, vector<16xi32>
    %min3A_530 = arith.minsi %min3A_523, %select_n3A_529 : vector<16xi32>
    %eq3A_531 = arith.cmpf oeq, %select_n3A_456, %max3A_465 : vector<16xf32>
    %jit3A_532 = arith.constant 9 : i32
    %jit3A_533 = arith.constant 99 : i32
    %broadcast_in_dim3A_534 = vector.broadcast %jit3A_532 : i32 to vector<16xi32>
    %broadcast_in_dim3A_535 = vector.broadcast %jit3A_533 : i32 to vector<16xi32>
    %select_n3A_536 = arith.select %eq3A_531, %broadcast_in_dim3A_534, %broadcast_in_dim3A_535 : vector<16xi1>, vector<16xi32>
    %min3A_537 = arith.minsi %min3A_530, %select_n3A_536 : vector<16xi32>
    %sub3A_538 = arith.subf %select_n3A_420, %max3A_465 : vector<16xf32>
    %exp3A_539 = math.exp %sub3A_538 : vector<16xf32>
    %sub3A_540 = arith.subf %select_n3A_424, %max3A_465 : vector<16xf32>
    %exp3A_541 = math.exp %sub3A_540 : vector<16xf32>
    %add3A_542 = arith.addf %exp3A_539, %exp3A_541 : vector<16xf32>
    %sub3A_543 = arith.subf %select_n3A_428, %max3A_465 : vector<16xf32>
    %exp3A_544 = math.exp %sub3A_543 : vector<16xf32>
    %add3A_545 = arith.addf %add3A_542, %exp3A_544 : vector<16xf32>
    %sub3A_546 = arith.subf %select_n3A_432, %max3A_465 : vector<16xf32>
    %exp3A_547 = math.exp %sub3A_546 : vector<16xf32>
    %add3A_548 = arith.addf %add3A_545, %exp3A_547 : vector<16xf32>
    %sub3A_549 = arith.subf %select_n3A_436, %max3A_465 : vector<16xf32>
    %exp3A_550 = math.exp %sub3A_549 : vector<16xf32>
    %add3A_551 = arith.addf %add3A_548, %exp3A_550 : vector<16xf32>
    %sub3A_552 = arith.subf %select_n3A_440, %max3A_465 : vector<16xf32>
    %exp3A_553 = math.exp %sub3A_552 : vector<16xf32>
    %add3A_554 = arith.addf %add3A_551, %exp3A_553 : vector<16xf32>
    %sub3A_555 = arith.subf %select_n3A_444, %max3A_465 : vector<16xf32>
    %exp3A_556 = math.exp %sub3A_555 : vector<16xf32>
    %add3A_557 = arith.addf %add3A_554, %exp3A_556 : vector<16xf32>
    %sub3A_558 = arith.subf %select_n3A_448, %max3A_465 : vector<16xf32>
    %exp3A_559 = math.exp %sub3A_558 : vector<16xf32>
    %add3A_560 = arith.addf %add3A_557, %exp3A_559 : vector<16xf32>
    %sub3A_561 = arith.subf %select_n3A_452, %max3A_465 : vector<16xf32>
    %exp3A_562 = math.exp %sub3A_561 : vector<16xf32>
    %add3A_563 = arith.addf %add3A_560, %exp3A_562 : vector<16xf32>
    %sub3A_564 = arith.subf %select_n3A_456, %max3A_465 : vector<16xf32>
    %exp3A_565 = math.exp %sub3A_564 : vector<16xf32>
    %add3A_566 = arith.addf %add3A_563, %exp3A_565 : vector<16xf32>
    %eq3A_567 = arith.cmpi eq, %min3A_537, %min3A_411 : vector<16xi32>
    %and3A_568 = arith.andi %eq3A_567, %gt3A_415 : vector<16xi1>
    %add3A_569 = arith.constant 16 : i32
    %add3A_570 = arith.addi %mul3A_2, %add3A_569 : i32
    %add3A_571 = vector.broadcast %add3A_570 : i32 to vector<16xi32>
    %add3A_572 = arith.addi %add3A_571, %iota3A : vector<16xi32>
    %swap3A_573 = arith.constant 16 : index
    %swap3A_574 = tpu.vector_load %arg14[%swap3A_573] {strides = array<i32>} : memref<128xf32, #tpu.memory_space<vmem>>, vector<16xf32>,
    tpu.vector_store %arg14[%swap3A_573], %add3A_566 {strides = array<i32>} : memref<128xf32, #tpu.memory_space<vmem>>, vector<16xf32>,
    %mul3A_575 = arith.constant 10000 : i32
    %mul3A_576 = vector.broadcast %mul3A_575 : i32 to vector<16xi32>
    %mul3A_577 = arith.muli %min3A_537, %mul3A_576 : vector<16xi32>
    %add3A_578 = arith.addi %mul3A_577, %get3A_297 : vector<16xi32>
    %swap3A_579 = arith.constant 16 : index
    %swap3A_580 = tpu.vector_load %arg15[%swap3A_579] {strides = array<i32>} : memref<128xi32, #tpu.memory_space<vmem>>, vector<16xi32>,
    tpu.vector_store %arg15[%swap3A_579], %add3A_578 {strides = array<i32>} : memref<128xi32, #tpu.memory_space<vmem>>, vector<16xi32>,
    %swap3A_581 = arith.constant 16 : index
    %swap3A_582 = tpu.vector_load %arg16[%swap3A_581] {strides = array<i32>} : memref<128xi32, #tpu.memory_space<vmem>>, vector<16xi32>,
    tpu.vector_store %arg16[%swap3A_581], %get3A_413 {strides = array<i32>} : memref<128xi32, #tpu.memory_space<vmem>>, vector<16xi32>,
    %jit3A_583 = arith.constant 4096 : i32
    %broadcast_in_dim3A_584 = vector.broadcast %jit3A_583 : i32 to vector<16xi32>
    %select_n3A_585 = arith.select %and3A_568, %broadcast_in_dim3A_584, %add3A_572 : vector<16xi1>, vector<16xi32>
    %swap3A_586 = arith.constant 16 : index
    %swap3A_587 = tpu.vector_load %arg17[%swap3A_586] {strides = array<i32>} : memref<128xi32, #tpu.memory_space<vmem>>, vector<16xi32>,
    tpu.vector_store %arg17[%swap3A_586], %select_n3A_585 {strides = array<i32>} : memref<128xi32, #tpu.memory_space<vmem>>, vector<16xi32>,
    %jit3A_588 = arith.constant 0 : i32
    %jit3A_589 = arith.constant 1 : i32
    %broadcast_in_dim3A_590 = vector.broadcast %jit3A_588 : i32 to vector<16xi32>
    %broadcast_in_dim3A_591 = vector.broadcast %jit3A_589 : i32 to vector<16xi32>
    %select_n3A_592 = arith.select %and3A_568, %broadcast_in_dim3A_590, %broadcast_in_dim3A_591 : vector<16xi1>, vector<16xi32>
    %reduce_sum3A_593 = arith.constant true
    %reduce_sum3A_594 = vector.broadcast %reduce_sum3A_593 : i1 to vector<16xi1>
    %reduce_sum3A_595 = tpu.scan <sum>, %select_n3A_592 masked %reduce_sum3A_594 : vector<16xi32>, vector<16xi1> -> vector<16xi32>
    %reduce_sum3A_596 = vector.extract %reduce_sum3A_595[15] : i32 from vector<16xi32>
    %add3A_597 = arith.addi %add3A_295, %reduce_sum3A_596 : i32
    %get3A_598 = arith.constant 32 : index
    %get3A_599 = tpu.vector_load %arg12[%get3A_598] {strides = array<i32>} : memref<128xi32, #tpu.memory_space<vmem>>, vector<16xi32>,
    %add3A_600 = arith.constant 32 : i32
    %add3A_601 = vector.broadcast %add3A_600 : i32 to vector<16xi32>
    %add3A_602 = arith.addi %iota3A, %add3A_601 : vector<16xi32>
    %broadcast_in_dim3A_603 = arith.constant 0 : i32
    %broadcast_in_dim3A_604 = vector.broadcast %broadcast_in_dim3A_603 : i32 to vector<16xi32>
    %gather3A_605 = tpu.vector_load_idx %arg13[%add3A_602, %broadcast_in_dim3A_604] : memref<128x128xf32, #tpu.memory_space<vmem>>[vector<16xi32>, vector<16xi32>], vector<16xf32>,
    %broadcast_in_dim3A_606 = arith.constant 1 : i32
    %broadcast_in_dim3A_607 = vector.broadcast %broadcast_in_dim3A_606 : i32 to vector<16xi32>
    %gather3A_608 = tpu.vector_load_idx %arg13[%add3A_602, %broadcast_in_dim3A_607] : memref<128x128xf32, #tpu.memory_space<vmem>>[vector<16xi32>, vector<16xi32>], vector<16xf32>,
    %broadcast_in_dim3A_609 = arith.constant 2 : i32
    %broadcast_in_dim3A_610 = vector.broadcast %broadcast_in_dim3A_609 : i32 to vector<16xi32>
    %gather3A_611 = tpu.vector_load_idx %arg13[%add3A_602, %broadcast_in_dim3A_610] : memref<128x128xf32, #tpu.memory_space<vmem>>[vector<16xi32>, vector<16xi32>], vector<16xf32>,
    %broadcast_in_dim3A_612 = arith.constant 3 : i32
    %broadcast_in_dim3A_613 = vector.broadcast %broadcast_in_dim3A_612 : i32 to vector<16xi32>
    %gather3A_614 = tpu.vector_load_idx %arg13[%add3A_602, %broadcast_in_dim3A_613] : memref<128x128xf32, #tpu.memory_space<vmem>>[vector<16xi32>, vector<16xi32>], vector<16xf32>,
    %broadcast_in_dim3A_615 = arith.constant 4 : i32
    %broadcast_in_dim3A_616 = vector.broadcast %broadcast_in_dim3A_615 : i32 to vector<16xi32>
    %gather3A_617 = tpu.vector_load_idx %arg13[%add3A_602, %broadcast_in_dim3A_616] : memref<128x128xf32, #tpu.memory_space<vmem>>[vector<16xi32>, vector<16xi32>], vector<16xf32>,
    %broadcast_in_dim3A_618 = arith.constant 5 : i32
    %broadcast_in_dim3A_619 = vector.broadcast %broadcast_in_dim3A_618 : i32 to vector<16xi32>
    %gather3A_620 = tpu.vector_load_idx %arg13[%add3A_602, %broadcast_in_dim3A_619] : memref<128x128xf32, #tpu.memory_space<vmem>>[vector<16xi32>, vector<16xi32>], vector<16xf32>,
    %broadcast_in_dim3A_621 = arith.constant 6 : i32
    %broadcast_in_dim3A_622 = vector.broadcast %broadcast_in_dim3A_621 : i32 to vector<16xi32>
    %gather3A_623 = tpu.vector_load_idx %arg13[%add3A_602, %broadcast_in_dim3A_622] : memref<128x128xf32, #tpu.memory_space<vmem>>[vector<16xi32>, vector<16xi32>], vector<16xf32>,
    %broadcast_in_dim3A_624 = arith.constant 7 : i32
    %broadcast_in_dim3A_625 = vector.broadcast %broadcast_in_dim3A_624 : i32 to vector<16xi32>
    %gather3A_626 = tpu.vector_load_idx %arg13[%add3A_602, %broadcast_in_dim3A_625] : memref<128x128xf32, #tpu.memory_space<vmem>>[vector<16xi32>, vector<16xi32>], vector<16xf32>,
    %broadcast_in_dim3A_627 = arith.constant 8 : i32
    %broadcast_in_dim3A_628 = vector.broadcast %broadcast_in_dim3A_627 : i32 to vector<16xi32>
    %gather3A_629 = tpu.vector_load_idx %arg13[%add3A_602, %broadcast_in_dim3A_628] : memref<128x128xf32, #tpu.memory_space<vmem>>[vector<16xi32>, vector<16xi32>], vector<16xf32>,
    %broadcast_in_dim3A_630 = arith.constant 9 : i32
    %broadcast_in_dim3A_631 = vector.broadcast %broadcast_in_dim3A_630 : i32 to vector<16xi32>
    %gather3A_632 = tpu.vector_load_idx %arg13[%add3A_602, %broadcast_in_dim3A_631] : memref<128x128xf32, #tpu.memory_space<vmem>>[vector<16xi32>, vector<16xi32>], vector<16xf32>,
    %min3A_633 = arith.minimumf %gather3A_605, %gather3A_608 : vector<16xf32>
    %min3A_634 = arith.minimumf %min3A_633, %gather3A_611 : vector<16xf32>
    %min3A_635 = arith.minimumf %min3A_634, %gather3A_614 : vector<16xf32>
    %min3A_636 = arith.minimumf %min3A_635, %gather3A_617 : vector<16xf32>
    %min3A_637 = arith.minimumf %min3A_636, %gather3A_620 : vector<16xf32>
    %min3A_638 = arith.minimumf %min3A_637, %gather3A_623 : vector<16xf32>
    %min3A_639 = arith.minimumf %min3A_638, %gather3A_626 : vector<16xf32>
    %min3A_640 = arith.minimumf %min3A_639, %gather3A_629 : vector<16xf32>
    %min3A_641 = arith.minimumf %min3A_640, %gather3A_632 : vector<16xf32>
    %broadcast_in_dim3A_642 = arith.constant 99 : i32
    %broadcast_in_dim3A_643 = vector.broadcast %broadcast_in_dim3A_642 : i32 to vector<16xi32>
    %eq3A_644 = arith.cmpf oeq, %gather3A_605, %min3A_641 : vector<16xf32>
    %jit3A_645 = arith.constant 0 : i32
    %jit3A_646 = arith.constant 99 : i32
    %broadcast_in_dim3A_647 = vector.broadcast %jit3A_645 : i32 to vector<16xi32>
    %broadcast_in_dim3A_648 = vector.broadcast %jit3A_646 : i32 to vector<16xi32>
    %select_n3A_649 = arith.select %eq3A_644, %broadcast_in_dim3A_647, %broadcast_in_dim3A_648 : vector<16xi1>, vector<16xi32>
    %min3A_650 = arith.minsi %broadcast_in_dim3A_643, %select_n3A_649 : vector<16xi32>
    %eq3A_651 = arith.cmpf oeq, %gather3A_608, %min3A_641 : vector<16xf32>
    %jit3A_652 = arith.constant 1 : i32
    %jit3A_653 = arith.constant 99 : i32
    %broadcast_in_dim3A_654 = vector.broadcast %jit3A_652 : i32 to vector<16xi32>
    %broadcast_in_dim3A_655 = vector.broadcast %jit3A_653 : i32 to vector<16xi32>
    %select_n3A_656 = arith.select %eq3A_651, %broadcast_in_dim3A_654, %broadcast_in_dim3A_655 : vector<16xi1>, vector<16xi32>
    %min3A_657 = arith.minsi %min3A_650, %select_n3A_656 : vector<16xi32>
    %eq3A_658 = arith.cmpf oeq, %gather3A_611, %min3A_641 : vector<16xf32>
    %jit3A_659 = arith.constant 2 : i32
    %jit3A_660 = arith.constant 99 : i32
    %broadcast_in_dim3A_661 = vector.broadcast %jit3A_659 : i32 to vector<16xi32>
    %broadcast_in_dim3A_662 = vector.broadcast %jit3A_660 : i32 to vector<16xi32>
    %select_n3A_663 = arith.select %eq3A_658, %broadcast_in_dim3A_661, %broadcast_in_dim3A_662 : vector<16xi1>, vector<16xi32>
    %min3A_664 = arith.minsi %min3A_657, %select_n3A_663 : vector<16xi32>
    %eq3A_665 = arith.cmpf oeq, %gather3A_614, %min3A_641 : vector<16xf32>
    %jit3A_666 = arith.constant 3 : i32
    %jit3A_667 = arith.constant 99 : i32
    %broadcast_in_dim3A_668 = vector.broadcast %jit3A_666 : i32 to vector<16xi32>
    %broadcast_in_dim3A_669 = vector.broadcast %jit3A_667 : i32 to vector<16xi32>
    %select_n3A_670 = arith.select %eq3A_665, %broadcast_in_dim3A_668, %broadcast_in_dim3A_669 : vector<16xi1>, vector<16xi32>
    %min3A_671 = arith.minsi %min3A_664, %select_n3A_670 : vector<16xi32>
    %eq3A_672 = arith.cmpf oeq, %gather3A_617, %min3A_641 : vector<16xf32>
    %jit3A_673 = arith.constant 4 : i32
    %jit3A_674 = arith.constant 99 : i32
    %broadcast_in_dim3A_675 = vector.broadcast %jit3A_673 : i32 to vector<16xi32>
    %broadcast_in_dim3A_676 = vector.broadcast %jit3A_674 : i32 to vector<16xi32>
    %select_n3A_677 = arith.select %eq3A_672, %broadcast_in_dim3A_675, %broadcast_in_dim3A_676 : vector<16xi1>, vector<16xi32>
    %min3A_678 = arith.minsi %min3A_671, %select_n3A_677 : vector<16xi32>
    %eq3A_679 = arith.cmpf oeq, %gather3A_620, %min3A_641 : vector<16xf32>
    %jit3A_680 = arith.constant 5 : i32
    %jit3A_681 = arith.constant 99 : i32
    %broadcast_in_dim3A_682 = vector.broadcast %jit3A_680 : i32 to vector<16xi32>
    %broadcast_in_dim3A_683 = vector.broadcast %jit3A_681 : i32 to vector<16xi32>
    %select_n3A_684 = arith.select %eq3A_679, %broadcast_in_dim3A_682, %broadcast_in_dim3A_683 : vector<16xi1>, vector<16xi32>
    %min3A_685 = arith.minsi %min3A_678, %select_n3A_684 : vector<16xi32>
    %eq3A_686 = arith.cmpf oeq, %gather3A_623, %min3A_641 : vector<16xf32>
    %jit3A_687 = arith.constant 6 : i32
    %jit3A_688 = arith.constant 99 : i32
    %broadcast_in_dim3A_689 = vector.broadcast %jit3A_687 : i32 to vector<16xi32>
    %broadcast_in_dim3A_690 = vector.broadcast %jit3A_688 : i32 to vector<16xi32>
    %select_n3A_691 = arith.select %eq3A_686, %broadcast_in_dim3A_689, %broadcast_in_dim3A_690 : vector<16xi1>, vector<16xi32>
    %min3A_692 = arith.minsi %min3A_685, %select_n3A_691 : vector<16xi32>
    %eq3A_693 = arith.cmpf oeq, %gather3A_626, %min3A_641 : vector<16xf32>
    %jit3A_694 = arith.constant 7 : i32
    %jit3A_695 = arith.constant 99 : i32
    %broadcast_in_dim3A_696 = vector.broadcast %jit3A_694 : i32 to vector<16xi32>
    %broadcast_in_dim3A_697 = vector.broadcast %jit3A_695 : i32 to vector<16xi32>
    %select_n3A_698 = arith.select %eq3A_693, %broadcast_in_dim3A_696, %broadcast_in_dim3A_697 : vector<16xi1>, vector<16xi32>
    %min3A_699 = arith.minsi %min3A_692, %select_n3A_698 : vector<16xi32>
    %eq3A_700 = arith.cmpf oeq, %gather3A_629, %min3A_641 : vector<16xf32>
    %jit3A_701 = arith.constant 8 : i32
    %jit3A_702 = arith.constant 99 : i32
    %broadcast_in_dim3A_703 = vector.broadcast %jit3A_701 : i32 to vector<16xi32>
    %broadcast_in_dim3A_704 = vector.broadcast %jit3A_702 : i32 to vector<16xi32>
    %select_n3A_705 = arith.select %eq3A_700, %broadcast_in_dim3A_703, %broadcast_in_dim3A_704 : vector<16xi1>, vector<16xi32>
    %min3A_706 = arith.minsi %min3A_699, %select_n3A_705 : vector<16xi32>
    %eq3A_707 = arith.cmpf oeq, %gather3A_632, %min3A_641 : vector<16xf32>
    %jit3A_708 = arith.constant 9 : i32
    %jit3A_709 = arith.constant 99 : i32
    %broadcast_in_dim3A_710 = vector.broadcast %jit3A_708 : i32 to vector<16xi32>
    %broadcast_in_dim3A_711 = vector.broadcast %jit3A_709 : i32 to vector<16xi32>
    %select_n3A_712 = arith.select %eq3A_707, %broadcast_in_dim3A_710, %broadcast_in_dim3A_711 : vector<16xi1>, vector<16xi32>
    %min3A_713 = arith.minsi %min3A_706, %select_n3A_712 : vector<16xi32>
    %get3A_714 = arith.constant 32 : index
    %get3A_715 = tpu.vector_load %arg11[%get3A_714] {strides = array<i32>} : memref<128xi32, #tpu.memory_space<vmem>>, vector<16xi32>,
    %gather3A_716 = tpu.vector_load_idx %arg10[%get3A_715] : memref<4096xf32, #tpu.memory_space<vmem>>[vector<16xi32>], vector<16xf32>,
    %gt3A_717 = arith.cmpf ogt, %gather3A_716, %min3A_641 : vector<16xf32>
    %select_n3A_718 = arith.select %gt3A_717, %gather3A_716, %min3A_641 : vector<16xi1>, vector<16xf32>
    %eq3A_719 = arith.constant 0 : i32
    %eq3A_720 = vector.broadcast %eq3A_719 : i32 to vector<16xi32>
    %eq3A_721 = arith.cmpi eq, %min3A_713, %eq3A_720 : vector<16xi32>
    %select_n3A_722 = arith.select %eq3A_721, %select_n3A_718, %gather3A_605 : vector<16xi1>, vector<16xf32>
    %eq3A_723 = arith.constant 1 : i32
    %eq3A_724 = vector.broadcast %eq3A_723 : i32 to vector<16xi32>
    %eq3A_725 = arith.cmpi eq, %min3A_713, %eq3A_724 : vector<16xi32>
    %select_n3A_726 = arith.select %eq3A_725, %select_n3A_718, %gather3A_608 : vector<16xi1>, vector<16xf32>
    %eq3A_727 = arith.constant 2 : i32
    %eq3A_728 = vector.broadcast %eq3A_727 : i32 to vector<16xi32>
    %eq3A_729 = arith.cmpi eq, %min3A_713, %eq3A_728 : vector<16xi32>
    %select_n3A_730 = arith.select %eq3A_729, %select_n3A_718, %gather3A_611 : vector<16xi1>, vector<16xf32>
    %eq3A_731 = arith.constant 3 : i32
    %eq3A_732 = vector.broadcast %eq3A_731 : i32 to vector<16xi32>
    %eq3A_733 = arith.cmpi eq, %min3A_713, %eq3A_732 : vector<16xi32>
    %select_n3A_734 = arith.select %eq3A_733, %select_n3A_718, %gather3A_614 : vector<16xi1>, vector<16xf32>
    %eq3A_735 = arith.constant 4 : i32
    %eq3A_736 = vector.broadcast %eq3A_735 : i32 to vector<16xi32>
    %eq3A_737 = arith.cmpi eq, %min3A_713, %eq3A_736 : vector<16xi32>
    %select_n3A_738 = arith.select %eq3A_737, %select_n3A_718, %gather3A_617 : vector<16xi1>, vector<16xf32>
    %eq3A_739 = arith.constant 5 : i32
    %eq3A_740 = vector.broadcast %eq3A_739 : i32 to vector<16xi32>
    %eq3A_741 = arith.cmpi eq, %min3A_713, %eq3A_740 : vector<16xi32>
    %select_n3A_742 = arith.select %eq3A_741, %select_n3A_718, %gather3A_620 : vector<16xi1>, vector<16xf32>
    %eq3A_743 = arith.constant 6 : i32
    %eq3A_744 = vector.broadcast %eq3A_743 : i32 to vector<16xi32>
    %eq3A_745 = arith.cmpi eq, %min3A_713, %eq3A_744 : vector<16xi32>
    %select_n3A_746 = arith.select %eq3A_745, %select_n3A_718, %gather3A_623 : vector<16xi1>, vector<16xf32>
    %eq3A_747 = arith.constant 7 : i32
    %eq3A_748 = vector.broadcast %eq3A_747 : i32 to vector<16xi32>
    %eq3A_749 = arith.cmpi eq, %min3A_713, %eq3A_748 : vector<16xi32>
    %select_n3A_750 = arith.select %eq3A_749, %select_n3A_718, %gather3A_626 : vector<16xi1>, vector<16xf32>
    %eq3A_751 = arith.constant 8 : i32
    %eq3A_752 = vector.broadcast %eq3A_751 : i32 to vector<16xi32>
    %eq3A_753 = arith.cmpi eq, %min3A_713, %eq3A_752 : vector<16xi32>
    %select_n3A_754 = arith.select %eq3A_753, %select_n3A_718, %gather3A_629 : vector<16xi1>, vector<16xf32>
    %eq3A_755 = arith.constant 9 : i32
    %eq3A_756 = vector.broadcast %eq3A_755 : i32 to vector<16xi32>
    %eq3A_757 = arith.cmpi eq, %min3A_713, %eq3A_756 : vector<16xi32>
    %select_n3A_758 = arith.select %eq3A_757, %select_n3A_718, %gather3A_632 : vector<16xi1>, vector<16xf32>
    %max3A_759 = arith.maximumf %select_n3A_722, %select_n3A_726 : vector<16xf32>
    %max3A_760 = arith.maximumf %max3A_759, %select_n3A_730 : vector<16xf32>
    %max3A_761 = arith.maximumf %max3A_760, %select_n3A_734 : vector<16xf32>
    %max3A_762 = arith.maximumf %max3A_761, %select_n3A_738 : vector<16xf32>
    %max3A_763 = arith.maximumf %max3A_762, %select_n3A_742 : vector<16xf32>
    %max3A_764 = arith.maximumf %max3A_763, %select_n3A_746 : vector<16xf32>
    %max3A_765 = arith.maximumf %max3A_764, %select_n3A_750 : vector<16xf32>
    %max3A_766 = arith.maximumf %max3A_765, %select_n3A_754 : vector<16xf32>
    %max3A_767 = arith.maximumf %max3A_766, %select_n3A_758 : vector<16xf32>
    %broadcast_in_dim3A_768 = arith.constant 99 : i32
    %broadcast_in_dim3A_769 = vector.broadcast %broadcast_in_dim3A_768 : i32 to vector<16xi32>
    %eq3A_770 = arith.cmpf oeq, %select_n3A_722, %max3A_767 : vector<16xf32>
    %jit3A_771 = arith.constant 0 : i32
    %jit3A_772 = arith.constant 99 : i32
    %broadcast_in_dim3A_773 = vector.broadcast %jit3A_771 : i32 to vector<16xi32>
    %broadcast_in_dim3A_774 = vector.broadcast %jit3A_772 : i32 to vector<16xi32>
    %select_n3A_775 = arith.select %eq3A_770, %broadcast_in_dim3A_773, %broadcast_in_dim3A_774 : vector<16xi1>, vector<16xi32>
    %min3A_776 = arith.minsi %broadcast_in_dim3A_769, %select_n3A_775 : vector<16xi32>
    %eq3A_777 = arith.cmpf oeq, %select_n3A_726, %max3A_767 : vector<16xf32>
    %jit3A_778 = arith.constant 1 : i32
    %jit3A_779 = arith.constant 99 : i32
    %broadcast_in_dim3A_780 = vector.broadcast %jit3A_778 : i32 to vector<16xi32>
    %broadcast_in_dim3A_781 = vector.broadcast %jit3A_779 : i32 to vector<16xi32>
    %select_n3A_782 = arith.select %eq3A_777, %broadcast_in_dim3A_780, %broadcast_in_dim3A_781 : vector<16xi1>, vector<16xi32>
    %min3A_783 = arith.minsi %min3A_776, %select_n3A_782 : vector<16xi32>
    %eq3A_784 = arith.cmpf oeq, %select_n3A_730, %max3A_767 : vector<16xf32>
    %jit3A_785 = arith.constant 2 : i32
    %jit3A_786 = arith.constant 99 : i32
    %broadcast_in_dim3A_787 = vector.broadcast %jit3A_785 : i32 to vector<16xi32>
    %broadcast_in_dim3A_788 = vector.broadcast %jit3A_786 : i32 to vector<16xi32>
    %select_n3A_789 = arith.select %eq3A_784, %broadcast_in_dim3A_787, %broadcast_in_dim3A_788 : vector<16xi1>, vector<16xi32>
    %min3A_790 = arith.minsi %min3A_783, %select_n3A_789 : vector<16xi32>
    %eq3A_791 = arith.cmpf oeq, %select_n3A_734, %max3A_767 : vector<16xf32>
    %jit3A_792 = arith.constant 3 : i32
    %jit3A_793 = arith.constant 99 : i32
    %broadcast_in_dim3A_794 = vector.broadcast %jit3A_792 : i32 to vector<16xi32>
    %broadcast_in_dim3A_795 = vector.broadcast %jit3A_793 : i32 to vector<16xi32>
    %select_n3A_796 = arith.select %eq3A_791, %broadcast_in_dim3A_794, %broadcast_in_dim3A_795 : vector<16xi1>, vector<16xi32>
    %min3A_797 = arith.minsi %min3A_790, %select_n3A_796 : vector<16xi32>
    %eq3A_798 = arith.cmpf oeq, %select_n3A_738, %max3A_767 : vector<16xf32>
    %jit3A_799 = arith.constant 4 : i32
    %jit3A_800 = arith.constant 99 : i32
    %broadcast_in_dim3A_801 = vector.broadcast %jit3A_799 : i32 to vector<16xi32>
    %broadcast_in_dim3A_802 = vector.broadcast %jit3A_800 : i32 to vector<16xi32>
    %select_n3A_803 = arith.select %eq3A_798, %broadcast_in_dim3A_801, %broadcast_in_dim3A_802 : vector<16xi1>, vector<16xi32>
    %min3A_804 = arith.minsi %min3A_797, %select_n3A_803 : vector<16xi32>
    %eq3A_805 = arith.cmpf oeq, %select_n3A_742, %max3A_767 : vector<16xf32>
    %jit3A_806 = arith.constant 5 : i32
    %jit3A_807 = arith.constant 99 : i32
    %broadcast_in_dim3A_808 = vector.broadcast %jit3A_806 : i32 to vector<16xi32>
    %broadcast_in_dim3A_809 = vector.broadcast %jit3A_807 : i32 to vector<16xi32>
    %select_n3A_810 = arith.select %eq3A_805, %broadcast_in_dim3A_808, %broadcast_in_dim3A_809 : vector<16xi1>, vector<16xi32>
    %min3A_811 = arith.minsi %min3A_804, %select_n3A_810 : vector<16xi32>
    %eq3A_812 = arith.cmpf oeq, %select_n3A_746, %max3A_767 : vector<16xf32>
    %jit3A_813 = arith.constant 6 : i32
    %jit3A_814 = arith.constant 99 : i32
    %broadcast_in_dim3A_815 = vector.broadcast %jit3A_813 : i32 to vector<16xi32>
    %broadcast_in_dim3A_816 = vector.broadcast %jit3A_814 : i32 to vector<16xi32>
    %select_n3A_817 = arith.select %eq3A_812, %broadcast_in_dim3A_815, %broadcast_in_dim3A_816 : vector<16xi1>, vector<16xi32>
    %min3A_818 = arith.minsi %min3A_811, %select_n3A_817 : vector<16xi32>
    %eq3A_819 = arith.cmpf oeq, %select_n3A_750, %max3A_767 : vector<16xf32>
    %jit3A_820 = arith.constant 7 : i32
    %jit3A_821 = arith.constant 99 : i32
    %broadcast_in_dim3A_822 = vector.broadcast %jit3A_820 : i32 to vector<16xi32>
    %broadcast_in_dim3A_823 = vector.broadcast %jit3A_821 : i32 to vector<16xi32>
    %select_n3A_824 = arith.select %eq3A_819, %broadcast_in_dim3A_822, %broadcast_in_dim3A_823 : vector<16xi1>, vector<16xi32>
    %min3A_825 = arith.minsi %min3A_818, %select_n3A_824 : vector<16xi32>
    %eq3A_826 = arith.cmpf oeq, %select_n3A_754, %max3A_767 : vector<16xf32>
    %jit3A_827 = arith.constant 8 : i32
    %jit3A_828 = arith.constant 99 : i32
    %broadcast_in_dim3A_829 = vector.broadcast %jit3A_827 : i32 to vector<16xi32>
    %broadcast_in_dim3A_830 = vector.broadcast %jit3A_828 : i32 to vector<16xi32>
    %select_n3A_831 = arith.select %eq3A_826, %broadcast_in_dim3A_829, %broadcast_in_dim3A_830 : vector<16xi1>, vector<16xi32>
    %min3A_832 = arith.minsi %min3A_825, %select_n3A_831 : vector<16xi32>
    %eq3A_833 = arith.cmpf oeq, %select_n3A_758, %max3A_767 : vector<16xf32>
    %jit3A_834 = arith.constant 9 : i32
    %jit3A_835 = arith.constant 99 : i32
    %broadcast_in_dim3A_836 = vector.broadcast %jit3A_834 : i32 to vector<16xi32>
    %broadcast_in_dim3A_837 = vector.broadcast %jit3A_835 : i32 to vector<16xi32>
    %select_n3A_838 = arith.select %eq3A_833, %broadcast_in_dim3A_836, %broadcast_in_dim3A_837 : vector<16xi1>, vector<16xi32>
    %min3A_839 = arith.minsi %min3A_832, %select_n3A_838 : vector<16xi32>
    %sub3A_840 = arith.subf %select_n3A_722, %max3A_767 : vector<16xf32>
    %exp3A_841 = math.exp %sub3A_840 : vector<16xf32>
    %sub3A_842 = arith.subf %select_n3A_726, %max3A_767 : vector<16xf32>
    %exp3A_843 = math.exp %sub3A_842 : vector<16xf32>
    %add3A_844 = arith.addf %exp3A_841, %exp3A_843 : vector<16xf32>
    %sub3A_845 = arith.subf %select_n3A_730, %max3A_767 : vector<16xf32>
    %exp3A_846 = math.exp %sub3A_845 : vector<16xf32>
    %add3A_847 = arith.addf %add3A_844, %exp3A_846 : vector<16xf32>
    %sub3A_848 = arith.subf %select_n3A_734, %max3A_767 : vector<16xf32>
    %exp3A_849 = math.exp %sub3A_848 : vector<16xf32>
    %add3A_850 = arith.addf %add3A_847, %exp3A_849 : vector<16xf32>
    %sub3A_851 = arith.subf %select_n3A_738, %max3A_767 : vector<16xf32>
    %exp3A_852 = math.exp %sub3A_851 : vector<16xf32>
    %add3A_853 = arith.addf %add3A_850, %exp3A_852 : vector<16xf32>
    %sub3A_854 = arith.subf %select_n3A_742, %max3A_767 : vector<16xf32>
    %exp3A_855 = math.exp %sub3A_854 : vector<16xf32>
    %add3A_856 = arith.addf %add3A_853, %exp3A_855 : vector<16xf32>
    %sub3A_857 = arith.subf %select_n3A_746, %max3A_767 : vector<16xf32>
    %exp3A_858 = math.exp %sub3A_857 : vector<16xf32>
    %add3A_859 = arith.addf %add3A_856, %exp3A_858 : vector<16xf32>
    %sub3A_860 = arith.subf %select_n3A_750, %max3A_767 : vector<16xf32>
    %exp3A_861 = math.exp %sub3A_860 : vector<16xf32>
    %add3A_862 = arith.addf %add3A_859, %exp3A_861 : vector<16xf32>
    %sub3A_863 = arith.subf %select_n3A_754, %max3A_767 : vector<16xf32>
    %exp3A_864 = math.exp %sub3A_863 : vector<16xf32>
    %add3A_865 = arith.addf %add3A_862, %exp3A_864 : vector<16xf32>
    %sub3A_866 = arith.subf %select_n3A_758, %max3A_767 : vector<16xf32>
    %exp3A_867 = math.exp %sub3A_866 : vector<16xf32>
    %add3A_868 = arith.addf %add3A_865, %exp3A_867 : vector<16xf32>
    %eq3A_869 = arith.cmpi eq, %min3A_839, %min3A_713 : vector<16xi32>
    %and3A_870 = arith.andi %eq3A_869, %gt3A_717 : vector<16xi1>
    %add3A_871 = arith.constant 32 : i32
    %add3A_872 = arith.addi %mul3A_2, %add3A_871 : i32
    %add3A_873 = vector.broadcast %add3A_872 : i32 to vector<16xi32>
    %add3A_874 = arith.addi %add3A_873, %iota3A : vector<16xi32>
    %swap3A_875 = arith.constant 32 : index
    %swap3A_876 = tpu.vector_load %arg14[%swap3A_875] {strides = array<i32>} : memref<128xf32, #tpu.memory_space<vmem>>, vector<16xf32>,
    tpu.vector_store %arg14[%swap3A_875], %add3A_868 {strides = array<i32>} : memref<128xf32, #tpu.memory_space<vmem>>, vector<16xf32>,
    %mul3A_877 = arith.constant 10000 : i32
    %mul3A_878 = vector.broadcast %mul3A_877 : i32 to vector<16xi32>
    %mul3A_879 = arith.muli %min3A_839, %mul3A_878 : vector<16xi32>
    %add3A_880 = arith.addi %mul3A_879, %get3A_599 : vector<16xi32>
    %swap3A_881 = arith.constant 32 : index
    %swap3A_882 = tpu.vector_load %arg15[%swap3A_881] {strides = array<i32>} : memref<128xi32, #tpu.memory_space<vmem>>, vector<16xi32>,
    tpu.vector_store %arg15[%swap3A_881], %add3A_880 {strides = array<i32>} : memref<128xi32, #tpu.memory_space<vmem>>, vector<16xi32>,
    %swap3A_883 = arith.constant 32 : index
    %swap3A_884 = tpu.vector_load %arg16[%swap3A_883] {strides = array<i32>} : memref<128xi32, #tpu.memory_space<vmem>>, vector<16xi32>,
    tpu.vector_store %arg16[%swap3A_883], %get3A_715 {strides = array<i32>} : memref<128xi32, #tpu.memory_space<vmem>>, vector<16xi32>,
    %jit3A_885 = arith.constant 4096 : i32
    %broadcast_in_dim3A_886 = vector.broadcast %jit3A_885 : i32 to vector<16xi32>
    %select_n3A_887 = arith.select %and3A_870, %broadcast_in_dim3A_886, %add3A_874 : vector<16xi1>, vector<16xi32>
    %swap3A_888 = arith.constant 32 : index
    %swap3A_889 = tpu.vector_load %arg17[%swap3A_888] {strides = array<i32>} : memref<128xi32, #tpu.memory_space<vmem>>, vector<16xi32>,
    tpu.vector_store %arg17[%swap3A_888], %select_n3A_887 {strides = array<i32>} : memref<128xi32, #tpu.memory_space<vmem>>, vector<16xi32>,
    %jit3A_890 = arith.constant 0 : i32
    %jit3A_891 = arith.constant 1 : i32
    %broadcast_in_dim3A_892 = vector.broadcast %jit3A_890 : i32 to vector<16xi32>
    %broadcast_in_dim3A_893 = vector.broadcast %jit3A_891 : i32 to vector<16xi32>
    %select_n3A_894 = arith.select %and3A_870, %broadcast_in_dim3A_892, %broadcast_in_dim3A_893 : vector<16xi1>, vector<16xi32>
    %reduce_sum3A_895 = arith.constant true
    %reduce_sum3A_896 = vector.broadcast %reduce_sum3A_895 : i1 to vector<16xi1>
    %reduce_sum3A_897 = tpu.scan <sum>, %select_n3A_894 masked %reduce_sum3A_896 : vector<16xi32>, vector<16xi1> -> vector<16xi32>
    %reduce_sum3A_898 = vector.extract %reduce_sum3A_897[15] : i32 from vector<16xi32>
    %add3A_899 = arith.addi %add3A_597, %reduce_sum3A_898 : i32
    %get3A_900 = arith.constant 48 : index
    %get3A_901 = tpu.vector_load %arg12[%get3A_900] {strides = array<i32>} : memref<128xi32, #tpu.memory_space<vmem>>, vector<16xi32>,
    %add3A_902 = arith.constant 48 : i32
    %add3A_903 = vector.broadcast %add3A_902 : i32 to vector<16xi32>
    %add3A_904 = arith.addi %iota3A, %add3A_903 : vector<16xi32>
    %broadcast_in_dim3A_905 = arith.constant 0 : i32
    %broadcast_in_dim3A_906 = vector.broadcast %broadcast_in_dim3A_905 : i32 to vector<16xi32>
    %gather3A_907 = tpu.vector_load_idx %arg13[%add3A_904, %broadcast_in_dim3A_906] : memref<128x128xf32, #tpu.memory_space<vmem>>[vector<16xi32>, vector<16xi32>], vector<16xf32>,
    %broadcast_in_dim3A_908 = arith.constant 1 : i32
    %broadcast_in_dim3A_909 = vector.broadcast %broadcast_in_dim3A_908 : i32 to vector<16xi32>
    %gather3A_910 = tpu.vector_load_idx %arg13[%add3A_904, %broadcast_in_dim3A_909] : memref<128x128xf32, #tpu.memory_space<vmem>>[vector<16xi32>, vector<16xi32>], vector<16xf32>,
    %broadcast_in_dim3A_911 = arith.constant 2 : i32
    %broadcast_in_dim3A_912 = vector.broadcast %broadcast_in_dim3A_911 : i32 to vector<16xi32>
    %gather3A_913 = tpu.vector_load_idx %arg13[%add3A_904, %broadcast_in_dim3A_912] : memref<128x128xf32, #tpu.memory_space<vmem>>[vector<16xi32>, vector<16xi32>], vector<16xf32>,
    %broadcast_in_dim3A_914 = arith.constant 3 : i32
    %broadcast_in_dim3A_915 = vector.broadcast %broadcast_in_dim3A_914 : i32 to vector<16xi32>
    %gather3A_916 = tpu.vector_load_idx %arg13[%add3A_904, %broadcast_in_dim3A_915] : memref<128x128xf32, #tpu.memory_space<vmem>>[vector<16xi32>, vector<16xi32>], vector<16xf32>,
    %broadcast_in_dim3A_917 = arith.constant 4 : i32
    %broadcast_in_dim3A_918 = vector.broadcast %broadcast_in_dim3A_917 : i32 to vector<16xi32>
    %gather3A_919 = tpu.vector_load_idx %arg13[%add3A_904, %broadcast_in_dim3A_918] : memref<128x128xf32, #tpu.memory_space<vmem>>[vector<16xi32>, vector<16xi32>], vector<16xf32>,
    %broadcast_in_dim3A_920 = arith.constant 5 : i32
    %broadcast_in_dim3A_921 = vector.broadcast %broadcast_in_dim3A_920 : i32 to vector<16xi32>
    %gather3A_922 = tpu.vector_load_idx %arg13[%add3A_904, %broadcast_in_dim3A_921] : memref<128x128xf32, #tpu.memory_space<vmem>>[vector<16xi32>, vector<16xi32>], vector<16xf32>,
    %broadcast_in_dim3A_923 = arith.constant 6 : i32
    %broadcast_in_dim3A_924 = vector.broadcast %broadcast_in_dim3A_923 : i32 to vector<16xi32>
    %gather3A_925 = tpu.vector_load_idx %arg13[%add3A_904, %broadcast_in_dim3A_924] : memref<128x128xf32, #tpu.memory_space<vmem>>[vector<16xi32>, vector<16xi32>], vector<16xf32>,
    %broadcast_in_dim3A_926 = arith.constant 7 : i32
    %broadcast_in_dim3A_927 = vector.broadcast %broadcast_in_dim3A_926 : i32 to vector<16xi32>
    %gather3A_928 = tpu.vector_load_idx %arg13[%add3A_904, %broadcast_in_dim3A_927] : memref<128x128xf32, #tpu.memory_space<vmem>>[vector<16xi32>, vector<16xi32>], vector<16xf32>,
    %broadcast_in_dim3A_929 = arith.constant 8 : i32
    %broadcast_in_dim3A_930 = vector.broadcast %broadcast_in_dim3A_929 : i32 to vector<16xi32>
    %gather3A_931 = tpu.vector_load_idx %arg13[%add3A_904, %broadcast_in_dim3A_930] : memref<128x128xf32, #tpu.memory_space<vmem>>[vector<16xi32>, vector<16xi32>], vector<16xf32>,
    %broadcast_in_dim3A_932 = arith.constant 9 : i32
    %broadcast_in_dim3A_933 = vector.broadcast %broadcast_in_dim3A_932 : i32 to vector<16xi32>
    %gather3A_934 = tpu.vector_load_idx %arg13[%add3A_904, %broadcast_in_dim3A_933] : memref<128x128xf32, #tpu.memory_space<vmem>>[vector<16xi32>, vector<16xi32>], vector<16xf32>,
    %min3A_935 = arith.minimumf %gather3A_907, %gather3A_910 : vector<16xf32>
    %min3A_936 = arith.minimumf %min3A_935, %gather3A_913 : vector<16xf32>
    %min3A_937 = arith.minimumf %min3A_936, %gather3A_916 : vector<16xf32>
    %min3A_938 = arith.minimumf %min3A_937, %gather3A_919 : vector<16xf32>
    %min3A_939 = arith.minimumf %min3A_938, %gather3A_922 : vector<16xf32>
    %min3A_940 = arith.minimumf %min3A_939, %gather3A_925 : vector<16xf32>
    %min3A_941 = arith.minimumf %min3A_940, %gather3A_928 : vector<16xf32>
    %min3A_942 = arith.minimumf %min3A_941, %gather3A_931 : vector<16xf32>
    %min3A_943 = arith.minimumf %min3A_942, %gather3A_934 : vector<16xf32>
    %broadcast_in_dim3A_944 = arith.constant 99 : i32
    %broadcast_in_dim3A_945 = vector.broadcast %broadcast_in_dim3A_944 : i32 to vector<16xi32>
    %eq3A_946 = arith.cmpf oeq, %gather3A_907, %min3A_943 : vector<16xf32>
    %jit3A_947 = arith.constant 0 : i32
    %jit3A_948 = arith.constant 99 : i32
    %broadcast_in_dim3A_949 = vector.broadcast %jit3A_947 : i32 to vector<16xi32>
    %broadcast_in_dim3A_950 = vector.broadcast %jit3A_948 : i32 to vector<16xi32>
    %select_n3A_951 = arith.select %eq3A_946, %broadcast_in_dim3A_949, %broadcast_in_dim3A_950 : vector<16xi1>, vector<16xi32>
    %min3A_952 = arith.minsi %broadcast_in_dim3A_945, %select_n3A_951 : vector<16xi32>
    %eq3A_953 = arith.cmpf oeq, %gather3A_910, %min3A_943 : vector<16xf32>
    %jit3A_954 = arith.constant 1 : i32
    %jit3A_955 = arith.constant 99 : i32
    %broadcast_in_dim3A_956 = vector.broadcast %jit3A_954 : i32 to vector<16xi32>
    %broadcast_in_dim3A_957 = vector.broadcast %jit3A_955 : i32 to vector<16xi32>
    %select_n3A_958 = arith.select %eq3A_953, %broadcast_in_dim3A_956, %broadcast_in_dim3A_957 : vector<16xi1>, vector<16xi32>
    %min3A_959 = arith.minsi %min3A_952, %select_n3A_958 : vector<16xi32>
    %eq3A_960 = arith.cmpf oeq, %gather3A_913, %min3A_943 : vector<16xf32>
    %jit3A_961 = arith.constant 2 : i32
    %jit3A_962 = arith.constant 99 : i32
    %broadcast_in_dim3A_963 = vector.broadcast %jit3A_961 : i32 to vector<16xi32>
    %broadcast_in_dim3A_964 = vector.broadcast %jit3A_962 : i32 to vector<16xi32>
    %select_n3A_965 = arith.select %eq3A_960, %broadcast_in_dim3A_963, %broadcast_in_dim3A_964 : vector<16xi1>, vector<16xi32>
    %min3A_966 = arith.minsi %min3A_959, %select_n3A_965 : vector<16xi32>
    %eq3A_967 = arith.cmpf oeq, %gather3A_916, %min3A_943 : vector<16xf32>
    %jit3A_968 = arith.constant 3 : i32
    %jit3A_969 = arith.constant 99 : i32
    %broadcast_in_dim3A_970 = vector.broadcast %jit3A_968 : i32 to vector<16xi32>
    %broadcast_in_dim3A_971 = vector.broadcast %jit3A_969 : i32 to vector<16xi32>
    %select_n3A_972 = arith.select %eq3A_967, %broadcast_in_dim3A_970, %broadcast_in_dim3A_971 : vector<16xi1>, vector<16xi32>
    %min3A_973 = arith.minsi %min3A_966, %select_n3A_972 : vector<16xi32>
    %eq3A_974 = arith.cmpf oeq, %gather3A_919, %min3A_943 : vector<16xf32>
    %jit3A_975 = arith.constant 4 : i32
    %jit3A_976 = arith.constant 99 : i32
    %broadcast_in_dim3A_977 = vector.broadcast %jit3A_975 : i32 to vector<16xi32>
    %broadcast_in_dim3A_978 = vector.broadcast %jit3A_976 : i32 to vector<16xi32>
    %select_n3A_979 = arith.select %eq3A_974, %broadcast_in_dim3A_977, %broadcast_in_dim3A_978 : vector<16xi1>, vector<16xi32>
    %min3A_980 = arith.minsi %min3A_973, %select_n3A_979 : vector<16xi32>
    %eq3A_981 = arith.cmpf oeq, %gather3A_922, %min3A_943 : vector<16xf32>
    %jit3A_982 = arith.constant 5 : i32
    %jit3A_983 = arith.constant 99 : i32
    %broadcast_in_dim3A_984 = vector.broadcast %jit3A_982 : i32 to vector<16xi32>
    %broadcast_in_dim3A_985 = vector.broadcast %jit3A_983 : i32 to vector<16xi32>
    %select_n3A_986 = arith.select %eq3A_981, %broadcast_in_dim3A_984, %broadcast_in_dim3A_985 : vector<16xi1>, vector<16xi32>
    %min3A_987 = arith.minsi %min3A_980, %select_n3A_986 : vector<16xi32>
    %eq3A_988 = arith.cmpf oeq, %gather3A_925, %min3A_943 : vector<16xf32>
    %jit3A_989 = arith.constant 6 : i32
    %jit3A_990 = arith.constant 99 : i32
    %broadcast_in_dim3A_991 = vector.broadcast %jit3A_989 : i32 to vector<16xi32>
    %broadcast_in_dim3A_992 = vector.broadcast %jit3A_990 : i32 to vector<16xi32>
    %select_n3A_993 = arith.select %eq3A_988, %broadcast_in_dim3A_991, %broadcast_in_dim3A_992 : vector<16xi1>, vector<16xi32>
    %min3A_994 = arith.minsi %min3A_987, %select_n3A_993 : vector<16xi32>
    %eq3A_995 = arith.cmpf oeq, %gather3A_928, %min3A_943 : vector<16xf32>
    %jit3A_996 = arith.constant 7 : i32
    %jit3A_997 = arith.constant 99 : i32
    %broadcast_in_dim3A_998 = vector.broadcast %jit3A_996 : i32 to vector<16xi32>
    %broadcast_in_dim3A_999 = vector.broadcast %jit3A_997 : i32 to vector<16xi32>
    %select_n3A_1000 = arith.select %eq3A_995, %broadcast_in_dim3A_998, %broadcast_in_dim3A_999 : vector<16xi1>, vector<16xi32>
    %min3A_1001 = arith.minsi %min3A_994, %select_n3A_1000 : vector<16xi32>
    %eq3A_1002 = arith.cmpf oeq, %gather3A_931, %min3A_943 : vector<16xf32>
    %jit3A_1003 = arith.constant 8 : i32
    %jit3A_1004 = arith.constant 99 : i32
    %broadcast_in_dim3A_1005 = vector.broadcast %jit3A_1003 : i32 to vector<16xi32>
    %broadcast_in_dim3A_1006 = vector.broadcast %jit3A_1004 : i32 to vector<16xi32>
    %select_n3A_1007 = arith.select %eq3A_1002, %broadcast_in_dim3A_1005, %broadcast_in_dim3A_1006 : vector<16xi1>, vector<16xi32>
    %min3A_1008 = arith.minsi %min3A_1001, %select_n3A_1007 : vector<16xi32>
    %eq3A_1009 = arith.cmpf oeq, %gather3A_934, %min3A_943 : vector<16xf32>
    %jit3A_1010 = arith.constant 9 : i32
    %jit3A_1011 = arith.constant 99 : i32
    %broadcast_in_dim3A_1012 = vector.broadcast %jit3A_1010 : i32 to vector<16xi32>
    %broadcast_in_dim3A_1013 = vector.broadcast %jit3A_1011 : i32 to vector<16xi32>
    %select_n3A_1014 = arith.select %eq3A_1009, %broadcast_in_dim3A_1012, %broadcast_in_dim3A_1013 : vector<16xi1>, vector<16xi32>
    %min3A_1015 = arith.minsi %min3A_1008, %select_n3A_1014 : vector<16xi32>
    %get3A_1016 = arith.constant 48 : index
    %get3A_1017 = tpu.vector_load %arg11[%get3A_1016] {strides = array<i32>} : memref<128xi32, #tpu.memory_space<vmem>>, vector<16xi32>,
    %gather3A_1018 = tpu.vector_load_idx %arg10[%get3A_1017] : memref<4096xf32, #tpu.memory_space<vmem>>[vector<16xi32>], vector<16xf32>,
    %gt3A_1019 = arith.cmpf ogt, %gather3A_1018, %min3A_943 : vector<16xf32>
    %select_n3A_1020 = arith.select %gt3A_1019, %gather3A_1018, %min3A_943 : vector<16xi1>, vector<16xf32>
    %eq3A_1021 = arith.constant 0 : i32
    %eq3A_1022 = vector.broadcast %eq3A_1021 : i32 to vector<16xi32>
    %eq3A_1023 = arith.cmpi eq, %min3A_1015, %eq3A_1022 : vector<16xi32>
    %select_n3A_1024 = arith.select %eq3A_1023, %select_n3A_1020, %gather3A_907 : vector<16xi1>, vector<16xf32>
    %eq3A_1025 = arith.constant 1 : i32
    %eq3A_1026 = vector.broadcast %eq3A_1025 : i32 to vector<16xi32>
    %eq3A_1027 = arith.cmpi eq, %min3A_1015, %eq3A_1026 : vector<16xi32>
    %select_n3A_1028 = arith.select %eq3A_1027, %select_n3A_1020, %gather3A_910 : vector<16xi1>, vector<16xf32>
    %eq3A_1029 = arith.constant 2 : i32
    %eq3A_1030 = vector.broadcast %eq3A_1029 : i32 to vector<16xi32>
    %eq3A_1031 = arith.cmpi eq, %min3A_1015, %eq3A_1030 : vector<16xi32>
    %select_n3A_1032 = arith.select %eq3A_1031, %select_n3A_1020, %gather3A_913 : vector<16xi1>, vector<16xf32>
    %eq3A_1033 = arith.constant 3 : i32
    %eq3A_1034 = vector.broadcast %eq3A_1033 : i32 to vector<16xi32>
    %eq3A_1035 = arith.cmpi eq, %min3A_1015, %eq3A_1034 : vector<16xi32>
    %select_n3A_1036 = arith.select %eq3A_1035, %select_n3A_1020, %gather3A_916 : vector<16xi1>, vector<16xf32>
    %eq3A_1037 = arith.constant 4 : i32
    %eq3A_1038 = vector.broadcast %eq3A_1037 : i32 to vector<16xi32>
    %eq3A_1039 = arith.cmpi eq, %min3A_1015, %eq3A_1038 : vector<16xi32>
    %select_n3A_1040 = arith.select %eq3A_1039, %select_n3A_1020, %gather3A_919 : vector<16xi1>, vector<16xf32>
    %eq3A_1041 = arith.constant 5 : i32
    %eq3A_1042 = vector.broadcast %eq3A_1041 : i32 to vector<16xi32>
    %eq3A_1043 = arith.cmpi eq, %min3A_1015, %eq3A_1042 : vector<16xi32>
    %select_n3A_1044 = arith.select %eq3A_1043, %select_n3A_1020, %gather3A_922 : vector<16xi1>, vector<16xf32>
    %eq3A_1045 = arith.constant 6 : i32
    %eq3A_1046 = vector.broadcast %eq3A_1045 : i32 to vector<16xi32>
    %eq3A_1047 = arith.cmpi eq, %min3A_1015, %eq3A_1046 : vector<16xi32>
    %select_n3A_1048 = arith.select %eq3A_1047, %select_n3A_1020, %gather3A_925 : vector<16xi1>, vector<16xf32>
    %eq3A_1049 = arith.constant 7 : i32
    %eq3A_1050 = vector.broadcast %eq3A_1049 : i32 to vector<16xi32>
    %eq3A_1051 = arith.cmpi eq, %min3A_1015, %eq3A_1050 : vector<16xi32>
    %select_n3A_1052 = arith.select %eq3A_1051, %select_n3A_1020, %gather3A_928 : vector<16xi1>, vector<16xf32>
    %eq3A_1053 = arith.constant 8 : i32
    %eq3A_1054 = vector.broadcast %eq3A_1053 : i32 to vector<16xi32>
    %eq3A_1055 = arith.cmpi eq, %min3A_1015, %eq3A_1054 : vector<16xi32>
    %select_n3A_1056 = arith.select %eq3A_1055, %select_n3A_1020, %gather3A_931 : vector<16xi1>, vector<16xf32>
    %eq3A_1057 = arith.constant 9 : i32
    %eq3A_1058 = vector.broadcast %eq3A_1057 : i32 to vector<16xi32>
    %eq3A_1059 = arith.cmpi eq, %min3A_1015, %eq3A_1058 : vector<16xi32>
    %select_n3A_1060 = arith.select %eq3A_1059, %select_n3A_1020, %gather3A_934 : vector<16xi1>, vector<16xf32>
    %max3A_1061 = arith.maximumf %select_n3A_1024, %select_n3A_1028 : vector<16xf32>
    %max3A_1062 = arith.maximumf %max3A_1061, %select_n3A_1032 : vector<16xf32>
    %max3A_1063 = arith.maximumf %max3A_1062, %select_n3A_1036 : vector<16xf32>
    %max3A_1064 = arith.maximumf %max3A_1063, %select_n3A_1040 : vector<16xf32>
    %max3A_1065 = arith.maximumf %max3A_1064, %select_n3A_1044 : vector<16xf32>
    %max3A_1066 = arith.maximumf %max3A_1065, %select_n3A_1048 : vector<16xf32>
    %max3A_1067 = arith.maximumf %max3A_1066, %select_n3A_1052 : vector<16xf32>
    %max3A_1068 = arith.maximumf %max3A_1067, %select_n3A_1056 : vector<16xf32>
    %max3A_1069 = arith.maximumf %max3A_1068, %select_n3A_1060 : vector<16xf32>
    %broadcast_in_dim3A_1070 = arith.constant 99 : i32
    %broadcast_in_dim3A_1071 = vector.broadcast %broadcast_in_dim3A_1070 : i32 to vector<16xi32>
    %eq3A_1072 = arith.cmpf oeq, %select_n3A_1024, %max3A_1069 : vector<16xf32>
    %jit3A_1073 = arith.constant 0 : i32
    %jit3A_1074 = arith.constant 99 : i32
    %broadcast_in_dim3A_1075 = vector.broadcast %jit3A_1073 : i32 to vector<16xi32>
    %broadcast_in_dim3A_1076 = vector.broadcast %jit3A_1074 : i32 to vector<16xi32>
    %select_n3A_1077 = arith.select %eq3A_1072, %broadcast_in_dim3A_1075, %broadcast_in_dim3A_1076 : vector<16xi1>, vector<16xi32>
    %min3A_1078 = arith.minsi %broadcast_in_dim3A_1071, %select_n3A_1077 : vector<16xi32>
    %eq3A_1079 = arith.cmpf oeq, %select_n3A_1028, %max3A_1069 : vector<16xf32>
    %jit3A_1080 = arith.constant 1 : i32
    %jit3A_1081 = arith.constant 99 : i32
    %broadcast_in_dim3A_1082 = vector.broadcast %jit3A_1080 : i32 to vector<16xi32>
    %broadcast_in_dim3A_1083 = vector.broadcast %jit3A_1081 : i32 to vector<16xi32>
    %select_n3A_1084 = arith.select %eq3A_1079, %broadcast_in_dim3A_1082, %broadcast_in_dim3A_1083 : vector<16xi1>, vector<16xi32>
    %min3A_1085 = arith.minsi %min3A_1078, %select_n3A_1084 : vector<16xi32>
    %eq3A_1086 = arith.cmpf oeq, %select_n3A_1032, %max3A_1069 : vector<16xf32>
    %jit3A_1087 = arith.constant 2 : i32
    %jit3A_1088 = arith.constant 99 : i32
    %broadcast_in_dim3A_1089 = vector.broadcast %jit3A_1087 : i32 to vector<16xi32>
    %broadcast_in_dim3A_1090 = vector.broadcast %jit3A_1088 : i32 to vector<16xi32>
    %select_n3A_1091 = arith.select %eq3A_1086, %broadcast_in_dim3A_1089, %broadcast_in_dim3A_1090 : vector<16xi1>, vector<16xi32>
    %min3A_1092 = arith.minsi %min3A_1085, %select_n3A_1091 : vector<16xi32>
    %eq3A_1093 = arith.cmpf oeq, %select_n3A_1036, %max3A_1069 : vector<16xf32>
    %jit3A_1094 = arith.constant 3 : i32
    %jit3A_1095 = arith.constant 99 : i32
    %broadcast_in_dim3A_1096 = vector.broadcast %jit3A_1094 : i32 to vector<16xi32>
    %broadcast_in_dim3A_1097 = vector.broadcast %jit3A_1095 : i32 to vector<16xi32>
    %select_n3A_1098 = arith.select %eq3A_1093, %broadcast_in_dim3A_1096, %broadcast_in_dim3A_1097 : vector<16xi1>, vector<16xi32>
    %min3A_1099 = arith.minsi %min3A_1092, %select_n3A_1098 : vector<16xi32>
    %eq3A_1100 = arith.cmpf oeq, %select_n3A_1040, %max3A_1069 : vector<16xf32>
    %jit3A_1101 = arith.constant 4 : i32
    %jit3A_1102 = arith.constant 99 : i32
    %broadcast_in_dim3A_1103 = vector.broadcast %jit3A_1101 : i32 to vector<16xi32>
    %broadcast_in_dim3A_1104 = vector.broadcast %jit3A_1102 : i32 to vector<16xi32>
    %select_n3A_1105 = arith.select %eq3A_1100, %broadcast_in_dim3A_1103, %broadcast_in_dim3A_1104 : vector<16xi1>, vector<16xi32>
    %min3A_1106 = arith.minsi %min3A_1099, %select_n3A_1105 : vector<16xi32>
    %eq3A_1107 = arith.cmpf oeq, %select_n3A_1044, %max3A_1069 : vector<16xf32>
    %jit3A_1108 = arith.constant 5 : i32
    %jit3A_1109 = arith.constant 99 : i32
    %broadcast_in_dim3A_1110 = vector.broadcast %jit3A_1108 : i32 to vector<16xi32>
    %broadcast_in_dim3A_1111 = vector.broadcast %jit3A_1109 : i32 to vector<16xi32>
    %select_n3A_1112 = arith.select %eq3A_1107, %broadcast_in_dim3A_1110, %broadcast_in_dim3A_1111 : vector<16xi1>, vector<16xi32>
    %min3A_1113 = arith.minsi %min3A_1106, %select_n3A_1112 : vector<16xi32>
    %eq3A_1114 = arith.cmpf oeq, %select_n3A_1048, %max3A_1069 : vector<16xf32>
    %jit3A_1115 = arith.constant 6 : i32
    %jit3A_1116 = arith.constant 99 : i32
    %broadcast_in_dim3A_1117 = vector.broadcast %jit3A_1115 : i32 to vector<16xi32>
    %broadcast_in_dim3A_1118 = vector.broadcast %jit3A_1116 : i32 to vector<16xi32>
    %select_n3A_1119 = arith.select %eq3A_1114, %broadcast_in_dim3A_1117, %broadcast_in_dim3A_1118 : vector<16xi1>, vector<16xi32>
    %min3A_1120 = arith.minsi %min3A_1113, %select_n3A_1119 : vector<16xi32>
    %eq3A_1121 = arith.cmpf oeq, %select_n3A_1052, %max3A_1069 : vector<16xf32>
    %jit3A_1122 = arith.constant 7 : i32
    %jit3A_1123 = arith.constant 99 : i32
    %broadcast_in_dim3A_1124 = vector.broadcast %jit3A_1122 : i32 to vector<16xi32>
    %broadcast_in_dim3A_1125 = vector.broadcast %jit3A_1123 : i32 to vector<16xi32>
    %select_n3A_1126 = arith.select %eq3A_1121, %broadcast_in_dim3A_1124, %broadcast_in_dim3A_1125 : vector<16xi1>, vector<16xi32>
    %min3A_1127 = arith.minsi %min3A_1120, %select_n3A_1126 : vector<16xi32>
    %eq3A_1128 = arith.cmpf oeq, %select_n3A_1056, %max3A_1069 : vector<16xf32>
    %jit3A_1129 = arith.constant 8 : i32
    %jit3A_1130 = arith.constant 99 : i32
    %broadcast_in_dim3A_1131 = vector.broadcast %jit3A_1129 : i32 to vector<16xi32>
    %broadcast_in_dim3A_1132 = vector.broadcast %jit3A_1130 : i32 to vector<16xi32>
    %select_n3A_1133 = arith.select %eq3A_1128, %broadcast_in_dim3A_1131, %broadcast_in_dim3A_1132 : vector<16xi1>, vector<16xi32>
    %min3A_1134 = arith.minsi %min3A_1127, %select_n3A_1133 : vector<16xi32>
    %eq3A_1135 = arith.cmpf oeq, %select_n3A_1060, %max3A_1069 : vector<16xf32>
    %jit3A_1136 = arith.constant 9 : i32
    %jit3A_1137 = arith.constant 99 : i32
    %broadcast_in_dim3A_1138 = vector.broadcast %jit3A_1136 : i32 to vector<16xi32>
    %broadcast_in_dim3A_1139 = vector.broadcast %jit3A_1137 : i32 to vector<16xi32>
    %select_n3A_1140 = arith.select %eq3A_1135, %broadcast_in_dim3A_1138, %broadcast_in_dim3A_1139 : vector<16xi1>, vector<16xi32>
    %min3A_1141 = arith.minsi %min3A_1134, %select_n3A_1140 : vector<16xi32>
    %sub3A_1142 = arith.subf %select_n3A_1024, %max3A_1069 : vector<16xf32>
    %exp3A_1143 = math.exp %sub3A_1142 : vector<16xf32>
    %sub3A_1144 = arith.subf %select_n3A_1028, %max3A_1069 : vector<16xf32>
    %exp3A_1145 = math.exp %sub3A_1144 : vector<16xf32>
    %add3A_1146 = arith.addf %exp3A_1143, %exp3A_1145 : vector<16xf32>
    %sub3A_1147 = arith.subf %select_n3A_1032, %max3A_1069 : vector<16xf32>
    %exp3A_1148 = math.exp %sub3A_1147 : vector<16xf32>
    %add3A_1149 = arith.addf %add3A_1146, %exp3A_1148 : vector<16xf32>
    %sub3A_1150 = arith.subf %select_n3A_1036, %max3A_1069 : vector<16xf32>
    %exp3A_1151 = math.exp %sub3A_1150 : vector<16xf32>
    %add3A_1152 = arith.addf %add3A_1149, %exp3A_1151 : vector<16xf32>
    %sub3A_1153 = arith.subf %select_n3A_1040, %max3A_1069 : vector<16xf32>
    %exp3A_1154 = math.exp %sub3A_1153 : vector<16xf32>
    %add3A_1155 = arith.addf %add3A_1152, %exp3A_1154 : vector<16xf32>
    %sub3A_1156 = arith.subf %select_n3A_1044, %max3A_1069 : vector<16xf32>
    %exp3A_1157 = math.exp %sub3A_1156 : vector<16xf32>
    %add3A_1158 = arith.addf %add3A_1155, %exp3A_1157 : vector<16xf32>
    %sub3A_1159 = arith.subf %select_n3A_1048, %max3A_1069 : vector<16xf32>
    %exp3A_1160 = math.exp %sub3A_1159 : vector<16xf32>
    %add3A_1161 = arith.addf %add3A_1158, %exp3A_1160 : vector<16xf32>
    %sub3A_1162 = arith.subf %select_n3A_1052, %max3A_1069 : vector<16xf32>
    %exp3A_1163 = math.exp %sub3A_1162 : vector<16xf32>
    %add3A_1164 = arith.addf %add3A_1161, %exp3A_1163 : vector<16xf32>
    %sub3A_1165 = arith.subf %select_n3A_1056, %max3A_1069 : vector<16xf32>
    %exp3A_1166 = math.exp %sub3A_1165 : vector<16xf32>
    %add3A_1167 = arith.addf %add3A_1164, %exp3A_1166 : vector<16xf32>
    %sub3A_1168 = arith.subf %select_n3A_1060, %max3A_1069 : vector<16xf32>
    %exp3A_1169 = math.exp %sub3A_1168 : vector<16xf32>
    %add3A_1170 = arith.addf %add3A_1167, %exp3A_1169 : vector<16xf32>
    %eq3A_1171 = arith.cmpi eq, %min3A_1141, %min3A_1015 : vector<16xi32>
    %and3A_1172 = arith.andi %eq3A_1171, %gt3A_1019 : vector<16xi1>
    %add3A_1173 = arith.constant 48 : i32
    %add3A_1174 = arith.addi %mul3A_2, %add3A_1173 : i32
    %add3A_1175 = vector.broadcast %add3A_1174 : i32 to vector<16xi32>
    %add3A_1176 = arith.addi %add3A_1175, %iota3A : vector<16xi32>
    %swap3A_1177 = arith.constant 48 : index
    %swap3A_1178 = tpu.vector_load %arg14[%swap3A_1177] {strides = array<i32>} : memref<128xf32, #tpu.memory_space<vmem>>, vector<16xf32>,
    tpu.vector_store %arg14[%swap3A_1177], %add3A_1170 {strides = array<i32>} : memref<128xf32, #tpu.memory_space<vmem>>, vector<16xf32>,
    %mul3A_1179 = arith.constant 10000 : i32
    %mul3A_1180 = vector.broadcast %mul3A_1179 : i32 to vector<16xi32>
    %mul3A_1181 = arith.muli %min3A_1141, %mul3A_1180 : vector<16xi32>
    %add3A_1182 = arith.addi %mul3A_1181, %get3A_901 : vector<16xi32>
    %swap3A_1183 = arith.constant 48 : index
    %swap3A_1184 = tpu.vector_load %arg15[%swap3A_1183] {strides = array<i32>} : memref<128xi32, #tpu.memory_space<vmem>>, vector<16xi32>,
    tpu.vector_store %arg15[%swap3A_1183], %add3A_1182 {strides = array<i32>} : memref<128xi32, #tpu.memory_space<vmem>>, vector<16xi32>,
    %swap3A_1185 = arith.constant 48 : index
    %swap3A_1186 = tpu.vector_load %arg16[%swap3A_1185] {strides = array<i32>} : memref<128xi32, #tpu.memory_space<vmem>>, vector<16xi32>,
    tpu.vector_store %arg16[%swap3A_1185], %get3A_1017 {strides = array<i32>} : memref<128xi32, #tpu.memory_space<vmem>>, vector<16xi32>,
    %jit3A_1187 = arith.constant 4096 : i32
    %broadcast_in_dim3A_1188 = vector.broadcast %jit3A_1187 : i32 to vector<16xi32>
    %select_n3A_1189 = arith.select %and3A_1172, %broadcast_in_dim3A_1188, %add3A_1176 : vector<16xi1>, vector<16xi32>
    %swap3A_1190 = arith.constant 48 : index
    %swap3A_1191 = tpu.vector_load %arg17[%swap3A_1190] {strides = array<i32>} : memref<128xi32, #tpu.memory_space<vmem>>, vector<16xi32>,
    tpu.vector_store %arg17[%swap3A_1190], %select_n3A_1189 {strides = array<i32>} : memref<128xi32, #tpu.memory_space<vmem>>, vector<16xi32>,
    %jit3A_1192 = arith.constant 0 : i32
    %jit3A_1193 = arith.constant 1 : i32
    %broadcast_in_dim3A_1194 = vector.broadcast %jit3A_1192 : i32 to vector<16xi32>
    %broadcast_in_dim3A_1195 = vector.broadcast %jit3A_1193 : i32 to vector<16xi32>
    %select_n3A_1196 = arith.select %and3A_1172, %broadcast_in_dim3A_1194, %broadcast_in_dim3A_1195 : vector<16xi1>, vector<16xi32>
    %reduce_sum3A_1197 = arith.constant true
    %reduce_sum3A_1198 = vector.broadcast %reduce_sum3A_1197 : i1 to vector<16xi1>
    %reduce_sum3A_1199 = tpu.scan <sum>, %select_n3A_1196 masked %reduce_sum3A_1198 : vector<16xi32>, vector<16xi1> -> vector<16xi32>
    %reduce_sum3A_1200 = vector.extract %reduce_sum3A_1199[15] : i32 from vector<16xi32>
    %add3A_1201 = arith.addi %add3A_899, %reduce_sum3A_1200 : i32
    %get3A_1202 = arith.constant 64 : index
    %get3A_1203 = tpu.vector_load %arg12[%get3A_1202] {strides = array<i32>} : memref<128xi32, #tpu.memory_space<vmem>>, vector<16xi32>,
    %add3A_1204 = arith.constant 64 : i32
    %add3A_1205 = vector.broadcast %add3A_1204 : i32 to vector<16xi32>
    %add3A_1206 = arith.addi %iota3A, %add3A_1205 : vector<16xi32>
    %broadcast_in_dim3A_1207 = arith.constant 0 : i32
    %broadcast_in_dim3A_1208 = vector.broadcast %broadcast_in_dim3A_1207 : i32 to vector<16xi32>
    %gather3A_1209 = tpu.vector_load_idx %arg13[%add3A_1206, %broadcast_in_dim3A_1208] : memref<128x128xf32, #tpu.memory_space<vmem>>[vector<16xi32>, vector<16xi32>], vector<16xf32>,
    %broadcast_in_dim3A_1210 = arith.constant 1 : i32
    %broadcast_in_dim3A_1211 = vector.broadcast %broadcast_in_dim3A_1210 : i32 to vector<16xi32>
    %gather3A_1212 = tpu.vector_load_idx %arg13[%add3A_1206, %broadcast_in_dim3A_1211] : memref<128x128xf32, #tpu.memory_space<vmem>>[vector<16xi32>, vector<16xi32>], vector<16xf32>,
    %broadcast_in_dim3A_1213 = arith.constant 2 : i32
    %broadcast_in_dim3A_1214 = vector.broadcast %broadcast_in_dim3A_1213 : i32 to vector<16xi32>
    %gather3A_1215 = tpu.vector_load_idx %arg13[%add3A_1206, %broadcast_in_dim3A_1214] : memref<128x128xf32, #tpu.memory_space<vmem>>[vector<16xi32>, vector<16xi32>], vector<16xf32>,
    %broadcast_in_dim3A_1216 = arith.constant 3 : i32
    %broadcast_in_dim3A_1217 = vector.broadcast %broadcast_in_dim3A_1216 : i32 to vector<16xi32>
    %gather3A_1218 = tpu.vector_load_idx %arg13[%add3A_1206, %broadcast_in_dim3A_1217] : memref<128x128xf32, #tpu.memory_space<vmem>>[vector<16xi32>, vector<16xi32>], vector<16xf32>,
    %broadcast_in_dim3A_1219 = arith.constant 4 : i32
    %broadcast_in_dim3A_1220 = vector.broadcast %broadcast_in_dim3A_1219 : i32 to vector<16xi32>
    %gather3A_1221 = tpu.vector_load_idx %arg13[%add3A_1206, %broadcast_in_dim3A_1220] : memref<128x128xf32, #tpu.memory_space<vmem>>[vector<16xi32>, vector<16xi32>], vector<16xf32>,
    %broadcast_in_dim3A_1222 = arith.constant 5 : i32
    %broadcast_in_dim3A_1223 = vector.broadcast %broadcast_in_dim3A_1222 : i32 to vector<16xi32>
    %gather3A_1224 = tpu.vector_load_idx %arg13[%add3A_1206, %broadcast_in_dim3A_1223] : memref<128x128xf32, #tpu.memory_space<vmem>>[vector<16xi32>, vector<16xi32>], vector<16xf32>,
    %broadcast_in_dim3A_1225 = arith.constant 6 : i32
    %broadcast_in_dim3A_1226 = vector.broadcast %broadcast_in_dim3A_1225 : i32 to vector<16xi32>
    %gather3A_1227 = tpu.vector_load_idx %arg13[%add3A_1206, %broadcast_in_dim3A_1226] : memref<128x128xf32, #tpu.memory_space<vmem>>[vector<16xi32>, vector<16xi32>], vector<16xf32>,
    %broadcast_in_dim3A_1228 = arith.constant 7 : i32
    %broadcast_in_dim3A_1229 = vector.broadcast %broadcast_in_dim3A_1228 : i32 to vector<16xi32>
    %gather3A_1230 = tpu.vector_load_idx %arg13[%add3A_1206, %broadcast_in_dim3A_1229] : memref<128x128xf32, #tpu.memory_space<vmem>>[vector<16xi32>, vector<16xi32>], vector<16xf32>,
    %broadcast_in_dim3A_1231 = arith.constant 8 : i32
    %broadcast_in_dim3A_1232 = vector.broadcast %broadcast_in_dim3A_1231 : i32 to vector<16xi32>
    %gather3A_1233 = tpu.vector_load_idx %arg13[%add3A_1206, %broadcast_in_dim3A_1232] : memref<128x128xf32, #tpu.memory_space<vmem>>[vector<16xi32>, vector<16xi32>], vector<16xf32>,
    %broadcast_in_dim3A_1234 = arith.constant 9 : i32
    %broadcast_in_dim3A_1235 = vector.broadcast %broadcast_in_dim3A_1234 : i32 to vector<16xi32>
    %gather3A_1236 = tpu.vector_load_idx %arg13[%add3A_1206, %broadcast_in_dim3A_1235] : memref<128x128xf32, #tpu.memory_space<vmem>>[vector<16xi32>, vector<16xi32>], vector<16xf32>,
    %min3A_1237 = arith.minimumf %gather3A_1209, %gather3A_1212 : vector<16xf32>
    %min3A_1238 = arith.minimumf %min3A_1237, %gather3A_1215 : vector<16xf32>
    %min3A_1239 = arith.minimumf %min3A_1238, %gather3A_1218 : vector<16xf32>
    %min3A_1240 = arith.minimumf %min3A_1239, %gather3A_1221 : vector<16xf32>
    %min3A_1241 = arith.minimumf %min3A_1240, %gather3A_1224 : vector<16xf32>
    %min3A_1242 = arith.minimumf %min3A_1241, %gather3A_1227 : vector<16xf32>
    %min3A_1243 = arith.minimumf %min3A_1242, %gather3A_1230 : vector<16xf32>
    %min3A_1244 = arith.minimumf %min3A_1243, %gather3A_1233 : vector<16xf32>
    %min3A_1245 = arith.minimumf %min3A_1244, %gather3A_1236 : vector<16xf32>
    %broadcast_in_dim3A_1246 = arith.constant 99 : i32
    %broadcast_in_dim3A_1247 = vector.broadcast %broadcast_in_dim3A_1246 : i32 to vector<16xi32>
    %eq3A_1248 = arith.cmpf oeq, %gather3A_1209, %min3A_1245 : vector<16xf32>
    %jit3A_1249 = arith.constant 0 : i32
    %jit3A_1250 = arith.constant 99 : i32
    %broadcast_in_dim3A_1251 = vector.broadcast %jit3A_1249 : i32 to vector<16xi32>
    %broadcast_in_dim3A_1252 = vector.broadcast %jit3A_1250 : i32 to vector<16xi32>
    %select_n3A_1253 = arith.select %eq3A_1248, %broadcast_in_dim3A_1251, %broadcast_in_dim3A_1252 : vector<16xi1>, vector<16xi32>
    %min3A_1254 = arith.minsi %broadcast_in_dim3A_1247, %select_n3A_1253 : vector<16xi32>
    %eq3A_1255 = arith.cmpf oeq, %gather3A_1212, %min3A_1245 : vector<16xf32>
    %jit3A_1256 = arith.constant 1 : i32
    %jit3A_1257 = arith.constant 99 : i32
    %broadcast_in_dim3A_1258 = vector.broadcast %jit3A_1256 : i32 to vector<16xi32>
    %broadcast_in_dim3A_1259 = vector.broadcast %jit3A_1257 : i32 to vector<16xi32>
    %select_n3A_1260 = arith.select %eq3A_1255, %broadcast_in_dim3A_1258, %broadcast_in_dim3A_1259 : vector<16xi1>, vector<16xi32>
    %min3A_1261 = arith.minsi %min3A_1254, %select_n3A_1260 : vector<16xi32>
    %eq3A_1262 = arith.cmpf oeq, %gather3A_1215, %min3A_1245 : vector<16xf32>
    %jit3A_1263 = arith.constant 2 : i32
    %jit3A_1264 = arith.constant 99 : i32
    %broadcast_in_dim3A_1265 = vector.broadcast %jit3A_1263 : i32 to vector<16xi32>
    %broadcast_in_dim3A_1266 = vector.broadcast %jit3A_1264 : i32 to vector<16xi32>
    %select_n3A_1267 = arith.select %eq3A_1262, %broadcast_in_dim3A_1265, %broadcast_in_dim3A_1266 : vector<16xi1>, vector<16xi32>
    %min3A_1268 = arith.minsi %min3A_1261, %select_n3A_1267 : vector<16xi32>
    %eq3A_1269 = arith.cmpf oeq, %gather3A_1218, %min3A_1245 : vector<16xf32>
    %jit3A_1270 = arith.constant 3 : i32
    %jit3A_1271 = arith.constant 99 : i32
    %broadcast_in_dim3A_1272 = vector.broadcast %jit3A_1270 : i32 to vector<16xi32>
    %broadcast_in_dim3A_1273 = vector.broadcast %jit3A_1271 : i32 to vector<16xi32>
    %select_n3A_1274 = arith.select %eq3A_1269, %broadcast_in_dim3A_1272, %broadcast_in_dim3A_1273 : vector<16xi1>, vector<16xi32>
    %min3A_1275 = arith.minsi %min3A_1268, %select_n3A_1274 : vector<16xi32>
    %eq3A_1276 = arith.cmpf oeq, %gather3A_1221, %min3A_1245 : vector<16xf32>
    %jit3A_1277 = arith.constant 4 : i32
    %jit3A_1278 = arith.constant 99 : i32
    %broadcast_in_dim3A_1279 = vector.broadcast %jit3A_1277 : i32 to vector<16xi32>
    %broadcast_in_dim3A_1280 = vector.broadcast %jit3A_1278 : i32 to vector<16xi32>
    %select_n3A_1281 = arith.select %eq3A_1276, %broadcast_in_dim3A_1279, %broadcast_in_dim3A_1280 : vector<16xi1>, vector<16xi32>
    %min3A_1282 = arith.minsi %min3A_1275, %select_n3A_1281 : vector<16xi32>
    %eq3A_1283 = arith.cmpf oeq, %gather3A_1224, %min3A_1245 : vector<16xf32>
    %jit3A_1284 = arith.constant 5 : i32
    %jit3A_1285 = arith.constant 99 : i32
    %broadcast_in_dim3A_1286 = vector.broadcast %jit3A_1284 : i32 to vector<16xi32>
    %broadcast_in_dim3A_1287 = vector.broadcast %jit3A_1285 : i32 to vector<16xi32>
    %select_n3A_1288 = arith.select %eq3A_1283, %broadcast_in_dim3A_1286, %broadcast_in_dim3A_1287 : vector<16xi1>, vector<16xi32>
    %min3A_1289 = arith.minsi %min3A_1282, %select_n3A_1288 : vector<16xi32>
    %eq3A_1290 = arith.cmpf oeq, %gather3A_1227, %min3A_1245 : vector<16xf32>
    %jit3A_1291 = arith.constant 6 : i32
    %jit3A_1292 = arith.constant 99 : i32
    %broadcast_in_dim3A_1293 = vector.broadcast %jit3A_1291 : i32 to vector<16xi32>
    %broadcast_in_dim3A_1294 = vector.broadcast %jit3A_1292 : i32 to vector<16xi32>
    %select_n3A_1295 = arith.select %eq3A_1290, %broadcast_in_dim3A_1293, %broadcast_in_dim3A_1294 : vector<16xi1>, vector<16xi32>
    %min3A_1296 = arith.minsi %min3A_1289, %select_n3A_1295 : vector<16xi32>
    %eq3A_1297 = arith.cmpf oeq, %gather3A_1230, %min3A_1245 : vector<16xf32>
    %jit3A_1298 = arith.constant 7 : i32
    %jit3A_1299 = arith.constant 99 : i32
    %broadcast_in_dim3A_1300 = vector.broadcast %jit3A_1298 : i32 to vector<16xi32>
    %broadcast_in_dim3A_1301 = vector.broadcast %jit3A_1299 : i32 to vector<16xi32>
    %select_n3A_1302 = arith.select %eq3A_1297, %broadcast_in_dim3A_1300, %broadcast_in_dim3A_1301 : vector<16xi1>, vector<16xi32>
    %min3A_1303 = arith.minsi %min3A_1296, %select_n3A_1302 : vector<16xi32>
    %eq3A_1304 = arith.cmpf oeq, %gather3A_1233, %min3A_1245 : vector<16xf32>
    %jit3A_1305 = arith.constant 8 : i32
    %jit3A_1306 = arith.constant 99 : i32
    %broadcast_in_dim3A_1307 = vector.broadcast %jit3A_1305 : i32 to vector<16xi32>
    %broadcast_in_dim3A_1308 = vector.broadcast %jit3A_1306 : i32 to vector<16xi32>
    %select_n3A_1309 = arith.select %eq3A_1304, %broadcast_in_dim3A_1307, %broadcast_in_dim3A_1308 : vector<16xi1>, vector<16xi32>
    %min3A_1310 = arith.minsi %min3A_1303, %select_n3A_1309 : vector<16xi32>
    %eq3A_1311 = arith.cmpf oeq, %gather3A_1236, %min3A_1245 : vector<16xf32>
    %jit3A_1312 = arith.constant 9 : i32
    %jit3A_1313 = arith.constant 99 : i32
    %broadcast_in_dim3A_1314 = vector.broadcast %jit3A_1312 : i32 to vector<16xi32>
    %broadcast_in_dim3A_1315 = vector.broadcast %jit3A_1313 : i32 to vector<16xi32>
    %select_n3A_1316 = arith.select %eq3A_1311, %broadcast_in_dim3A_1314, %broadcast_in_dim3A_1315 : vector<16xi1>, vector<16xi32>
    %min3A_1317 = arith.minsi %min3A_1310, %select_n3A_1316 : vector<16xi32>
    %get3A_1318 = arith.constant 64 : index
    %get3A_1319 = tpu.vector_load %arg11[%get3A_1318] {strides = array<i32>} : memref<128xi32, #tpu.memory_space<vmem>>, vector<16xi32>,
    %gather3A_1320 = tpu.vector_load_idx %arg10[%get3A_1319] : memref<4096xf32, #tpu.memory_space<vmem>>[vector<16xi32>], vector<16xf32>,
    %gt3A_1321 = arith.cmpf ogt, %gather3A_1320, %min3A_1245 : vector<16xf32>
    %select_n3A_1322 = arith.select %gt3A_1321, %gather3A_1320, %min3A_1245 : vector<16xi1>, vector<16xf32>
    %eq3A_1323 = arith.constant 0 : i32
    %eq3A_1324 = vector.broadcast %eq3A_1323 : i32 to vector<16xi32>
    %eq3A_1325 = arith.cmpi eq, %min3A_1317, %eq3A_1324 : vector<16xi32>
    %select_n3A_1326 = arith.select %eq3A_1325, %select_n3A_1322, %gather3A_1209 : vector<16xi1>, vector<16xf32>
    %eq3A_1327 = arith.constant 1 : i32
    %eq3A_1328 = vector.broadcast %eq3A_1327 : i32 to vector<16xi32>
    %eq3A_1329 = arith.cmpi eq, %min3A_1317, %eq3A_1328 : vector<16xi32>
    %select_n3A_1330 = arith.select %eq3A_1329, %select_n3A_1322, %gather3A_1212 : vector<16xi1>, vector<16xf32>
    %eq3A_1331 = arith.constant 2 : i32
    %eq3A_1332 = vector.broadcast %eq3A_1331 : i32 to vector<16xi32>
    %eq3A_1333 = arith.cmpi eq, %min3A_1317, %eq3A_1332 : vector<16xi32>
    %select_n3A_1334 = arith.select %eq3A_1333, %select_n3A_1322, %gather3A_1215 : vector<16xi1>, vector<16xf32>
    %eq3A_1335 = arith.constant 3 : i32
    %eq3A_1336 = vector.broadcast %eq3A_1335 : i32 to vector<16xi32>
    %eq3A_1337 = arith.cmpi eq, %min3A_1317, %eq3A_1336 : vector<16xi32>
    %select_n3A_1338 = arith.select %eq3A_1337, %select_n3A_1322, %gather3A_1218 : vector<16xi1>, vector<16xf32>
    %eq3A_1339 = arith.constant 4 : i32
    %eq3A_1340 = vector.broadcast %eq3A_1339 : i32 to vector<16xi32>
    %eq3A_1341 = arith.cmpi eq, %min3A_1317, %eq3A_1340 : vector<16xi32>
    %select_n3A_1342 = arith.select %eq3A_1341, %select_n3A_1322, %gather3A_1221 : vector<16xi1>, vector<16xf32>
    %eq3A_1343 = arith.constant 5 : i32
    %eq3A_1344 = vector.broadcast %eq3A_1343 : i32 to vector<16xi32>
    %eq3A_1345 = arith.cmpi eq, %min3A_1317, %eq3A_1344 : vector<16xi32>
    %select_n3A_1346 = arith.select %eq3A_1345, %select_n3A_1322, %gather3A_1224 : vector<16xi1>, vector<16xf32>
    %eq3A_1347 = arith.constant 6 : i32
    %eq3A_1348 = vector.broadcast %eq3A_1347 : i32 to vector<16xi32>
    %eq3A_1349 = arith.cmpi eq, %min3A_1317, %eq3A_1348 : vector<16xi32>
    %select_n3A_1350 = arith.select %eq3A_1349, %select_n3A_1322, %gather3A_1227 : vector<16xi1>, vector<16xf32>
    %eq3A_1351 = arith.constant 7 : i32
    %eq3A_1352 = vector.broadcast %eq3A_1351 : i32 to vector<16xi32>
    %eq3A_1353 = arith.cmpi eq, %min3A_1317, %eq3A_1352 : vector<16xi32>
    %select_n3A_1354 = arith.select %eq3A_1353, %select_n3A_1322, %gather3A_1230 : vector<16xi1>, vector<16xf32>
    %eq3A_1355 = arith.constant 8 : i32
    %eq3A_1356 = vector.broadcast %eq3A_1355 : i32 to vector<16xi32>
    %eq3A_1357 = arith.cmpi eq, %min3A_1317, %eq3A_1356 : vector<16xi32>
    %select_n3A_1358 = arith.select %eq3A_1357, %select_n3A_1322, %gather3A_1233 : vector<16xi1>, vector<16xf32>
    %eq3A_1359 = arith.constant 9 : i32
    %eq3A_1360 = vector.broadcast %eq3A_1359 : i32 to vector<16xi32>
    %eq3A_1361 = arith.cmpi eq, %min3A_1317, %eq3A_1360 : vector<16xi32>
    %select_n3A_1362 = arith.select %eq3A_1361, %select_n3A_1322, %gather3A_1236 : vector<16xi1>, vector<16xf32>
    %max3A_1363 = arith.maximumf %select_n3A_1326, %select_n3A_1330 : vector<16xf32>
    %max3A_1364 = arith.maximumf %max3A_1363, %select_n3A_1334 : vector<16xf32>
    %max3A_1365 = arith.maximumf %max3A_1364, %select_n3A_1338 : vector<16xf32>
    %max3A_1366 = arith.maximumf %max3A_1365, %select_n3A_1342 : vector<16xf32>
    %max3A_1367 = arith.maximumf %max3A_1366, %select_n3A_1346 : vector<16xf32>
    %max3A_1368 = arith.maximumf %max3A_1367, %select_n3A_1350 : vector<16xf32>
    %max3A_1369 = arith.maximumf %max3A_1368, %select_n3A_1354 : vector<16xf32>
    %max3A_1370 = arith.maximumf %max3A_1369, %select_n3A_1358 : vector<16xf32>
    %max3A_1371 = arith.maximumf %max3A_1370, %select_n3A_1362 : vector<16xf32>
    %broadcast_in_dim3A_1372 = arith.constant 99 : i32
    %broadcast_in_dim3A_1373 = vector.broadcast %broadcast_in_dim3A_1372 : i32 to vector<16xi32>
    %eq3A_1374 = arith.cmpf oeq, %select_n3A_1326, %max3A_1371 : vector<16xf32>
    %jit3A_1375 = arith.constant 0 : i32
    %jit3A_1376 = arith.constant 99 : i32
    %broadcast_in_dim3A_1377 = vector.broadcast %jit3A_1375 : i32 to vector<16xi32>
    %broadcast_in_dim3A_1378 = vector.broadcast %jit3A_1376 : i32 to vector<16xi32>
    %select_n3A_1379 = arith.select %eq3A_1374, %broadcast_in_dim3A_1377, %broadcast_in_dim3A_1378 : vector<16xi1>, vector<16xi32>
    %min3A_1380 = arith.minsi %broadcast_in_dim3A_1373, %select_n3A_1379 : vector<16xi32>
    %eq3A_1381 = arith.cmpf oeq, %select_n3A_1330, %max3A_1371 : vector<16xf32>
    %jit3A_1382 = arith.constant 1 : i32
    %jit3A_1383 = arith.constant 99 : i32
    %broadcast_in_dim3A_1384 = vector.broadcast %jit3A_1382 : i32 to vector<16xi32>
    %broadcast_in_dim3A_1385 = vector.broadcast %jit3A_1383 : i32 to vector<16xi32>
    %select_n3A_1386 = arith.select %eq3A_1381, %broadcast_in_dim3A_1384, %broadcast_in_dim3A_1385 : vector<16xi1>, vector<16xi32>
    %min3A_1387 = arith.minsi %min3A_1380, %select_n3A_1386 : vector<16xi32>
    %eq3A_1388 = arith.cmpf oeq, %select_n3A_1334, %max3A_1371 : vector<16xf32>
    %jit3A_1389 = arith.constant 2 : i32
    %jit3A_1390 = arith.constant 99 : i32
    %broadcast_in_dim3A_1391 = vector.broadcast %jit3A_1389 : i32 to vector<16xi32>
    %broadcast_in_dim3A_1392 = vector.broadcast %jit3A_1390 : i32 to vector<16xi32>
    %select_n3A_1393 = arith.select %eq3A_1388, %broadcast_in_dim3A_1391, %broadcast_in_dim3A_1392 : vector<16xi1>, vector<16xi32>
    %min3A_1394 = arith.minsi %min3A_1387, %select_n3A_1393 : vector<16xi32>
    %eq3A_1395 = arith.cmpf oeq, %select_n3A_1338, %max3A_1371 : vector<16xf32>
    %jit3A_1396 = arith.constant 3 : i32
    %jit3A_1397 = arith.constant 99 : i32
    %broadcast_in_dim3A_1398 = vector.broadcast %jit3A_1396 : i32 to vector<16xi32>
    %broadcast_in_dim3A_1399 = vector.broadcast %jit3A_1397 : i32 to vector<16xi32>
    %select_n3A_1400 = arith.select %eq3A_1395, %broadcast_in_dim3A_1398, %broadcast_in_dim3A_1399 : vector<16xi1>, vector<16xi32>
    %min3A_1401 = arith.minsi %min3A_1394, %select_n3A_1400 : vector<16xi32>
    %eq3A_1402 = arith.cmpf oeq, %select_n3A_1342, %max3A_1371 : vector<16xf32>
    %jit3A_1403 = arith.constant 4 : i32
    %jit3A_1404 = arith.constant 99 : i32
    %broadcast_in_dim3A_1405 = vector.broadcast %jit3A_1403 : i32 to vector<16xi32>
    %broadcast_in_dim3A_1406 = vector.broadcast %jit3A_1404 : i32 to vector<16xi32>
    %select_n3A_1407 = arith.select %eq3A_1402, %broadcast_in_dim3A_1405, %broadcast_in_dim3A_1406 : vector<16xi1>, vector<16xi32>
    %min3A_1408 = arith.minsi %min3A_1401, %select_n3A_1407 : vector<16xi32>
    %eq3A_1409 = arith.cmpf oeq, %select_n3A_1346, %max3A_1371 : vector<16xf32>
    %jit3A_1410 = arith.constant 5 : i32
    %jit3A_1411 = arith.constant 99 : i32
    %broadcast_in_dim3A_1412 = vector.broadcast %jit3A_1410 : i32 to vector<16xi32>
    %broadcast_in_dim3A_1413 = vector.broadcast %jit3A_1411 : i32 to vector<16xi32>
    %select_n3A_1414 = arith.select %eq3A_1409, %broadcast_in_dim3A_1412, %broadcast_in_dim3A_1413 : vector<16xi1>, vector<16xi32>
    %min3A_1415 = arith.minsi %min3A_1408, %select_n3A_1414 : vector<16xi32>
    %eq3A_1416 = arith.cmpf oeq, %select_n3A_1350, %max3A_1371 : vector<16xf32>
    %jit3A_1417 = arith.constant 6 : i32
    %jit3A_1418 = arith.constant 99 : i32
    %broadcast_in_dim3A_1419 = vector.broadcast %jit3A_1417 : i32 to vector<16xi32>
    %broadcast_in_dim3A_1420 = vector.broadcast %jit3A_1418 : i32 to vector<16xi32>
    %select_n3A_1421 = arith.select %eq3A_1416, %broadcast_in_dim3A_1419, %broadcast_in_dim3A_1420 : vector<16xi1>, vector<16xi32>
    %min3A_1422 = arith.minsi %min3A_1415, %select_n3A_1421 : vector<16xi32>
    %eq3A_1423 = arith.cmpf oeq, %select_n3A_1354, %max3A_1371 : vector<16xf32>
    %jit3A_1424 = arith.constant 7 : i32
    %jit3A_1425 = arith.constant 99 : i32
    %broadcast_in_dim3A_1426 = vector.broadcast %jit3A_1424 : i32 to vector<16xi32>
    %broadcast_in_dim3A_1427 = vector.broadcast %jit3A_1425 : i32 to vector<16xi32>
    %select_n3A_1428 = arith.select %eq3A_1423, %broadcast_in_dim3A_1426, %broadcast_in_dim3A_1427 : vector<16xi1>, vector<16xi32>
    %min3A_1429 = arith.minsi %min3A_1422, %select_n3A_1428 : vector<16xi32>
    %eq3A_1430 = arith.cmpf oeq, %select_n3A_1358, %max3A_1371 : vector<16xf32>
    %jit3A_1431 = arith.constant 8 : i32
    %jit3A_1432 = arith.constant 99 : i32
    %broadcast_in_dim3A_1433 = vector.broadcast %jit3A_1431 : i32 to vector<16xi32>
    %broadcast_in_dim3A_1434 = vector.broadcast %jit3A_1432 : i32 to vector<16xi32>
    %select_n3A_1435 = arith.select %eq3A_1430, %broadcast_in_dim3A_1433, %broadcast_in_dim3A_1434 : vector<16xi1>, vector<16xi32>
    %min3A_1436 = arith.minsi %min3A_1429, %select_n3A_1435 : vector<16xi32>
    %eq3A_1437 = arith.cmpf oeq, %select_n3A_1362, %max3A_1371 : vector<16xf32>
    %jit3A_1438 = arith.constant 9 : i32
    %jit3A_1439 = arith.constant 99 : i32
    %broadcast_in_dim3A_1440 = vector.broadcast %jit3A_1438 : i32 to vector<16xi32>
    %broadcast_in_dim3A_1441 = vector.broadcast %jit3A_1439 : i32 to vector<16xi32>
    %select_n3A_1442 = arith.select %eq3A_1437, %broadcast_in_dim3A_1440, %broadcast_in_dim3A_1441 : vector<16xi1>, vector<16xi32>
    %min3A_1443 = arith.minsi %min3A_1436, %select_n3A_1442 : vector<16xi32>
    %sub3A_1444 = arith.subf %select_n3A_1326, %max3A_1371 : vector<16xf32>
    %exp3A_1445 = math.exp %sub3A_1444 : vector<16xf32>
    %sub3A_1446 = arith.subf %select_n3A_1330, %max3A_1371 : vector<16xf32>
    %exp3A_1447 = math.exp %sub3A_1446 : vector<16xf32>
    %add3A_1448 = arith.addf %exp3A_1445, %exp3A_1447 : vector<16xf32>
    %sub3A_1449 = arith.subf %select_n3A_1334, %max3A_1371 : vector<16xf32>
    %exp3A_1450 = math.exp %sub3A_1449 : vector<16xf32>
    %add3A_1451 = arith.addf %add3A_1448, %exp3A_1450 : vector<16xf32>
    %sub3A_1452 = arith.subf %select_n3A_1338, %max3A_1371 : vector<16xf32>
    %exp3A_1453 = math.exp %sub3A_1452 : vector<16xf32>
    %add3A_1454 = arith.addf %add3A_1451, %exp3A_1453 : vector<16xf32>
    %sub3A_1455 = arith.subf %select_n3A_1342, %max3A_1371 : vector<16xf32>
    %exp3A_1456 = math.exp %sub3A_1455 : vector<16xf32>
    %add3A_1457 = arith.addf %add3A_1454, %exp3A_1456 : vector<16xf32>
    %sub3A_1458 = arith.subf %select_n3A_1346, %max3A_1371 : vector<16xf32>
    %exp3A_1459 = math.exp %sub3A_1458 : vector<16xf32>
    %add3A_1460 = arith.addf %add3A_1457, %exp3A_1459 : vector<16xf32>
    %sub3A_1461 = arith.subf %select_n3A_1350, %max3A_1371 : vector<16xf32>
    %exp3A_1462 = math.exp %sub3A_1461 : vector<16xf32>
    %add3A_1463 = arith.addf %add3A_1460, %exp3A_1462 : vector<16xf32>
    %sub3A_1464 = arith.subf %select_n3A_1354, %max3A_1371 : vector<16xf32>
    %exp3A_1465 = math.exp %sub3A_1464 : vector<16xf32>
    %add3A_1466 = arith.addf %add3A_1463, %exp3A_1465 : vector<16xf32>
    %sub3A_1467 = arith.subf %select_n3A_1358, %max3A_1371 : vector<16xf32>
    %exp3A_1468 = math.exp %sub3A_1467 : vector<16xf32>
    %add3A_1469 = arith.addf %add3A_1466, %exp3A_1468 : vector<16xf32>
    %sub3A_1470 = arith.subf %select_n3A_1362, %max3A_1371 : vector<16xf32>
    %exp3A_1471 = math.exp %sub3A_1470 : vector<16xf32>
    %add3A_1472 = arith.addf %add3A_1469, %exp3A_1471 : vector<16xf32>
    %eq3A_1473 = arith.cmpi eq, %min3A_1443, %min3A_1317 : vector<16xi32>
    %and3A_1474 = arith.andi %eq3A_1473, %gt3A_1321 : vector<16xi1>
    %add3A_1475 = arith.constant 64 : i32
    %add3A_1476 = arith.addi %mul3A_2, %add3A_1475 : i32
    %add3A_1477 = vector.broadcast %add3A_1476 : i32 to vector<16xi32>
    %add3A_1478 = arith.addi %add3A_1477, %iota3A : vector<16xi32>
    %swap3A_1479 = arith.constant 64 : index
    %swap3A_1480 = tpu.vector_load %arg14[%swap3A_1479] {strides = array<i32>} : memref<128xf32, #tpu.memory_space<vmem>>, vector<16xf32>,
    tpu.vector_store %arg14[%swap3A_1479], %add3A_1472 {strides = array<i32>} : memref<128xf32, #tpu.memory_space<vmem>>, vector<16xf32>,
    %mul3A_1481 = arith.constant 10000 : i32
    %mul3A_1482 = vector.broadcast %mul3A_1481 : i32 to vector<16xi32>
    %mul3A_1483 = arith.muli %min3A_1443, %mul3A_1482 : vector<16xi32>
    %add3A_1484 = arith.addi %mul3A_1483, %get3A_1203 : vector<16xi32>
    %swap3A_1485 = arith.constant 64 : index
    %swap3A_1486 = tpu.vector_load %arg15[%swap3A_1485] {strides = array<i32>} : memref<128xi32, #tpu.memory_space<vmem>>, vector<16xi32>,
    tpu.vector_store %arg15[%swap3A_1485], %add3A_1484 {strides = array<i32>} : memref<128xi32, #tpu.memory_space<vmem>>, vector<16xi32>,
    %swap3A_1487 = arith.constant 64 : index
    %swap3A_1488 = tpu.vector_load %arg16[%swap3A_1487] {strides = array<i32>} : memref<128xi32, #tpu.memory_space<vmem>>, vector<16xi32>,
    tpu.vector_store %arg16[%swap3A_1487], %get3A_1319 {strides = array<i32>} : memref<128xi32, #tpu.memory_space<vmem>>, vector<16xi32>,
    %jit3A_1489 = arith.constant 4096 : i32
    %broadcast_in_dim3A_1490 = vector.broadcast %jit3A_1489 : i32 to vector<16xi32>
    %select_n3A_1491 = arith.select %and3A_1474, %broadcast_in_dim3A_1490, %add3A_1478 : vector<16xi1>, vector<16xi32>
    %swap3A_1492 = arith.constant 64 : index
    %swap3A_1493 = tpu.vector_load %arg17[%swap3A_1492] {strides = array<i32>} : memref<128xi32, #tpu.memory_space<vmem>>, vector<16xi32>,
    tpu.vector_store %arg17[%swap3A_1492], %select_n3A_1491 {strides = array<i32>} : memref<128xi32, #tpu.memory_space<vmem>>, vector<16xi32>,
    %jit3A_1494 = arith.constant 0 : i32
    %jit3A_1495 = arith.constant 1 : i32
    %broadcast_in_dim3A_1496 = vector.broadcast %jit3A_1494 : i32 to vector<16xi32>
    %broadcast_in_dim3A_1497 = vector.broadcast %jit3A_1495 : i32 to vector<16xi32>
    %select_n3A_1498 = arith.select %and3A_1474, %broadcast_in_dim3A_1496, %broadcast_in_dim3A_1497 : vector<16xi1>, vector<16xi32>
    %reduce_sum3A_1499 = arith.constant true
    %reduce_sum3A_1500 = vector.broadcast %reduce_sum3A_1499 : i1 to vector<16xi1>
    %reduce_sum3A_1501 = tpu.scan <sum>, %select_n3A_1498 masked %reduce_sum3A_1500 : vector<16xi32>, vector<16xi1> -> vector<16xi32>
    %reduce_sum3A_1502 = vector.extract %reduce_sum3A_1501[15] : i32 from vector<16xi32>
    %add3A_1503 = arith.addi %add3A_1201, %reduce_sum3A_1502 : i32
    %get3A_1504 = arith.constant 80 : index
    %get3A_1505 = tpu.vector_load %arg12[%get3A_1504] {strides = array<i32>} : memref<128xi32, #tpu.memory_space<vmem>>, vector<16xi32>,
    %add3A_1506 = arith.constant 80 : i32
    %add3A_1507 = vector.broadcast %add3A_1506 : i32 to vector<16xi32>
    %add3A_1508 = arith.addi %iota3A, %add3A_1507 : vector<16xi32>
    %broadcast_in_dim3A_1509 = arith.constant 0 : i32
    %broadcast_in_dim3A_1510 = vector.broadcast %broadcast_in_dim3A_1509 : i32 to vector<16xi32>
    %gather3A_1511 = tpu.vector_load_idx %arg13[%add3A_1508, %broadcast_in_dim3A_1510] : memref<128x128xf32, #tpu.memory_space<vmem>>[vector<16xi32>, vector<16xi32>], vector<16xf32>,
    %broadcast_in_dim3A_1512 = arith.constant 1 : i32
    %broadcast_in_dim3A_1513 = vector.broadcast %broadcast_in_dim3A_1512 : i32 to vector<16xi32>
    %gather3A_1514 = tpu.vector_load_idx %arg13[%add3A_1508, %broadcast_in_dim3A_1513] : memref<128x128xf32, #tpu.memory_space<vmem>>[vector<16xi32>, vector<16xi32>], vector<16xf32>,
    %broadcast_in_dim3A_1515 = arith.constant 2 : i32
    %broadcast_in_dim3A_1516 = vector.broadcast %broadcast_in_dim3A_1515 : i32 to vector<16xi32>
    %gather3A_1517 = tpu.vector_load_idx %arg13[%add3A_1508, %broadcast_in_dim3A_1516] : memref<128x128xf32, #tpu.memory_space<vmem>>[vector<16xi32>, vector<16xi32>], vector<16xf32>,
    %broadcast_in_dim3A_1518 = arith.constant 3 : i32
    %broadcast_in_dim3A_1519 = vector.broadcast %broadcast_in_dim3A_1518 : i32 to vector<16xi32>
    %gather3A_1520 = tpu.vector_load_idx %arg13[%add3A_1508, %broadcast_in_dim3A_1519] : memref<128x128xf32, #tpu.memory_space<vmem>>[vector<16xi32>, vector<16xi32>], vector<16xf32>,
    %broadcast_in_dim3A_1521 = arith.constant 4 : i32
    %broadcast_in_dim3A_1522 = vector.broadcast %broadcast_in_dim3A_1521 : i32 to vector<16xi32>
    %gather3A_1523 = tpu.vector_load_idx %arg13[%add3A_1508, %broadcast_in_dim3A_1522] : memref<128x128xf32, #tpu.memory_space<vmem>>[vector<16xi32>, vector<16xi32>], vector<16xf32>,
    %broadcast_in_dim3A_1524 = arith.constant 5 : i32
    %broadcast_in_dim3A_1525 = vector.broadcast %broadcast_in_dim3A_1524 : i32 to vector<16xi32>
    %gather3A_1526 = tpu.vector_load_idx %arg13[%add3A_1508, %broadcast_in_dim3A_1525] : memref<128x128xf32, #tpu.memory_space<vmem>>[vector<16xi32>, vector<16xi32>], vector<16xf32>,
    %broadcast_in_dim3A_1527 = arith.constant 6 : i32
    %broadcast_in_dim3A_1528 = vector.broadcast %broadcast_in_dim3A_1527 : i32 to vector<16xi32>
    %gather3A_1529 = tpu.vector_load_idx %arg13[%add3A_1508, %broadcast_in_dim3A_1528] : memref<128x128xf32, #tpu.memory_space<vmem>>[vector<16xi32>, vector<16xi32>], vector<16xf32>,
    %broadcast_in_dim3A_1530 = arith.constant 7 : i32
    %broadcast_in_dim3A_1531 = vector.broadcast %broadcast_in_dim3A_1530 : i32 to vector<16xi32>
    %gather3A_1532 = tpu.vector_load_idx %arg13[%add3A_1508, %broadcast_in_dim3A_1531] : memref<128x128xf32, #tpu.memory_space<vmem>>[vector<16xi32>, vector<16xi32>], vector<16xf32>,
    %broadcast_in_dim3A_1533 = arith.constant 8 : i32
    %broadcast_in_dim3A_1534 = vector.broadcast %broadcast_in_dim3A_1533 : i32 to vector<16xi32>
    %gather3A_1535 = tpu.vector_load_idx %arg13[%add3A_1508, %broadcast_in_dim3A_1534] : memref<128x128xf32, #tpu.memory_space<vmem>>[vector<16xi32>, vector<16xi32>], vector<16xf32>,
    %broadcast_in_dim3A_1536 = arith.constant 9 : i32
    %broadcast_in_dim3A_1537 = vector.broadcast %broadcast_in_dim3A_1536 : i32 to vector<16xi32>
    %gather3A_1538 = tpu.vector_load_idx %arg13[%add3A_1508, %broadcast_in_dim3A_1537] : memref<128x128xf32, #tpu.memory_space<vmem>>[vector<16xi32>, vector<16xi32>], vector<16xf32>,
    %min3A_1539 = arith.minimumf %gather3A_1511, %gather3A_1514 : vector<16xf32>
    %min3A_1540 = arith.minimumf %min3A_1539, %gather3A_1517 : vector<16xf32>
    %min3A_1541 = arith.minimumf %min3A_1540, %gather3A_1520 : vector<16xf32>
    %min3A_1542 = arith.minimumf %min3A_1541, %gather3A_1523 : vector<16xf32>
    %min3A_1543 = arith.minimumf %min3A_1542, %gather3A_1526 : vector<16xf32>
    %min3A_1544 = arith.minimumf %min3A_1543, %gather3A_1529 : vector<16xf32>
    %min3A_1545 = arith.minimumf %min3A_1544, %gather3A_1532 : vector<16xf32>
    %min3A_1546 = arith.minimumf %min3A_1545, %gather3A_1535 : vector<16xf32>
    %min3A_1547 = arith.minimumf %min3A_1546, %gather3A_1538 : vector<16xf32>
    %broadcast_in_dim3A_1548 = arith.constant 99 : i32
    %broadcast_in_dim3A_1549 = vector.broadcast %broadcast_in_dim3A_1548 : i32 to vector<16xi32>
    %eq3A_1550 = arith.cmpf oeq, %gather3A_1511, %min3A_1547 : vector<16xf32>
    %jit3A_1551 = arith.constant 0 : i32
    %jit3A_1552 = arith.constant 99 : i32
    %broadcast_in_dim3A_1553 = vector.broadcast %jit3A_1551 : i32 to vector<16xi32>
    %broadcast_in_dim3A_1554 = vector.broadcast %jit3A_1552 : i32 to vector<16xi32>
    %select_n3A_1555 = arith.select %eq3A_1550, %broadcast_in_dim3A_1553, %broadcast_in_dim3A_1554 : vector<16xi1>, vector<16xi32>
    %min3A_1556 = arith.minsi %broadcast_in_dim3A_1549, %select_n3A_1555 : vector<16xi32>
    %eq3A_1557 = arith.cmpf oeq, %gather3A_1514, %min3A_1547 : vector<16xf32>
    %jit3A_1558 = arith.constant 1 : i32
    %jit3A_1559 = arith.constant 99 : i32
    %broadcast_in_dim3A_1560 = vector.broadcast %jit3A_1558 : i32 to vector<16xi32>
    %broadcast_in_dim3A_1561 = vector.broadcast %jit3A_1559 : i32 to vector<16xi32>
    %select_n3A_1562 = arith.select %eq3A_1557, %broadcast_in_dim3A_1560, %broadcast_in_dim3A_1561 : vector<16xi1>, vector<16xi32>
    %min3A_1563 = arith.minsi %min3A_1556, %select_n3A_1562 : vector<16xi32>
    %eq3A_1564 = arith.cmpf oeq, %gather3A_1517, %min3A_1547 : vector<16xf32>
    %jit3A_1565 = arith.constant 2 : i32
    %jit3A_1566 = arith.constant 99 : i32
    %broadcast_in_dim3A_1567 = vector.broadcast %jit3A_1565 : i32 to vector<16xi32>
    %broadcast_in_dim3A_1568 = vector.broadcast %jit3A_1566 : i32 to vector<16xi32>
    %select_n3A_1569 = arith.select %eq3A_1564, %broadcast_in_dim3A_1567, %broadcast_in_dim3A_1568 : vector<16xi1>, vector<16xi32>
    %min3A_1570 = arith.minsi %min3A_1563, %select_n3A_1569 : vector<16xi32>
    %eq3A_1571 = arith.cmpf oeq, %gather3A_1520, %min3A_1547 : vector<16xf32>
    %jit3A_1572 = arith.constant 3 : i32
    %jit3A_1573 = arith.constant 99 : i32
    %broadcast_in_dim3A_1574 = vector.broadcast %jit3A_1572 : i32 to vector<16xi32>
    %broadcast_in_dim3A_1575 = vector.broadcast %jit3A_1573 : i32 to vector<16xi32>
    %select_n3A_1576 = arith.select %eq3A_1571, %broadcast_in_dim3A_1574, %broadcast_in_dim3A_1575 : vector<16xi1>, vector<16xi32>
    %min3A_1577 = arith.minsi %min3A_1570, %select_n3A_1576 : vector<16xi32>
    %eq3A_1578 = arith.cmpf oeq, %gather3A_1523, %min3A_1547 : vector<16xf32>
    %jit3A_1579 = arith.constant 4 : i32
    %jit3A_1580 = arith.constant 99 : i32
    %broadcast_in_dim3A_1581 = vector.broadcast %jit3A_1579 : i32 to vector<16xi32>
    %broadcast_in_dim3A_1582 = vector.broadcast %jit3A_1580 : i32 to vector<16xi32>
    %select_n3A_1583 = arith.select %eq3A_1578, %broadcast_in_dim3A_1581, %broadcast_in_dim3A_1582 : vector<16xi1>, vector<16xi32>
    %min3A_1584 = arith.minsi %min3A_1577, %select_n3A_1583 : vector<16xi32>
    %eq3A_1585 = arith.cmpf oeq, %gather3A_1526, %min3A_1547 : vector<16xf32>
    %jit3A_1586 = arith.constant 5 : i32
    %jit3A_1587 = arith.constant 99 : i32
    %broadcast_in_dim3A_1588 = vector.broadcast %jit3A_1586 : i32 to vector<16xi32>
    %broadcast_in_dim3A_1589 = vector.broadcast %jit3A_1587 : i32 to vector<16xi32>
    %select_n3A_1590 = arith.select %eq3A_1585, %broadcast_in_dim3A_1588, %broadcast_in_dim3A_1589 : vector<16xi1>, vector<16xi32>
    %min3A_1591 = arith.minsi %min3A_1584, %select_n3A_1590 : vector<16xi32>
    %eq3A_1592 = arith.cmpf oeq, %gather3A_1529, %min3A_1547 : vector<16xf32>
    %jit3A_1593 = arith.constant 6 : i32
    %jit3A_1594 = arith.constant 99 : i32
    %broadcast_in_dim3A_1595 = vector.broadcast %jit3A_1593 : i32 to vector<16xi32>
    %broadcast_in_dim3A_1596 = vector.broadcast %jit3A_1594 : i32 to vector<16xi32>
    %select_n3A_1597 = arith.select %eq3A_1592, %broadcast_in_dim3A_1595, %broadcast_in_dim3A_1596 : vector<16xi1>, vector<16xi32>
    %min3A_1598 = arith.minsi %min3A_1591, %select_n3A_1597 : vector<16xi32>
    %eq3A_1599 = arith.cmpf oeq, %gather3A_1532, %min3A_1547 : vector<16xf32>
    %jit3A_1600 = arith.constant 7 : i32
    %jit3A_1601 = arith.constant 99 : i32
    %broadcast_in_dim3A_1602 = vector.broadcast %jit3A_1600 : i32 to vector<16xi32>
    %broadcast_in_dim3A_1603 = vector.broadcast %jit3A_1601 : i32 to vector<16xi32>
    %select_n3A_1604 = arith.select %eq3A_1599, %broadcast_in_dim3A_1602, %broadcast_in_dim3A_1603 : vector<16xi1>, vector<16xi32>
    %min3A_1605 = arith.minsi %min3A_1598, %select_n3A_1604 : vector<16xi32>
    %eq3A_1606 = arith.cmpf oeq, %gather3A_1535, %min3A_1547 : vector<16xf32>
    %jit3A_1607 = arith.constant 8 : i32
    %jit3A_1608 = arith.constant 99 : i32
    %broadcast_in_dim3A_1609 = vector.broadcast %jit3A_1607 : i32 to vector<16xi32>
    %broadcast_in_dim3A_1610 = vector.broadcast %jit3A_1608 : i32 to vector<16xi32>
    %select_n3A_1611 = arith.select %eq3A_1606, %broadcast_in_dim3A_1609, %broadcast_in_dim3A_1610 : vector<16xi1>, vector<16xi32>
    %min3A_1612 = arith.minsi %min3A_1605, %select_n3A_1611 : vector<16xi32>
    %eq3A_1613 = arith.cmpf oeq, %gather3A_1538, %min3A_1547 : vector<16xf32>
    %jit3A_1614 = arith.constant 9 : i32
    %jit3A_1615 = arith.constant 99 : i32
    %broadcast_in_dim3A_1616 = vector.broadcast %jit3A_1614 : i32 to vector<16xi32>
    %broadcast_in_dim3A_1617 = vector.broadcast %jit3A_1615 : i32 to vector<16xi32>
    %select_n3A_1618 = arith.select %eq3A_1613, %broadcast_in_dim3A_1616, %broadcast_in_dim3A_1617 : vector<16xi1>, vector<16xi32>
    %min3A_1619 = arith.minsi %min3A_1612, %select_n3A_1618 : vector<16xi32>
    %get3A_1620 = arith.constant 80 : index
    %get3A_1621 = tpu.vector_load %arg11[%get3A_1620] {strides = array<i32>} : memref<128xi32, #tpu.memory_space<vmem>>, vector<16xi32>,
    %gather3A_1622 = tpu.vector_load_idx %arg10[%get3A_1621] : memref<4096xf32, #tpu.memory_space<vmem>>[vector<16xi32>], vector<16xf32>,
    %gt3A_1623 = arith.cmpf ogt, %gather3A_1622, %min3A_1547 : vector<16xf32>
    %select_n3A_1624 = arith.select %gt3A_1623, %gather3A_1622, %min3A_1547 : vector<16xi1>, vector<16xf32>
    %eq3A_1625 = arith.constant 0 : i32
    %eq3A_1626 = vector.broadcast %eq3A_1625 : i32 to vector<16xi32>
    %eq3A_1627 = arith.cmpi eq, %min3A_1619, %eq3A_1626 : vector<16xi32>
    %select_n3A_1628 = arith.select %eq3A_1627, %select_n3A_1624, %gather3A_1511 : vector<16xi1>, vector<16xf32>
    %eq3A_1629 = arith.constant 1 : i32
    %eq3A_1630 = vector.broadcast %eq3A_1629 : i32 to vector<16xi32>
    %eq3A_1631 = arith.cmpi eq, %min3A_1619, %eq3A_1630 : vector<16xi32>
    %select_n3A_1632 = arith.select %eq3A_1631, %select_n3A_1624, %gather3A_1514 : vector<16xi1>, vector<16xf32>
    %eq3A_1633 = arith.constant 2 : i32
    %eq3A_1634 = vector.broadcast %eq3A_1633 : i32 to vector<16xi32>
    %eq3A_1635 = arith.cmpi eq, %min3A_1619, %eq3A_1634 : vector<16xi32>
    %select_n3A_1636 = arith.select %eq3A_1635, %select_n3A_1624, %gather3A_1517 : vector<16xi1>, vector<16xf32>
    %eq3A_1637 = arith.constant 3 : i32
    %eq3A_1638 = vector.broadcast %eq3A_1637 : i32 to vector<16xi32>
    %eq3A_1639 = arith.cmpi eq, %min3A_1619, %eq3A_1638 : vector<16xi32>
    %select_n3A_1640 = arith.select %eq3A_1639, %select_n3A_1624, %gather3A_1520 : vector<16xi1>, vector<16xf32>
    %eq3A_1641 = arith.constant 4 : i32
    %eq3A_1642 = vector.broadcast %eq3A_1641 : i32 to vector<16xi32>
    %eq3A_1643 = arith.cmpi eq, %min3A_1619, %eq3A_1642 : vector<16xi32>
    %select_n3A_1644 = arith.select %eq3A_1643, %select_n3A_1624, %gather3A_1523 : vector<16xi1>, vector<16xf32>
    %eq3A_1645 = arith.constant 5 : i32
    %eq3A_1646 = vector.broadcast %eq3A_1645 : i32 to vector<16xi32>
    %eq3A_1647 = arith.cmpi eq, %min3A_1619, %eq3A_1646 : vector<16xi32>
    %select_n3A_1648 = arith.select %eq3A_1647, %select_n3A_1624, %gather3A_1526 : vector<16xi1>, vector<16xf32>
    %eq3A_1649 = arith.constant 6 : i32
    %eq3A_1650 = vector.broadcast %eq3A_1649 : i32 to vector<16xi32>
    %eq3A_1651 = arith.cmpi eq, %min3A_1619, %eq3A_1650 : vector<16xi32>
    %select_n3A_1652 = arith.select %eq3A_1651, %select_n3A_1624, %gather3A_1529 : vector<16xi1>, vector<16xf32>
    %eq3A_1653 = arith.constant 7 : i32
    %eq3A_1654 = vector.broadcast %eq3A_1653 : i32 to vector<16xi32>
    %eq3A_1655 = arith.cmpi eq, %min3A_1619, %eq3A_1654 : vector<16xi32>
    %select_n3A_1656 = arith.select %eq3A_1655, %select_n3A_1624, %gather3A_1532 : vector<16xi1>, vector<16xf32>
    %eq3A_1657 = arith.constant 8 : i32
    %eq3A_1658 = vector.broadcast %eq3A_1657 : i32 to vector<16xi32>
    %eq3A_1659 = arith.cmpi eq, %min3A_1619, %eq3A_1658 : vector<16xi32>
    %select_n3A_1660 = arith.select %eq3A_1659, %select_n3A_1624, %gather3A_1535 : vector<16xi1>, vector<16xf32>
    %eq3A_1661 = arith.constant 9 : i32
    %eq3A_1662 = vector.broadcast %eq3A_1661 : i32 to vector<16xi32>
    %eq3A_1663 = arith.cmpi eq, %min3A_1619, %eq3A_1662 : vector<16xi32>
    %select_n3A_1664 = arith.select %eq3A_1663, %select_n3A_1624, %gather3A_1538 : vector<16xi1>, vector<16xf32>
    %max3A_1665 = arith.maximumf %select_n3A_1628, %select_n3A_1632 : vector<16xf32>
    %max3A_1666 = arith.maximumf %max3A_1665, %select_n3A_1636 : vector<16xf32>
    %max3A_1667 = arith.maximumf %max3A_1666, %select_n3A_1640 : vector<16xf32>
    %max3A_1668 = arith.maximumf %max3A_1667, %select_n3A_1644 : vector<16xf32>
    %max3A_1669 = arith.maximumf %max3A_1668, %select_n3A_1648 : vector<16xf32>
    %max3A_1670 = arith.maximumf %max3A_1669, %select_n3A_1652 : vector<16xf32>
    %max3A_1671 = arith.maximumf %max3A_1670, %select_n3A_1656 : vector<16xf32>
    %max3A_1672 = arith.maximumf %max3A_1671, %select_n3A_1660 : vector<16xf32>
    %max3A_1673 = arith.maximumf %max3A_1672, %select_n3A_1664 : vector<16xf32>
    %broadcast_in_dim3A_1674 = arith.constant 99 : i32
    %broadcast_in_dim3A_1675 = vector.broadcast %broadcast_in_dim3A_1674 : i32 to vector<16xi32>
    %eq3A_1676 = arith.cmpf oeq, %select_n3A_1628, %max3A_1673 : vector<16xf32>
    %jit3A_1677 = arith.constant 0 : i32
    %jit3A_1678 = arith.constant 99 : i32
    %broadcast_in_dim3A_1679 = vector.broadcast %jit3A_1677 : i32 to vector<16xi32>
    %broadcast_in_dim3A_1680 = vector.broadcast %jit3A_1678 : i32 to vector<16xi32>
    %select_n3A_1681 = arith.select %eq3A_1676, %broadcast_in_dim3A_1679, %broadcast_in_dim3A_1680 : vector<16xi1>, vector<16xi32>
    %min3A_1682 = arith.minsi %broadcast_in_dim3A_1675, %select_n3A_1681 : vector<16xi32>
    %eq3A_1683 = arith.cmpf oeq, %select_n3A_1632, %max3A_1673 : vector<16xf32>
    %jit3A_1684 = arith.constant 1 : i32
    %jit3A_1685 = arith.constant 99 : i32
    %broadcast_in_dim3A_1686 = vector.broadcast %jit3A_1684 : i32 to vector<16xi32>
    %broadcast_in_dim3A_1687 = vector.broadcast %jit3A_1685 : i32 to vector<16xi32>
    %select_n3A_1688 = arith.select %eq3A_1683, %broadcast_in_dim3A_1686, %broadcast_in_dim3A_1687 : vector<16xi1>, vector<16xi32>
    %min3A_1689 = arith.minsi %min3A_1682, %select_n3A_1688 : vector<16xi32>
    %eq3A_1690 = arith.cmpf oeq, %select_n3A_1636, %max3A_1673 : vector<16xf32>
    %jit3A_1691 = arith.constant 2 : i32
    %jit3A_1692 = arith.constant 99 : i32
    %broadcast_in_dim3A_1693 = vector.broadcast %jit3A_1691 : i32 to vector<16xi32>
    %broadcast_in_dim3A_1694 = vector.broadcast %jit3A_1692 : i32 to vector<16xi32>
    %select_n3A_1695 = arith.select %eq3A_1690, %broadcast_in_dim3A_1693, %broadcast_in_dim3A_1694 : vector<16xi1>, vector<16xi32>
    %min3A_1696 = arith.minsi %min3A_1689, %select_n3A_1695 : vector<16xi32>
    %eq3A_1697 = arith.cmpf oeq, %select_n3A_1640, %max3A_1673 : vector<16xf32>
    %jit3A_1698 = arith.constant 3 : i32
    %jit3A_1699 = arith.constant 99 : i32
    %broadcast_in_dim3A_1700 = vector.broadcast %jit3A_1698 : i32 to vector<16xi32>
    %broadcast_in_dim3A_1701 = vector.broadcast %jit3A_1699 : i32 to vector<16xi32>
    %select_n3A_1702 = arith.select %eq3A_1697, %broadcast_in_dim3A_1700, %broadcast_in_dim3A_1701 : vector<16xi1>, vector<16xi32>
    %min3A_1703 = arith.minsi %min3A_1696, %select_n3A_1702 : vector<16xi32>
    %eq3A_1704 = arith.cmpf oeq, %select_n3A_1644, %max3A_1673 : vector<16xf32>
    %jit3A_1705 = arith.constant 4 : i32
    %jit3A_1706 = arith.constant 99 : i32
    %broadcast_in_dim3A_1707 = vector.broadcast %jit3A_1705 : i32 to vector<16xi32>
    %broadcast_in_dim3A_1708 = vector.broadcast %jit3A_1706 : i32 to vector<16xi32>
    %select_n3A_1709 = arith.select %eq3A_1704, %broadcast_in_dim3A_1707, %broadcast_in_dim3A_1708 : vector<16xi1>, vector<16xi32>
    %min3A_1710 = arith.minsi %min3A_1703, %select_n3A_1709 : vector<16xi32>
    %eq3A_1711 = arith.cmpf oeq, %select_n3A_1648, %max3A_1673 : vector<16xf32>
    %jit3A_1712 = arith.constant 5 : i32
    %jit3A_1713 = arith.constant 99 : i32
    %broadcast_in_dim3A_1714 = vector.broadcast %jit3A_1712 : i32 to vector<16xi32>
    %broadcast_in_dim3A_1715 = vector.broadcast %jit3A_1713 : i32 to vector<16xi32>
    %select_n3A_1716 = arith.select %eq3A_1711, %broadcast_in_dim3A_1714, %broadcast_in_dim3A_1715 : vector<16xi1>, vector<16xi32>
    %min3A_1717 = arith.minsi %min3A_1710, %select_n3A_1716 : vector<16xi32>
    %eq3A_1718 = arith.cmpf oeq, %select_n3A_1652, %max3A_1673 : vector<16xf32>
    %jit3A_1719 = arith.constant 6 : i32
    %jit3A_1720 = arith.constant 99 : i32
    %broadcast_in_dim3A_1721 = vector.broadcast %jit3A_1719 : i32 to vector<16xi32>
    %broadcast_in_dim3A_1722 = vector.broadcast %jit3A_1720 : i32 to vector<16xi32>
    %select_n3A_1723 = arith.select %eq3A_1718, %broadcast_in_dim3A_1721, %broadcast_in_dim3A_1722 : vector<16xi1>, vector<16xi32>
    %min3A_1724 = arith.minsi %min3A_1717, %select_n3A_1723 : vector<16xi32>
    %eq3A_1725 = arith.cmpf oeq, %select_n3A_1656, %max3A_1673 : vector<16xf32>
    %jit3A_1726 = arith.constant 7 : i32
    %jit3A_1727 = arith.constant 99 : i32
    %broadcast_in_dim3A_1728 = vector.broadcast %jit3A_1726 : i32 to vector<16xi32>
    %broadcast_in_dim3A_1729 = vector.broadcast %jit3A_1727 : i32 to vector<16xi32>
    %select_n3A_1730 = arith.select %eq3A_1725, %broadcast_in_dim3A_1728, %broadcast_in_dim3A_1729 : vector<16xi1>, vector<16xi32>
    %min3A_1731 = arith.minsi %min3A_1724, %select_n3A_1730 : vector<16xi32>
    %eq3A_1732 = arith.cmpf oeq, %select_n3A_1660, %max3A_1673 : vector<16xf32>
    %jit3A_1733 = arith.constant 8 : i32
    %jit3A_1734 = arith.constant 99 : i32
    %broadcast_in_dim3A_1735 = vector.broadcast %jit3A_1733 : i32 to vector<16xi32>
    %broadcast_in_dim3A_1736 = vector.broadcast %jit3A_1734 : i32 to vector<16xi32>
    %select_n3A_1737 = arith.select %eq3A_1732, %broadcast_in_dim3A_1735, %broadcast_in_dim3A_1736 : vector<16xi1>, vector<16xi32>
    %min3A_1738 = arith.minsi %min3A_1731, %select_n3A_1737 : vector<16xi32>
    %eq3A_1739 = arith.cmpf oeq, %select_n3A_1664, %max3A_1673 : vector<16xf32>
    %jit3A_1740 = arith.constant 9 : i32
    %jit3A_1741 = arith.constant 99 : i32
    %broadcast_in_dim3A_1742 = vector.broadcast %jit3A_1740 : i32 to vector<16xi32>
    %broadcast_in_dim3A_1743 = vector.broadcast %jit3A_1741 : i32 to vector<16xi32>
    %select_n3A_1744 = arith.select %eq3A_1739, %broadcast_in_dim3A_1742, %broadcast_in_dim3A_1743 : vector<16xi1>, vector<16xi32>
    %min3A_1745 = arith.minsi %min3A_1738, %select_n3A_1744 : vector<16xi32>
    %sub3A_1746 = arith.subf %select_n3A_1628, %max3A_1673 : vector<16xf32>
    %exp3A_1747 = math.exp %sub3A_1746 : vector<16xf32>
    %sub3A_1748 = arith.subf %select_n3A_1632, %max3A_1673 : vector<16xf32>
    %exp3A_1749 = math.exp %sub3A_1748 : vector<16xf32>
    %add3A_1750 = arith.addf %exp3A_1747, %exp3A_1749 : vector<16xf32>
    %sub3A_1751 = arith.subf %select_n3A_1636, %max3A_1673 : vector<16xf32>
    %exp3A_1752 = math.exp %sub3A_1751 : vector<16xf32>
    %add3A_1753 = arith.addf %add3A_1750, %exp3A_1752 : vector<16xf32>
    %sub3A_1754 = arith.subf %select_n3A_1640, %max3A_1673 : vector<16xf32>
    %exp3A_1755 = math.exp %sub3A_1754 : vector<16xf32>
    %add3A_1756 = arith.addf %add3A_1753, %exp3A_1755 : vector<16xf32>
    %sub3A_1757 = arith.subf %select_n3A_1644, %max3A_1673 : vector<16xf32>
    %exp3A_1758 = math.exp %sub3A_1757 : vector<16xf32>
    %add3A_1759 = arith.addf %add3A_1756, %exp3A_1758 : vector<16xf32>
    %sub3A_1760 = arith.subf %select_n3A_1648, %max3A_1673 : vector<16xf32>
    %exp3A_1761 = math.exp %sub3A_1760 : vector<16xf32>
    %add3A_1762 = arith.addf %add3A_1759, %exp3A_1761 : vector<16xf32>
    %sub3A_1763 = arith.subf %select_n3A_1652, %max3A_1673 : vector<16xf32>
    %exp3A_1764 = math.exp %sub3A_1763 : vector<16xf32>
    %add3A_1765 = arith.addf %add3A_1762, %exp3A_1764 : vector<16xf32>
    %sub3A_1766 = arith.subf %select_n3A_1656, %max3A_1673 : vector<16xf32>
    %exp3A_1767 = math.exp %sub3A_1766 : vector<16xf32>
    %add3A_1768 = arith.addf %add3A_1765, %exp3A_1767 : vector<16xf32>
    %sub3A_1769 = arith.subf %select_n3A_1660, %max3A_1673 : vector<16xf32>
    %exp3A_1770 = math.exp %sub3A_1769 : vector<16xf32>
    %add3A_1771 = arith.addf %add3A_1768, %exp3A_1770 : vector<16xf32>
    %sub3A_1772 = arith.subf %select_n3A_1664, %max3A_1673 : vector<16xf32>
    %exp3A_1773 = math.exp %sub3A_1772 : vector<16xf32>
    %add3A_1774 = arith.addf %add3A_1771, %exp3A_1773 : vector<16xf32>
    %eq3A_1775 = arith.cmpi eq, %min3A_1745, %min3A_1619 : vector<16xi32>
    %and3A_1776 = arith.andi %eq3A_1775, %gt3A_1623 : vector<16xi1>
    %add3A_1777 = arith.constant 80 : i32
    %add3A_1778 = arith.addi %mul3A_2, %add3A_1777 : i32
    %add3A_1779 = vector.broadcast %add3A_1778 : i32 to vector<16xi32>
    %add3A_1780 = arith.addi %add3A_1779, %iota3A : vector<16xi32>
    %swap3A_1781 = arith.constant 80 : index
    %swap3A_1782 = tpu.vector_load %arg14[%swap3A_1781] {strides = array<i32>} : memref<128xf32, #tpu.memory_space<vmem>>, vector<16xf32>,
    tpu.vector_store %arg14[%swap3A_1781], %add3A_1774 {strides = array<i32>} : memref<128xf32, #tpu.memory_space<vmem>>, vector<16xf32>,
    %mul3A_1783 = arith.constant 10000 : i32
    %mul3A_1784 = vector.broadcast %mul3A_1783 : i32 to vector<16xi32>
    %mul3A_1785 = arith.muli %min3A_1745, %mul3A_1784 : vector<16xi32>
    %add3A_1786 = arith.addi %mul3A_1785, %get3A_1505 : vector<16xi32>
    %swap3A_1787 = arith.constant 80 : index
    %swap3A_1788 = tpu.vector_load %arg15[%swap3A_1787] {strides = array<i32>} : memref<128xi32, #tpu.memory_space<vmem>>, vector<16xi32>,
    tpu.vector_store %arg15[%swap3A_1787], %add3A_1786 {strides = array<i32>} : memref<128xi32, #tpu.memory_space<vmem>>, vector<16xi32>,
    %swap3A_1789 = arith.constant 80 : index
    %swap3A_1790 = tpu.vector_load %arg16[%swap3A_1789] {strides = array<i32>} : memref<128xi32, #tpu.memory_space<vmem>>, vector<16xi32>,
    tpu.vector_store %arg16[%swap3A_1789], %get3A_1621 {strides = array<i32>} : memref<128xi32, #tpu.memory_space<vmem>>, vector<16xi32>,
    %jit3A_1791 = arith.constant 4096 : i32
    %broadcast_in_dim3A_1792 = vector.broadcast %jit3A_1791 : i32 to vector<16xi32>
    %select_n3A_1793 = arith.select %and3A_1776, %broadcast_in_dim3A_1792, %add3A_1780 : vector<16xi1>, vector<16xi32>
    %swap3A_1794 = arith.constant 80 : index
    %swap3A_1795 = tpu.vector_load %arg17[%swap3A_1794] {strides = array<i32>} : memref<128xi32, #tpu.memory_space<vmem>>, vector<16xi32>,
    tpu.vector_store %arg17[%swap3A_1794], %select_n3A_1793 {strides = array<i32>} : memref<128xi32, #tpu.memory_space<vmem>>, vector<16xi32>,
    %jit3A_1796 = arith.constant 0 : i32
    %jit3A_1797 = arith.constant 1 : i32
    %broadcast_in_dim3A_1798 = vector.broadcast %jit3A_1796 : i32 to vector<16xi32>
    %broadcast_in_dim3A_1799 = vector.broadcast %jit3A_1797 : i32 to vector<16xi32>
    %select_n3A_1800 = arith.select %and3A_1776, %broadcast_in_dim3A_1798, %broadcast_in_dim3A_1799 : vector<16xi1>, vector<16xi32>
    %reduce_sum3A_1801 = arith.constant true
    %reduce_sum3A_1802 = vector.broadcast %reduce_sum3A_1801 : i1 to vector<16xi1>
    %reduce_sum3A_1803 = tpu.scan <sum>, %select_n3A_1800 masked %reduce_sum3A_1802 : vector<16xi32>, vector<16xi1> -> vector<16xi32>
    %reduce_sum3A_1804 = vector.extract %reduce_sum3A_1803[15] : i32 from vector<16xi32>
    %add3A_1805 = arith.addi %add3A_1503, %reduce_sum3A_1804 : i32
    %get3A_1806 = arith.constant 96 : index
    %get3A_1807 = tpu.vector_load %arg12[%get3A_1806] {strides = array<i32>} : memref<128xi32, #tpu.memory_space<vmem>>, vector<16xi32>,
    %add3A_1808 = arith.constant 96 : i32
    %add3A_1809 = vector.broadcast %add3A_1808 : i32 to vector<16xi32>
    %add3A_1810 = arith.addi %iota3A, %add3A_1809 : vector<16xi32>
    %broadcast_in_dim3A_1811 = arith.constant 0 : i32
    %broadcast_in_dim3A_1812 = vector.broadcast %broadcast_in_dim3A_1811 : i32 to vector<16xi32>
    %gather3A_1813 = tpu.vector_load_idx %arg13[%add3A_1810, %broadcast_in_dim3A_1812] : memref<128x128xf32, #tpu.memory_space<vmem>>[vector<16xi32>, vector<16xi32>], vector<16xf32>,
    %broadcast_in_dim3A_1814 = arith.constant 1 : i32
    %broadcast_in_dim3A_1815 = vector.broadcast %broadcast_in_dim3A_1814 : i32 to vector<16xi32>
    %gather3A_1816 = tpu.vector_load_idx %arg13[%add3A_1810, %broadcast_in_dim3A_1815] : memref<128x128xf32, #tpu.memory_space<vmem>>[vector<16xi32>, vector<16xi32>], vector<16xf32>,
    %broadcast_in_dim3A_1817 = arith.constant 2 : i32
    %broadcast_in_dim3A_1818 = vector.broadcast %broadcast_in_dim3A_1817 : i32 to vector<16xi32>
    %gather3A_1819 = tpu.vector_load_idx %arg13[%add3A_1810, %broadcast_in_dim3A_1818] : memref<128x128xf32, #tpu.memory_space<vmem>>[vector<16xi32>, vector<16xi32>], vector<16xf32>,
    %broadcast_in_dim3A_1820 = arith.constant 3 : i32
    %broadcast_in_dim3A_1821 = vector.broadcast %broadcast_in_dim3A_1820 : i32 to vector<16xi32>
    %gather3A_1822 = tpu.vector_load_idx %arg13[%add3A_1810, %broadcast_in_dim3A_1821] : memref<128x128xf32, #tpu.memory_space<vmem>>[vector<16xi32>, vector<16xi32>], vector<16xf32>,
    %broadcast_in_dim3A_1823 = arith.constant 4 : i32
    %broadcast_in_dim3A_1824 = vector.broadcast %broadcast_in_dim3A_1823 : i32 to vector<16xi32>
    %gather3A_1825 = tpu.vector_load_idx %arg13[%add3A_1810, %broadcast_in_dim3A_1824] : memref<128x128xf32, #tpu.memory_space<vmem>>[vector<16xi32>, vector<16xi32>], vector<16xf32>,
    %broadcast_in_dim3A_1826 = arith.constant 5 : i32
    %broadcast_in_dim3A_1827 = vector.broadcast %broadcast_in_dim3A_1826 : i32 to vector<16xi32>
    %gather3A_1828 = tpu.vector_load_idx %arg13[%add3A_1810, %broadcast_in_dim3A_1827] : memref<128x128xf32, #tpu.memory_space<vmem>>[vector<16xi32>, vector<16xi32>], vector<16xf32>,
    %broadcast_in_dim3A_1829 = arith.constant 6 : i32
    %broadcast_in_dim3A_1830 = vector.broadcast %broadcast_in_dim3A_1829 : i32 to vector<16xi32>
    %gather3A_1831 = tpu.vector_load_idx %arg13[%add3A_1810, %broadcast_in_dim3A_1830] : memref<128x128xf32, #tpu.memory_space<vmem>>[vector<16xi32>, vector<16xi32>], vector<16xf32>,
    %broadcast_in_dim3A_1832 = arith.constant 7 : i32
    %broadcast_in_dim3A_1833 = vector.broadcast %broadcast_in_dim3A_1832 : i32 to vector<16xi32>
    %gather3A_1834 = tpu.vector_load_idx %arg13[%add3A_1810, %broadcast_in_dim3A_1833] : memref<128x128xf32, #tpu.memory_space<vmem>>[vector<16xi32>, vector<16xi32>], vector<16xf32>,
    %broadcast_in_dim3A_1835 = arith.constant 8 : i32
    %broadcast_in_dim3A_1836 = vector.broadcast %broadcast_in_dim3A_1835 : i32 to vector<16xi32>
    %gather3A_1837 = tpu.vector_load_idx %arg13[%add3A_1810, %broadcast_in_dim3A_1836] : memref<128x128xf32, #tpu.memory_space<vmem>>[vector<16xi32>, vector<16xi32>], vector<16xf32>,
    %broadcast_in_dim3A_1838 = arith.constant 9 : i32
    %broadcast_in_dim3A_1839 = vector.broadcast %broadcast_in_dim3A_1838 : i32 to vector<16xi32>
    %gather3A_1840 = tpu.vector_load_idx %arg13[%add3A_1810, %broadcast_in_dim3A_1839] : memref<128x128xf32, #tpu.memory_space<vmem>>[vector<16xi32>, vector<16xi32>], vector<16xf32>,
    %min3A_1841 = arith.minimumf %gather3A_1813, %gather3A_1816 : vector<16xf32>
    %min3A_1842 = arith.minimumf %min3A_1841, %gather3A_1819 : vector<16xf32>
    %min3A_1843 = arith.minimumf %min3A_1842, %gather3A_1822 : vector<16xf32>
    %min3A_1844 = arith.minimumf %min3A_1843, %gather3A_1825 : vector<16xf32>
    %min3A_1845 = arith.minimumf %min3A_1844, %gather3A_1828 : vector<16xf32>
    %min3A_1846 = arith.minimumf %min3A_1845, %gather3A_1831 : vector<16xf32>
    %min3A_1847 = arith.minimumf %min3A_1846, %gather3A_1834 : vector<16xf32>
    %min3A_1848 = arith.minimumf %min3A_1847, %gather3A_1837 : vector<16xf32>
    %min3A_1849 = arith.minimumf %min3A_1848, %gather3A_1840 : vector<16xf32>
    %broadcast_in_dim3A_1850 = arith.constant 99 : i32
    %broadcast_in_dim3A_1851 = vector.broadcast %broadcast_in_dim3A_1850 : i32 to vector<16xi32>
    %eq3A_1852 = arith.cmpf oeq, %gather3A_1813, %min3A_1849 : vector<16xf32>
    %jit3A_1853 = arith.constant 0 : i32
    %jit3A_1854 = arith.constant 99 : i32
    %broadcast_in_dim3A_1855 = vector.broadcast %jit3A_1853 : i32 to vector<16xi32>
    %broadcast_in_dim3A_1856 = vector.broadcast %jit3A_1854 : i32 to vector<16xi32>
    %select_n3A_1857 = arith.select %eq3A_1852, %broadcast_in_dim3A_1855, %broadcast_in_dim3A_1856 : vector<16xi1>, vector<16xi32>
    %min3A_1858 = arith.minsi %broadcast_in_dim3A_1851, %select_n3A_1857 : vector<16xi32>
    %eq3A_1859 = arith.cmpf oeq, %gather3A_1816, %min3A_1849 : vector<16xf32>
    %jit3A_1860 = arith.constant 1 : i32
    %jit3A_1861 = arith.constant 99 : i32
    %broadcast_in_dim3A_1862 = vector.broadcast %jit3A_1860 : i32 to vector<16xi32>
    %broadcast_in_dim3A_1863 = vector.broadcast %jit3A_1861 : i32 to vector<16xi32>
    %select_n3A_1864 = arith.select %eq3A_1859, %broadcast_in_dim3A_1862, %broadcast_in_dim3A_1863 : vector<16xi1>, vector<16xi32>
    %min3A_1865 = arith.minsi %min3A_1858, %select_n3A_1864 : vector<16xi32>
    %eq3A_1866 = arith.cmpf oeq, %gather3A_1819, %min3A_1849 : vector<16xf32>
    %jit3A_1867 = arith.constant 2 : i32
    %jit3A_1868 = arith.constant 99 : i32
    %broadcast_in_dim3A_1869 = vector.broadcast %jit3A_1867 : i32 to vector<16xi32>
    %broadcast_in_dim3A_1870 = vector.broadcast %jit3A_1868 : i32 to vector<16xi32>
    %select_n3A_1871 = arith.select %eq3A_1866, %broadcast_in_dim3A_1869, %broadcast_in_dim3A_1870 : vector<16xi1>, vector<16xi32>
    %min3A_1872 = arith.minsi %min3A_1865, %select_n3A_1871 : vector<16xi32>
    %eq3A_1873 = arith.cmpf oeq, %gather3A_1822, %min3A_1849 : vector<16xf32>
    %jit3A_1874 = arith.constant 3 : i32
    %jit3A_1875 = arith.constant 99 : i32
    %broadcast_in_dim3A_1876 = vector.broadcast %jit3A_1874 : i32 to vector<16xi32>
    %broadcast_in_dim3A_1877 = vector.broadcast %jit3A_1875 : i32 to vector<16xi32>
    %select_n3A_1878 = arith.select %eq3A_1873, %broadcast_in_dim3A_1876, %broadcast_in_dim3A_1877 : vector<16xi1>, vector<16xi32>
    %min3A_1879 = arith.minsi %min3A_1872, %select_n3A_1878 : vector<16xi32>
    %eq3A_1880 = arith.cmpf oeq, %gather3A_1825, %min3A_1849 : vector<16xf32>
    %jit3A_1881 = arith.constant 4 : i32
    %jit3A_1882 = arith.constant 99 : i32
    %broadcast_in_dim3A_1883 = vector.broadcast %jit3A_1881 : i32 to vector<16xi32>
    %broadcast_in_dim3A_1884 = vector.broadcast %jit3A_1882 : i32 to vector<16xi32>
    %select_n3A_1885 = arith.select %eq3A_1880, %broadcast_in_dim3A_1883, %broadcast_in_dim3A_1884 : vector<16xi1>, vector<16xi32>
    %min3A_1886 = arith.minsi %min3A_1879, %select_n3A_1885 : vector<16xi32>
    %eq3A_1887 = arith.cmpf oeq, %gather3A_1828, %min3A_1849 : vector<16xf32>
    %jit3A_1888 = arith.constant 5 : i32
    %jit3A_1889 = arith.constant 99 : i32
    %broadcast_in_dim3A_1890 = vector.broadcast %jit3A_1888 : i32 to vector<16xi32>
    %broadcast_in_dim3A_1891 = vector.broadcast %jit3A_1889 : i32 to vector<16xi32>
    %select_n3A_1892 = arith.select %eq3A_1887, %broadcast_in_dim3A_1890, %broadcast_in_dim3A_1891 : vector<16xi1>, vector<16xi32>
    %min3A_1893 = arith.minsi %min3A_1886, %select_n3A_1892 : vector<16xi32>
    %eq3A_1894 = arith.cmpf oeq, %gather3A_1831, %min3A_1849 : vector<16xf32>
    %jit3A_1895 = arith.constant 6 : i32
    %jit3A_1896 = arith.constant 99 : i32
    %broadcast_in_dim3A_1897 = vector.broadcast %jit3A_1895 : i32 to vector<16xi32>
    %broadcast_in_dim3A_1898 = vector.broadcast %jit3A_1896 : i32 to vector<16xi32>
    %select_n3A_1899 = arith.select %eq3A_1894, %broadcast_in_dim3A_1897, %broadcast_in_dim3A_1898 : vector<16xi1>, vector<16xi32>
    %min3A_1900 = arith.minsi %min3A_1893, %select_n3A_1899 : vector<16xi32>
    %eq3A_1901 = arith.cmpf oeq, %gather3A_1834, %min3A_1849 : vector<16xf32>
    %jit3A_1902 = arith.constant 7 : i32
    %jit3A_1903 = arith.constant 99 : i32
    %broadcast_in_dim3A_1904 = vector.broadcast %jit3A_1902 : i32 to vector<16xi32>
    %broadcast_in_dim3A_1905 = vector.broadcast %jit3A_1903 : i32 to vector<16xi32>
    %select_n3A_1906 = arith.select %eq3A_1901, %broadcast_in_dim3A_1904, %broadcast_in_dim3A_1905 : vector<16xi1>, vector<16xi32>
    %min3A_1907 = arith.minsi %min3A_1900, %select_n3A_1906 : vector<16xi32>
    %eq3A_1908 = arith.cmpf oeq, %gather3A_1837, %min3A_1849 : vector<16xf32>
    %jit3A_1909 = arith.constant 8 : i32
    %jit3A_1910 = arith.constant 99 : i32
    %broadcast_in_dim3A_1911 = vector.broadcast %jit3A_1909 : i32 to vector<16xi32>
    %broadcast_in_dim3A_1912 = vector.broadcast %jit3A_1910 : i32 to vector<16xi32>
    %select_n3A_1913 = arith.select %eq3A_1908, %broadcast_in_dim3A_1911, %broadcast_in_dim3A_1912 : vector<16xi1>, vector<16xi32>
    %min3A_1914 = arith.minsi %min3A_1907, %select_n3A_1913 : vector<16xi32>
    %eq3A_1915 = arith.cmpf oeq, %gather3A_1840, %min3A_1849 : vector<16xf32>
    %jit3A_1916 = arith.constant 9 : i32
    %jit3A_1917 = arith.constant 99 : i32
    %broadcast_in_dim3A_1918 = vector.broadcast %jit3A_1916 : i32 to vector<16xi32>
    %broadcast_in_dim3A_1919 = vector.broadcast %jit3A_1917 : i32 to vector<16xi32>
    %select_n3A_1920 = arith.select %eq3A_1915, %broadcast_in_dim3A_1918, %broadcast_in_dim3A_1919 : vector<16xi1>, vector<16xi32>
    %min3A_1921 = arith.minsi %min3A_1914, %select_n3A_1920 : vector<16xi32>
    %get3A_1922 = arith.constant 96 : index
    %get3A_1923 = tpu.vector_load %arg11[%get3A_1922] {strides = array<i32>} : memref<128xi32, #tpu.memory_space<vmem>>, vector<16xi32>,
    %gather3A_1924 = tpu.vector_load_idx %arg10[%get3A_1923] : memref<4096xf32, #tpu.memory_space<vmem>>[vector<16xi32>], vector<16xf32>,
    %gt3A_1925 = arith.cmpf ogt, %gather3A_1924, %min3A_1849 : vector<16xf32>
    %select_n3A_1926 = arith.select %gt3A_1925, %gather3A_1924, %min3A_1849 : vector<16xi1>, vector<16xf32>
    %eq3A_1927 = arith.constant 0 : i32
    %eq3A_1928 = vector.broadcast %eq3A_1927 : i32 to vector<16xi32>
    %eq3A_1929 = arith.cmpi eq, %min3A_1921, %eq3A_1928 : vector<16xi32>
    %select_n3A_1930 = arith.select %eq3A_1929, %select_n3A_1926, %gather3A_1813 : vector<16xi1>, vector<16xf32>
    %eq3A_1931 = arith.constant 1 : i32
    %eq3A_1932 = vector.broadcast %eq3A_1931 : i32 to vector<16xi32>
    %eq3A_1933 = arith.cmpi eq, %min3A_1921, %eq3A_1932 : vector<16xi32>
    %select_n3A_1934 = arith.select %eq3A_1933, %select_n3A_1926, %gather3A_1816 : vector<16xi1>, vector<16xf32>
    %eq3A_1935 = arith.constant 2 : i32
    %eq3A_1936 = vector.broadcast %eq3A_1935 : i32 to vector<16xi32>
    %eq3A_1937 = arith.cmpi eq, %min3A_1921, %eq3A_1936 : vector<16xi32>
    %select_n3A_1938 = arith.select %eq3A_1937, %select_n3A_1926, %gather3A_1819 : vector<16xi1>, vector<16xf32>
    %eq3A_1939 = arith.constant 3 : i32
    %eq3A_1940 = vector.broadcast %eq3A_1939 : i32 to vector<16xi32>
    %eq3A_1941 = arith.cmpi eq, %min3A_1921, %eq3A_1940 : vector<16xi32>
    %select_n3A_1942 = arith.select %eq3A_1941, %select_n3A_1926, %gather3A_1822 : vector<16xi1>, vector<16xf32>
    %eq3A_1943 = arith.constant 4 : i32
    %eq3A_1944 = vector.broadcast %eq3A_1943 : i32 to vector<16xi32>
    %eq3A_1945 = arith.cmpi eq, %min3A_1921, %eq3A_1944 : vector<16xi32>
    %select_n3A_1946 = arith.select %eq3A_1945, %select_n3A_1926, %gather3A_1825 : vector<16xi1>, vector<16xf32>
    %eq3A_1947 = arith.constant 5 : i32
    %eq3A_1948 = vector.broadcast %eq3A_1947 : i32 to vector<16xi32>
    %eq3A_1949 = arith.cmpi eq, %min3A_1921, %eq3A_1948 : vector<16xi32>
    %select_n3A_1950 = arith.select %eq3A_1949, %select_n3A_1926, %gather3A_1828 : vector<16xi1>, vector<16xf32>
    %eq3A_1951 = arith.constant 6 : i32
    %eq3A_1952 = vector.broadcast %eq3A_1951 : i32 to vector<16xi32>
    %eq3A_1953 = arith.cmpi eq, %min3A_1921, %eq3A_1952 : vector<16xi32>
    %select_n3A_1954 = arith.select %eq3A_1953, %select_n3A_1926, %gather3A_1831 : vector<16xi1>, vector<16xf32>
    %eq3A_1955 = arith.constant 7 : i32
    %eq3A_1956 = vector.broadcast %eq3A_1955 : i32 to vector<16xi32>
    %eq3A_1957 = arith.cmpi eq, %min3A_1921, %eq3A_1956 : vector<16xi32>
    %select_n3A_1958 = arith.select %eq3A_1957, %select_n3A_1926, %gather3A_1834 : vector<16xi1>, vector<16xf32>
    %eq3A_1959 = arith.constant 8 : i32
    %eq3A_1960 = vector.broadcast %eq3A_1959 : i32 to vector<16xi32>
    %eq3A_1961 = arith.cmpi eq, %min3A_1921, %eq3A_1960 : vector<16xi32>
    %select_n3A_1962 = arith.select %eq3A_1961, %select_n3A_1926, %gather3A_1837 : vector<16xi1>, vector<16xf32>
    %eq3A_1963 = arith.constant 9 : i32
    %eq3A_1964 = vector.broadcast %eq3A_1963 : i32 to vector<16xi32>
    %eq3A_1965 = arith.cmpi eq, %min3A_1921, %eq3A_1964 : vector<16xi32>
    %select_n3A_1966 = arith.select %eq3A_1965, %select_n3A_1926, %gather3A_1840 : vector<16xi1>, vector<16xf32>
    %max3A_1967 = arith.maximumf %select_n3A_1930, %select_n3A_1934 : vector<16xf32>
    %max3A_1968 = arith.maximumf %max3A_1967, %select_n3A_1938 : vector<16xf32>
    %max3A_1969 = arith.maximumf %max3A_1968, %select_n3A_1942 : vector<16xf32>
    %max3A_1970 = arith.maximumf %max3A_1969, %select_n3A_1946 : vector<16xf32>
    %max3A_1971 = arith.maximumf %max3A_1970, %select_n3A_1950 : vector<16xf32>
    %max3A_1972 = arith.maximumf %max3A_1971, %select_n3A_1954 : vector<16xf32>
    %max3A_1973 = arith.maximumf %max3A_1972, %select_n3A_1958 : vector<16xf32>
    %max3A_1974 = arith.maximumf %max3A_1973, %select_n3A_1962 : vector<16xf32>
    %max3A_1975 = arith.maximumf %max3A_1974, %select_n3A_1966 : vector<16xf32>
    %broadcast_in_dim3A_1976 = arith.constant 99 : i32
    %broadcast_in_dim3A_1977 = vector.broadcast %broadcast_in_dim3A_1976 : i32 to vector<16xi32>
    %eq3A_1978 = arith.cmpf oeq, %select_n3A_1930, %max3A_1975 : vector<16xf32>
    %jit3A_1979 = arith.constant 0 : i32
    %jit3A_1980 = arith.constant 99 : i32
    %broadcast_in_dim3A_1981 = vector.broadcast %jit3A_1979 : i32 to vector<16xi32>
    %broadcast_in_dim3A_1982 = vector.broadcast %jit3A_1980 : i32 to vector<16xi32>
    %select_n3A_1983 = arith.select %eq3A_1978, %broadcast_in_dim3A_1981, %broadcast_in_dim3A_1982 : vector<16xi1>, vector<16xi32>
    %min3A_1984 = arith.minsi %broadcast_in_dim3A_1977, %select_n3A_1983 : vector<16xi32>
    %eq3A_1985 = arith.cmpf oeq, %select_n3A_1934, %max3A_1975 : vector<16xf32>
    %jit3A_1986 = arith.constant 1 : i32
    %jit3A_1987 = arith.constant 99 : i32
    %broadcast_in_dim3A_1988 = vector.broadcast %jit3A_1986 : i32 to vector<16xi32>
    %broadcast_in_dim3A_1989 = vector.broadcast %jit3A_1987 : i32 to vector<16xi32>
    %select_n3A_1990 = arith.select %eq3A_1985, %broadcast_in_dim3A_1988, %broadcast_in_dim3A_1989 : vector<16xi1>, vector<16xi32>
    %min3A_1991 = arith.minsi %min3A_1984, %select_n3A_1990 : vector<16xi32>
    %eq3A_1992 = arith.cmpf oeq, %select_n3A_1938, %max3A_1975 : vector<16xf32>
    %jit3A_1993 = arith.constant 2 : i32
    %jit3A_1994 = arith.constant 99 : i32
    %broadcast_in_dim3A_1995 = vector.broadcast %jit3A_1993 : i32 to vector<16xi32>
    %broadcast_in_dim3A_1996 = vector.broadcast %jit3A_1994 : i32 to vector<16xi32>
    %select_n3A_1997 = arith.select %eq3A_1992, %broadcast_in_dim3A_1995, %broadcast_in_dim3A_1996 : vector<16xi1>, vector<16xi32>
    %min3A_1998 = arith.minsi %min3A_1991, %select_n3A_1997 : vector<16xi32>
    %eq3A_1999 = arith.cmpf oeq, %select_n3A_1942, %max3A_1975 : vector<16xf32>
    %jit3A_2000 = arith.constant 3 : i32
    %jit3A_2001 = arith.constant 99 : i32
    %broadcast_in_dim3A_2002 = vector.broadcast %jit3A_2000 : i32 to vector<16xi32>
    %broadcast_in_dim3A_2003 = vector.broadcast %jit3A_2001 : i32 to vector<16xi32>
    %select_n3A_2004 = arith.select %eq3A_1999, %broadcast_in_dim3A_2002, %broadcast_in_dim3A_2003 : vector<16xi1>, vector<16xi32>
    %min3A_2005 = arith.minsi %min3A_1998, %select_n3A_2004 : vector<16xi32>
    %eq3A_2006 = arith.cmpf oeq, %select_n3A_1946, %max3A_1975 : vector<16xf32>
    %jit3A_2007 = arith.constant 4 : i32
    %jit3A_2008 = arith.constant 99 : i32
    %broadcast_in_dim3A_2009 = vector.broadcast %jit3A_2007 : i32 to vector<16xi32>
    %broadcast_in_dim3A_2010 = vector.broadcast %jit3A_2008 : i32 to vector<16xi32>
    %select_n3A_2011 = arith.select %eq3A_2006, %broadcast_in_dim3A_2009, %broadcast_in_dim3A_2010 : vector<16xi1>, vector<16xi32>
    %min3A_2012 = arith.minsi %min3A_2005, %select_n3A_2011 : vector<16xi32>
    %eq3A_2013 = arith.cmpf oeq, %select_n3A_1950, %max3A_1975 : vector<16xf32>
    %jit3A_2014 = arith.constant 5 : i32
    %jit3A_2015 = arith.constant 99 : i32
    %broadcast_in_dim3A_2016 = vector.broadcast %jit3A_2014 : i32 to vector<16xi32>
    %broadcast_in_dim3A_2017 = vector.broadcast %jit3A_2015 : i32 to vector<16xi32>
    %select_n3A_2018 = arith.select %eq3A_2013, %broadcast_in_dim3A_2016, %broadcast_in_dim3A_2017 : vector<16xi1>, vector<16xi32>
    %min3A_2019 = arith.minsi %min3A_2012, %select_n3A_2018 : vector<16xi32>
    %eq3A_2020 = arith.cmpf oeq, %select_n3A_1954, %max3A_1975 : vector<16xf32>
    %jit3A_2021 = arith.constant 6 : i32
    %jit3A_2022 = arith.constant 99 : i32
    %broadcast_in_dim3A_2023 = vector.broadcast %jit3A_2021 : i32 to vector<16xi32>
    %broadcast_in_dim3A_2024 = vector.broadcast %jit3A_2022 : i32 to vector<16xi32>
    %select_n3A_2025 = arith.select %eq3A_2020, %broadcast_in_dim3A_2023, %broadcast_in_dim3A_2024 : vector<16xi1>, vector<16xi32>
    %min3A_2026 = arith.minsi %min3A_2019, %select_n3A_2025 : vector<16xi32>
    %eq3A_2027 = arith.cmpf oeq, %select_n3A_1958, %max3A_1975 : vector<16xf32>
    %jit3A_2028 = arith.constant 7 : i32
    %jit3A_2029 = arith.constant 99 : i32
    %broadcast_in_dim3A_2030 = vector.broadcast %jit3A_2028 : i32 to vector<16xi32>
    %broadcast_in_dim3A_2031 = vector.broadcast %jit3A_2029 : i32 to vector<16xi32>
    %select_n3A_2032 = arith.select %eq3A_2027, %broadcast_in_dim3A_2030, %broadcast_in_dim3A_2031 : vector<16xi1>, vector<16xi32>
    %min3A_2033 = arith.minsi %min3A_2026, %select_n3A_2032 : vector<16xi32>
    %eq3A_2034 = arith.cmpf oeq, %select_n3A_1962, %max3A_1975 : vector<16xf32>
    %jit3A_2035 = arith.constant 8 : i32
    %jit3A_2036 = arith.constant 99 : i32
    %broadcast_in_dim3A_2037 = vector.broadcast %jit3A_2035 : i32 to vector<16xi32>
    %broadcast_in_dim3A_2038 = vector.broadcast %jit3A_2036 : i32 to vector<16xi32>
    %select_n3A_2039 = arith.select %eq3A_2034, %broadcast_in_dim3A_2037, %broadcast_in_dim3A_2038 : vector<16xi1>, vector<16xi32>
    %min3A_2040 = arith.minsi %min3A_2033, %select_n3A_2039 : vector<16xi32>
    %eq3A_2041 = arith.cmpf oeq, %select_n3A_1966, %max3A_1975 : vector<16xf32>
    %jit3A_2042 = arith.constant 9 : i32
    %jit3A_2043 = arith.constant 99 : i32
    %broadcast_in_dim3A_2044 = vector.broadcast %jit3A_2042 : i32 to vector<16xi32>
    %broadcast_in_dim3A_2045 = vector.broadcast %jit3A_2043 : i32 to vector<16xi32>
    %select_n3A_2046 = arith.select %eq3A_2041, %broadcast_in_dim3A_2044, %broadcast_in_dim3A_2045 : vector<16xi1>, vector<16xi32>
    %min3A_2047 = arith.minsi %min3A_2040, %select_n3A_2046 : vector<16xi32>
    %sub3A_2048 = arith.subf %select_n3A_1930, %max3A_1975 : vector<16xf32>
    %exp3A_2049 = math.exp %sub3A_2048 : vector<16xf32>
    %sub3A_2050 = arith.subf %select_n3A_1934, %max3A_1975 : vector<16xf32>
    %exp3A_2051 = math.exp %sub3A_2050 : vector<16xf32>
    %add3A_2052 = arith.addf %exp3A_2049, %exp3A_2051 : vector<16xf32>
    %sub3A_2053 = arith.subf %select_n3A_1938, %max3A_1975 : vector<16xf32>
    %exp3A_2054 = math.exp %sub3A_2053 : vector<16xf32>
    %add3A_2055 = arith.addf %add3A_2052, %exp3A_2054 : vector<16xf32>
    %sub3A_2056 = arith.subf %select_n3A_1942, %max3A_1975 : vector<16xf32>
    %exp3A_2057 = math.exp %sub3A_2056 : vector<16xf32>
    %add3A_2058 = arith.addf %add3A_2055, %exp3A_2057 : vector<16xf32>
    %sub3A_2059 = arith.subf %select_n3A_1946, %max3A_1975 : vector<16xf32>
    %exp3A_2060 = math.exp %sub3A_2059 : vector<16xf32>
    %add3A_2061 = arith.addf %add3A_2058, %exp3A_2060 : vector<16xf32>
    %sub3A_2062 = arith.subf %select_n3A_1950, %max3A_1975 : vector<16xf32>
    %exp3A_2063 = math.exp %sub3A_2062 : vector<16xf32>
    %add3A_2064 = arith.addf %add3A_2061, %exp3A_2063 : vector<16xf32>
    %sub3A_2065 = arith.subf %select_n3A_1954, %max3A_1975 : vector<16xf32>
    %exp3A_2066 = math.exp %sub3A_2065 : vector<16xf32>
    %add3A_2067 = arith.addf %add3A_2064, %exp3A_2066 : vector<16xf32>
    %sub3A_2068 = arith.subf %select_n3A_1958, %max3A_1975 : vector<16xf32>
    %exp3A_2069 = math.exp %sub3A_2068 : vector<16xf32>
    %add3A_2070 = arith.addf %add3A_2067, %exp3A_2069 : vector<16xf32>
    %sub3A_2071 = arith.subf %select_n3A_1962, %max3A_1975 : vector<16xf32>
    %exp3A_2072 = math.exp %sub3A_2071 : vector<16xf32>
    %add3A_2073 = arith.addf %add3A_2070, %exp3A_2072 : vector<16xf32>
    %sub3A_2074 = arith.subf %select_n3A_1966, %max3A_1975 : vector<16xf32>
    %exp3A_2075 = math.exp %sub3A_2074 : vector<16xf32>
    %add3A_2076 = arith.addf %add3A_2073, %exp3A_2075 : vector<16xf32>
    %eq3A_2077 = arith.cmpi eq, %min3A_2047, %min3A_1921 : vector<16xi32>
    %and3A_2078 = arith.andi %eq3A_2077, %gt3A_1925 : vector<16xi1>
    %add3A_2079 = arith.constant 96 : i32
    %add3A_2080 = arith.addi %mul3A_2, %add3A_2079 : i32
    %add3A_2081 = vector.broadcast %add3A_2080 : i32 to vector<16xi32>
    %add3A_2082 = arith.addi %add3A_2081, %iota3A : vector<16xi32>
    %swap3A_2083 = arith.constant 96 : index
    %swap3A_2084 = tpu.vector_load %arg14[%swap3A_2083] {strides = array<i32>} : memref<128xf32, #tpu.memory_space<vmem>>, vector<16xf32>,
    tpu.vector_store %arg14[%swap3A_2083], %add3A_2076 {strides = array<i32>} : memref<128xf32, #tpu.memory_space<vmem>>, vector<16xf32>,
    %mul3A_2085 = arith.constant 10000 : i32
    %mul3A_2086 = vector.broadcast %mul3A_2085 : i32 to vector<16xi32>
    %mul3A_2087 = arith.muli %min3A_2047, %mul3A_2086 : vector<16xi32>
    %add3A_2088 = arith.addi %mul3A_2087, %get3A_1807 : vector<16xi32>
    %swap3A_2089 = arith.constant 96 : index
    %swap3A_2090 = tpu.vector_load %arg15[%swap3A_2089] {strides = array<i32>} : memref<128xi32, #tpu.memory_space<vmem>>, vector<16xi32>,
    tpu.vector_store %arg15[%swap3A_2089], %add3A_2088 {strides = array<i32>} : memref<128xi32, #tpu.memory_space<vmem>>, vector<16xi32>,
    %swap3A_2091 = arith.constant 96 : index
    %swap3A_2092 = tpu.vector_load %arg16[%swap3A_2091] {strides = array<i32>} : memref<128xi32, #tpu.memory_space<vmem>>, vector<16xi32>,
    tpu.vector_store %arg16[%swap3A_2091], %get3A_1923 {strides = array<i32>} : memref<128xi32, #tpu.memory_space<vmem>>, vector<16xi32>,
    %jit3A_2093 = arith.constant 4096 : i32
    %broadcast_in_dim3A_2094 = vector.broadcast %jit3A_2093 : i32 to vector<16xi32>
    %select_n3A_2095 = arith.select %and3A_2078, %broadcast_in_dim3A_2094, %add3A_2082 : vector<16xi1>, vector<16xi32>
    %swap3A_2096 = arith.constant 96 : index
    %swap3A_2097 = tpu.vector_load %arg17[%swap3A_2096] {strides = array<i32>} : memref<128xi32, #tpu.memory_space<vmem>>, vector<16xi32>,
    tpu.vector_store %arg17[%swap3A_2096], %select_n3A_2095 {strides = array<i32>} : memref<128xi32, #tpu.memory_space<vmem>>, vector<16xi32>,
    %jit3A_2098 = arith.constant 0 : i32
    %jit3A_2099 = arith.constant 1 : i32
    %broadcast_in_dim3A_2100 = vector.broadcast %jit3A_2098 : i32 to vector<16xi32>
    %broadcast_in_dim3A_2101 = vector.broadcast %jit3A_2099 : i32 to vector<16xi32>
    %select_n3A_2102 = arith.select %and3A_2078, %broadcast_in_dim3A_2100, %broadcast_in_dim3A_2101 : vector<16xi1>, vector<16xi32>
    %reduce_sum3A_2103 = arith.constant true
    %reduce_sum3A_2104 = vector.broadcast %reduce_sum3A_2103 : i1 to vector<16xi1>
    %reduce_sum3A_2105 = tpu.scan <sum>, %select_n3A_2102 masked %reduce_sum3A_2104 : vector<16xi32>, vector<16xi1> -> vector<16xi32>
    %reduce_sum3A_2106 = vector.extract %reduce_sum3A_2105[15] : i32 from vector<16xi32>
    %add3A_2107 = arith.addi %add3A_1805, %reduce_sum3A_2106 : i32
    %get3A_2108 = arith.constant 112 : index
    %get3A_2109 = tpu.vector_load %arg12[%get3A_2108] {strides = array<i32>} : memref<128xi32, #tpu.memory_space<vmem>>, vector<16xi32>,
    %add3A_2110 = arith.constant 112 : i32
    %add3A_2111 = vector.broadcast %add3A_2110 : i32 to vector<16xi32>
    %add3A_2112 = arith.addi %iota3A, %add3A_2111 : vector<16xi32>
    %broadcast_in_dim3A_2113 = arith.constant 0 : i32
    %broadcast_in_dim3A_2114 = vector.broadcast %broadcast_in_dim3A_2113 : i32 to vector<16xi32>
    %gather3A_2115 = tpu.vector_load_idx %arg13[%add3A_2112, %broadcast_in_dim3A_2114] : memref<128x128xf32, #tpu.memory_space<vmem>>[vector<16xi32>, vector<16xi32>], vector<16xf32>,
    %broadcast_in_dim3A_2116 = arith.constant 1 : i32
    %broadcast_in_dim3A_2117 = vector.broadcast %broadcast_in_dim3A_2116 : i32 to vector<16xi32>
    %gather3A_2118 = tpu.vector_load_idx %arg13[%add3A_2112, %broadcast_in_dim3A_2117] : memref<128x128xf32, #tpu.memory_space<vmem>>[vector<16xi32>, vector<16xi32>], vector<16xf32>,
    %broadcast_in_dim3A_2119 = arith.constant 2 : i32
    %broadcast_in_dim3A_2120 = vector.broadcast %broadcast_in_dim3A_2119 : i32 to vector<16xi32>
    %gather3A_2121 = tpu.vector_load_idx %arg13[%add3A_2112, %broadcast_in_dim3A_2120] : memref<128x128xf32, #tpu.memory_space<vmem>>[vector<16xi32>, vector<16xi32>], vector<16xf32>,
    %broadcast_in_dim3A_2122 = arith.constant 3 : i32
    %broadcast_in_dim3A_2123 = vector.broadcast %broadcast_in_dim3A_2122 : i32 to vector<16xi32>
    %gather3A_2124 = tpu.vector_load_idx %arg13[%add3A_2112, %broadcast_in_dim3A_2123] : memref<128x128xf32, #tpu.memory_space<vmem>>[vector<16xi32>, vector<16xi32>], vector<16xf32>,
    %broadcast_in_dim3A_2125 = arith.constant 4 : i32
    %broadcast_in_dim3A_2126 = vector.broadcast %broadcast_in_dim3A_2125 : i32 to vector<16xi32>
    %gather3A_2127 = tpu.vector_load_idx %arg13[%add3A_2112, %broadcast_in_dim3A_2126] : memref<128x128xf32, #tpu.memory_space<vmem>>[vector<16xi32>, vector<16xi32>], vector<16xf32>,
    %broadcast_in_dim3A_2128 = arith.constant 5 : i32
    %broadcast_in_dim3A_2129 = vector.broadcast %broadcast_in_dim3A_2128 : i32 to vector<16xi32>
    %gather3A_2130 = tpu.vector_load_idx %arg13[%add3A_2112, %broadcast_in_dim3A_2129] : memref<128x128xf32, #tpu.memory_space<vmem>>[vector<16xi32>, vector<16xi32>], vector<16xf32>,
    %broadcast_in_dim3A_2131 = arith.constant 6 : i32
    %broadcast_in_dim3A_2132 = vector.broadcast %broadcast_in_dim3A_2131 : i32 to vector<16xi32>
    %gather3A_2133 = tpu.vector_load_idx %arg13[%add3A_2112, %broadcast_in_dim3A_2132] : memref<128x128xf32, #tpu.memory_space<vmem>>[vector<16xi32>, vector<16xi32>], vector<16xf32>,
    %broadcast_in_dim3A_2134 = arith.constant 7 : i32
    %broadcast_in_dim3A_2135 = vector.broadcast %broadcast_in_dim3A_2134 : i32 to vector<16xi32>
    %gather3A_2136 = tpu.vector_load_idx %arg13[%add3A_2112, %broadcast_in_dim3A_2135] : memref<128x128xf32, #tpu.memory_space<vmem>>[vector<16xi32>, vector<16xi32>], vector<16xf32>,
    %broadcast_in_dim3A_2137 = arith.constant 8 : i32
    %broadcast_in_dim3A_2138 = vector.broadcast %broadcast_in_dim3A_2137 : i32 to vector<16xi32>
    %gather3A_2139 = tpu.vector_load_idx %arg13[%add3A_2112, %broadcast_in_dim3A_2138] : memref<128x128xf32, #tpu.memory_space<vmem>>[vector<16xi32>, vector<16xi32>], vector<16xf32>,
    %broadcast_in_dim3A_2140 = arith.constant 9 : i32
    %broadcast_in_dim3A_2141 = vector.broadcast %broadcast_in_dim3A_2140 : i32 to vector<16xi32>
    %gather3A_2142 = tpu.vector_load_idx %arg13[%add3A_2112, %broadcast_in_dim3A_2141] : memref<128x128xf32, #tpu.memory_space<vmem>>[vector<16xi32>, vector<16xi32>], vector<16xf32>,
    %min3A_2143 = arith.minimumf %gather3A_2115, %gather3A_2118 : vector<16xf32>
    %min3A_2144 = arith.minimumf %min3A_2143, %gather3A_2121 : vector<16xf32>
    %min3A_2145 = arith.minimumf %min3A_2144, %gather3A_2124 : vector<16xf32>
    %min3A_2146 = arith.minimumf %min3A_2145, %gather3A_2127 : vector<16xf32>
    %min3A_2147 = arith.minimumf %min3A_2146, %gather3A_2130 : vector<16xf32>
    %min3A_2148 = arith.minimumf %min3A_2147, %gather3A_2133 : vector<16xf32>
    %min3A_2149 = arith.minimumf %min3A_2148, %gather3A_2136 : vector<16xf32>
    %min3A_2150 = arith.minimumf %min3A_2149, %gather3A_2139 : vector<16xf32>
    %min3A_2151 = arith.minimumf %min3A_2150, %gather3A_2142 : vector<16xf32>
    %broadcast_in_dim3A_2152 = arith.constant 99 : i32
    %broadcast_in_dim3A_2153 = vector.broadcast %broadcast_in_dim3A_2152 : i32 to vector<16xi32>
    %eq3A_2154 = arith.cmpf oeq, %gather3A_2115, %min3A_2151 : vector<16xf32>
    %jit3A_2155 = arith.constant 0 : i32
    %jit3A_2156 = arith.constant 99 : i32
    %broadcast_in_dim3A_2157 = vector.broadcast %jit3A_2155 : i32 to vector<16xi32>
    %broadcast_in_dim3A_2158 = vector.broadcast %jit3A_2156 : i32 to vector<16xi32>
    %select_n3A_2159 = arith.select %eq3A_2154, %broadcast_in_dim3A_2157, %broadcast_in_dim3A_2158 : vector<16xi1>, vector<16xi32>
    %min3A_2160 = arith.minsi %broadcast_in_dim3A_2153, %select_n3A_2159 : vector<16xi32>
    %eq3A_2161 = arith.cmpf oeq, %gather3A_2118, %min3A_2151 : vector<16xf32>
    %jit3A_2162 = arith.constant 1 : i32
    %jit3A_2163 = arith.constant 99 : i32
    %broadcast_in_dim3A_2164 = vector.broadcast %jit3A_2162 : i32 to vector<16xi32>
    %broadcast_in_dim3A_2165 = vector.broadcast %jit3A_2163 : i32 to vector<16xi32>
    %select_n3A_2166 = arith.select %eq3A_2161, %broadcast_in_dim3A_2164, %broadcast_in_dim3A_2165 : vector<16xi1>, vector<16xi32>
    %min3A_2167 = arith.minsi %min3A_2160, %select_n3A_2166 : vector<16xi32>
    %eq3A_2168 = arith.cmpf oeq, %gather3A_2121, %min3A_2151 : vector<16xf32>
    %jit3A_2169 = arith.constant 2 : i32
    %jit3A_2170 = arith.constant 99 : i32
    %broadcast_in_dim3A_2171 = vector.broadcast %jit3A_2169 : i32 to vector<16xi32>
    %broadcast_in_dim3A_2172 = vector.broadcast %jit3A_2170 : i32 to vector<16xi32>
    %select_n3A_2173 = arith.select %eq3A_2168, %broadcast_in_dim3A_2171, %broadcast_in_dim3A_2172 : vector<16xi1>, vector<16xi32>
    %min3A_2174 = arith.minsi %min3A_2167, %select_n3A_2173 : vector<16xi32>
    %eq3A_2175 = arith.cmpf oeq, %gather3A_2124, %min3A_2151 : vector<16xf32>
    %jit3A_2176 = arith.constant 3 : i32
    %jit3A_2177 = arith.constant 99 : i32
    %broadcast_in_dim3A_2178 = vector.broadcast %jit3A_2176 : i32 to vector<16xi32>
    %broadcast_in_dim3A_2179 = vector.broadcast %jit3A_2177 : i32 to vector<16xi32>
    %select_n3A_2180 = arith.select %eq3A_2175, %broadcast_in_dim3A_2178, %broadcast_in_dim3A_2179 : vector<16xi1>, vector<16xi32>
    %min3A_2181 = arith.minsi %min3A_2174, %select_n3A_2180 : vector<16xi32>
    %eq3A_2182 = arith.cmpf oeq, %gather3A_2127, %min3A_2151 : vector<16xf32>
    %jit3A_2183 = arith.constant 4 : i32
    %jit3A_2184 = arith.constant 99 : i32
    %broadcast_in_dim3A_2185 = vector.broadcast %jit3A_2183 : i32 to vector<16xi32>
    %broadcast_in_dim3A_2186 = vector.broadcast %jit3A_2184 : i32 to vector<16xi32>
    %select_n3A_2187 = arith.select %eq3A_2182, %broadcast_in_dim3A_2185, %broadcast_in_dim3A_2186 : vector<16xi1>, vector<16xi32>
    %min3A_2188 = arith.minsi %min3A_2181, %select_n3A_2187 : vector<16xi32>
    %eq3A_2189 = arith.cmpf oeq, %gather3A_2130, %min3A_2151 : vector<16xf32>
    %jit3A_2190 = arith.constant 5 : i32
    %jit3A_2191 = arith.constant 99 : i32
    %broadcast_in_dim3A_2192 = vector.broadcast %jit3A_2190 : i32 to vector<16xi32>
    %broadcast_in_dim3A_2193 = vector.broadcast %jit3A_2191 : i32 to vector<16xi32>
    %select_n3A_2194 = arith.select %eq3A_2189, %broadcast_in_dim3A_2192, %broadcast_in_dim3A_2193 : vector<16xi1>, vector<16xi32>
    %min3A_2195 = arith.minsi %min3A_2188, %select_n3A_2194 : vector<16xi32>
    %eq3A_2196 = arith.cmpf oeq, %gather3A_2133, %min3A_2151 : vector<16xf32>
    %jit3A_2197 = arith.constant 6 : i32
    %jit3A_2198 = arith.constant 99 : i32
    %broadcast_in_dim3A_2199 = vector.broadcast %jit3A_2197 : i32 to vector<16xi32>
    %broadcast_in_dim3A_2200 = vector.broadcast %jit3A_2198 : i32 to vector<16xi32>
    %select_n3A_2201 = arith.select %eq3A_2196, %broadcast_in_dim3A_2199, %broadcast_in_dim3A_2200 : vector<16xi1>, vector<16xi32>
    %min3A_2202 = arith.minsi %min3A_2195, %select_n3A_2201 : vector<16xi32>
    %eq3A_2203 = arith.cmpf oeq, %gather3A_2136, %min3A_2151 : vector<16xf32>
    %jit3A_2204 = arith.constant 7 : i32
    %jit3A_2205 = arith.constant 99 : i32
    %broadcast_in_dim3A_2206 = vector.broadcast %jit3A_2204 : i32 to vector<16xi32>
    %broadcast_in_dim3A_2207 = vector.broadcast %jit3A_2205 : i32 to vector<16xi32>
    %select_n3A_2208 = arith.select %eq3A_2203, %broadcast_in_dim3A_2206, %broadcast_in_dim3A_2207 : vector<16xi1>, vector<16xi32>
    %min3A_2209 = arith.minsi %min3A_2202, %select_n3A_2208 : vector<16xi32>
    %eq3A_2210 = arith.cmpf oeq, %gather3A_2139, %min3A_2151 : vector<16xf32>
    %jit3A_2211 = arith.constant 8 : i32
    %jit3A_2212 = arith.constant 99 : i32
    %broadcast_in_dim3A_2213 = vector.broadcast %jit3A_2211 : i32 to vector<16xi32>
    %broadcast_in_dim3A_2214 = vector.broadcast %jit3A_2212 : i32 to vector<16xi32>
    %select_n3A_2215 = arith.select %eq3A_2210, %broadcast_in_dim3A_2213, %broadcast_in_dim3A_2214 : vector<16xi1>, vector<16xi32>
    %min3A_2216 = arith.minsi %min3A_2209, %select_n3A_2215 : vector<16xi32>
    %eq3A_2217 = arith.cmpf oeq, %gather3A_2142, %min3A_2151 : vector<16xf32>
    %jit3A_2218 = arith.constant 9 : i32
    %jit3A_2219 = arith.constant 99 : i32
    %broadcast_in_dim3A_2220 = vector.broadcast %jit3A_2218 : i32 to vector<16xi32>
    %broadcast_in_dim3A_2221 = vector.broadcast %jit3A_2219 : i32 to vector<16xi32>
    %select_n3A_2222 = arith.select %eq3A_2217, %broadcast_in_dim3A_2220, %broadcast_in_dim3A_2221 : vector<16xi1>, vector<16xi32>
    %min3A_2223 = arith.minsi %min3A_2216, %select_n3A_2222 : vector<16xi32>
    %get3A_2224 = arith.constant 112 : index
    %get3A_2225 = tpu.vector_load %arg11[%get3A_2224] {strides = array<i32>} : memref<128xi32, #tpu.memory_space<vmem>>, vector<16xi32>,
    %gather3A_2226 = tpu.vector_load_idx %arg10[%get3A_2225] : memref<4096xf32, #tpu.memory_space<vmem>>[vector<16xi32>], vector<16xf32>,
    %gt3A_2227 = arith.cmpf ogt, %gather3A_2226, %min3A_2151 : vector<16xf32>
    %select_n3A_2228 = arith.select %gt3A_2227, %gather3A_2226, %min3A_2151 : vector<16xi1>, vector<16xf32>
    %eq3A_2229 = arith.constant 0 : i32
    %eq3A_2230 = vector.broadcast %eq3A_2229 : i32 to vector<16xi32>
    %eq3A_2231 = arith.cmpi eq, %min3A_2223, %eq3A_2230 : vector<16xi32>
    %select_n3A_2232 = arith.select %eq3A_2231, %select_n3A_2228, %gather3A_2115 : vector<16xi1>, vector<16xf32>
    %eq3A_2233 = arith.constant 1 : i32
    %eq3A_2234 = vector.broadcast %eq3A_2233 : i32 to vector<16xi32>
    %eq3A_2235 = arith.cmpi eq, %min3A_2223, %eq3A_2234 : vector<16xi32>
    %select_n3A_2236 = arith.select %eq3A_2235, %select_n3A_2228, %gather3A_2118 : vector<16xi1>, vector<16xf32>
    %eq3A_2237 = arith.constant 2 : i32
    %eq3A_2238 = vector.broadcast %eq3A_2237 : i32 to vector<16xi32>
    %eq3A_2239 = arith.cmpi eq, %min3A_2223, %eq3A_2238 : vector<16xi32>
    %select_n3A_2240 = arith.select %eq3A_2239, %select_n3A_2228, %gather3A_2121 : vector<16xi1>, vector<16xf32>
    %eq3A_2241 = arith.constant 3 : i32
    %eq3A_2242 = vector.broadcast %eq3A_2241 : i32 to vector<16xi32>
    %eq3A_2243 = arith.cmpi eq, %min3A_2223, %eq3A_2242 : vector<16xi32>
    %select_n3A_2244 = arith.select %eq3A_2243, %select_n3A_2228, %gather3A_2124 : vector<16xi1>, vector<16xf32>
    %eq3A_2245 = arith.constant 4 : i32
    %eq3A_2246 = vector.broadcast %eq3A_2245 : i32 to vector<16xi32>
    %eq3A_2247 = arith.cmpi eq, %min3A_2223, %eq3A_2246 : vector<16xi32>
    %select_n3A_2248 = arith.select %eq3A_2247, %select_n3A_2228, %gather3A_2127 : vector<16xi1>, vector<16xf32>
    %eq3A_2249 = arith.constant 5 : i32
    %eq3A_2250 = vector.broadcast %eq3A_2249 : i32 to vector<16xi32>
    %eq3A_2251 = arith.cmpi eq, %min3A_2223, %eq3A_2250 : vector<16xi32>
    %select_n3A_2252 = arith.select %eq3A_2251, %select_n3A_2228, %gather3A_2130 : vector<16xi1>, vector<16xf32>
    %eq3A_2253 = arith.constant 6 : i32
    %eq3A_2254 = vector.broadcast %eq3A_2253 : i32 to vector<16xi32>
    %eq3A_2255 = arith.cmpi eq, %min3A_2223, %eq3A_2254 : vector<16xi32>
    %select_n3A_2256 = arith.select %eq3A_2255, %select_n3A_2228, %gather3A_2133 : vector<16xi1>, vector<16xf32>
    %eq3A_2257 = arith.constant 7 : i32
    %eq3A_2258 = vector.broadcast %eq3A_2257 : i32 to vector<16xi32>
    %eq3A_2259 = arith.cmpi eq, %min3A_2223, %eq3A_2258 : vector<16xi32>
    %select_n3A_2260 = arith.select %eq3A_2259, %select_n3A_2228, %gather3A_2136 : vector<16xi1>, vector<16xf32>
    %eq3A_2261 = arith.constant 8 : i32
    %eq3A_2262 = vector.broadcast %eq3A_2261 : i32 to vector<16xi32>
    %eq3A_2263 = arith.cmpi eq, %min3A_2223, %eq3A_2262 : vector<16xi32>
    %select_n3A_2264 = arith.select %eq3A_2263, %select_n3A_2228, %gather3A_2139 : vector<16xi1>, vector<16xf32>
    %eq3A_2265 = arith.constant 9 : i32
    %eq3A_2266 = vector.broadcast %eq3A_2265 : i32 to vector<16xi32>
    %eq3A_2267 = arith.cmpi eq, %min3A_2223, %eq3A_2266 : vector<16xi32>
    %select_n3A_2268 = arith.select %eq3A_2267, %select_n3A_2228, %gather3A_2142 : vector<16xi1>, vector<16xf32>
    %max3A_2269 = arith.maximumf %select_n3A_2232, %select_n3A_2236 : vector<16xf32>
    %max3A_2270 = arith.maximumf %max3A_2269, %select_n3A_2240 : vector<16xf32>
    %max3A_2271 = arith.maximumf %max3A_2270, %select_n3A_2244 : vector<16xf32>
    %max3A_2272 = arith.maximumf %max3A_2271, %select_n3A_2248 : vector<16xf32>
    %max3A_2273 = arith.maximumf %max3A_2272, %select_n3A_2252 : vector<16xf32>
    %max3A_2274 = arith.maximumf %max3A_2273, %select_n3A_2256 : vector<16xf32>
    %max3A_2275 = arith.maximumf %max3A_2274, %select_n3A_2260 : vector<16xf32>
    %max3A_2276 = arith.maximumf %max3A_2275, %select_n3A_2264 : vector<16xf32>
    %max3A_2277 = arith.maximumf %max3A_2276, %select_n3A_2268 : vector<16xf32>
    %broadcast_in_dim3A_2278 = arith.constant 99 : i32
    %broadcast_in_dim3A_2279 = vector.broadcast %broadcast_in_dim3A_2278 : i32 to vector<16xi32>
    %eq3A_2280 = arith.cmpf oeq, %select_n3A_2232, %max3A_2277 : vector<16xf32>
    %jit3A_2281 = arith.constant 0 : i32
    %jit3A_2282 = arith.constant 99 : i32
    %broadcast_in_dim3A_2283 = vector.broadcast %jit3A_2281 : i32 to vector<16xi32>
    %broadcast_in_dim3A_2284 = vector.broadcast %jit3A_2282 : i32 to vector<16xi32>
    %select_n3A_2285 = arith.select %eq3A_2280, %broadcast_in_dim3A_2283, %broadcast_in_dim3A_2284 : vector<16xi1>, vector<16xi32>
    %min3A_2286 = arith.minsi %broadcast_in_dim3A_2279, %select_n3A_2285 : vector<16xi32>
    %eq3A_2287 = arith.cmpf oeq, %select_n3A_2236, %max3A_2277 : vector<16xf32>
    %jit3A_2288 = arith.constant 1 : i32
    %jit3A_2289 = arith.constant 99 : i32
    %broadcast_in_dim3A_2290 = vector.broadcast %jit3A_2288 : i32 to vector<16xi32>
    %broadcast_in_dim3A_2291 = vector.broadcast %jit3A_2289 : i32 to vector<16xi32>
    %select_n3A_2292 = arith.select %eq3A_2287, %broadcast_in_dim3A_2290, %broadcast_in_dim3A_2291 : vector<16xi1>, vector<16xi32>
    %min3A_2293 = arith.minsi %min3A_2286, %select_n3A_2292 : vector<16xi32>
    %eq3A_2294 = arith.cmpf oeq, %select_n3A_2240, %max3A_2277 : vector<16xf32>
    %jit3A_2295 = arith.constant 2 : i32
    %jit3A_2296 = arith.constant 99 : i32
    %broadcast_in_dim3A_2297 = vector.broadcast %jit3A_2295 : i32 to vector<16xi32>
    %broadcast_in_dim3A_2298 = vector.broadcast %jit3A_2296 : i32 to vector<16xi32>
    %select_n3A_2299 = arith.select %eq3A_2294, %broadcast_in_dim3A_2297, %broadcast_in_dim3A_2298 : vector<16xi1>, vector<16xi32>
    %min3A_2300 = arith.minsi %min3A_2293, %select_n3A_2299 : vector<16xi32>
    %eq3A_2301 = arith.cmpf oeq, %select_n3A_2244, %max3A_2277 : vector<16xf32>
    %jit3A_2302 = arith.constant 3 : i32
    %jit3A_2303 = arith.constant 99 : i32
    %broadcast_in_dim3A_2304 = vector.broadcast %jit3A_2302 : i32 to vector<16xi32>
    %broadcast_in_dim3A_2305 = vector.broadcast %jit3A_2303 : i32 to vector<16xi32>
    %select_n3A_2306 = arith.select %eq3A_2301, %broadcast_in_dim3A_2304, %broadcast_in_dim3A_2305 : vector<16xi1>, vector<16xi32>
    %min3A_2307 = arith.minsi %min3A_2300, %select_n3A_2306 : vector<16xi32>
    %eq3A_2308 = arith.cmpf oeq, %select_n3A_2248, %max3A_2277 : vector<16xf32>
    %jit3A_2309 = arith.constant 4 : i32
    %jit3A_2310 = arith.constant 99 : i32
    %broadcast_in_dim3A_2311 = vector.broadcast %jit3A_2309 : i32 to vector<16xi32>
    %broadcast_in_dim3A_2312 = vector.broadcast %jit3A_2310 : i32 to vector<16xi32>
    %select_n3A_2313 = arith.select %eq3A_2308, %broadcast_in_dim3A_2311, %broadcast_in_dim3A_2312 : vector<16xi1>, vector<16xi32>
    %min3A_2314 = arith.minsi %min3A_2307, %select_n3A_2313 : vector<16xi32>
    %eq3A_2315 = arith.cmpf oeq, %select_n3A_2252, %max3A_2277 : vector<16xf32>
    %jit3A_2316 = arith.constant 5 : i32
    %jit3A_2317 = arith.constant 99 : i32
    %broadcast_in_dim3A_2318 = vector.broadcast %jit3A_2316 : i32 to vector<16xi32>
    %broadcast_in_dim3A_2319 = vector.broadcast %jit3A_2317 : i32 to vector<16xi32>
    %select_n3A_2320 = arith.select %eq3A_2315, %broadcast_in_dim3A_2318, %broadcast_in_dim3A_2319 : vector<16xi1>, vector<16xi32>
    %min3A_2321 = arith.minsi %min3A_2314, %select_n3A_2320 : vector<16xi32>
    %eq3A_2322 = arith.cmpf oeq, %select_n3A_2256, %max3A_2277 : vector<16xf32>
    %jit3A_2323 = arith.constant 6 : i32
    %jit3A_2324 = arith.constant 99 : i32
    %broadcast_in_dim3A_2325 = vector.broadcast %jit3A_2323 : i32 to vector<16xi32>
    %broadcast_in_dim3A_2326 = vector.broadcast %jit3A_2324 : i32 to vector<16xi32>
    %select_n3A_2327 = arith.select %eq3A_2322, %broadcast_in_dim3A_2325, %broadcast_in_dim3A_2326 : vector<16xi1>, vector<16xi32>
    %min3A_2328 = arith.minsi %min3A_2321, %select_n3A_2327 : vector<16xi32>
    %eq3A_2329 = arith.cmpf oeq, %select_n3A_2260, %max3A_2277 : vector<16xf32>
    %jit3A_2330 = arith.constant 7 : i32
    %jit3A_2331 = arith.constant 99 : i32
    %broadcast_in_dim3A_2332 = vector.broadcast %jit3A_2330 : i32 to vector<16xi32>
    %broadcast_in_dim3A_2333 = vector.broadcast %jit3A_2331 : i32 to vector<16xi32>
    %select_n3A_2334 = arith.select %eq3A_2329, %broadcast_in_dim3A_2332, %broadcast_in_dim3A_2333 : vector<16xi1>, vector<16xi32>
    %min3A_2335 = arith.minsi %min3A_2328, %select_n3A_2334 : vector<16xi32>
    %eq3A_2336 = arith.cmpf oeq, %select_n3A_2264, %max3A_2277 : vector<16xf32>
    %jit3A_2337 = arith.constant 8 : i32
    %jit3A_2338 = arith.constant 99 : i32
    %broadcast_in_dim3A_2339 = vector.broadcast %jit3A_2337 : i32 to vector<16xi32>
    %broadcast_in_dim3A_2340 = vector.broadcast %jit3A_2338 : i32 to vector<16xi32>
    %select_n3A_2341 = arith.select %eq3A_2336, %broadcast_in_dim3A_2339, %broadcast_in_dim3A_2340 : vector<16xi1>, vector<16xi32>
    %min3A_2342 = arith.minsi %min3A_2335, %select_n3A_2341 : vector<16xi32>
    %eq3A_2343 = arith.cmpf oeq, %select_n3A_2268, %max3A_2277 : vector<16xf32>
    %jit3A_2344 = arith.constant 9 : i32
    %jit3A_2345 = arith.constant 99 : i32
    %broadcast_in_dim3A_2346 = vector.broadcast %jit3A_2344 : i32 to vector<16xi32>
    %broadcast_in_dim3A_2347 = vector.broadcast %jit3A_2345 : i32 to vector<16xi32>
    %select_n3A_2348 = arith.select %eq3A_2343, %broadcast_in_dim3A_2346, %broadcast_in_dim3A_2347 : vector<16xi1>, vector<16xi32>
    %min3A_2349 = arith.minsi %min3A_2342, %select_n3A_2348 : vector<16xi32>
    %sub3A_2350 = arith.subf %select_n3A_2232, %max3A_2277 : vector<16xf32>
    %exp3A_2351 = math.exp %sub3A_2350 : vector<16xf32>
    %sub3A_2352 = arith.subf %select_n3A_2236, %max3A_2277 : vector<16xf32>
    %exp3A_2353 = math.exp %sub3A_2352 : vector<16xf32>
    %add3A_2354 = arith.addf %exp3A_2351, %exp3A_2353 : vector<16xf32>
    %sub3A_2355 = arith.subf %select_n3A_2240, %max3A_2277 : vector<16xf32>
    %exp3A_2356 = math.exp %sub3A_2355 : vector<16xf32>
    %add3A_2357 = arith.addf %add3A_2354, %exp3A_2356 : vector<16xf32>
    %sub3A_2358 = arith.subf %select_n3A_2244, %max3A_2277 : vector<16xf32>
    %exp3A_2359 = math.exp %sub3A_2358 : vector<16xf32>
    %add3A_2360 = arith.addf %add3A_2357, %exp3A_2359 : vector<16xf32>
    %sub3A_2361 = arith.subf %select_n3A_2248, %max3A_2277 : vector<16xf32>
    %exp3A_2362 = math.exp %sub3A_2361 : vector<16xf32>
    %add3A_2363 = arith.addf %add3A_2360, %exp3A_2362 : vector<16xf32>
    %sub3A_2364 = arith.subf %select_n3A_2252, %max3A_2277 : vector<16xf32>
    %exp3A_2365 = math.exp %sub3A_2364 : vector<16xf32>
    %add3A_2366 = arith.addf %add3A_2363, %exp3A_2365 : vector<16xf32>
    %sub3A_2367 = arith.subf %select_n3A_2256, %max3A_2277 : vector<16xf32>
    %exp3A_2368 = math.exp %sub3A_2367 : vector<16xf32>
    %add3A_2369 = arith.addf %add3A_2366, %exp3A_2368 : vector<16xf32>
    %sub3A_2370 = arith.subf %select_n3A_2260, %max3A_2277 : vector<16xf32>
    %exp3A_2371 = math.exp %sub3A_2370 : vector<16xf32>
    %add3A_2372 = arith.addf %add3A_2369, %exp3A_2371 : vector<16xf32>
    %sub3A_2373 = arith.subf %select_n3A_2264, %max3A_2277 : vector<16xf32>
    %exp3A_2374 = math.exp %sub3A_2373 : vector<16xf32>
    %add3A_2375 = arith.addf %add3A_2372, %exp3A_2374 : vector<16xf32>
    %sub3A_2376 = arith.subf %select_n3A_2268, %max3A_2277 : vector<16xf32>
    %exp3A_2377 = math.exp %sub3A_2376 : vector<16xf32>
    %add3A_2378 = arith.addf %add3A_2375, %exp3A_2377 : vector<16xf32>
    %eq3A_2379 = arith.cmpi eq, %min3A_2349, %min3A_2223 : vector<16xi32>
    %and3A_2380 = arith.andi %eq3A_2379, %gt3A_2227 : vector<16xi1>
    %add3A_2381 = arith.constant 112 : i32
    %add3A_2382 = arith.addi %mul3A_2, %add3A_2381 : i32
    %add3A_2383 = vector.broadcast %add3A_2382 : i32 to vector<16xi32>
    %add3A_2384 = arith.addi %add3A_2383, %iota3A : vector<16xi32>
    %swap3A_2385 = arith.constant 112 : index
    %swap3A_2386 = tpu.vector_load %arg14[%swap3A_2385] {strides = array<i32>} : memref<128xf32, #tpu.memory_space<vmem>>, vector<16xf32>,
    tpu.vector_store %arg14[%swap3A_2385], %add3A_2378 {strides = array<i32>} : memref<128xf32, #tpu.memory_space<vmem>>, vector<16xf32>,
    %mul3A_2387 = arith.constant 10000 : i32
    %mul3A_2388 = vector.broadcast %mul3A_2387 : i32 to vector<16xi32>
    %mul3A_2389 = arith.muli %min3A_2349, %mul3A_2388 : vector<16xi32>
    %add3A_2390 = arith.addi %mul3A_2389, %get3A_2109 : vector<16xi32>
    %swap3A_2391 = arith.constant 112 : index
    %swap3A_2392 = tpu.vector_load %arg15[%swap3A_2391] {strides = array<i32>} : memref<128xi32, #tpu.memory_space<vmem>>, vector<16xi32>,
    tpu.vector_store %arg15[%swap3A_2391], %add3A_2390 {strides = array<i32>} : memref<128xi32, #tpu.memory_space<vmem>>, vector<16xi32>,
    %swap3A_2393 = arith.constant 112 : index
    %swap3A_2394 = tpu.vector_load %arg16[%swap3A_2393] {strides = array<i32>} : memref<128xi32, #tpu.memory_space<vmem>>, vector<16xi32>,
    tpu.vector_store %arg16[%swap3A_2393], %get3A_2225 {strides = array<i32>} : memref<128xi32, #tpu.memory_space<vmem>>, vector<16xi32>,
    %jit3A_2395 = arith.constant 4096 : i32
    %broadcast_in_dim3A_2396 = vector.broadcast %jit3A_2395 : i32 to vector<16xi32>
    %select_n3A_2397 = arith.select %and3A_2380, %broadcast_in_dim3A_2396, %add3A_2384 : vector<16xi1>, vector<16xi32>
    %swap3A_2398 = arith.constant 112 : index
    %swap3A_2399 = tpu.vector_load %arg17[%swap3A_2398] {strides = array<i32>} : memref<128xi32, #tpu.memory_space<vmem>>, vector<16xi32>,
    tpu.vector_store %arg17[%swap3A_2398], %select_n3A_2397 {strides = array<i32>} : memref<128xi32, #tpu.memory_space<vmem>>, vector<16xi32>,
    %jit3A_2400 = arith.constant 0 : i32
    %jit3A_2401 = arith.constant 1 : i32
    %broadcast_in_dim3A_2402 = vector.broadcast %jit3A_2400 : i32 to vector<16xi32>
    %broadcast_in_dim3A_2403 = vector.broadcast %jit3A_2401 : i32 to vector<16xi32>
    %select_n3A_2404 = arith.select %and3A_2380, %broadcast_in_dim3A_2402, %broadcast_in_dim3A_2403 : vector<16xi1>, vector<16xi32>
    %reduce_sum3A_2405 = arith.constant true
    %reduce_sum3A_2406 = vector.broadcast %reduce_sum3A_2405 : i1 to vector<16xi1>
    %reduce_sum3A_2407 = tpu.scan <sum>, %select_n3A_2404 masked %reduce_sum3A_2406 : vector<16xi32>, vector<16xi1> -> vector<16xi32>
    %reduce_sum3A_2408 = vector.extract %reduce_sum3A_2407[15] : i32 from vector<16xi32>
    %add3A_2409 = arith.addi %add3A_2107, %reduce_sum3A_2408 : i32
    "tpu.region"() ({
      %run_scoped3A = tpu.sem_alloc : memref<!tpu.dma_semaphore, #tpu.memory_space<semaphore_mem>>
      %dma_start3A_2419 = tpu.memref_slice %arg9[%mul3A_2] : memref<4096xf32, #tpu.memory_space<hbm>> -> memref<128xf32, #tpu.memory_space<hbm>>
      %dma_start3A_2420 = tpu.memref_slice %arg9[%mul3A_2] : memref<4096xf32, #tpu.memory_space<hbm>> -> memref<128xf32, #tpu.memory_space<hbm>>
      tpu.enqueue_dma source(%arg14 : memref<128xf32, #tpu.memory_space<vmem>>) target(%dma_start3A_2420 : memref<128xf32, #tpu.memory_space<hbm>>) target_semaphore(%run_scoped3A : memref<!tpu.dma_semaphore, #tpu.memory_space<semaphore_mem>>)
      %dma_wait3A_2421 = tpu.memref_slice %arg9[%mul3A_2] : memref<4096xf32, #tpu.memory_space<hbm>> -> memref<128xf32, #tpu.memory_space<hbm>>
      %dma_wait3A_2422 = tpu.memref_slice %arg9[%mul3A_2] : memref<4096xf32, #tpu.memory_space<hbm>> -> memref<128xf32, #tpu.memory_space<hbm>>
      tpu.wait_dma2 semaphore(%run_scoped3A : memref<!tpu.dma_semaphore, #tpu.memory_space<semaphore_mem>>) src(%arg14 : memref<128xf32, #tpu.memory_space<vmem>>) dst(%dma_wait3A_2422 : memref<128xf32, #tpu.memory_space<hbm>>)
      tpu.yield
    }) : () -> ()
    %dma_start3A_2410 = arith.constant 0 : i32
    %dma_start3A_2411 = arith.constant 0 : i32
    %dma_start3A_2412 = tpu.memref_slice %arg6[%dma_start3A_2410, %dma_start3A_2411] : memref<4096x512xf32, #tpu.memory_space<hbm>> -> memref<4096x512xf32, #tpu.memory_space<hbm>>
    tpu.enqueue_indirect_dma source(%dma_start3A_2412 : memref<4096x512xf32, #tpu.memory_space<hbm>>) target(%arg18 : memref<128x512xf32, #tpu.memory_space<vmem>>) offsets(%arg16 : memref<128xi32, #tpu.memory_space<vmem>>) semaphore(%arg19 : memref<!tpu.dma_semaphore, #tpu.memory_space<semaphore_mem>>)
    %dma_wait3A_2413 = arith.constant 0 : i32
    %dma_wait3A_2414 = arith.constant 0 : i32
    %dma_wait3A_2415 = tpu.memref_slice %arg6[%dma_wait3A_2413, %dma_wait3A_2414] : memref<4096x512xf32, #tpu.memory_space<hbm>> -> memref<4096x512xf32, #tpu.memory_space<hbm>>
    tpu.wait_indirect_dma semaphore(%arg19 : memref<!tpu.dma_semaphore, #tpu.memory_space<semaphore_mem>>) src(%dma_wait3A_2415 : memref<4096x512xf32, #tpu.memory_space<hbm>>) dst(%arg18 : memref<128x512xf32, #tpu.memory_space<vmem>>)
    "tpu.region"() ({
      %run_scoped3A = tpu.sem_alloc : memref<!tpu.dma_semaphore, #tpu.memory_space<semaphore_mem>>
      %dma_start3A_2419 = arith.constant 0 : i32
      %dma_start3A_2420 = tpu.memref_slice %arg8[%mul3A_2, %dma_start3A_2419] : memref<4104x512xf32, #tpu.memory_space<hbm>> -> memref<128x512xf32, #tpu.memory_space<hbm>>
      %dma_start3A_2421 = arith.constant 0 : i32
      %dma_start3A_2422 = tpu.memref_slice %arg8[%mul3A_2, %dma_start3A_2421] : memref<4104x512xf32, #tpu.memory_space<hbm>> -> memref<128x512xf32, #tpu.memory_space<hbm>>
      tpu.enqueue_dma source(%arg18 : memref<128x512xf32, #tpu.memory_space<vmem>>) target(%dma_start3A_2422 : memref<128x512xf32, #tpu.memory_space<hbm>>) target_semaphore(%run_scoped3A : memref<!tpu.dma_semaphore, #tpu.memory_space<semaphore_mem>>)
      %dma_wait3A_2423 = arith.constant 0 : i32
      %dma_wait3A_2424 = tpu.memref_slice %arg8[%mul3A_2, %dma_wait3A_2423] : memref<4104x512xf32, #tpu.memory_space<hbm>> -> memref<128x512xf32, #tpu.memory_space<hbm>>
      %dma_wait3A_2425 = arith.constant 0 : i32
      %dma_wait3A_2426 = tpu.memref_slice %arg8[%mul3A_2, %dma_wait3A_2425] : memref<4104x512xf32, #tpu.memory_space<hbm>> -> memref<128x512xf32, #tpu.memory_space<hbm>>
      tpu.wait_dma2 semaphore(%run_scoped3A : memref<!tpu.dma_semaphore, #tpu.memory_space<semaphore_mem>>) src(%arg18 : memref<128x512xf32, #tpu.memory_space<vmem>>) dst(%dma_wait3A_2426 : memref<128x512xf32, #tpu.memory_space<hbm>>)
      tpu.yield
    }) : () -> ()
    %gt3A_2416 = arith.constant 0 : i32
    %gt3A_2417 = arith.cmpi sgt, %add3A_2409, %gt3A_2416 : i32
    %convert_element_type3A = arith.extui %gt3A_2417 : i1 to i32
    %cond3A = arith.constant 0 : i32
    %cond3A_2418 = arith.cmpi ne, %convert_element_type3A, %cond3A : i32
    scf.if %cond3A_2418 {
      %dma_start3A_2419 = arith.constant 0 : i32
      %dma_start3A_2420 = arith.constant 0 : i32
      %dma_start3A_2421 = tpu.memref_slice %arg5[%dma_start3A_2419, %dma_start3A_2420] : memref<100000x512xf32, #tpu.memory_space<hbm>> -> memref<100000x512xf32, #tpu.memory_space<hbm>>
      tpu.enqueue_indirect_dma source(%dma_start3A_2421 : memref<100000x512xf32, #tpu.memory_space<hbm>>) target(%arg18 : memref<128x512xf32, #tpu.memory_space<vmem>>) offsets(%arg15 : memref<128xi32, #tpu.memory_space<vmem>>) semaphore(%arg19 : memref<!tpu.dma_semaphore, #tpu.memory_space<semaphore_mem>>)
      %dma_wait3A_2422 = arith.constant 0 : i32
      %dma_wait3A_2423 = arith.constant 0 : i32
      %dma_wait3A_2424 = tpu.memref_slice %arg5[%dma_wait3A_2422, %dma_wait3A_2423] : memref<100000x512xf32, #tpu.memory_space<hbm>> -> memref<100000x512xf32, #tpu.memory_space<hbm>>
      tpu.wait_indirect_dma semaphore(%arg19 : memref<!tpu.dma_semaphore, #tpu.memory_space<semaphore_mem>>) src(%dma_wait3A_2424 : memref<100000x512xf32, #tpu.memory_space<hbm>>) dst(%arg18 : memref<128x512xf32, #tpu.memory_space<vmem>>)
      %dma_start3A_2425 = arith.constant 0 : i32
      %dma_start3A_2426 = arith.constant 0 : i32
      %dma_start3A_2427 = tpu.memref_slice %arg8[%dma_start3A_2425, %dma_start3A_2426] : memref<4104x512xf32, #tpu.memory_space<hbm>> -> memref<4104x512xf32, #tpu.memory_space<hbm>>
      tpu.enqueue_indirect_dma source(%arg18 : memref<128x512xf32, #tpu.memory_space<vmem>>) target(%dma_start3A_2427 : memref<4104x512xf32, #tpu.memory_space<hbm>>) offsets(%arg17 : memref<128xi32, #tpu.memory_space<vmem>>) semaphore(%arg19 : memref<!tpu.dma_semaphore, #tpu.memory_space<semaphore_mem>>)
      %dma_wait3A_2428 = arith.constant 0 : i32
      %dma_wait3A_2429 = arith.constant 0 : i32
      %dma_wait3A_2430 = tpu.memref_slice %arg8[%dma_wait3A_2428, %dma_wait3A_2429] : memref<4104x512xf32, #tpu.memory_space<hbm>> -> memref<4104x512xf32, #tpu.memory_space<hbm>>
      tpu.wait_indirect_dma semaphore(%arg19 : memref<!tpu.dma_semaphore, #tpu.memory_space<semaphore_mem>>) src(%arg18 : memref<128x512xf32, #tpu.memory_space<vmem>>) dst(%dma_wait3A_2430 : memref<4104x512xf32, #tpu.memory_space<hbm>>)
    } else {
    }
    return
  }
}

module attributes {stable_mosaic.version = 14 : i64} {
  func.func @_enc_body(%arg0: i32, %arg1: memref<512x2048xf32, #tpu.memory_space<vmem>>, %arg2: memref<2048x512xf32, #tpu.memory_space<vmem>>, %arg3: memref<512x2048xf32, #tpu.memory_space<vmem>>, %arg4: memref<1x1x512xf32, #tpu.memory_space<vmem>>, %arg5: memref<512x512xf32, #tpu.memory_space<vmem>>) attributes {dimension_semantics = [#tpu.dimension_semantics<arbitrary>], iteration_bounds = array<i64: 8>, scalar_prefetch = 0 : i64, scratch_operands = 0 : i64, tpu.core_type = #tpu.core_type<tc>, window_params = [{transform_indices = @transform_0, window_bounds = array<i64: 512, 2048>}, {pipeline_mode = #tpu.pipeline_mode<synchronous>, transform_indices = @transform_1, window_bounds = array<i64: 2048, 512>}, {pipeline_mode = #tpu.pipeline_mode<synchronous>, transform_indices = @transform_2, window_bounds = array<i64: 512, 2048>}, {transform_indices = @transform_3, window_bounds = array<i64: 1, 1, 512>}, {transform_indices = @transform_4, window_bounds = array<i64: 512, 512>}]} {
    %get3A = arith.constant 0 : index
    %get3A_0 = arith.constant 0 : index
    %get3A_1 = vector.load %arg1[%get3A, %get3A_0] : memref<512x2048xf32, #tpu.memory_space<vmem>>, vector<512x2048xf32>
    %get3A_2 = arith.constant 0 : index
    %get3A_3 = arith.constant 0 : index
    %get3A_4 = vector.load %arg2[%get3A_2, %get3A_3] : memref<2048x512xf32, #tpu.memory_space<vmem>>, vector<2048x512xf32>
    %dot_general3A = arith.constant dense<0.000000e+00> : vector<512x512xf32>
    %dot_general3A_5 = tpu.matmul %get3A_1, %get3A_4, %dot_general3A {dimension_numbers = #tpu.dot_dimension_numbers<[1], [0], [0], [1], [0, 0, 1, 1], [], []>, transpose_lhs_hint = false} : vector<512x2048xf32>, vector<2048x512xf32>, vector<512x512xf32> -> vector<512x512xf32>
    %tanh3A = math.tanh %dot_general3A_5 : vector<512x512xf32>
    %get3A_6 = arith.constant 0 : index
    %get3A_7 = arith.constant 0 : index
    %get3A_8 = vector.load %arg3[%get3A_6, %get3A_7] : memref<512x2048xf32, #tpu.memory_space<vmem>>, vector<512x2048xf32>
    %dot_general3A_9 = arith.constant dense<0.000000e+00> : vector<512x2048xf32>
    %dot_general3A_10 = tpu.matmul %tanh3A, %get3A_8, %dot_general3A_9 {dimension_numbers = #tpu.dot_dimension_numbers<[1], [0], [0], [1], [0, 0, 1, 1], [], []>, transpose_lhs_hint = false} : vector<512x512xf32>, vector<512x2048xf32>, vector<512x2048xf32> -> vector<512x2048xf32>
    %get3A_11 = arith.constant 0 : index
    %get3A_12 = arith.constant 0 : index
    %get3A_13 = vector.load %arg1[%get3A_11, %get3A_12] : memref<512x2048xf32, #tpu.memory_space<vmem>>, vector<512x2048xf32>
    %sub3A = arith.subf %get3A_13, %dot_general3A_10 : vector<512x2048xf32>
    %mul3A = arith.mulf %sub3A, %sub3A : vector<512x2048xf32>
    %reduce_sum3A = arith.constant dense<0.000000e+00> : vector<512xf32>
    %reduce_sum3A_14 = vector.multi_reduction <add>, %mul3A, %reduce_sum3A [1] : vector<512x2048xf32> to vector<512xf32>
    %mul3A_15 = arith.mulf %tanh3A, %tanh3A : vector<512x512xf32>
    %reduce_sum3A_16 = arith.constant dense<0.000000e+00> : vector<512xf32>
    %reduce_sum3A_17 = vector.multi_reduction <add>, %mul3A_15, %reduce_sum3A_16 [1] : vector<512x512xf32> to vector<512xf32>
    %add3A = arith.addf %reduce_sum3A_14, %reduce_sum3A_17 : vector<512xf32>
    %mul3A_18 = arith.constant -5.000000e-01 : f32
    %mul3A_19 = vector.broadcast %mul3A_18 : f32 to vector<512xf32>
    %mul3A_20 = arith.mulf %mul3A_19, %add3A : vector<512xf32>
    %reshape3A = vector.shape_cast %mul3A_20 : vector<512xf32> to vector<1x1x512xf32>
    %swap3A = arith.constant 0 : index
    %swap3A_21 = arith.constant 0 : index
    %swap3A_22 = arith.constant 0 : index
    %swap3A_23 = vector.load %arg4[%swap3A, %swap3A_21, %swap3A_22] : memref<1x1x512xf32, #tpu.memory_space<vmem>>, vector<1x1x512xf32>
    tpu.vector_store %arg4[%swap3A, %swap3A_21, %swap3A_22], %reshape3A {strides = array<i32>} : memref<1x1x512xf32, #tpu.memory_space<vmem>>, vector<1x1x512xf32>,
    %swap3A_24 = arith.constant 0 : index
    %swap3A_25 = arith.constant 0 : index
    %swap3A_26 = vector.load %arg5[%swap3A_24, %swap3A_25] : memref<512x512xf32, #tpu.memory_space<vmem>>, vector<512x512xf32>
    tpu.vector_store %arg5[%swap3A_24, %swap3A_25], %tanh3A {strides = array<i32>} : memref<512x512xf32, #tpu.memory_space<vmem>>, vector<512x512xf32>,
    return
  }
  func.func @transform_0(%arg0: i32) -> (i32, i32) {
    %c0_i32 = arith.constant 0 : i32
    %c0_i32_0 = arith.constant 0 : i32
    return %arg0, %c0_i32 : i32, i32
  }
  func.func @transform_1(%arg0: i32) -> (i32, i32) {
    %c0_i32 = arith.constant 0 : i32
    %c0_i32_0 = arith.constant 0 : i32
    %c0_i32_1 = arith.constant 0 : i32
    return %c0_i32, %c0_i32_0 : i32, i32
  }
  func.func @transform_2(%arg0: i32) -> (i32, i32) {
    %c0_i32 = arith.constant 0 : i32
    %c0_i32_0 = arith.constant 0 : i32
    %c0_i32_1 = arith.constant 0 : i32
    return %c0_i32, %c0_i32_0 : i32, i32
  }
  func.func @transform_3(%arg0: i32) -> (i32, i32, i32) {
    %c0_i32 = arith.constant 0 : i32
    %c0_i32_0 = arith.constant 0 : i32
    %c0_i32_1 = arith.constant 0 : i32
    return %arg0, %c0_i32, %c0_i32_0 : i32, i32, i32
  }
  func.func @transform_4(%arg0: i32) -> (i32, i32) {
    %c0_i32 = arith.constant 0 : i32
    %c0_i32_0 = arith.constant 0 : i32
    return %arg0, %c0_i32 : i32, i32
  }
}

module attributes {stable_mosaic.version = 14 : i64} {
  func.func @_dec_body(%arg0: i32, %arg1: memref<512x2048xf32, #tpu.memory_space<vmem>>, %arg2: memref<512x512xf32, #tpu.memory_space<vmem>>, %arg3: memref<512x2048xf32, #tpu.memory_space<vmem>>, %arg4: memref<1x1x512xf32, #tpu.memory_space<vmem>>, %arg5: memref<1x1x512xf32, #tpu.memory_space<vmem>>) attributes {dimension_semantics = [#tpu.dimension_semantics<arbitrary>], iteration_bounds = array<i64: 8>, scalar_prefetch = 0 : i64, scratch_operands = 0 : i64, tpu.core_type = #tpu.core_type<tc>, window_params = [{transform_indices = @transform_0, window_bounds = array<i64: 512, 2048>}, {transform_indices = @transform_1, window_bounds = array<i64: 512, 512>}, {pipeline_mode = #tpu.pipeline_mode<synchronous>, transform_indices = @transform_2, window_bounds = array<i64: 512, 2048>}, {transform_indices = @transform_3, window_bounds = array<i64: 1, 1, 512>}, {transform_indices = @transform_4, window_bounds = array<i64: 1, 1, 512>}]} {
    %get3A = arith.constant 0 : index
    %get3A_0 = arith.constant 0 : index
    %get3A_1 = vector.load %arg2[%get3A, %get3A_0] : memref<512x512xf32, #tpu.memory_space<vmem>>, vector<512x512xf32>
    %get3A_2 = arith.constant 0 : index
    %get3A_3 = arith.constant 0 : index
    %get3A_4 = vector.load %arg3[%get3A_2, %get3A_3] : memref<512x2048xf32, #tpu.memory_space<vmem>>, vector<512x2048xf32>
    %dot_general3A = arith.constant dense<0.000000e+00> : vector<512x2048xf32>
    %dot_general3A_5 = tpu.matmul %get3A_1, %get3A_4, %dot_general3A {dimension_numbers = #tpu.dot_dimension_numbers<[1], [0], [0], [1], [0, 0, 1, 1], [], []>, transpose_lhs_hint = false} : vector<512x512xf32>, vector<512x2048xf32>, vector<512x2048xf32> -> vector<512x2048xf32>
    %get3A_6 = arith.constant 0 : index
    %get3A_7 = arith.constant 0 : index
    %get3A_8 = vector.load %arg1[%get3A_6, %get3A_7] : memref<512x2048xf32, #tpu.memory_space<vmem>>, vector<512x2048xf32>
    %sub3A = arith.subf %get3A_8, %dot_general3A_5 : vector<512x2048xf32>
    %mul3A = arith.mulf %sub3A, %sub3A : vector<512x2048xf32>
    %reduce_sum3A = arith.constant dense<0.000000e+00> : vector<512xf32>
    %reduce_sum3A_9 = vector.multi_reduction <add>, %mul3A, %reduce_sum3A [1] : vector<512x2048xf32> to vector<512xf32>
    %mul3A_10 = arith.constant -5.000000e-01 : f32
    %mul3A_11 = vector.broadcast %mul3A_10 : f32 to vector<512xf32>
    %mul3A_12 = arith.mulf %mul3A_11, %reduce_sum3A_9 : vector<512xf32>
    %mul3A_13 = arith.mulf %get3A_1, %get3A_1 : vector<512x512xf32>
    %reduce_sum3A_14 = arith.constant dense<0.000000e+00> : vector<512xf32>
    %reduce_sum3A_15 = vector.multi_reduction <add>, %mul3A_13, %reduce_sum3A_14 [1] : vector<512x512xf32> to vector<512xf32>
    %mul3A_16 = arith.constant -5.000000e-01 : f32
    %mul3A_17 = vector.broadcast %mul3A_16 : f32 to vector<512xf32>
    %mul3A_18 = arith.mulf %mul3A_17, %reduce_sum3A_15 : vector<512xf32>
    %get3A_19 = arith.constant 0 : index
    %get3A_20 = arith.constant 0 : index
    %get3A_21 = arith.constant 0 : index
    %get3A_22 = vector.load %arg4[%get3A_19, %get3A_20, %get3A_21] : memref<1x1x512xf32, #tpu.memory_space<vmem>>, vector<1x1x512xf32>
    %get3A_23 = vector.shape_cast %get3A_22 : vector<1x1x512xf32> to vector<512xf32>
    %log3A = math.log %get3A_23 : vector<512xf32>
    %add3A = arith.addf %mul3A_12, %log3A : vector<512xf32>
    %add3A_24 = arith.addf %add3A, %mul3A_18 : vector<512xf32>
    %reshape3A = vector.shape_cast %add3A_24 : vector<512xf32> to vector<1x1x512xf32>
    %swap3A = arith.constant 0 : index
    %swap3A_25 = arith.constant 0 : index
    %swap3A_26 = arith.constant 0 : index
    %swap3A_27 = vector.load %arg5[%swap3A, %swap3A_25, %swap3A_26] : memref<1x1x512xf32, #tpu.memory_space<vmem>>, vector<1x1x512xf32>
    tpu.vector_store %arg5[%swap3A, %swap3A_25, %swap3A_26], %reshape3A {strides = array<i32>} : memref<1x1x512xf32, #tpu.memory_space<vmem>>, vector<1x1x512xf32>,
    return
  }
  func.func @transform_0(%arg0: i32) -> (i32, i32) {
    %c0_i32 = arith.constant 0 : i32
    %c0_i32_0 = arith.constant 0 : i32
    return %arg0, %c0_i32 : i32, i32
  }
  func.func @transform_1(%arg0: i32) -> (i32, i32) {
    %c0_i32 = arith.constant 0 : i32
    %c0_i32_0 = arith.constant 0 : i32
    return %arg0, %c0_i32 : i32, i32
  }
  func.func @transform_2(%arg0: i32) -> (i32, i32) {
    %c0_i32 = arith.constant 0 : i32
    %c0_i32_0 = arith.constant 0 : i32
    %c0_i32_1 = arith.constant 0 : i32
    return %c0_i32, %c0_i32_0 : i32, i32
  }
  func.func @transform_3(%arg0: i32) -> (i32, i32, i32) {
    %c0_i32 = arith.constant 0 : i32
    %c0_i32_0 = arith.constant 0 : i32
    %c0_i32_1 = arith.constant 0 : i32
    return %arg0, %c0_i32, %c0_i32_0 : i32, i32, i32
  }
  func.func @transform_4(%arg0: i32) -> (i32, i32, i32) {
    %c0_i32 = arith.constant 0 : i32
    %c0_i32_0 = arith.constant 0 : i32
    %c0_i32_1 = arith.constant 0 : i32
    return %arg0, %c0_i32, %c0_i32_0 : i32, i32, i32
  }
}

</mosaic_0001>

<sc_bundles>
// kernel: kernel.6.cloned.1.call-start
scs
__scs_entry_jumppad:
0x0: {  	(pc) =	sbr.rel $0x88, $3  }
0x1: {  	(tag) =	ssettag $0x0;
	lr =	simm.s32 $0x1  }
0x2: {  	[smem:$0x3F9B] =	sst lr;
	_ =	strace $0xD0000000  }
0x3: {  	_ = 	snop  }
0x4: {  	_ = 	snop  }
0x5: {  	_ = 	snop  }
0x6: {  	_ = 	snop  }
0x7: {  	_ = 	snop  }
__scs_overlays_trampoline_lowered:
0x8: {  	[smem:$0x3FAA] =	sst s0  }
0x9: {  	[smem:$0x3FAB] =	sst s1  }
0xa: {  	[smem:$0x3FAC] =	sst s2  }
0xb: {  	[smem:$0x3FAD] =	sst s3  }
0xc: {  	[smem:$0x3FAE] =	sst s4  }
0xd: {  	[smem:$0x3FAF] =	sst s5  }
0xe: {  	[smem:$0x3FB0] =	sst s6  }
0xf: {  	[smem:$0x3FB1] =	sst s7  }
0x10: {  	[smem:$0x3FB2] =	sst s8  }
0x11: {  	[smem:$0x3FB3] =	sst s9;
	s0 =	simm.s32 @!p0 $0x0  }
0x12: {  	s1 =	sld [smem:$0x3F99];
	s0 =	simm.s32 @p0 $0x1  }
0x13: {  	[smem:$0x3FB4] =	sst s0;
	s0 =	simm.s32 @!p1 $0x0  }
0x14: {  	s2 =	sld [smem:$0x3F98];
	s0 =	simm.s32 @p1 $0x1  }
0x15: {  	[smem:$0x3FB5] =	sst s0;
	s0 =	simm.s32 @!p2 $0x0  }
0x16: {  	s3 =	sld [smem:$0x3FDB];
	s0 =	simm.s32 @p2 $0x1  }
0x17: {  	s4 =	simm.s32 $0x1BF5;
	[smem:$0x3FB7] =	sst s0  }
0x18: {  	s0 =	sld [smem:$0x3F9A];
	_ =	swait.ge [sflag:s4], $0x0  }
0x19: {  	s7 =	sld [smem:$0x3F9B]  }
0x1a: {  	s8 =	sadd.s32 $0xFFFFE003, lr  }
0x1b: {  	s9 =	sadd.s32 $0xFFFFFEF7, lr;
	s5 =	simm.s32 $0xFFFFFFFF;
	p2 =	slt.u32 s8, $0xFFFFF086  }
0x1c: {  	p1 =	slt.u32 s9, $0xF7A;
	s5 =	simm.s32 @!p2 $0x0  }
0x1d: {  	s5 =	simm.s32 @p1 $0x1;
	p0 =	seq.s32 s7, s2  }
0x1e: {  	s7 =	smul.u32 @!p0 $0xF7A, s2;
	p2 =	seq.s32 @!p0 s5, $0x0  }
0x1f: {  	s9 =	smul.u32 $0xF7A, s1;
	s8 =	simm.s32 @!p0 $0x1BF5;
	p2 =	por !p2, p0  }
0x20: {  	[sflag:s8] =	ssyncset.s32 @!p0 $0xFFFFF086;
	s6 =	sadd.s32 @!p0 s3, s7;
	s7 =	simm.s32 @!p0 $0x108  }
0x21: {  	s3 =	sadd.s32 s3, s9;
	s6 =	sadd.s32 @!p0 $0x88, s6;
	s7 =	simm.s32 @p2 $0x1082  }
0x22: {  	[simem:s7], [sflag:s8] =	dma.local @!p0 [hbm:s6], $0xF7A  }
0x23: {  	s9 =	sor.u32 $0xD0000000, s2;
	s6 =	simm.s32 $0x108;
	_ =	swait.ge @!p0 [sflag:s8], $0x0  }
0x24: {  	s3 =	sadd.s32 $0x88, s3;
	s6 =	simm.s32 @!p1 $0x1082;
	[sflag:s4] =	ssyncset.s32 $0xFFFFF086  }
0x25: {  	[simem:s6], [sflag:s4] =	dma.local [hbm:s3], $0xF7A  }
0x26: {  	[smem:$0x3F9B] =	sst s1;
	(tag) =	ssettag s2;
	_ =	strace s9  }
0x27: {  	s1 =	sld [smem:$0x3FAB]  }
0x28: {  	s2 =	sld [smem:$0x3FAC]  }
0x29: {  	s4 =	sld [smem:$0x3FAE]  }
0x2a: {  	p0 =	seq.s32 s5, $0x0;
	s5 =	sld [smem:$0x3FAF]  }
0x2b: {  	s6 =	sld [smem:$0x3FB0]  }
0x2c: {  	s7 =	sld [smem:$0x3FB1]  }
0x2d: {  	s3 =	simm.s32 $0x108;
	s8 =	sld [smem:$0x3FB2]  }
0x2e: {  	s3 =	simm.s32 @!p0 $0x1082;
	s9 =	sld [smem:$0x3FB3]  }
0x2f: {  	lr =	sadd.s32 s0, s3;
	s0 =	sld [smem:$0x3FAA]  }
0x30: {  	s3 =	sld [smem:$0x3FAD]  }
0x31: {  	[smem:$0x3FB6] =	sst s10  }
0x32: {  	s10 =	sld [smem:$0x3FB4];
	_ =	sdelay $0x3  }
0x33: {  	p0 =	seq.s32 s10, $0x1;
	s10 =	sld [smem:$0x3FB6];
	_ =	sdelay $0x3  }
0x34: {  	[smem:$0x3FB6] =	sst s10  }
0x35: {  	s10 =	sld [smem:$0x3FB5];
	_ =	sdelay $0x3  }
0x36: {  	p1 =	seq.s32 s10, $0x1;
	s10 =	sld [smem:$0x3FB6];
	_ =	sdelay $0x3  }
0x37: {  	[smem:$0x3FB6] =	sst s10  }
0x38: {  	s10 =	sld [smem:$0x3FB7]  }
0x39: {  	_ = 	snop;
	(pc) =	sbr.ind lr, $3  }
0x3a: {  	_ = 	snop  }
0x3b: {  	_ = 	snop  }
0x3c: {  	p2 =	seq.s32 s10, $0x1;
	s10 =	sld [smem:$0x3FB6]  }
0x3d: {  	_ =	shalt  }
0x3e: {  	_ =	shalt  }
0x3f: {  	_ =	shalt  }
0x40: {  	_ =	shalt  }
0x41: {  	_ =	shalt  }
0x42: {  	_ =	shalt  }
0x43: {  	_ =	shalt  }
0x44: {  	_ =	shalt  }
0x45: {  	_ =	shalt  }
0x46: {  	_ =	shalt  }
0x47: {  	_ =	shalt  }
0x48: {  	_ =	shalt  }
0x49: {  	_ =	shalt  }
0x4a: {  	_ =	shalt  }
0x4b: {  	_ =	shalt  }
0x4c: {  	_ =	shalt  }
0x4d: {  	_ =	shalt  }
0x4e: {  	_ =	shalt  }
0x4f: {  	_ =	shalt  }
0x50: {  	_ =	shalt  }
0x51: {  	_ =	shalt  }
0x52: {  	_ =	shalt  }
0x53: {  	_ =	shalt  }
0x54: {  	_ =	shalt  }
0x55: {  	_ =	shalt  }
0x56: {  	_ =	shalt  }
0x57: {  	_ =	shalt  }
0x58: {  	_ =	shalt  }
0x59: {  	_ =	shalt  }
0x5a: {  	_ =	shalt  }
0x5b: {  	_ =	shalt  }
0x5c: {  	_ =	shalt  }
0x5d: {  	_ =	shalt  }
0x5e: {  	_ =	shalt  }
0x5f: {  	_ =	shalt  }
0x60: {  	_ =	shalt  }
0x61: {  	_ =	shalt  }
0x62: {  	_ =	shalt  }
0x63: {  	_ =	shalt  }
0x64: {  	_ =	shalt  }
0x65: {  	_ =	shalt  }
0x66: {  	_ =	shalt  }
0x67: {  	_ =	shalt  }
0x68: {  	_ =	shalt  }
0x69: {  	_ =	shalt  }
0x6a: {  	_ =	shalt  }
0x6b: {  	_ =	shalt  }
0x6c: {  	_ =	shalt  }
0x6d: {  	_ =	shalt  }
0x6e: {  	_ =	shalt  }
0x6f: {  	_ =	shalt  }
0x70: {  	_ =	shalt  }
0x71: {  	_ =	shalt  }
0x72: {  	_ =	shalt  }
0x73: {  	_ =	shalt  }
0x74: {  	_ =	shalt  }
0x75: {  	_ =	shalt  }
0x76: {  	_ =	shalt  }
0x77: {  	_ =	shalt  }
0x78: {  	_ =	shalt  }
0x79: {  	_ =	shalt  }
0x7a: {  	_ =	shalt  }
0x7b: {  	_ =	shalt  }
0x7c: {  	_ =	shalt  }
0x7d: {  	_ =	shalt  }
0x7e: {  	_ =	shalt  }
0x7f: {  	_ =	shalt  }
0x80: {  	_ =	shalt  }
0x81: {  	_ =	shalt  }
0x82: {  	_ =	shalt  }
0x83: {  	_ =	shalt  }
0x84: {  	_ =	shalt  }
0x85: {  	_ =	shalt  }
0x86: {  	_ =	shalt  }
0x87: {  	_ =	shalt  }
.Lfunc_end0:
.L_simem_size_0:
called_computation_lowered:
.L_overlay_start_0:
0x88: {  	s2 =	sld [smem:$0x3FD9]  }
0x89: {  	s3 =	sld [smem:$0x3FFE];
	_ =	sdelay $0x1  }
0x8a: {  	s1 =	srdreg.scid  }
0x8b: {  	s0 =	sand.u32 $0x1, s1  }
0x8c: {  	s17 =	sshll.u32 s0, $0xA;
	s2 =	sadd.s32 s3, s2  }
0x8d: {  	s2 =	sadd.s32 s2, s17  }
0x8e: {  	[smem:$0x3FC2] =	sst s2  }
0x8f: {  	_ = 	snop  }
0x90: {  	s2 =	sld [smem:$0x3FC8];
	(tm) =	ssettm $0x1  }
0x91: {  	s18 =	sld [smem:$0x3FFB];
	_ =	sdelay $0x3  }
0x92: {  	_ =	strace s18  }
0x93: {  	s3 =	sld [smem:$0x3FFC];
	_ =	sdelay $0x3  }
0x94: {  	_ =	strace s3  }
0x95: {  	s3 =	sld [smem:$0x3FFD];
	_ =	sdelay $0x3  }
0x96: {  	_ =	strace s3  }
0x97: {  	_ =	strace $0x8FFFFFFF  }
0x98: {  	s19 =	sld [smem:$0x3FDB];
	_ =	sdelay $0x1  }
0x99: {  	s4 =	simm.s32 $_scs_section_size  }
0x9a: {  	s5 =	simm.s32 $_size__tile_overlayer_lowered;
	s6 =	simm.s32 $_tile_overlayer_lowered  }
0x9b: {  	s22 =	simm.s32 $0x1BFF;
	s21 =	sshll.u32 s6, $0x1;
	s3 =	sadd.s32 s4, s19  }
0x9c: {  	s7 =	simm.s32 $0x0;
	s20 =	sshll.u32 s5, $0x1;
	s5 =	sadd.s32 s21, s3  }
0x9d: {  	[timem:s7], [sflag:s22] =	dma.local [hbm:s5], s20  }
0x9e: {  	_ =	swait.ge [sflag:s22], s20  }
0x9f: {  	s4 =	ssub.s32 $0x0, s20;
	[sflag:s22] =	ssyncset.done $0x0  }
0xa0: {  	[sflag:s22] =	ssyncadd.s32 s4;
	_ =	sdelay $0x1  }
0xa1: {  	s23 =	simm.s32 $0x1B8B  }
0xa2: {  	_ =	swait.ge [sflag:s23], $0x1  }
0xa3: {  	[sflag:s23] =	ssyncset.done $0x0  }
0xa4: {  	s25 =	simm.s32 $0x1B8E;
	s24 =	sld [smem:$0x3FFE];
	[sflag:s23] =	ssyncadd.s32 $0xFFFFFFFF  }
0xa5: {  	s26 =	simm.s32 $execute0_lowered;
	[smem:$0x3FD2] =	sst s25  }
0xa6: {  	s5 =	sshll.u32 s26, $0x1;
	_ =	strace $0x80000046;
	[dreg:$0x1] =	wrdreg $0xFFFFFFFF  }
0xa7: {  	s28 =	simm.s32 $_size_execute0_lowered;
	s3 =	sadd.s32 s3, s5;
	[dreg:$0x0] =	wrdreg $0x0  }
0xa8: {  	s5 =	sshll.u32 s28, $0x1;
	[dreg:$0x2] =	wrdreg s3  }
0xa9: {  	[dreg:$0x3] =	wrdreg s5  }
0xaa: {  	[dreg:$0x4] =	wrdreg $0xC0  }
0xab: {  	_ =	task [dreg:s7], $0x5FFFF  }
0xac: {  	[dreg:$0x1] =	wrdreg $0xFFFFFFFF  }
0xad: {  	[dreg:$0x0] =	wrdreg $0x60  }
0xae: {  	[dreg:$0x2] =	wrdreg s2  }
0xaf: {  	[dreg:$0x3] =	wrdreg s24  }
0xb0: {  	[dreg:$0x4] =	wrdreg $0x9  }
0xb1: {  	_ =	task.clear_ibuf [dreg:s7], $0x5FFFF;
	_ =	strace $0x90000046  }
0xb2: {  	s29 =	simm.s32 $0x9;
	_ =	strace $0x80000048  }
0xb3: {  	_ =	swait.ge [sflag:s29], $0x1  }
0xb4: {  	[sflag:s29] =	ssyncadd.s32 $0xFFFFFFFF  }
0xb5: {  	_ =	strace $0x90000048  }
0xb6: {  	_ =	sfence  }
0xb7: {  	s30 =	sld [smem:$0x0];
	_ =	sdelay $0x2  }
0xb8: {  	s31 =	sshll.u32 s1, $0xD;
	s1 =	sshrl.u32 s1, $0x2  }
0xb9: {  	s3 =	sand.u32 $0x4000, s31;
	s1 =	sadd.s32 s1, s30  }
0xba: {  	s0 =	sor.u32 s3, s0;
	s1 =	sshll.u32 s1, $0x11  }
0xbb: {  	s0 =	sor.u32 s1, s0  }
0xbc: {  	s0 =	sadd.s32 $0x8F2B, s0  }
0xbd: {  	[sflag:s0] =	ssyncadd.remote.s32 $0x1  }
0xbe: {  	_ =	sfence.sel $0xFFFF  }
0xbf: {  	[dreg:$0x0] =	wrdreg $0xFFFFFFFF;
	(pc) =	sbr.abs _section_cstart, $3  }
0xc0: {  	[dreg:$0x1] =	wrdreg $0xFFFFFFFF  }
0xc1: {  	_ =	task.clear_ibuf [dreg:s7], $0x2FFFF;
	_ =	strace $0x9FFFFFFF  }
0xc2: {  	(tm) =	ssettm $0x7FFFFFFF  }
0xc3: {  	_ =	shalt  }
tec
execute0_lowered:
.L_overlay_start_1:
0x0: {  	(tag) =	ssettag $0x1  }
0x1: {  	s2 =	rddreg [dreg:$0x0];
	s0 =	srdreg.scid  }
0x2: {  	s5 =	rddreg [dreg:$0x1];
	s1 =	stileid.u32;
	s3 =	simm.s32 $0x0  }
0x3: {  	v0 =	vlaneseq.u32;
	vm0 =	vmmov $0x1;
	s9 =	simm.s32 $0x3780;
	s10 =	simm.s32 $0x0;
	s6 =	sand.u32 $0x1, s0  }
0x4: {  	vm1 =	vcmask $0x308;
	vm2 =	vcmask $0x70C;
	vm3 =	vcmask $0xB10;
	s0 =	rddreg [dreg:$0x2];
	s7 =	sshll.u32 s1, $0x7;
	s4 =	sshll.u32 s6, $0xB  }
0x5: {  	vm4 =	vcmask $0xF14;
	vm5 =	vcmask $0x1318;
	vm6 =	vcmask $0x171C;
	[smem:$0x7FF] =	sst s3;
	s6 =	ssub.s32 $0x2, s6;
	s4 =	sor.u32 s7, s4  }
0x6: {  	vm7 =	vcmask $0x1B20;
	vm8 =	vcmask $0x1F24;
	vm9 =	vcmask $0x2328;
	_ =	strace $0x80000047;
	s8 =	sshrl.u32 s6, $0x1;
	s7 =	sshrl.u32 s4, $0x3  }
0x7: {  	vm10 =	vcmask $0x272C;
	vm11 =	vcmask $0x2B30;
	vm12 =	vcmask $0x2F34;
	s6 =	ssub.s32 s6, s8;
	s8 =	simm.s32 $0x1000;
	s5 =	sadd.s32 s7, s5  }
0x8: {  	vm13 =	vcmask $0x3338;
	vm14 =	vcmask $0x373C;
	vm15 =	vmmov $0x7fff;
	s6 =	smax.u32 s6, $0x1;
	s7 =	simm.s32 $0x1;
	s5 =	sadd.s32 $0x1C00, s5  }
.LBB2_1:
0x9: {  	[tilespmem:s3], [sflag:$0x1] =	stream.linear.gather [hbm4b:s2+s3], $0x1000, $0x38;
	[tilespmem:$0x3800] =	vst v63  }
0xa: {  	_ =	swait.ge [sflag:s7], $0x1000  }
0xb: {  	[sflag:s7] =	ssyncset.done $0x0  }
0xc: {  	[sflag:s7] =	ssyncadd.s32 $0xFFFFF000  }
0xd: {  	v2 =	vld [tilespmem:s3+$0x0];
	_ =	sdelay $0x4  }
0xe: {  	v3 =	vnsel vm0, $0x2710, v2  }
0xf: {  	v4 =	vsel vm1, $0x2710, v2  }
0x10: {  	v5 =	vsel vm2, $0x2710, v2  }
0x11: {  	v6 =	vsel vm3, $0x2710, v2  }
0x12: {  	v1 =	vor.u32 s3, v0;
	v7 =	vsel vm4, $0x2710, v2  }
0x13: {  	[tilespmem:v3+s8+$0x0] =	vst.idx.msk $0xffff, v1;
	v3 =	vsel vm5, $0x2710, v2  }
0x14: {  	v56 =	vsel vm6, $0x2710, v2;
	[tilespmem:v4+s8+$0x0] =	vst.idx.msk $0xffff, v1  }
0x15: {  	v57 =	vsel vm7, $0x2710, v2;
	[tilespmem:v5+s8+$0x0] =	vst.idx.msk $0xffff, v1  }
0x16: {  	v58 =	vsel vm8, $0x2710, v2;
	[tilespmem:v6+s8+$0x0] =	vst.idx.msk $0xffff, v1  }
0x17: {  	v59 =	vsel vm9, $0x2710, v2;
	[tilespmem:v7+s8+$0x0] =	vst.idx.msk $0xffff, v1  }
0x18: {  	[tilespmem:v3+s8+$0x0] =	vst.idx.msk $0xffff, v1;
	v3 =	vsel vm10, $0x2710, v2  }
0x19: {  	v60 =	vsel vm11, $0x2710, v2;
	[tilespmem:v56+s8+$0x0] =	vst.idx.msk $0xffff, v1  }
0x1a: {  	v61 =	vsel vm12, $0x2710, v2;
	[tilespmem:v57+s8+$0x0] =	vst.idx.msk $0xffff, v1  }
0x1b: {  	v62 =	vsel vm13, $0x2710, v2;
	[tilespmem:v58+s8+$0x0] =	vst.idx.msk $0xffff, v1  }
0x1c: {  	v63 =	vsel vm14, $0x2710, v2;
	[tilespmem:v59+s8+$0x0] =	vst.idx.msk $0xffff, v1  }
0x1d: {  	[tilespmem:v3+s8+$0x0] =	vst.idx.msk $0xffff, v1  }
0x1e: {  	v2 =	vsel vm15, $0x2710, v2;
	[tilespmem:v60+s8+$0x0] =	vst.idx.msk $0xffff, v1  }
0x1f: {  	[tilespmem:v61+s8+$0x0] =	vst.idx.msk $0xffff, v1  }
0x20: {  	[tilespmem:v62+s8+$0x0] =	vst.idx.msk $0xffff, v1  }
0x21: {  	s11 =	simm.s32 $0x10;
	s12 =	simm.s32 $0x0;
	[tilespmem:v63+s8+$0x0] =	vst.idx.msk $0xffff, v1  }
.LBB2_2:
0x22: {  	p0 =	sne.s32 s11, $0xFF0  }
0x23: {  	[tilespmem:v2+s8+$0x0] =	vst.idx.msk $0xffff, v1;
	s12 =	sadd.s32 $0x10, s12;
	s13 =	smov.u32 s11;
	s11 =	sadd.s32 $0x10, s11  }
0x24: {  	v2 =	vld [tilespmem:s12+$0x0];
	_ =	sdelay $0x4  }
0x25: {  	v3 =	vnsel vm0, $0x2710, v2  }
0x26: {  	v4 =	vsel vm1, $0x2710, v2  }
0x27: {  	v5 =	vsel vm2, $0x2710, v2  }
0x28: {  	v6 =	vsel vm3, $0x2710, v2  }
0x29: {  	v1 =	vor.u32 s13, v0;
	v7 =	vsel vm4, $0x2710, v2  }
0x2a: {  	[tilespmem:v3+s8+$0x0] =	vst.idx.msk $0xffff, v1;
	v3 =	vsel vm5, $0x2710, v2  }
0x2b: {  	[tilespmem:v4+s8+$0x0] =	vst.idx.msk $0xffff, v1;
	v4 =	vsel vm6, $0x2710, v2  }
0x2c: {  	[tilespmem:v5+s8+$0x0] =	vst.idx.msk $0xffff, v1;
	v5 =	vsel vm7, $0x2710, v2  }
0x2d: {  	[tilespmem:v6+s8+$0x0] =	vst.idx.msk $0xffff, v1;
	v6 =	vsel vm8, $0x2710, v2  }
0x2e: {  	[tilespmem:v7+s8+$0x0] =	vst.idx.msk $0xffff, v1;
	v7 =	vsel vm9, $0x2710, v2  }
0x2f: {  	[tilespmem:v3+s8+$0x0] =	vst.idx.msk $0xffff, v1;
	v3 =	vsel vm10, $0x2710, v2  }
0x30: {  	[tilespmem:v4+s8+$0x0] =	vst.idx.msk $0xffff, v1;
	v4 =	vsel vm11, $0x2710, v2  }
0x31: {  	[tilespmem:v5+s8+$0x0] =	vst.idx.msk $0xffff, v1;
	v5 =	vsel vm12, $0x2710, v2  }
0x32: {  	[tilespmem:v6+s8+$0x0] =	vst.idx.msk $0xffff, v1;
	v6 =	vsel vm13, $0x2710, v2  }
0x33: {  	[tilespmem:v7+s8+$0x0] =	vst.idx.msk $0xffff, v1;
	v7 =	vsel vm14, $0x2710, v2  }
.Ltmp0:
0x34: {  	v2 =	vsel vm15, $0x2710, v2;
	[tilespmem:v3+s8+$0x0] =	vst.idx.msk $0xffff, v1;
	(pc) =	sbr.rel @p0 .LBB2_2-.Ltmp0, $4  }
0x35: {  	[tilespmem:v4+s8+$0x0] =	vst.idx.msk $0xffff, v1  }
0x36: {  	[tilespmem:v5+s8+$0x0] =	vst.idx.msk $0xffff, v1  }
0x37: {  	[tilespmem:v6+s8+$0x0] =	vst.idx.msk $0xffff, v1  }
0x38: {  	[tilespmem:v7+s8+$0x0] =	vst.idx.msk $0xffff, v1  }
0x39: {  	_ =	sdelay $0x3  }
0x3a: {  	[tilespmem:v2+s8+$0x0] =	vst.idx.msk $0xffff, v1  }
0x3b: {  	v1 =	vld [tilespmem:s4+$0x0];
	_ =	sdelay $0x7  }
0x3c: {  	v1 =	vld.idx.msk [tilespmem:v1+s8+$0x0], $0xffff;
	_ =	sdelay $0x4  }
0x3d: {  	[tilespmem:$0x3780] =	vst v1  }
0x3e: {  	v1 =	vld [tilespmem:s4+$0x10];
	_ =	sdelay $0x7  }
0x3f: {  	v1 =	vld.idx.msk [tilespmem:v1+s8+$0x0], $0xffff;
	_ =	sdelay $0x4  }
0x40: {  	[tilespmem:$0x3790] =	vst v1  }
0x41: {  	v1 =	vld [tilespmem:s4+$0x20];
	_ =	sdelay $0x7  }
0x42: {  	v1 =	vld.idx.msk [tilespmem:v1+s8+$0x0], $0xffff;
	_ =	sdelay $0x4  }
0x43: {  	[tilespmem:$0x37A0] =	vst v1  }
0x44: {  	v1 =	vld [tilespmem:s4+$0x30];
	_ =	sdelay $0x7  }
0x45: {  	v1 =	vld.idx.msk [tilespmem:v1+s8+$0x0], $0xffff;
	_ =	sdelay $0x4  }
0x46: {  	[tilespmem:$0x37B0] =	vst v1  }
0x47: {  	v1 =	vld [tilespmem:s4+$0x40];
	_ =	sdelay $0x7  }
0x48: {  	v1 =	vld.idx.msk [tilespmem:v1+s8+$0x0], $0xffff;
	_ =	sdelay $0x4  }
0x49: {  	[tilespmem:$0x37C0] =	vst v1  }
0x4a: {  	v1 =	vld [tilespmem:s4+$0x50];
	_ =	sdelay $0x7  }
0x4b: {  	v1 =	vld.idx.msk [tilespmem:v1+s8+$0x0], $0xffff;
	_ =	sdelay $0x4  }
0x4c: {  	[tilespmem:$0x37D0] =	vst v1  }
0x4d: {  	v1 =	vld [tilespmem:s4+$0x60];
	_ =	sdelay $0x7  }
0x4e: {  	v1 =	vld.idx.msk [tilespmem:v1+s8+$0x0], $0xffff;
	_ =	sdelay $0x4  }
0x4f: {  	[tilespmem:$0x37E0] =	vst v1  }
0x50: {  	v1 =	vld [tilespmem:s4+$0x70];
	_ =	sdelay $0x7  }
0x51: {  	v1 =	vld.idx.msk [tilespmem:v1+s8+$0x0], $0xffff;
	_ =	sdelay $0x2  }
0x52: {  	s10 =	sadd.s32 $0x1, s10  }
0x53: {  	p0 =	sne.s32 s10, s6  }
.Ltmp1:
0x54: {  	[tilespmem:$0x37F0] =	vst v1;
	(pc) =	sbr.rel @p0 .LBB2_1-.Ltmp1, $4  }
0x55: {  	[hbm4b:s5+s3] =	stream.linear.scatter [tilespmem:s9], [sflag:$0x1], $0x80, $0x38;
	[tilespmem:$0x3800] =	vst v63  }
0x56: {  	_ =	swait.ge [sflag:s7], $0x80  }
0x57: {  	[sflag:s7] =	ssyncset.done $0x0  }
0x58: {  	[sflag:s7] =	ssyncadd.s32 $0xFFFFFF80  }
0x59: {  	_ =	sfence.sel $0x180000  }
0x5a: {  	[bflag:$0x0] =	sbarrier.arrive $0xFFFF  }
0x5b: {  	p0 =	sne.s32 s1, $0x0;
	_ =	strace $0x90000047  }
0x5c: {  	s0 =	sadd.s32 @!p0 $0x100000, s0;
	[bflag:$0x2] =	sbarrier.arrive $0xFFFF  }
0x5d: {  	[sflag:s0] =	ssyncadd.tile.s32 @!p0 $0x1;
	_ =	shalt  }
.Lfunc_end2:
_tile_overlayer_lowered:
.L_overlay_start_2:
0x5e: {  	(tag) =	ssettag $0x2  }
0x5f: {  	s0 =	rddreg [dreg:$0x0];
	s2 =	stileid.u32  }
0x60: {  	s1 =	rddreg [dreg:$0x1];
	p0 =	sne.s32 s2, $0x0  }
0x61: {  	s3 =	rddreg [dreg:$0x2];
	[bflag:$0x3] =	sbarrier.arrive $0xFFFF;
	s2 =	simm.s32 @!p0 $0x1C01  }
0x62: {  	[timem:s3], [sflag:s2] =	dma.local @!p0 [hbm:s0], s1  }
0x63: {  	s0 =	simm.s32 @!p0 $0x1  }
0x64: {  	_ =	swait.ge @!p0 [sflag:s0], s1  }
0x65: {  	s1 =	ssub.s32 @!p0 $0x0, s1;
	[sflag:s0] =	ssyncset.done @!p0 $0x0  }
0x66: {  	[sflag:s0] =	ssyncadd.s32 @!p0 s1  }
0x67: {  	[bflag:$0x3] =	sbarrier.arrive $0xFFFF  }
0x68: {  	_ =	shalt  }

// kernel: kernel.9.cloned.1.call-start
scs
__scs_entry_jumppad:
0x0: {  	(pc) =	sbr.rel $0x88, $3  }
0x1: {  	(tag) =	ssettag $0x0;
	lr =	simm.s32 $0x1  }
0x2: {  	[smem:$0x3F9B] =	sst lr;
	_ =	strace $0xD0000000  }
0x3: {  	_ = 	snop  }
0x4: {  	_ = 	snop  }
0x5: {  	_ = 	snop  }
0x6: {  	_ = 	snop  }
0x7: {  	_ = 	snop  }
__scs_overlays_trampoline_lowered:
0x8: {  	[smem:$0x3FAA] =	sst s0  }
0x9: {  	[smem:$0x3FAB] =	sst s1  }
0xa: {  	[smem:$0x3FAC] =	sst s2  }
0xb: {  	[smem:$0x3FAD] =	sst s3  }
0xc: {  	[smem:$0x3FAE] =	sst s4  }
0xd: {  	[smem:$0x3FAF] =	sst s5  }
0xe: {  	[smem:$0x3FB0] =	sst s6  }
0xf: {  	[smem:$0x3FB1] =	sst s7  }
0x10: {  	[smem:$0x3FB2] =	sst s8  }
0x11: {  	[smem:$0x3FB3] =	sst s9;
	s0 =	simm.s32 @!p0 $0x0  }
0x12: {  	s1 =	sld [smem:$0x3F99];
	s0 =	simm.s32 @p0 $0x1  }
0x13: {  	[smem:$0x3FB4] =	sst s0;
	s0 =	simm.s32 @!p1 $0x0  }
0x14: {  	s2 =	sld [smem:$0x3F98];
	s0 =	simm.s32 @p1 $0x1  }
0x15: {  	[smem:$0x3FB5] =	sst s0;
	s0 =	simm.s32 @!p2 $0x0  }
0x16: {  	s3 =	sld [smem:$0x3FDB];
	s0 =	simm.s32 @p2 $0x1  }
0x17: {  	s4 =	simm.s32 $0x1BF5;
	[smem:$0x3FB7] =	sst s0  }
0x18: {  	s0 =	sld [smem:$0x3F9A];
	_ =	swait.ge [sflag:s4], $0x0  }
0x19: {  	s7 =	sld [smem:$0x3F9B]  }
0x1a: {  	s8 =	sadd.s32 $0xFFFFE003, lr  }
0x1b: {  	s9 =	sadd.s32 $0xFFFFFEF7, lr;
	s5 =	simm.s32 $0xFFFFFFFF;
	p2 =	slt.u32 s8, $0xFFFFF086  }
0x1c: {  	p1 =	slt.u32 s9, $0xF7A;
	s5 =	simm.s32 @!p2 $0x0  }
0x1d: {  	s5 =	simm.s32 @p1 $0x1;
	p0 =	seq.s32 s7, s2  }
0x1e: {  	s7 =	smul.u32 @!p0 $0xF7A, s2;
	p2 =	seq.s32 @!p0 s5, $0x0  }
0x1f: {  	s9 =	smul.u32 $0xF7A, s1;
	s8 =	simm.s32 @!p0 $0x1BF5;
	p2 =	por !p2, p0  }
0x20: {  	[sflag:s8] =	ssyncset.s32 @!p0 $0xFFFFF086;
	s6 =	sadd.s32 @!p0 s3, s7;
	s7 =	simm.s32 @!p0 $0x108  }
0x21: {  	s3 =	sadd.s32 s3, s9;
	s6 =	sadd.s32 @!p0 $0x88, s6;
	s7 =	simm.s32 @p2 $0x1082  }
0x22: {  	[simem:s7], [sflag:s8] =	dma.local @!p0 [hbm:s6], $0xF7A  }
0x23: {  	s9 =	sor.u32 $0xD0000000, s2;
	s6 =	simm.s32 $0x108;
	_ =	swait.ge @!p0 [sflag:s8], $0x0  }
0x24: {  	s3 =	sadd.s32 $0x88, s3;
	s6 =	simm.s32 @!p1 $0x1082;
	[sflag:s4] =	ssyncset.s32 $0xFFFFF086  }
0x25: {  	[simem:s6], [sflag:s4] =	dma.local [hbm:s3], $0xF7A  }
0x26: {  	[smem:$0x3F9B] =	sst s1;
	(tag) =	ssettag s2;
	_ =	strace s9  }
0x27: {  	s1 =	sld [smem:$0x3FAB]  }
0x28: {  	s2 =	sld [smem:$0x3FAC]  }
0x29: {  	s4 =	sld [smem:$0x3FAE]  }
0x2a: {  	p0 =	seq.s32 s5, $0x0;
	s5 =	sld [smem:$0x3FAF]  }
0x2b: {  	s6 =	sld [smem:$0x3FB0]  }
0x2c: {  	s7 =	sld [smem:$0x3FB1]  }
0x2d: {  	s3 =	simm.s32 $0x108;
	s8 =	sld [smem:$0x3FB2]  }
0x2e: {  	s3 =	simm.s32 @!p0 $0x1082;
	s9 =	sld [smem:$0x3FB3]  }
0x2f: {  	lr =	sadd.s32 s0, s3;
	s0 =	sld [smem:$0x3FAA]  }
0x30: {  	s3 =	sld [smem:$0x3FAD]  }
0x31: {  	[smem:$0x3FB6] =	sst s10  }
0x32: {  	s10 =	sld [smem:$0x3FB4];
	_ =	sdelay $0x3  }
0x33: {  	p0 =	seq.s32 s10, $0x1;
	s10 =	sld [smem:$0x3FB6];
	_ =	sdelay $0x3  }
0x34: {  	[smem:$0x3FB6] =	sst s10  }
0x35: {  	s10 =	sld [smem:$0x3FB5];
	_ =	sdelay $0x3  }
0x36: {  	p1 =	seq.s32 s10, $0x1;
	s10 =	sld [smem:$0x3FB6];
	_ =	sdelay $0x3  }
0x37: {  	[smem:$0x3FB6] =	sst s10  }
0x38: {  	s10 =	sld [smem:$0x3FB7]  }
0x39: {  	_ = 	snop;
	(pc) =	sbr.ind lr, $3  }
0x3a: {  	_ = 	snop  }
0x3b: {  	_ = 	snop  }
0x3c: {  	p2 =	seq.s32 s10, $0x1;
	s10 =	sld [smem:$0x3FB6]  }
0x3d: {  	_ =	shalt  }
0x3e: {  	_ =	shalt  }
0x3f: {  	_ =	shalt  }
0x40: {  	_ =	shalt  }
0x41: {  	_ =	shalt  }
0x42: {  	_ =	shalt  }
0x43: {  	_ =	shalt  }
0x44: {  	_ =	shalt  }
0x45: {  	_ =	shalt  }
0x46: {  	_ =	shalt  }
0x47: {  	_ =	shalt  }
0x48: {  	_ =	shalt  }
0x49: {  	_ =	shalt  }
0x4a: {  	_ =	shalt  }
0x4b: {  	_ =	shalt  }
0x4c: {  	_ =	shalt  }
0x4d: {  	_ =	shalt  }
0x4e: {  	_ =	shalt  }
0x4f: {  	_ =	shalt  }
0x50: {  	_ =	shalt  }
0x51: {  	_ =	shalt  }
0x52: {  	_ =	shalt  }
0x53: {  	_ =	shalt  }
0x54: {  	_ =	shalt  }
0x55: {  	_ =	shalt  }
0x56: {  	_ =	shalt  }
0x57: {  	_ =	shalt  }
0x58: {  	_ =	shalt  }
0x59: {  	_ =	shalt  }
0x5a: {  	_ =	shalt  }
0x5b: {  	_ =	shalt  }
0x5c: {  	_ =	shalt  }
0x5d: {  	_ =	shalt  }
0x5e: {  	_ =	shalt  }
0x5f: {  	_ =	shalt  }
0x60: {  	_ =	shalt  }
0x61: {  	_ =	shalt  }
0x62: {  	_ =	shalt  }
0x63: {  	_ =	shalt  }
0x64: {  	_ =	shalt  }
0x65: {  	_ =	shalt  }
0x66: {  	_ =	shalt  }
0x67: {  	_ =	shalt  }
0x68: {  	_ =	shalt  }
0x69: {  	_ =	shalt  }
0x6a: {  	_ =	shalt  }
0x6b: {  	_ =	shalt  }
0x6c: {  	_ =	shalt  }
0x6d: {  	_ =	shalt  }
0x6e: {  	_ =	shalt  }
0x6f: {  	_ =	shalt  }
0x70: {  	_ =	shalt  }
0x71: {  	_ =	shalt  }
0x72: {  	_ =	shalt  }
0x73: {  	_ =	shalt  }
0x74: {  	_ =	shalt  }
0x75: {  	_ =	shalt  }
0x76: {  	_ =	shalt  }
0x77: {  	_ =	shalt  }
0x78: {  	_ =	shalt  }
0x79: {  	_ =	shalt  }
0x7a: {  	_ =	shalt  }
0x7b: {  	_ =	shalt  }
0x7c: {  	_ =	shalt  }
0x7d: {  	_ =	shalt  }
0x7e: {  	_ =	shalt  }
0x7f: {  	_ =	shalt  }
0x80: {  	_ =	shalt  }
0x81: {  	_ =	shalt  }
0x82: {  	_ =	shalt  }
0x83: {  	_ =	shalt  }
0x84: {  	_ =	shalt  }
0x85: {  	_ =	shalt  }
0x86: {  	_ =	shalt  }
0x87: {  	_ =	shalt  }
.Lfunc_end0:
.L_simem_size_0:
called_computation.1_lowered:
.L_overlay_start_0:
0x88: {  	s2 =	sld [smem:$0x3FD9]  }
0x89: {  	s3 =	sld [smem:$0x3FFE];
	_ =	sdelay $0x1  }
0x8a: {  	s1 =	srdreg.scid  }
0x8b: {  	s0 =	sand.u32 $0x1, s1  }
0x8c: {  	s17 =	sshll.u32 s0, $0xA;
	s2 =	sadd.s32 s3, s2  }
0x8d: {  	s2 =	sadd.s32 s2, s17  }
0x8e: {  	[smem:$0x3FC2] =	sst s2  }
0x8f: {  	_ = 	snop  }
0x90: {  	s2 =	sld [smem:$0x3FC8]  }
0x91: {  	s18 =	sld [smem:$0x3FC5]  }
0x92: {  	s4 =	sld [smem:$0x3FD0];
	(tm) =	ssettm $0x1  }
0x93: {  	s5 =	sld [smem:$0x3FFB];
	_ =	sdelay $0x3  }
0x94: {  	_ =	strace s5  }
0x95: {  	s5 =	sld [smem:$0x3FFC];
	_ =	sdelay $0x3  }
0x96: {  	_ =	strace s5  }
0x97: {  	s5 =	sld [smem:$0x3FFD];
	_ =	sdelay $0x3  }
0x98: {  	_ =	strace s5  }
0x99: {  	_ =	strace $0x8FFFFFFF  }
0x9a: {  	s19 =	sld [smem:$0x3FDB];
	_ =	sdelay $0x1  }
0x9b: {  	s6 =	simm.s32 $_scs_section_size  }
0x9c: {  	s7 =	simm.s32 $_size__tile_overlayer_lowered;
	s8 =	simm.s32 $_tile_overlayer_lowered  }
0x9d: {  	s22 =	simm.s32 $0x1BFF;
	s21 =	sshll.u32 s8, $0x1;
	s5 =	sadd.s32 s6, s19  }
0x9e: {  	s9 =	simm.s32 $0x0;
	s20 =	sshll.u32 s7, $0x1;
	s7 =	sadd.s32 s21, s5  }
0x9f: {  	[timem:s9], [sflag:s22] =	dma.local [hbm:s7], s20  }
0xa0: {  	_ =	swait.ge [sflag:s22], s20  }
0xa1: {  	s6 =	ssub.s32 $0x0, s20;
	[sflag:s22] =	ssyncset.done $0x0  }
0xa2: {  	[sflag:s22] =	ssyncadd.s32 s6;
	_ =	sdelay $0x1  }
0xa3: {  	s23 =	simm.s32 $0x1B8B  }
0xa4: {  	_ =	swait.ge [sflag:s23], $0x1  }
0xa5: {  	[sflag:s23] =	ssyncset.done $0x0  }
0xa6: {  	s25 =	simm.s32 $0x1B8E;
	s24 =	sld [smem:$0x3FFE];
	[sflag:s23] =	ssyncadd.s32 $0xFFFFFFFF  }
0xa7: {  	s26 =	simm.s32 $execute0_lowered;
	[smem:$0x3FD2] =	sst s25  }
0xa8: {  	s7 =	sshll.u32 s26, $0x1;
	_ =	strace $0x80000049;
	[dreg:$0x1] =	wrdreg $0xFFFFFFFF  }
0xa9: {  	s28 =	simm.s32 $_size_execute0_lowered;
	s5 =	sadd.s32 s5, s7;
	[dreg:$0x0] =	wrdreg $0x0  }
0xaa: {  	s7 =	sshll.u32 s28, $0x1;
	[dreg:$0x2] =	wrdreg s5  }
0xab: {  	[dreg:$0x3] =	wrdreg s7  }
0xac: {  	[dreg:$0x4] =	wrdreg $0xC0  }
0xad: {  	_ =	task [dreg:s9], $0x5FFFF  }
0xae: {  	[dreg:$0x1] =	wrdreg $0xFFFFFFFF  }
0xaf: {  	[dreg:$0x0] =	wrdreg $0x60  }
0xb0: {  	[dreg:$0x2] =	wrdreg s2  }
0xb1: {  	[dreg:$0x3] =	wrdreg s4  }
0xb2: {  	[dreg:$0x4] =	wrdreg s24  }
0xb3: {  	[dreg:$0x5] =	wrdreg s18  }
0xb4: {  	[dreg:$0x6] =	wrdreg $0x9  }
0xb5: {  	_ =	task.clear_ibuf [dreg:s9], $0x7FFFF;
	_ =	strace $0x90000049  }
0xb6: {  	s29 =	simm.s32 $0x9;
	_ =	strace $0x8000004B  }
0xb7: {  	_ =	swait.ge [sflag:s29], $0x1  }
0xb8: {  	[sflag:s29] =	ssyncadd.s32 $0xFFFFFFFF  }
0xb9: {  	_ =	strace $0x9000004B  }
0xba: {  	_ =	sfence  }
0xbb: {  	s30 =	sld [smem:$0x0];
	_ =	sdelay $0x2  }
0xbc: {  	s31 =	sshll.u32 s1, $0xD;
	s1 =	sshrl.u32 s1, $0x2  }
0xbd: {  	s3 =	sand.u32 $0x4000, s31;
	s1 =	sadd.s32 s1, s30  }
0xbe: {  	s0 =	sor.u32 s3, s0;
	s1 =	sshll.u32 s1, $0x11  }
0xbf: {  	s0 =	sor.u32 s1, s0  }
0xc0: {  	s0 =	sadd.s32 $0x8F2B, s0  }
0xc1: {  	[sflag:s0] =	ssyncadd.remote.s32 $0x1  }
0xc2: {  	_ =	sfence.sel $0xFFFF  }
0xc3: {  	[dreg:$0x0] =	wrdreg $0xFFFFFFFF;
	(pc) =	sbr.abs _section_cstart, $3  }
0xc4: {  	[dreg:$0x1] =	wrdreg $0xFFFFFFFF  }
0xc5: {  	_ =	task.clear_ibuf [dreg:s9], $0x2FFFF;
	_ =	strace $0x9FFFFFFF  }
0xc6: {  	(tm) =	ssettm $0x7FFFFFFF  }
0xc7: {  	_ =	shalt  }
tec
execute0_lowered:
.L_overlay_start_1:
0x0: {  	(tag) =	ssettag $0x1  }
0x1: {  	v0 =	vlaneseq.u32  }
0x2: {  	s1 =	srdreg.scid;
	v7 =	vmul.u32 $0x80, v0  }
0x3: {  	s5 =	stileid.u32;
	vm0 =	vmmov $0xffff;
	v19 =	vimm.s32 $0x63;
	v20 =	vimm.s32 $0x0;
	s1 =	sand.u32 $0x1, s1  }
0x4: {  	s5 =	sshll.u32 s5, $0x7;
	s4 =	sshll.u32 s1, $0xB;
	v21 =	vor.u32 $0x800, v7;
	v22 =	vor.u32 $0x801, v7;
	v23 =	vor.u32 $0x802, v7  }
0x5: {  	s5 =	sor.u32 s5, s4;
	v24 =	vor.u32 $0x803, v7;
	v25 =	vor.u32 $0x804, v7;
	v26 =	vor.u32 $0x805, v7  }
0x6: {  	v27 =	vor.u32 $0x806, v7;
	v28 =	vor.u32 $0x807, v7;
	v1 =	vor.u32 s5, v0;
	s6 =	sor.u32 $0x10, s5  }
0x7: {  	v29 =	vor.u32 $0x808, v7;
	v30 =	vor.u32 $0x809, v7;
	s7 =	sor.u32 $0x20, s5;
	[tilespmem:$0x1FEF0] =	vst v1;
	v1 =	vor.u32 s6, v0  }
0x8: {  	v31 =	vor.u32 $0x1000, v7;
	v32 =	vor.u32 $0x1001, v7;
	s8 =	sor.u32 $0x30, s5;
	[tilespmem:$0x1FF00] =	vst v1;
	v1 =	vor.u32 s7, v0  }
0x9: {  	v33 =	vor.u32 $0x1002, v7;
	v34 =	vor.u32 $0x1003, v7;
	s19 =	sor.u32 $0x40, s5;
	[tilespmem:$0x1FF10] =	vst v1;
	v1 =	vor.u32 s8, v0  }
0xa: {  	s0 =	rddreg [dreg:$0x0];
	v35 =	vor.u32 $0x1004, v7;
	v36 =	vor.u32 $0x1005, v7;
	s20 =	sor.u32 $0x50, s5;
	[tilespmem:$0x1FF20] =	vst v1;
	v1 =	vor.u32 s19, v0  }
0xb: {  	s2 =	rddreg [dreg:$0x2];
	s4 =	simm.s32 $0x0;
	v37 =	vor.u32 $0x1006, v7;
	v38 =	vor.u32 $0x1007, v7;
	s21 =	sor.u32 $0x60, s5;
	[tilespmem:$0x1FF30] =	vst v1;
	v1 =	vor.u32 s20, v0  }
0xc: {  	v39 =	vor.u32 $0x1008, v7;
	v40 =	vor.u32 $0x1009, v7;
	[smem:$0x7FF] =	sst s4;
	s22 =	sor.u32 $0x70, s5;
	[tilespmem:$0x1FF40] =	vst v1;
	v1 =	vor.u32 s21, v0  }
0xd: {  	s3 =	rddreg [dreg:$0x3];
	v41 =	vor.u32 $0x1800, v7;
	v42 =	vor.u32 $0x1801, v7;
	_ =	strace $0x8000004A;
	[tilespmem:$0x1FF50] =	vst v1;
	v1 =	vor.u32 s22, v0  }
0xe: {  	v43 =	vor.u32 $0x1802, v7;
	v44 =	vor.u32 $0x1803, v7;
	s24 =	sshrl.u32 s5, $0x3;
	[tilespmem:$0x1FF60] =	vst v1;
	v1 =	vor.u32 $0x1, v7  }
0xf: {  	s23 =	sadd.s32 $0x1E00, s2;
	s25 =	sadd.s32 $0x69000, s2;
	v45 =	vor.u32 $0x1804, v7;
	v46 =	vor.u32 $0x1805, v7;
	s10 =	sadd.s32 s24, s2;
	[tilespmem:$0x1FF70] =	vst v1;
	v1 =	vor.u32 $0x2, v7  }
0x10: {  	s11 =	sadd.s32 $0x29100, s2;
	v47 =	vor.u32 $0x1806, v7;
	v48 =	vor.u32 $0x1807, v7;
	s26 =	sadd.s32 $0x1C00, s10;
	[dreg:$0x5] =	wrdreg s23;
	[tilespmem:$0x1FF80] =	vst v1;
	v1 =	vor.u32 $0x3, v7  }
0x11: {  	s30 =	sadd.s32 $0x100, s3;
	v49 =	vor.u32 $0x1808, v7;
	v50 =	vor.u32 $0x1809, v7;
	s0 =	sadd.s32 s0, s24;
	[dreg:$0x6] =	wrdreg s26;
	[tilespmem:$0x1FF90] =	vst v1;
	v1 =	vor.u32 $0x4, v7  }
0x12: {  	s1 =	ssub.s32 $0x2, s1;
	v51 =	vor.u32 $0x2000, v7;
	v52 =	vor.u32 $0x2001, v7;
	s29 =	sadd.s32 $0xA9200, s10;
	[dreg:$0x7] =	wrdreg s0;
	[tilespmem:$0x1FFA0] =	vst v1;
	v1 =	vor.u32 $0x5, v7  }
.Ltmp0:
0x13: {  	s9 =	sshrl.u32 s1, $0x1;
	v53 =	vor.u32 $0x2002, v7;
	v54 =	vor.u32 $0x2003, v7;
	[dreg:$0x8] =	wrdreg s29;
	[tilespmem:$0x1FFB0] =	vst v1;
	v1 =	vor.u32 $0x6, v7;
	(pc) =	sbr.rel .LBB2_1-.Ltmp0, $4  }
0x14: {  	s31 =	sadd.s32 $0x69100, s2;
	v55 =	vor.u32 $0x2004, v7;
	v56 =	vor.u32 $0x2005, v7;
	s1 =	ssub.s32 s1, s9;
	[dreg:$0xa] =	wrdreg s25;
	[tilespmem:$0x1FFC0] =	vst v1;
	v1 =	vor.u32 $0x7, v7  }
0x15: {  	v57 =	vor.u32 $0x2006, v7;
	v58 =	vor.u32 $0x2007, v7;
	s28 =	sshll.u32 s5, $0x6;
	s6 =	sadd.s32 $0x29000, s2;
	[dreg:$0xb] =	wrdreg s30;
	[tilespmem:$0x1FFD0] =	vst v1;
	v1 =	vor.u32 $0x8, v7  }
0x16: {  	v59 =	vor.u32 $0x2008, v7;
	v60 =	vor.u32 $0x2009, v7;
	s16 =	smax.u32 s1, $0x1;
	s0 =	sadd.s32 s25, s28;
	[dreg:$0xc] =	wrdreg s31;
	[tilespmem:$0x1FFE0] =	vst v1;
	v1 =	vor.u32 $0x9, v7  }
0x17: {  	v61 =	vor.u32 $0x2800, v7;
	v62 =	vor.u32 $0x2801, v7;
	v63 =	vor.u32 $0x2802, v7;
	s10 =	simm.s32 $0x1;
	s20 =	simm.s32 $0x1100;
	[dreg:$0x9] =	wrdreg s0;
	[tilespmem:$0x1FFF0] =	vst v1  }
.LBB2_3:
0x18: {  	s16 =	sadd.s32 $0xFFFFFFFF, s16  }
0x19: {  	p0 =	sne.s32 s16, $0x0  }
.Ltmp1:
0x1a: {  	_ = 	snop;
	(pc) =	sbr.rel @!p0 .LBB2_4-.Ltmp1, $1  }
0x1b: {  	_ =	sdelay $0x3  }
.LBB2_1:
0x1c: {  	s5 =	rddreg [dreg:$0x1];
	s1 =	simm.s32 $0x2  }
0x1d: {  	[tilespmem:s4], [sflag:$0x2] =	stream.linear.gather [hbm4b:s5+s4], $0x1000, $0x38;
	[tilespmem:$0x15300] =	vst v63  }
0x1e: {  	_ =	swait.ge [sflag:s1], $0x1000  }
0x1f: {  	[sflag:s1] =	ssyncset.done $0x0  }
0x20: {  	s8 =	simm.s32 $0x1000;
	s12 =	rddreg [dreg:$0x6];
	[sflag:s1] =	ssyncadd.s32 $0xFFFFF000  }
0x21: {  	[tilespmem:s8], [sflag:$0x2] =	stream.linear.gather [hbm4b:s12+s4], $0x80, $0x38;
	[tilespmem:$0x15300] =	vst v63  }
0x22: {  	_ =	swait.ge [sflag:s1], $0x80  }
0x23: {  	[sflag:s1] =	ssyncset.done $0x0  }
0x24: {  	s14 =	simm.s32 $0x1080;
	s13 =	rddreg [dreg:$0x7];
	[sflag:s1] =	ssyncadd.s32 $0xFFFFFF80  }
0x25: {  	[tilespmem:s14], [sflag:$0x2] =	stream.linear.gather [hbm4b:s13+s4], $0x80, $0x38;
	[tilespmem:$0x15300] =	vst v63  }
0x26: {  	_ =	swait.ge [sflag:s1], $0x80  }
0x27: {  	[sflag:s1] =	ssyncset.done $0x0  }
0x28: {  	s9 =	simm.s32 $0x80;
	s15 =	rddreg [dreg:$0x5];
	[sflag:s1] =	ssyncadd.s32 $0xFFFFFF80  }
0x29: {  	[tilespmem:s20], [sflag:$0x1] =	stream.indirect.gather [hbm4b:s15+s9], $0x80, s14, s9, $0xb8;
	[tilespmem:$0x15300] =	vst v63  }
0x2a: {  	_ =	swait.ge [sflag:s10], $0x4000  }
0x2b: {  	v1 =	vld [tilespmem:$0x1FF70];
	_ =	sdelay $0x5  }
0x2c: {  	[sflag:s10] =	ssyncset.done $0x0  }
0x2d: {  	[sflag:s10] =	ssyncadd.s32 $0xFFFFC000  }
0x2e: {  	v3 =	vld.idx.msk [tilespmem:v1+s20+$0x0], $0xffff  }
0x2f: {  	v1 =	vld [tilespmem:$0x1FF80];
	_ =	sdelay $0x7  }
0x30: {  	v4 =	vld.idx.msk [tilespmem:v1+s20+$0x0], $0xffff  }
0x31: {  	v1 =	vld [tilespmem:$0x1FF90];
	_ =	sdelay $0x7  }
0x32: {  	v5 =	vld.idx.msk [tilespmem:v1+s20+$0x0], $0xffff  }
0x33: {  	v1 =	vld [tilespmem:$0x1FFA0];
	_ =	sdelay $0x7  }
0x34: {  	v6 =	vld.idx.msk [tilespmem:v1+s20+$0x0], $0xffff  }
0x35: {  	v1 =	vld [tilespmem:$0x1FFB0];
	_ =	sdelay $0x6  }
0x36: {  	v10 =	vld [tilespmem:$0x1FFD0]  }
0x37: {  	v8 =	vld.idx.msk [tilespmem:v1+s20+$0x0], $0xffff  }
0x38: {  	v1 =	vld [tilespmem:$0x1FFC0]  }
0x39: {  	v11 =	vld [tilespmem:$0x1FFE0]  }
0x3a: {  	v12 =	vld [tilespmem:$0x1FFF0]  }
0x3b: {  	v2 =	vld.idx.msk [tilespmem:v7+s20+$0x0], $0xffff;
	_ =	sdelay $0x4  }
0x3c: {  	v9 =	vld.idx.msk [tilespmem:v1+s20+$0x0], $0xffff;
	v1 =	vmin.f32 v2, v3  }
0x3d: {  	v10 =	vld.idx.msk [tilespmem:v10+s20+$0x0], $0xffff;
	v1 =	vmin.f32 v1, v4  }
0x3e: {  	v11 =	vld.idx.msk [tilespmem:v11+s20+$0x0], $0xffff;
	v1 =	vmin.f32 v1, v5  }
0x3f: {  	v12 =	vld.idx.msk [tilespmem:v12+s20+$0x0], $0xffff;
	v1 =	vmin.f32 v1, v6  }
0x40: {  	v1 =	vmin.f32 v1, v8  }
0x41: {  	v13 =	vmin.f32 v1, v9;
	v1 =	vld [tilespmem:$0x1000]  }
0x42: {  	v13 =	vmin.f32 v13, v10  }
0x43: {  	v13 =	vmin.f32 v13, v11  }
0x44: {  	v13 =	vmin.f32 v13, v12  }
0x45: {  	vm1 =	veq.f32 v12, v13  }
0x46: {  	vm2 =	veq.f32 v11, v13;
	v14 =	vsel vm1, $0x9, v19  }
0x47: {  	vm1 =	veq.f32 v10, v13;
	v14 =	vsel vm2, $0x8, v14  }
0x48: {  	vm2 =	veq.f32 v9, v13;
	v14 =	vsel vm1, $0x7, v14  }
0x49: {  	vm1 =	veq.f32 v8, v13;
	v14 =	vsel vm2, $0x6, v14;
	v15 =	vld.idx.msk [tilespmem:v1+s4+$0x0], $0xffff  }
0x4a: {  	vm2 =	veq.f32 v6, v13;
	v14 =	vsel vm1, $0x5, v14  }
0x4b: {  	vm1 =	veq.f32 v5, v13;
	v14 =	vsel vm2, $0x4, v14  }
0x4c: {  	vm2 =	veq.f32 v4, v13;
	v14 =	vsel vm1, $0x3, v14  }
0x4d: {  	vm1 =	veq.f32 v3, v13;
	v14 =	vsel vm2, $0x2, v14  }
0x4e: {  	vm2 =	veq.f32 v2, v13;
	v14 =	vsel vm1, $0x1, v14;
	vm1 =	vgt.f32 v15, v13  }
0x4f: {  	v14 =	vsel vm2, $0x0, v14;
	vm1 =	vmneg vm1  }
0x50: {  	v13 =	vsel vm1, v13, v15;
	vm3 =	veq.s32 v14, $0x1  }
0x51: {  	v2 =	vsel vm2, v13, v2;
	v3 =	vsel vm3, v13, v3;
	vm2 =	veq.s32 v14, $0x2  }
0x52: {  	v4 =	vsel vm2, v13, v4;
	vm2 =	veq.s32 v14, $0x3;
	v15 =	vmax.f32 v2, v3  }
0x53: {  	v5 =	vsel vm2, v13, v5;
	vm2 =	veq.s32 v14, $0x4;
	v15 =	vmax.f32 v15, v4  }
0x54: {  	v6 =	vsel vm2, v13, v6;
	vm2 =	veq.s32 v14, $0x5;
	v15 =	vmax.f32 v15, v5  }
0x55: {  	v8 =	vsel vm2, v13, v8;
	vm2 =	veq.s32 v14, $0x6;
	v15 =	vmax.f32 v15, v6  }
0x56: {  	v9 =	vsel vm2, v13, v9;
	vm2 =	veq.s32 v14, $0x7;
	v15 =	vmax.f32 v15, v8  }
0x57: {  	v10 =	vsel vm2, v13, v10;
	vm2 =	veq.s32 v14, $0x8;
	v15 =	vmax.f32 v15, v9  }
0x58: {  	v11 =	vsel vm2, v13, v11;
	vm2 =	veq.s32 v14, $0x9;
	v15 =	vmax.f32 v15, v10  }
0x59: {  	v12 =	vsel vm2, v13, v12;
	v13 =	vmax.f32 v15, v11  }
0x5a: {  	v13 =	vmax.f32 v13, v12  }
0x5b: {  	v15 =	vsub.f32 v2, v13  }
0x5c: {  	v16 =	vsub.f32 v3, v13  }
0x5d: {  	v15 =	vmul.f32 $1.442695020e+00, v15  }
0x5e: {  	v17 =	vsub.f32 v4, v13;
	v16 =	vmul.f32 $1.442695020e+00, v16  }
0x5f: {  	(erf) = vpow2.f32 v15  }
0x60: {  	v15 =	vmul.f32 $1.442695020e+00, v17;
	(erf) = vpow2.f32 v16  }
0x61: {  	v16 =	vsub.f32 v5, v13  }
0x62: {  	(erf) = vpow2.f32 v15  }
0x63: {  	v15 =	vmul.f32 $1.442695020e+00, v16;
	v16 =	vsub.f32 v6, v13;
	_ =	sdelay $0x1  }
0x64: {  	(erf) = vpow2.f32 v15;
	v15 =	vmul.f32 $1.442695020e+00, v16;
	v16 =	vsub.f32 v8, v13;
	_ =	sdelay $0x1  }
0x65: {  	(erf) = vpow2.f32 v15;
	v15 =	vmul.f32 $1.442695020e+00, v16;
	v16 =	vsub.f32 v9, v13  }
0x66: {  	v17 =	vpop (erf)  }
0x67: {  	(erf) = vpow2.f32 v15;
	v15 =	vmul.f32 $1.442695020e+00, v16;
	v16 =	vsub.f32 v10, v13;
	v18 =	vpop (erf)  }
0x68: {  	v17 =	vadd.f32 v18, v17  }
0x69: {  	v18 =	vpop (erf);
	(erf) = vpow2.f32 v15;
	v15 =	vmul.f32 $1.442695020e+00, v16;
	v16 =	vsub.f32 v11, v13  }
0x6a: {  	vm3 =	veq.f32 v12, v13;
	v17 =	vadd.f32 v17, v18  }
0x6b: {  	(erf) = vpow2.f32 v15;
	v15 =	vmul.f32 $1.442695020e+00, v16;
	v16 =	vsub.f32 v12, v13  }
0x6c: {  	vm2 =	veq.f32 v11, v13;
	v12 =	vsel vm3, $0x9, v19;
	v18 =	vpop (erf)  }
0x6d: {  	v17 =	vadd.f32 v17, v18;
	(erf) = vpow2.f32 v15;
	v15 =	vmul.f32 $1.442695020e+00, v16  }
0x6e: {  	vm3 =	veq.f32 v10, v13;
	v10 =	vsel vm2, $0x8, v12;
	vm2 =	veq.f32 v9, v13;
	v11 =	vpop (erf)  }
0x6f: {  	v9 =	vsel vm3, $0x7, v10;
	v11 =	vadd.f32 v17, v11;
	(erf) = vpow2.f32 v15  }
0x70: {  	vm3 =	veq.f32 v8, v13;
	v8 =	vsel vm2, $0x6, v9;
	v12 =	vpop (erf)  }
0x71: {  	vm2 =	veq.f32 v6, v13;
	v6 =	vsel vm3, $0x5, v8;
	v15 =	vadd.f32 v11, v12  }
0x72: {  	vm3 =	veq.f32 v5, v13;
	v5 =	vsel vm2, $0x4, v6;
	v12 =	vpop (erf)  }
0x73: {  	vm2 =	veq.f32 v4, v13;
	v4 =	vsel vm3, $0x3, v5;
	v8 =	vadd.f32 v15, v12  }
0x74: {  	[tilespmem:$0x5200] =	vst v1;
	v1 =	vld [tilespmem:$0x1FEF0];
	vm3 =	veq.f32 v3, v13;
	v3 =	vsel vm2, $0x2, v4;
	v6 =	vpop (erf)  }
0x75: {  	vm2 =	veq.f32 v2, v13;
	v2 =	vsel vm3, $0x1, v3;
	v5 =	vadd.f32 v8, v6  }
0x76: {  	v2 =	vsel vm2, $0x0, v2;
	v6 =	vld [tilespmem:$0x1080];
	v4 =	vpop (erf)  }
0x77: {  	vm2 =	vne.s32 v2, v14;
	v3 =	vadd.f32 v5, v4  }
0x78: {  	vm1 =	vmor vm1, vm2;
	v4 =	vpop (erf)  }
0x79: {  	v1 =	vnsel vm1, $0x1000, v1;
	v3 =	vadd.f32 v3, v4;
	v4 =	vmul.u32 $0x2710, v2  }
0x7a: {  	[tilespmem:$0x5280] =	vst v1  }
0x7b: {  	[tilespmem:$0x5100] =	vst v3;
	v2 =	vadd.s32 v6, v4  }
0x7c: {  	[tilespmem:$0x5180] =	vst v2  }
0x7d: {  	v2 =	vld.idx.msk [tilespmem:v21+s20+$0x0], $0xffff  }
0x7e: {  	v3 =	vld.idx.msk [tilespmem:v22+s20+$0x0], $0xffff  }
0x7f: {  	v4 =	vld.idx.msk [tilespmem:v23+s20+$0x0], $0xffff  }
0x80: {  	v5 =	vld.idx.msk [tilespmem:v24+s20+$0x0], $0xffff  }
0x81: {  	v6 =	vld.idx.msk [tilespmem:v25+s20+$0x0], $0xffff  }
0x82: {  	v8 =	vld.idx.msk [tilespmem:v26+s20+$0x0], $0xffff  }
0x83: {  	v9 =	vld.idx.msk [tilespmem:v27+s20+$0x0], $0xffff;
	v1 =	vmin.f32 v2, v3  }
0x84: {  	v10 =	vld.idx.msk [tilespmem:v28+s20+$0x0], $0xffff;
	v1 =	vmin.f32 v1, v4  }
0x85: {  	v11 =	vld.idx.msk [tilespmem:v29+s20+$0x0], $0xffff;
	v1 =	vmin.f32 v1, v5  }
0x86: {  	v12 =	vld.idx.msk [tilespmem:v30+s20+$0x0], $0xffff;
	v1 =	vmin.f32 v1, v6  }
0x87: {  	v1 =	vmin.f32 v1, v8  }
0x88: {  	v13 =	vmin.f32 v1, v9;
	v1 =	vld [tilespmem:$0x1010]  }
0x89: {  	v13 =	vmin.f32 v13, v10  }
0x8a: {  	v13 =	vmin.f32 v13, v11  }
0x8b: {  	v13 =	vmin.f32 v13, v12  }
0x8c: {  	vm2 =	veq.f32 v12, v13  }
0x8d: {  	vm3 =	veq.f32 v11, v13;
	v14 =	vsel vm2, $0x9, v19  }
0x8e: {  	vm2 =	veq.f32 v10, v13;
	v14 =	vsel vm3, $0x8, v14  }
0x8f: {  	vm3 =	veq.f32 v9, v13;
	v14 =	vsel vm2, $0x7, v14  }
0x90: {  	vm2 =	veq.f32 v8, v13;
	v14 =	vsel vm3, $0x6, v14;
	v15 =	vld.idx.msk [tilespmem:v1+s4+$0x0], $0xffff  }
0x91: {  	vm3 =	veq.f32 v6, v13;
	v14 =	vsel vm2, $0x5, v14  }
0x92: {  	vm2 =	veq.f32 v5, v13;
	v14 =	vsel vm3, $0x4, v14  }
0x93: {  	vm3 =	veq.f32 v4, v13;
	v14 =	vsel vm2, $0x3, v14  }
0x94: {  	vm2 =	veq.f32 v3, v13;
	v14 =	vsel vm3, $0x2, v14  }
0x95: {  	vm3 =	veq.f32 v2, v13;
	v14 =	vsel vm2, $0x1, v14;
	vm2 =	vgt.f32 v15, v13  }
0x96: {  	v14 =	vsel vm3, $0x0, v14;
	vm2 =	vmneg vm2  }
0x97: {  	v13 =	vsel vm2, v13, v15;
	vm4 =	veq.s32 v14, $0x1  }
0x98: {  	v2 =	vsel vm3, v13, v2;
	v3 =	vsel vm4, v13, v3;
	vm3 =	veq.s32 v14, $0x2  }
0x99: {  	v4 =	vsel vm3, v13, v4;
	vm3 =	veq.s32 v14, $0x3;
	v15 =	vmax.f32 v2, v3  }
0x9a: {  	v5 =	vsel vm3, v13, v5;
	vm3 =	veq.s32 v14, $0x4;
	v15 =	vmax.f32 v15, v4  }
0x9b: {  	v6 =	vsel vm3, v13, v6;
	vm3 =	veq.s32 v14, $0x5;
	v15 =	vmax.f32 v15, v5  }
0x9c: {  	v8 =	vsel vm3, v13, v8;
	vm3 =	veq.s32 v14, $0x6;
	v15 =	vmax.f32 v15, v6  }
0x9d: {  	v9 =	vsel vm3, v13, v9;
	vm3 =	veq.s32 v14, $0x7;
	v15 =	vmax.f32 v15, v8  }
0x9e: {  	v10 =	vsel vm3, v13, v10;
	vm3 =	veq.s32 v14, $0x8;
	v15 =	vmax.f32 v15, v9  }
0x9f: {  	v11 =	vsel vm3, v13, v11;
	vm3 =	veq.s32 v14, $0x9;
	v15 =	vmax.f32 v15, v10  }
0xa0: {  	v12 =	vsel vm3, v13, v12;
	v13 =	vmax.f32 v15, v11  }
0xa1: {  	v13 =	vmax.f32 v13, v12  }
0xa2: {  	v15 =	vsub.f32 v2, v13  }
0xa3: {  	v16 =	vsub.f32 v3, v13  }
0xa4: {  	v15 =	vmul.f32 $1.442695020e+00, v15  }
0xa5: {  	v17 =	vsub.f32 v4, v13;
	v16 =	vmul.f32 $1.442695020e+00, v16  }
0xa6: {  	(erf) = vpow2.f32 v15  }
0xa7: {  	v15 =	vmul.f32 $1.442695020e+00, v17;
	(erf) = vpow2.f32 v16  }
0xa8: {  	v16 =	vsub.f32 v5, v13  }
0xa9: {  	(erf) = vpow2.f32 v15  }
0xaa: {  	v15 =	vmul.f32 $1.442695020e+00, v16;
	v16 =	vsub.f32 v6, v13;
	_ =	sdelay $0x1  }
0xab: {  	(erf) = vpow2.f32 v15;
	v15 =	vmul.f32 $1.442695020e+00, v16;
	v16 =	vsub.f32 v8, v13;
	_ =	sdelay $0x1  }
0xac: {  	(erf) = vpow2.f32 v15;
	v15 =	vmul.f32 $1.442695020e+00, v16;
	v16 =	vsub.f32 v9, v13  }
0xad: {  	v17 =	vpop (erf)  }
0xae: {  	(erf) = vpow2.f32 v15;
	v15 =	vmul.f32 $1.442695020e+00, v16;
	v16 =	vsub.f32 v10, v13;
	v18 =	vpop (erf)  }
0xaf: {  	v17 =	vadd.f32 v18, v17  }
0xb0: {  	v18 =	vpop (erf);
	(erf) = vpow2.f32 v15;
	v15 =	vmul.f32 $1.442695020e+00, v16;
	v16 =	vsub.f32 v11, v13  }
0xb1: {  	vm15 =	veq.f32 v12, v13;
	v17 =	vadd.f32 v17, v18  }
0xb2: {  	(erf) = vpow2.f32 v15;
	v15 =	vmul.f32 $1.442695020e+00, v16;
	v16 =	vsub.f32 v12, v13  }
0xb3: {  	vm3 =	veq.f32 v11, v13;
	v12 =	vsel vm15, $0x9, v19;
	v18 =	vpop (erf)  }
0xb4: {  	v17 =	vadd.f32 v17, v18;
	(erf) = vpow2.f32 v15;
	v15 =	vmul.f32 $1.442695020e+00, v16  }
0xb5: {  	vm8 =	veq.f32 v10, v13;
	v10 =	vsel vm3, $0x8, v12;
	vm3 =	veq.f32 v9, v13;
	v11 =	vpop (erf)  }
0xb6: {  	v9 =	vsel vm8, $0x7, v10;
	v11 =	vadd.f32 v17, v11;
	(erf) = vpow2.f32 v15  }
0xb7: {  	vm9 =	veq.f32 v8, v13;
	v8 =	vsel vm3, $0x6, v9;
	v12 =	vpop (erf)  }
0xb8: {  	vm3 =	veq.f32 v6, v13;
	v6 =	vsel vm9, $0x5, v8;
	v15 =	vadd.f32 v11, v12  }
0xb9: {  	vm10 =	veq.f32 v5, v13;
	v5 =	vsel vm3, $0x4, v6;
	v12 =	vpop (erf)  }
0xba: {  	vm3 =	veq.f32 v4, v13;
	v4 =	vsel vm10, $0x3, v5;
	v8 =	vadd.f32 v15, v12  }
0xbb: {  	[tilespmem:$0x5210] =	vst v1;
	v1 =	vld [tilespmem:$0x1FF00];
	vm11 =	veq.f32 v3, v13;
	v3 =	vsel vm3, $0x2, v4;
	v6 =	vpop (erf)  }
0xbc: {  	vm3 =	veq.f32 v2, v13;
	v2 =	vsel vm11, $0x1, v3;
	v5 =	vadd.f32 v8, v6  }
0xbd: {  	v2 =	vsel vm3, $0x0, v2;
	v6 =	vld [tilespmem:$0x1090];
	v4 =	vpop (erf)  }
0xbe: {  	vm3 =	vne.s32 v2, v14;
	v3 =	vadd.f32 v5, v4  }
0xbf: {  	vm2 =	vmor vm2, vm3;
	v4 =	vpop (erf)  }
0xc0: {  	v1 =	vnsel vm2, $0x1000, v1;
	v3 =	vadd.f32 v3, v4;
	v4 =	vmul.u32 $0x2710, v2  }
0xc1: {  	[tilespmem:$0x5290] =	vst v1  }
0xc2: {  	[tilespmem:$0x5110] =	vst v3;
	v2 =	vadd.s32 v6, v4  }
0xc3: {  	[tilespmem:$0x5190] =	vst v2  }
0xc4: {  	v2 =	vld.idx.msk [tilespmem:v31+s20+$0x0], $0xffff  }
0xc5: {  	v3 =	vld.idx.msk [tilespmem:v32+s20+$0x0], $0xffff  }
0xc6: {  	v4 =	vld.idx.msk [tilespmem:v33+s20+$0x0], $0xffff  }
0xc7: {  	v5 =	vld.idx.msk [tilespmem:v34+s20+$0x0], $0xffff  }
0xc8: {  	v6 =	vld.idx.msk [tilespmem:v35+s20+$0x0], $0xffff  }
0xc9: {  	v8 =	vld.idx.msk [tilespmem:v36+s20+$0x0], $0xffff  }
0xca: {  	v9 =	vld.idx.msk [tilespmem:v37+s20+$0x0], $0xffff;
	v1 =	vmin.f32 v2, v3  }
0xcb: {  	v10 =	vld.idx.msk [tilespmem:v38+s20+$0x0], $0xffff;
	v1 =	vmin.f32 v1, v4  }
0xcc: {  	v11 =	vld.idx.msk [tilespmem:v39+s20+$0x0], $0xffff;
	v1 =	vmin.f32 v1, v5  }
0xcd: {  	v12 =	vld.idx.msk [tilespmem:v40+s20+$0x0], $0xffff;
	v1 =	vmin.f32 v1, v6  }
0xce: {  	v1 =	vmin.f32 v1, v8  }
0xcf: {  	v13 =	vmin.f32 v1, v9;
	v1 =	vld [tilespmem:$0x1020]  }
0xd0: {  	v13 =	vmin.f32 v13, v10  }
0xd1: {  	v13 =	vmin.f32 v13, v11  }
0xd2: {  	v13 =	vmin.f32 v13, v12  }
0xd3: {  	vm3 =	veq.f32 v12, v13  }
0xd4: {  	vm12 =	veq.f32 v11, v13;
	v14 =	vsel vm3, $0x9, v19  }
0xd5: {  	vm3 =	veq.f32 v10, v13;
	v14 =	vsel vm12, $0x8, v14  }
0xd6: {  	vm13 =	veq.f32 v9, v13;
	v14 =	vsel vm3, $0x7, v14  }
0xd7: {  	vm3 =	veq.f32 v8, v13;
	v14 =	vsel vm13, $0x6, v14;
	v15 =	vld.idx.msk [tilespmem:v1+s4+$0x0], $0xffff  }
0xd8: {  	vm14 =	veq.f32 v6, v13;
	v14 =	vsel vm3, $0x5, v14  }
0xd9: {  	vm3 =	veq.f32 v5, v13;
	v14 =	vsel vm14, $0x4, v14  }
0xda: {  	vm15 =	veq.f32 v4, v13;
	v14 =	vsel vm3, $0x3, v14  }
0xdb: {  	vm3 =	veq.f32 v3, v13;
	v14 =	vsel vm15, $0x2, v14  }
0xdc: {  	vm8 =	veq.f32 v2, v13;
	v14 =	vsel vm3, $0x1, v14;
	vm3 =	vgt.f32 v15, v13  }
0xdd: {  	v14 =	vsel vm8, $0x0, v14;
	vm3 =	vmneg vm3  }
0xde: {  	v13 =	vsel vm3, v13, v15;
	vm5 =	veq.s32 v14, $0x1  }
0xdf: {  	vm9 =	veq.s32 v14, $0x2;
	v2 =	vsel vm8, v13, v2;
	v3 =	vsel vm5, v13, v3  }
0xe0: {  	vm10 =	veq.s32 v14, $0x3;
	v4 =	vsel vm9, v13, v4;
	v15 =	vmax.f32 v2, v3  }
0xe1: {  	vm11 =	veq.s32 v14, $0x4;
	v5 =	vsel vm10, v13, v5;
	v15 =	vmax.f32 v15, v4  }
0xe2: {  	vm12 =	veq.s32 v14, $0x5;
	v6 =	vsel vm11, v13, v6;
	v15 =	vmax.f32 v15, v5  }
0xe3: {  	vm13 =	veq.s32 v14, $0x6;
	v8 =	vsel vm12, v13, v8;
	v15 =	vmax.f32 v15, v6  }
0xe4: {  	vm14 =	veq.s32 v14, $0x7;
	v9 =	vsel vm13, v13, v9;
	v15 =	vmax.f32 v15, v8  }
0xe5: {  	vm15 =	veq.s32 v14, $0x8;
	v10 =	vsel vm14, v13, v10;
	v15 =	vmax.f32 v15, v9  }
0xe6: {  	v11 =	vsel vm15, v13, v11;
	vm8 =	veq.s32 v14, $0x9;
	v15 =	vmax.f32 v15, v10  }
0xe7: {  	v12 =	vsel vm8, v13, v12;
	v13 =	vmax.f32 v15, v11  }
0xe8: {  	v13 =	vmax.f32 v13, v12  }
0xe9: {  	v15 =	vsub.f32 v2, v13  }
0xea: {  	v16 =	vsub.f32 v3, v13  }
0xeb: {  	v15 =	vmul.f32 $1.442695020e+00, v15  }
0xec: {  	v17 =	vsub.f32 v4, v13;
	v16 =	vmul.f32 $1.442695020e+00, v16  }
0xed: {  	(erf) = vpow2.f32 v15  }
0xee: {  	v15 =	vmul.f32 $1.442695020e+00, v17;
	(erf) = vpow2.f32 v16  }
0xef: {  	v16 =	vsub.f32 v5, v13  }
0xf0: {  	(erf) = vpow2.f32 v15  }
0xf1: {  	v15 =	vmul.f32 $1.442695020e+00, v16;
	v16 =	vsub.f32 v6, v13;
	_ =	sdelay $0x1  }
0xf2: {  	(erf) = vpow2.f32 v15;
	v15 =	vmul.f32 $1.442695020e+00, v16;
	v16 =	vsub.f32 v8, v13;
	_ =	sdelay $0x1  }
0xf3: {  	(erf) = vpow2.f32 v15;
	v15 =	vmul.f32 $1.442695020e+00, v16;
	v16 =	vsub.f32 v9, v13  }
0xf4: {  	v17 =	vpop (erf)  }
0xf5: {  	(erf) = vpow2.f32 v15;
	v15 =	vmul.f32 $1.442695020e+00, v16;
	v16 =	vsub.f32 v10, v13;
	v18 =	vpop (erf)  }
0xf6: {  	v17 =	vadd.f32 v18, v17  }
0xf7: {  	v18 =	vpop (erf);
	(erf) = vpow2.f32 v15;
	v15 =	vmul.f32 $1.442695020e+00, v16;
	v16 =	vsub.f32 v11, v13  }
0xf8: {  	vm10 =	veq.f32 v12, v13;
	v17 =	vadd.f32 v17, v18  }
0xf9: {  	(erf) = vpow2.f32 v15;
	v15 =	vmul.f32 $1.442695020e+00, v16;
	v16 =	vsub.f32 v12, v13  }
0xfa: {  	vm9 =	veq.f32 v11, v13;
	v12 =	vsel vm10, $0x9, v19;
	v18 =	vpop (erf)  }
0xfb: {  	v17 =	vadd.f32 v17, v18;
	(erf) = vpow2.f32 v15;
	v15 =	vmul.f32 $1.442695020e+00, v16  }
0xfc: {  	vm11 =	veq.f32 v10, v13;
	vm12 =	veq.f32 v9, v13;
	v10 =	vsel vm9, $0x8, v12;
	v11 =	vpop (erf)  }
0xfd: {  	v9 =	vsel vm11, $0x7, v10;
	v11 =	vadd.f32 v17, v11;
	(erf) = vpow2.f32 v15  }
0xfe: {  	vm13 =	veq.f32 v8, v13;
	v8 =	vsel vm12, $0x6, v9;
	v12 =	vpop (erf)  }
0xff: {  	vm14 =	veq.f32 v6, v13;
	v6 =	vsel vm13, $0x5, v8;
	v15 =	vadd.f32 v11, v12  }
0x100: {  	vm15 =	veq.f32 v5, v13;
	v5 =	vsel vm14, $0x4, v6;
	v12 =	vpop (erf)  }
0x101: {  	vm8 =	veq.f32 v4, v13;
	v4 =	vsel vm15, $0x3, v5;
	v8 =	vadd.f32 v15, v12  }
0x102: {  	[tilespmem:$0x5220] =	vst v1;
	v1 =	vld [tilespmem:$0x1FF10];
	vm9 =	veq.f32 v3, v13;
	v3 =	vsel vm8, $0x2, v4;
	v6 =	vpop (erf)  }
0x103: {  	vm10 =	veq.f32 v2, v13;
	v2 =	vsel vm9, $0x1, v3;
	v5 =	vadd.f32 v8, v6  }
0x104: {  	v2 =	vsel vm10, $0x0, v2;
	v6 =	vld [tilespmem:$0x10A0];
	v4 =	vpop (erf)  }
0x105: {  	vm4 =	vne.s32 v2, v14;
	v3 =	vadd.f32 v5, v4  }
0x106: {  	vm3 =	vmor vm3, vm4;
	v4 =	vpop (erf)  }
0x107: {  	v1 =	vnsel vm3, $0x1000, v1;
	v3 =	vadd.f32 v3, v4;
	v4 =	vmul.u32 $0x2710, v2  }
0x108: {  	[tilespmem:$0x52A0] =	vst v1  }
0x109: {  	[tilespmem:$0x5120] =	vst v3;
	v2 =	vadd.s32 v6, v4  }
0x10a: {  	[tilespmem:$0x51A0] =	vst v2  }
0x10b: {  	v2 =	vld.idx.msk [tilespmem:v41+s20+$0x0], $0xffff  }
0x10c: {  	v3 =	vld.idx.msk [tilespmem:v42+s20+$0x0], $0xffff  }
0x10d: {  	v4 =	vld.idx.msk [tilespmem:v43+s20+$0x0], $0xffff  }
0x10e: {  	v5 =	vld.idx.msk [tilespmem:v44+s20+$0x0], $0xffff  }
0x10f: {  	v6 =	vld.idx.msk [tilespmem:v45+s20+$0x0], $0xffff  }
0x110: {  	v8 =	vld.idx.msk [tilespmem:v46+s20+$0x0], $0xffff  }
0x111: {  	v9 =	vld.idx.msk [tilespmem:v47+s20+$0x0], $0xffff;
	v1 =	vmin.f32 v2, v3  }
0x112: {  	v10 =	vld.idx.msk [tilespmem:v48+s20+$0x0], $0xffff;
	v1 =	vmin.f32 v1, v4  }
0x113: {  	v11 =	vld.idx.msk [tilespmem:v49+s20+$0x0], $0xffff;
	v1 =	vmin.f32 v1, v5  }
0x114: {  	v12 =	vld.idx.msk [tilespmem:v50+s20+$0x0], $0xffff;
	v1 =	vmin.f32 v1, v6  }
0x115: {  	v1 =	vmin.f32 v1, v8  }
0x116: {  	v13 =	vmin.f32 v1, v9;
	v1 =	vld [tilespmem:$0x1030]  }
0x117: {  	v13 =	vmin.f32 v13, v10  }
0x118: {  	v13 =	vmin.f32 v13, v11  }
0x119: {  	v13 =	vmin.f32 v13, v12  }
0x11a: {  	vm11 =	veq.f32 v12, v13  }
0x11b: {  	vm12 =	veq.f32 v11, v13;
	v14 =	vsel vm11, $0x9, v19  }
0x11c: {  	vm13 =	veq.f32 v10, v13;
	v14 =	vsel vm12, $0x8, v14  }
0x11d: {  	vm14 =	veq.f32 v9, v13;
	v14 =	vsel vm13, $0x7, v14  }
0x11e: {  	vm15 =	veq.f32 v8, v13;
	v14 =	vsel vm14, $0x6, v14;
	v15 =	vld.idx.msk [tilespmem:v1+s4+$0x0], $0xffff  }
0x11f: {  	vm8 =	veq.f32 v6, v13;
	v14 =	vsel vm15, $0x5, v14  }
0x120: {  	vm9 =	veq.f32 v5, v13;
	v14 =	vsel vm8, $0x4, v14  }
0x121: {  	vm10 =	veq.f32 v4, v13;
	v14 =	vsel vm9, $0x3, v14  }
0x122: {  	vm11 =	veq.f32 v3, v13;
	v14 =	vsel vm10, $0x2, v14  }
0x123: {  	vm12 =	veq.f32 v2, v13;
	v14 =	vsel vm11, $0x1, v14;
	vm13 =	vgt.f32 v15, v13  }
0x124: {  	v14 =	vsel vm12, $0x0, v14;
	vm4 =	vmneg vm13  }
0x125: {  	v13 =	vsel vm4, v13, v15;
	vm6 =	veq.s32 v14, $0x1  }
0x126: {  	vm14 =	veq.s32 v14, $0x2;
	v2 =	vsel vm12, v13, v2;
	v3 =	vsel vm6, v13, v3  }
0x127: {  	vm15 =	veq.s32 v14, $0x3;
	v4 =	vsel vm14, v13, v4;
	v15 =	vmax.f32 v2, v3  }
0x128: {  	vm8 =	veq.s32 v14, $0x4;
	v5 =	vsel vm15, v13, v5;
	v15 =	vmax.f32 v15, v4  }
0x129: {  	vm9 =	veq.s32 v14, $0x5;
	v6 =	vsel vm8, v13, v6;
	v15 =	vmax.f32 v15, v5  }
0x12a: {  	vm10 =	veq.s32 v14, $0x6;
	v8 =	vsel vm9, v13, v8;
	v15 =	vmax.f32 v15, v6  }
0x12b: {  	vm11 =	veq.s32 v14, $0x7;
	v9 =	vsel vm10, v13, v9;
	v15 =	vmax.f32 v15, v8  }
0x12c: {  	v10 =	vsel vm11, v13, v10;
	vm12 =	veq.s32 v14, $0x8;
	v15 =	vmax.f32 v15, v9  }
0x12d: {  	vm13 =	veq.s32 v14, $0x9;
	v11 =	vsel vm12, v13, v11;
	v15 =	vmax.f32 v15, v10  }
0x12e: {  	v12 =	vsel vm13, v13, v12;
	v13 =	vmax.f32 v15, v11  }
0x12f: {  	v13 =	vmax.f32 v13, v12  }
0x130: {  	v15 =	vsub.f32 v2, v13  }
0x131: {  	v16 =	vsub.f32 v3, v13  }
0x132: {  	v15 =	vmul.f32 $1.442695020e+00, v15  }
0x133: {  	v17 =	vsub.f32 v4, v13;
	v16 =	vmul.f32 $1.442695020e+00, v16  }
0x134: {  	(erf) = vpow2.f32 v15  }
0x135: {  	v15 =	vmul.f32 $1.442695020e+00, v17;
	(erf) = vpow2.f32 v16  }
0x136: {  	v16 =	vsub.f32 v5, v13  }
0x137: {  	(erf) = vpow2.f32 v15  }
0x138: {  	v15 =	vmul.f32 $1.442695020e+00, v16;
	v16 =	vsub.f32 v6, v13;
	_ =	sdelay $0x1  }
0x139: {  	(erf) = vpow2.f32 v15;
	v15 =	vmul.f32 $1.442695020e+00, v16;
	v16 =	vsub.f32 v8, v13;
	_ =	sdelay $0x1  }
0x13a: {  	(erf) = vpow2.f32 v15;
	v15 =	vmul.f32 $1.442695020e+00, v16;
	v16 =	vsub.f32 v9, v13  }
0x13b: {  	v17 =	vpop (erf)  }
0x13c: {  	(erf) = vpow2.f32 v15;
	v15 =	vmul.f32 $1.442695020e+00, v16;
	v16 =	vsub.f32 v10, v13;
	v18 =	vpop (erf)  }
0x13d: {  	v17 =	vadd.f32 v18, v17  }
0x13e: {  	v18 =	vpop (erf);
	(erf) = vpow2.f32 v15;
	v15 =	vmul.f32 $1.442695020e+00, v16;
	v16 =	vsub.f32 v11, v13  }
0x13f: {  	vm15 =	veq.f32 v12, v13;
	v17 =	vadd.f32 v17, v18  }
0x140: {  	(erf) = vpow2.f32 v15;
	v15 =	vmul.f32 $1.442695020e+00, v16;
	v16 =	vsub.f32 v12, v13  }
0x141: {  	vm14 =	veq.f32 v11, v13;
	v12 =	vsel vm15, $0x9, v19;
	v18 =	vpop (erf)  }
0x142: {  	v17 =	vadd.f32 v17, v18;
	(erf) = vpow2.f32 v15;
	v15 =	vmul.f32 $1.442695020e+00, v16  }
0x143: {  	vm9 =	veq.f32 v10, v13;
	vm10 =	veq.f32 v9, v13;
	v10 =	vsel vm14, $0x8, v12;
	v11 =	vpop (erf)  }
0x144: {  	v9 =	vsel vm9, $0x7, v10;
	v11 =	vadd.f32 v17, v11;
	(erf) = vpow2.f32 v15  }
0x145: {  	vm11 =	veq.f32 v8, v13;
	v8 =	vsel vm10, $0x6, v9;
	v12 =	vpop (erf)  }
0x146: {  	vm12 =	veq.f32 v6, v13;
	v6 =	vsel vm11, $0x5, v8;
	v15 =	vadd.f32 v11, v12  }
0x147: {  	vm13 =	veq.f32 v5, v13;
	v5 =	vsel vm12, $0x4, v6;
	v12 =	vpop (erf)  }
0x148: {  	vm14 =	veq.f32 v4, v13;
	v4 =	vsel vm13, $0x3, v5;
	v8 =	vadd.f32 v15, v12  }
0x149: {  	[tilespmem:$0x5230] =	vst v1;
	v1 =	vld [tilespmem:$0x1FF20];
	vm15 =	veq.f32 v3, v13;
	v3 =	vsel vm14, $0x2, v4;
	v6 =	vpop (erf)  }
0x14a: {  	vm8 =	veq.f32 v2, v13;
	v2 =	vsel vm15, $0x1, v3;
	v5 =	vadd.f32 v8, v6  }
0x14b: {  	v2 =	vsel vm8, $0x0, v2;
	v6 =	vld [tilespmem:$0x10B0];
	v4 =	vpop (erf)  }
0x14c: {  	vm5 =	vne.s32 v2, v14;
	v3 =	vadd.f32 v5, v4  }
0x14d: {  	vm4 =	vmor vm4, vm5;
	v4 =	vpop (erf)  }
0x14e: {  	v1 =	vnsel vm4, $0x1000, v1;
	v3 =	vadd.f32 v3, v4;
	v4 =	vmul.u32 $0x2710, v2  }
0x14f: {  	[tilespmem:$0x52B0] =	vst v1  }
0x150: {  	[tilespmem:$0x5130] =	vst v3;
	v2 =	vadd.s32 v6, v4  }
0x151: {  	[tilespmem:$0x51B0] =	vst v2  }
0x152: {  	v2 =	vld.idx.msk [tilespmem:v51+s20+$0x0], $0xffff  }
0x153: {  	v3 =	vld.idx.msk [tilespmem:v52+s20+$0x0], $0xffff  }
0x154: {  	v4 =	vld.idx.msk [tilespmem:v53+s20+$0x0], $0xffff  }
0x155: {  	v5 =	vld.idx.msk [tilespmem:v54+s20+$0x0], $0xffff  }
0x156: {  	v6 =	vld.idx.msk [tilespmem:v55+s20+$0x0], $0xffff  }
0x157: {  	v8 =	vld.idx.msk [tilespmem:v56+s20+$0x0], $0xffff  }
0x158: {  	v9 =	vld.idx.msk [tilespmem:v57+s20+$0x0], $0xffff;
	v1 =	vmin.f32 v2, v3  }
0x159: {  	v10 =	vld.idx.msk [tilespmem:v58+s20+$0x0], $0xffff;
	v1 =	vmin.f32 v1, v4  }
0x15a: {  	v11 =	vld.idx.msk [tilespmem:v59+s20+$0x0], $0xffff;
	v1 =	vmin.f32 v1, v5  }
0x15b: {  	v12 =	vld.idx.msk [tilespmem:v60+s20+$0x0], $0xffff;
	v1 =	vmin.f32 v1, v6  }
0x15c: {  	v1 =	vmin.f32 v1, v8  }
0x15d: {  	v13 =	vmin.f32 v1, v9;
	v1 =	vld [tilespmem:$0x1040]  }
0x15e: {  	v13 =	vmin.f32 v13, v10  }
0x15f: {  	v13 =	vmin.f32 v13, v11  }
0x160: {  	v13 =	vmin.f32 v13, v12  }
0x161: {  	vm9 =	veq.f32 v12, v13  }
0x162: {  	vm10 =	veq.f32 v11, v13;
	v14 =	vsel vm9, $0x9, v19  }
0x163: {  	vm11 =	veq.f32 v10, v13;
	v14 =	vsel vm10, $0x8, v14  }
0x164: {  	vm12 =	veq.f32 v9, v13;
	v14 =	vsel vm11, $0x7, v14  }
0x165: {  	vm13 =	veq.f32 v8, v13;
	v14 =	vsel vm12, $0x6, v14;
	v15 =	vld.idx.msk [tilespmem:v1+s4+$0x0], $0xffff  }
0x166: {  	vm14 =	veq.f32 v6, v13;
	v14 =	vsel vm13, $0x5, v14  }
0x167: {  	vm15 =	veq.f32 v5, v13;
	v14 =	vsel vm14, $0x4, v14  }
0x168: {  	vm9 =	veq.f32 v4, v13;
	v14 =	vsel vm15, $0x3, v14  }
0x169: {  	vm10 =	veq.f32 v3, v13;
	v14 =	vsel vm9, $0x2, v14  }
0x16a: {  	vm11 =	veq.f32 v2, v13;
	v14 =	vsel vm10, $0x1, v14;
	vm12 =	vgt.f32 v15, v13  }
0x16b: {  	v14 =	vsel vm11, $0x0, v14;
	vm5 =	vmneg vm12  }
0x16c: {  	v13 =	vsel vm5, v13, v15;
	vm7 =	veq.s32 v14, $0x1  }
0x16d: {  	vm13 =	veq.s32 v14, $0x2;
	v2 =	vsel vm11, v13, v2;
	v3 =	vsel vm7, v13, v3  }
0x16e: {  	vm14 =	veq.s32 v14, $0x3;
	v4 =	vsel vm13, v13, v4;
	v15 =	vmax.f32 v2, v3  }
0x16f: {  	vm15 =	veq.s32 v14, $0x4;
	v5 =	vsel vm14, v13, v5;
	v15 =	vmax.f32 v15, v4  }
0x170: {  	vm9 =	veq.s32 v14, $0x5;
	v6 =	vsel vm15, v13, v6;
	v15 =	vmax.f32 v15, v5  }
0x171: {  	vm10 =	veq.s32 v14, $0x6;
	v8 =	vsel vm9, v13, v8;
	v15 =	vmax.f32 v15, v6  }
0x172: {  	v9 =	vsel vm10, v13, v9;
	vm11 =	veq.s32 v14, $0x7;
	v15 =	vmax.f32 v15, v8  }
0x173: {  	vm12 =	veq.s32 v14, $0x8;
	v10 =	vsel vm11, v13, v10;
	v15 =	vmax.f32 v15, v9  }
0x174: {  	v11 =	vsel vm12, v13, v11;
	vm13 =	veq.s32 v14, $0x9;
	v15 =	vmax.f32 v15, v10  }
0x175: {  	v12 =	vsel vm13, v13, v12;
	v13 =	vmax.f32 v15, v11  }
0x176: {  	v13 =	vmax.f32 v13, v12  }
0x177: {  	v15 =	vsub.f32 v2, v13  }
0x178: {  	v16 =	vsub.f32 v3, v13  }
0x179: {  	v15 =	vmul.f32 $1.442695020e+00, v15  }
0x17a: {  	v17 =	vsub.f32 v4, v13;
	v16 =	vmul.f32 $1.442695020e+00, v16  }
0x17b: {  	(erf) = vpow2.f32 v15  }
0x17c: {  	v15 =	vmul.f32 $1.442695020e+00, v17;
	(erf) = vpow2.f32 v16  }
0x17d: {  	v16 =	vsub.f32 v5, v13  }
0x17e: {  	(erf) = vpow2.f32 v15  }
0x17f: {  	v15 =	vmul.f32 $1.442695020e+00, v16;
	v16 =	vsub.f32 v6, v13;
	_ =	sdelay $0x1  }
0x180: {  	(erf) = vpow2.f32 v15;
	v15 =	vmul.f32 $1.442695020e+00, v16;
	v16 =	vsub.f32 v8, v13;
	_ =	sdelay $0x1  }
0x181: {  	(erf) = vpow2.f32 v15;
	v15 =	vmul.f32 $1.442695020e+00, v16;
	v16 =	vsub.f32 v9, v13  }
0x182: {  	v17 =	vpop (erf)  }
0x183: {  	(erf) = vpow2.f32 v15;
	v15 =	vmul.f32 $1.442695020e+00, v16;
	v16 =	vsub.f32 v10, v13;
	v18 =	vpop (erf)  }
0x184: {  	v17 =	vadd.f32 v18, v17  }
0x185: {  	v18 =	vpop (erf);
	(erf) = vpow2.f32 v15;
	v15 =	vmul.f32 $1.442695020e+00, v16;
	v16 =	vsub.f32 v11, v13  }
0x186: {  	vm15 =	veq.f32 v12, v13;
	v17 =	vadd.f32 v17, v18  }
0x187: {  	(erf) = vpow2.f32 v15;
	v15 =	vmul.f32 $1.442695020e+00, v16;
	v16 =	vsub.f32 v12, v13  }
0x188: {  	vm14 =	veq.f32 v11, v13;
	v12 =	vsel vm15, $0x9, v19;
	v18 =	vpop (erf)  }
0x189: {  	v17 =	vadd.f32 v17, v18;
	(erf) = vpow2.f32 v15;
	v15 =	vmul.f32 $1.442695020e+00, v16  }
0x18a: {  	vm9 =	veq.f32 v10, v13;
	vm10 =	veq.f32 v9, v13;
	v10 =	vsel vm14, $0x8, v12;
	v11 =	vpop (erf)  }
0x18b: {  	v9 =	vsel vm9, $0x7, v10;
	v11 =	vadd.f32 v17, v11;
	(erf) = vpow2.f32 v15  }
0x18c: {  	vm11 =	veq.f32 v8, v13;
	v8 =	vsel vm10, $0x6, v9;
	v12 =	vpop (erf)  }
0x18d: {  	vm12 =	veq.f32 v6, v13;
	v6 =	vsel vm11, $0x5, v8;
	v15 =	vadd.f32 v11, v12  }
0x18e: {  	vm13 =	veq.f32 v5, v13;
	v5 =	vsel vm12, $0x4, v6;
	v12 =	vpop (erf)  }
0x18f: {  	vm14 =	veq.f32 v4, v13;
	v4 =	vsel vm13, $0x3, v5;
	v8 =	vadd.f32 v15, v12  }
0x190: {  	v6 =	vpop (erf)  }
0x191: {  	[tilespmem:$0x5240] =	vst v1;
	v1 =	vld [tilespmem:$0x1FF30];
	vm15 =	veq.f32 v3, v13;
	v3 =	vsel vm14, $0x2, v4;
	v5 =	vadd.f32 v8, v6  }
0x192: {  	vm9 =	veq.f32 v2, v13;
	v2 =	vsel vm15, $0x1, v3;
	v6 =	vld [tilespmem:$0x10C0];
	v4 =	vpop (erf)  }
0x193: {  	v2 =	vsel vm9, $0x0, v2;
	v3 =	vadd.f32 v5, v4  }
0x194: {  	vm6 =	vne.s32 v2, v14;
	v4 =	vpop (erf)  }
0x195: {  	vm5 =	vmor vm5, vm6;
	v3 =	vadd.f32 v3, v4;
	v4 =	vmul.u32 $0x2710, v2  }
0x196: {  	v1 =	vnsel vm5, $0x1000, v1  }
0x197: {  	[tilespmem:$0x52C0] =	vst v1;
	v2 =	vadd.s32 v6, v4  }
0x198: {  	[tilespmem:$0x51C0] =	vst v2;
	v2 =	vor.u32 $0x2803, v7  }
0x199: {  	v1 =	vor.u32 $0x2804, v7;
	[tilespmem:$0x5140] =	vst v3  }
0x19a: {  	v4 =	vor.u32 $0x2805, v7;
	v3 =	vld.idx.msk [tilespmem:v61+s20+$0x0], $0xffff  }
0x19b: {  	v6 =	vor.u32 $0x2806, v7;
	v5 =	vld.idx.msk [tilespmem:v62+s20+$0x0], $0xffff  }
0x19c: {  	v9 =	vor.u32 $0x2807, v7;
	v8 =	vld.idx.msk [tilespmem:v63+s20+$0x0], $0xffff  }
0x19d: {  	v10 =	vor.u32 $0x2808, v7;
	v2 =	vld.idx.msk [tilespmem:v2+s20+$0x0], $0xffff  }
0x19e: {  	v11 =	vld.idx.msk [tilespmem:v1+s20+$0x0], $0xffff;
	v1 =	vor.u32 $0x2809, v7  }
0x19f: {  	v4 =	vld.idx.msk [tilespmem:v4+s20+$0x0], $0xffff  }
0x1a0: {  	v6 =	vld.idx.msk [tilespmem:v6+s20+$0x0], $0xffff;
	v12 =	vmin.f32 v3, v5  }
0x1a1: {  	v9 =	vld.idx.msk [tilespmem:v9+s20+$0x0], $0xffff;
	v12 =	vmin.f32 v12, v8  }
0x1a2: {  	v10 =	vld.idx.msk [tilespmem:v10+s20+$0x0], $0xffff;
	v12 =	vmin.f32 v12, v2  }
0x1a3: {  	v13 =	vld.idx.msk [tilespmem:v1+s20+$0x0], $0xffff;
	v1 =	vmin.f32 v12, v11  }
0x1a4: {  	v1 =	vmin.f32 v1, v4  }
0x1a5: {  	v12 =	vmin.f32 v1, v6;
	v1 =	vld [tilespmem:$0x1050]  }
0x1a6: {  	v12 =	vmin.f32 v12, v9  }
0x1a7: {  	v12 =	vmin.f32 v12, v10  }
0x1a8: {  	v12 =	vmin.f32 v12, v13  }
0x1a9: {  	vm10 =	veq.f32 v13, v12  }
0x1aa: {  	vm11 =	veq.f32 v10, v12;
	v14 =	vsel vm10, $0x9, v19  }
0x1ab: {  	vm12 =	veq.f32 v9, v12;
	v14 =	vsel vm11, $0x8, v14  }
0x1ac: {  	vm13 =	veq.f32 v6, v12;
	v14 =	vsel vm12, $0x7, v14  }
0x1ad: {  	vm14 =	veq.f32 v4, v12;
	v14 =	vsel vm13, $0x6, v14;
	v15 =	vld.idx.msk [tilespmem:v1+s4+$0x0], $0xffff  }
0x1ae: {  	vm15 =	veq.f32 v11, v12;
	v14 =	vsel vm14, $0x5, v14  }
0x1af: {  	vm9 =	veq.f32 v2, v12;
	v14 =	vsel vm15, $0x4, v14  }
0x1b0: {  	vm10 =	veq.f32 v8, v12;
	v14 =	vsel vm9, $0x3, v14  }
0x1b1: {  	vm11 =	veq.f32 v5, v12;
	v14 =	vsel vm10, $0x2, v14  }
0x1b2: {  	vm12 =	veq.f32 v3, v12;
	v14 =	vsel vm11, $0x1, v14;
	vm13 =	vgt.f32 v15, v12  }
0x1b3: {  	v14 =	vsel vm12, $0x0, v14;
	vm6 =	vmneg vm13  }
0x1b4: {  	v12 =	vsel vm6, v12, v15;
	vm8 =	veq.s32 v14, $0x1  }
0x1b5: {  	vm14 =	veq.s32 v14, $0x2;
	v3 =	vsel vm12, v12, v3;
	v5 =	vsel vm8, v12, v5  }
0x1b6: {  	vm15 =	veq.s32 v14, $0x3;
	v8 =	vsel vm14, v12, v8;
	v15 =	vmax.f32 v3, v5  }
0x1b7: {  	vm9 =	veq.s32 v14, $0x4;
	v2 =	vsel vm15, v12, v2;
	v15 =	vmax.f32 v15, v8  }
0x1b8: {  	vm10 =	veq.s32 v14, $0x5;
	v11 =	vsel vm9, v12, v11;
	v15 =	vmax.f32 v15, v2  }
0x1b9: {  	vm11 =	veq.s32 v14, $0x6;
	v4 =	vsel vm10, v12, v4;
	v15 =	vmax.f32 v15, v11  }
0x1ba: {  	v6 =	vsel vm11, v12, v6;
	vm12 =	veq.s32 v14, $0x7;
	v15 =	vmax.f32 v15, v4  }
0x1bb: {  	vm13 =	veq.s32 v14, $0x8;
	v9 =	vsel vm12, v12, v9;
	v15 =	vmax.f32 v15, v6  }
0x1bc: {  	v10 =	vsel vm13, v12, v10;
	vm14 =	veq.s32 v14, $0x9;
	v15 =	vmax.f32 v15, v9  }
0x1bd: {  	v12 =	vsel vm14, v12, v13;
	v13 =	vmax.f32 v15, v10  }
0x1be: {  	v13 =	vmax.f32 v13, v12  }
0x1bf: {  	v15 =	vsub.f32 v3, v13  }
0x1c0: {  	v16 =	vsub.f32 v5, v13  }
0x1c1: {  	v15 =	vmul.f32 $1.442695020e+00, v15  }
0x1c2: {  	v17 =	vsub.f32 v8, v13;
	v16 =	vmul.f32 $1.442695020e+00, v16  }
0x1c3: {  	(erf) = vpow2.f32 v15  }
0x1c4: {  	v15 =	vmul.f32 $1.442695020e+00, v17;
	(erf) = vpow2.f32 v16;
	v16 =	vsub.f32 v2, v13;
	_ =	sdelay $0x1  }
0x1c5: {  	(erf) = vpow2.f32 v15;
	v15 =	vmul.f32 $1.442695020e+00, v16;
	v16 =	vsub.f32 v11, v13;
	_ =	sdelay $0x1  }
0x1c6: {  	(erf) = vpow2.f32 v15;
	v15 =	vmul.f32 $1.442695020e+00, v16;
	v16 =	vsub.f32 v4, v13;
	_ =	sdelay $0x1  }
0x1c7: {  	(erf) = vpow2.f32 v15;
	v15 =	vmul.f32 $1.442695020e+00, v16;
	v16 =	vsub.f32 v6, v13;
	_ =	sdelay $0x1  }
0x1c8: {  	v17 =	vpop (erf);
	(erf) = vpow2.f32 v15;
	v15 =	vmul.f32 $1.442695020e+00, v16;
	v16 =	vsub.f32 v9, v13  }
0x1c9: {  	v18 =	vpop (erf)  }
0x1ca: {  	v17 =	vadd.f32 v18, v17;
	(erf) = vpow2.f32 v15;
	v15 =	vmul.f32 $1.442695020e+00, v16  }
0x1cb: {  	v18 =	vpop (erf);
	v16 =	vsub.f32 v10, v13  }
0x1cc: {  	vm15 =	veq.f32 v10, v13;
	v17 =	vadd.f32 v17, v18;
	(erf) = vpow2.f32 v15  }
0x1cd: {  	vm12 =	veq.f32 v12, v13;
	v15 =	vmul.f32 $1.442695020e+00, v16;
	v16 =	vsub.f32 v12, v13;
	v18 =	vpop (erf)  }
0x1ce: {  	vm13 =	veq.f32 v9, v13;
	v12 =	vsel vm12, $0x9, v19;
	v17 =	vadd.f32 v17, v18  }
0x1cf: {  	v9 =	vsel vm15, $0x8, v12;
	(erf) = vpow2.f32 v15;
	v15 =	vmul.f32 $1.442695020e+00, v16;
	v10 =	vpop (erf)  }
0x1d0: {  	vm14 =	veq.f32 v6, v13;
	v6 =	vsel vm13, $0x7, v9;
	v10 =	vadd.f32 v17, v10  }
0x1d1: {  	vm15 =	veq.f32 v4, v13;
	v4 =	vsel vm14, $0x6, v6;
	(erf) = vpow2.f32 v15;
	v12 =	vpop (erf)  }
0x1d2: {  	v4 =	vsel vm15, $0x5, v4;
	v15 =	vadd.f32 v10, v12  }
0x1d3: {  	v6 =	vpop (erf)  }
0x1d4: {  	vm12 =	veq.f32 v11, v13;
	v6 =	vadd.f32 v15, v6  }
0x1d5: {  	vm13 =	veq.f32 v2, v13;
	v2 =	vsel vm12, $0x4, v4;
	v4 =	vpop (erf)  }
0x1d6: {  	v4 =	vadd.f32 v6, v4  }
0x1d7: {  	vm14 =	veq.f32 v8, v13;
	v2 =	vsel vm13, $0x3, v2  }
0x1d8: {  	vm15 =	veq.f32 v5, v13;
	v2 =	vsel vm14, $0x2, v2;
	v6 =	vld [tilespmem:$0x10D0];
	v5 =	vpop (erf)  }
0x1d9: {  	vm11 =	veq.f32 v3, v13;
	v2 =	vsel vm15, $0x1, v2;
	v3 =	vadd.f32 v4, v5  }
0x1da: {  	[tilespmem:$0x5250] =	vst v1;
	v1 =	vld [tilespmem:$0x1FF40];
	v2 =	vsel vm11, $0x0, v2;
	v4 =	vpop (erf)  }
0x1db: {  	v3 =	vadd.f32 v3, v4;
	v4 =	vmul.u32 $0x2710, v2  }
0x1dc: {  	v5 =	vor.u32 $0x3000, v7  }
0x1dd: {  	vm7 =	vne.s32 v2, v14;
	[tilespmem:$0x5150] =	vst v3;
	v2 =	vadd.s32 v6, v4;
	v3 =	vor.u32 $0x3001, v7  }
0x1de: {  	vm6 =	vmor vm6, vm7;
	[tilespmem:$0x51D0] =	vst v2;
	v2 =	vor.u32 $0x3002, v7  }
0x1df: {  	v1 =	vnsel vm6, $0x1000, v1;
	v4 =	vor.u32 $0x3003, v7  }
0x1e0: {  	[tilespmem:$0x52D0] =	vst v1;
	v1 =	vor.u32 $0x3004, v7  }
0x1e1: {  	v6 =	vor.u32 $0x3005, v7;
	v5 =	vld.idx.msk [tilespmem:v5+s20+$0x0], $0xffff  }
0x1e2: {  	v8 =	vor.u32 $0x3006, v7;
	v3 =	vld.idx.msk [tilespmem:v3+s20+$0x0], $0xffff  }
0x1e3: {  	v9 =	vor.u32 $0x3007, v7;
	v2 =	vld.idx.msk [tilespmem:v2+s20+$0x0], $0xffff  }
0x1e4: {  	v10 =	vor.u32 $0x3008, v7;
	v4 =	vld.idx.msk [tilespmem:v4+s20+$0x0], $0xffff  }
0x1e5: {  	v11 =	vld.idx.msk [tilespmem:v1+s20+$0x0], $0xffff;
	v1 =	vor.u32 $0x3009, v7  }
0x1e6: {  	v6 =	vld.idx.msk [tilespmem:v6+s20+$0x0], $0xffff  }
0x1e7: {  	v8 =	vld.idx.msk [tilespmem:v8+s20+$0x0], $0xffff;
	v12 =	vmin.f32 v5, v3  }
0x1e8: {  	v9 =	vld.idx.msk [tilespmem:v9+s20+$0x0], $0xffff;
	v12 =	vmin.f32 v12, v2  }
0x1e9: {  	v10 =	vld.idx.msk [tilespmem:v10+s20+$0x0], $0xffff;
	v12 =	vmin.f32 v12, v4  }
0x1ea: {  	v13 =	vld.idx.msk [tilespmem:v1+s20+$0x0], $0xffff;
	v1 =	vmin.f32 v12, v11  }
0x1eb: {  	v1 =	vmin.f32 v1, v6  }
0x1ec: {  	v12 =	vmin.f32 v1, v8;
	v1 =	vld [tilespmem:$0x1060]  }
0x1ed: {  	v12 =	vmin.f32 v12, v9  }
0x1ee: {  	v12 =	vmin.f32 v12, v10  }
0x1ef: {  	v12 =	vmin.f32 v12, v13  }
0x1f0: {  	vm12 =	veq.f32 v13, v12  }
0x1f1: {  	vm13 =	veq.f32 v10, v12;
	v14 =	vsel vm12, $0x9, v19  }
0x1f2: {  	vm14 =	veq.f32 v9, v12;
	v14 =	vsel vm13, $0x8, v14  }
0x1f3: {  	vm15 =	veq.f32 v8, v12;
	v14 =	vsel vm14, $0x7, v14  }
0x1f4: {  	vm12 =	veq.f32 v6, v12;
	v14 =	vsel vm15, $0x6, v14;
	v15 =	vld.idx.msk [tilespmem:v1+s4+$0x0], $0xffff  }
0x1f5: {  	vm13 =	veq.f32 v11, v12;
	v14 =	vsel vm12, $0x5, v14  }
0x1f6: {  	vm14 =	veq.f32 v4, v12;
	v14 =	vsel vm13, $0x4, v14  }
0x1f7: {  	vm15 =	veq.f32 v2, v12;
	v14 =	vsel vm14, $0x3, v14  }
0x1f8: {  	vm12 =	veq.f32 v3, v12;
	v14 =	vsel vm15, $0x2, v14  }
0x1f9: {  	vm13 =	veq.f32 v5, v12;
	v14 =	vsel vm12, $0x1, v14;
	vm14 =	vgt.f32 v15, v12  }
0x1fa: {  	v14 =	vsel vm13, $0x0, v14;
	vm7 =	vmneg vm14  }
0x1fb: {  	v12 =	vsel vm7, v12, v15;
	vm9 =	veq.s32 v14, $0x1  }
0x1fc: {  	vm15 =	veq.s32 v14, $0x2;
	v5 =	vsel vm13, v12, v5;
	v3 =	vsel vm9, v12, v3  }
0x1fd: {  	vm12 =	veq.s32 v14, $0x3;
	v2 =	vsel vm15, v12, v2;
	v15 =	vmax.f32 v5, v3  }
0x1fe: {  	v4 =	vsel vm12, v12, v4;
	vm13 =	veq.s32 v14, $0x4;
	v15 =	vmax.f32 v15, v2  }
0x1ff: {  	vm14 =	veq.s32 v14, $0x5;
	v11 =	vsel vm13, v12, v11;
	v15 =	vmax.f32 v15, v4  }
0x200: {  	v6 =	vsel vm14, v12, v6;
	vm15 =	veq.s32 v14, $0x6;
	v15 =	vmax.f32 v15, v11  }
0x201: {  	vm12 =	veq.s32 v14, $0x7;
	v8 =	vsel vm15, v12, v8;
	v15 =	vmax.f32 v15, v6  }
0x202: {  	v9 =	vsel vm12, v12, v9;
	vm13 =	veq.s32 v14, $0x8;
	v15 =	vmax.f32 v15, v8  }
0x203: {  	vm14 =	veq.s32 v14, $0x9;
	v10 =	vsel vm13, v12, v10;
	v15 =	vmax.f32 v15, v9  }
0x204: {  	v12 =	vsel vm14, v12, v13;
	v13 =	vmax.f32 v15, v10  }
0x205: {  	v13 =	vmax.f32 v13, v12  }
0x206: {  	v15 =	vsub.f32 v5, v13  }
0x207: {  	v16 =	vsub.f32 v3, v13  }
0x208: {  	v15 =	vmul.f32 $1.442695020e+00, v15  }
0x209: {  	v17 =	vsub.f32 v2, v13;
	v16 =	vmul.f32 $1.442695020e+00, v16  }
0x20a: {  	(erf) = vpow2.f32 v15  }
0x20b: {  	v15 =	vmul.f32 $1.442695020e+00, v17;
	(erf) = vpow2.f32 v16;
	v16 =	vsub.f32 v4, v13;
	_ =	sdelay $0x1  }
0x20c: {  	(erf) = vpow2.f32 v15;
	v15 =	vmul.f32 $1.442695020e+00, v16;
	v16 =	vsub.f32 v11, v13;
	_ =	sdelay $0x1  }
0x20d: {  	(erf) = vpow2.f32 v15;
	v15 =	vmul.f32 $1.442695020e+00, v16;
	v16 =	vsub.f32 v6, v13;
	_ =	sdelay $0x1  }
0x20e: {  	(erf) = vpow2.f32 v15;
	v15 =	vmul.f32 $1.442695020e+00, v16;
	v16 =	vsub.f32 v8, v13;
	_ =	sdelay $0x1  }
0x20f: {  	v17 =	vpop (erf);
	(erf) = vpow2.f32 v15;
	v15 =	vmul.f32 $1.442695020e+00, v16;
	v16 =	vsub.f32 v9, v13  }
0x210: {  	v18 =	vpop (erf)  }
0x211: {  	v17 =	vadd.f32 v18, v17;
	(erf) = vpow2.f32 v15;
	v15 =	vmul.f32 $1.442695020e+00, v16  }
0x212: {  	v18 =	vpop (erf);
	v16 =	vsub.f32 v10, v13  }
0x213: {  	vm15 =	veq.f32 v10, v13;
	v17 =	vadd.f32 v17, v18;
	(erf) = vpow2.f32 v15  }
0x214: {  	vm12 =	veq.f32 v12, v13;
	v15 =	vmul.f32 $1.442695020e+00, v16;
	v16 =	vsub.f32 v12, v13;
	v18 =	vpop (erf)  }
0x215: {  	vm13 =	veq.f32 v9, v13;
	v12 =	vsel vm12, $0x9, v19;
	v17 =	vadd.f32 v17, v18  }
0x216: {  	v9 =	vsel vm15, $0x8, v12;
	(erf) = vpow2.f32 v15;
	v15 =	vmul.f32 $1.442695020e+00, v16;
	v10 =	vpop (erf)  }
0x217: {  	vm14 =	veq.f32 v8, v13;
	v8 =	vsel vm13, $0x7, v9;
	v10 =	vadd.f32 v17, v10  }
0x218: {  	vm15 =	veq.f32 v6, v13;
	v6 =	vsel vm14, $0x6, v8;
	(erf) = vpow2.f32 v15;
	v12 =	vpop (erf)  }
0x219: {  	v6 =	vsel vm15, $0x5, v6;
	v12 =	vadd.f32 v10, v12  }
0x21a: {  	v8 =	vpop (erf)  }
0x21b: {  	vm12 =	veq.f32 v11, v13;
	v8 =	vadd.f32 v12, v8  }
0x21c: {  	vm13 =	veq.f32 v4, v13;
	v4 =	vsel vm12, $0x4, v6;
	v6 =	vpop (erf)  }
0x21d: {  	vm14 =	veq.f32 v2, v13;
	v2 =	vsel vm13, $0x3, v4;
	v4 =	vadd.f32 v8, v6;
	_ =	sdelay $0x1  }
0x21e: {  	vm15 =	veq.f32 v3, v13;
	v2 =	vsel vm14, $0x2, v2;
	v6 =	vld [tilespmem:$0x10E0];
	v3 =	vpop (erf)  }
0x21f: {  	vm12 =	veq.f32 v5, v13;
	v2 =	vsel vm15, $0x1, v2;
	v3 =	vadd.f32 v4, v3  }
0x220: {  	[tilespmem:$0x5260] =	vst v1;
	v1 =	vld [tilespmem:$0x1FF50];
	v2 =	vsel vm12, $0x0, v2;
	v4 =	vpop (erf)  }
0x221: {  	v3 =	vadd.f32 v3, v4;
	v4 =	vmul.u32 $0x2710, v2  }
0x222: {  	v5 =	vor.u32 $0x3800, v7  }
0x223: {  	vm8 =	vne.s32 v2, v14;
	[tilespmem:$0x5160] =	vst v3;
	v2 =	vadd.s32 v6, v4;
	v3 =	vor.u32 $0x3801, v7  }
0x224: {  	vm7 =	vmor vm7, vm8;
	[tilespmem:$0x51E0] =	vst v2;
	v2 =	vor.u32 $0x3802, v7  }
0x225: {  	v1 =	vnsel vm7, $0x1000, v1;
	v4 =	vor.u32 $0x3803, v7  }
0x226: {  	[tilespmem:$0x52E0] =	vst v1;
	v1 =	vor.u32 $0x3804, v7  }
0x227: {  	v6 =	vor.u32 $0x3805, v7;
	v5 =	vld.idx.msk [tilespmem:v5+s20+$0x0], $0xffff  }
0x228: {  	v8 =	vor.u32 $0x3806, v7;
	v3 =	vld.idx.msk [tilespmem:v3+s20+$0x0], $0xffff  }
0x229: {  	v9 =	vor.u32 $0x3807, v7;
	v2 =	vld.idx.msk [tilespmem:v2+s20+$0x0], $0xffff  }
0x22a: {  	v10 =	vor.u32 $0x3808, v7;
	v4 =	vld.idx.msk [tilespmem:v4+s20+$0x0], $0xffff  }
0x22b: {  	v11 =	vld.idx.msk [tilespmem:v1+s20+$0x0], $0xffff;
	v1 =	vor.u32 $0x3809, v7  }
0x22c: {  	v6 =	vld.idx.msk [tilespmem:v6+s20+$0x0], $0xffff  }
0x22d: {  	v8 =	vld.idx.msk [tilespmem:v8+s20+$0x0], $0xffff;
	v12 =	vmin.f32 v5, v3  }
0x22e: {  	v9 =	vld.idx.msk [tilespmem:v9+s20+$0x0], $0xffff;
	v12 =	vmin.f32 v12, v2  }
0x22f: {  	v10 =	vld.idx.msk [tilespmem:v10+s20+$0x0], $0xffff;
	v12 =	vmin.f32 v12, v4  }
0x230: {  	v13 =	vld.idx.msk [tilespmem:v1+s20+$0x0], $0xffff;
	v1 =	vmin.f32 v12, v11  }
0x231: {  	v1 =	vmin.f32 v1, v6  }
0x232: {  	v12 =	vmin.f32 v1, v8;
	v1 =	vld [tilespmem:$0x1070]  }
0x233: {  	v12 =	vmin.f32 v12, v9  }
0x234: {  	v12 =	vmin.f32 v12, v10  }
0x235: {  	v12 =	vmin.f32 v12, v13  }
0x236: {  	vm13 =	veq.f32 v13, v12  }
0x237: {  	vm14 =	veq.f32 v10, v12;
	v14 =	vsel vm13, $0x9, v19  }
0x238: {  	vm15 =	veq.f32 v9, v12;
	v14 =	vsel vm14, $0x8, v14  }
0x239: {  	vm12 =	veq.f32 v8, v12;
	v14 =	vsel vm15, $0x7, v14  }
0x23a: {  	vm13 =	veq.f32 v6, v12;
	v14 =	vsel vm12, $0x6, v14;
	v15 =	vld.idx.msk [tilespmem:v1+s4+$0x0], $0xffff  }
0x23b: {  	vm14 =	veq.f32 v11, v12;
	v14 =	vsel vm13, $0x5, v14  }
0x23c: {  	vm15 =	veq.f32 v4, v12;
	v14 =	vsel vm14, $0x4, v14  }
0x23d: {  	vm12 =	veq.f32 v2, v12;
	v14 =	vsel vm15, $0x3, v14  }
0x23e: {  	vm13 =	veq.f32 v3, v12;
	v14 =	vsel vm12, $0x2, v14  }
0x23f: {  	vm14 =	veq.f32 v5, v12;
	v14 =	vsel vm13, $0x1, v14;
	vm15 =	vgt.f32 v15, v12  }
0x240: {  	v14 =	vsel vm14, $0x0, v14;
	vm8 =	vmneg vm15  }
0x241: {  	v16 =	vsel vm1, $0x1, v20;
	v12 =	vsel vm8, v12, v15;
	vm1 =	veq.s32 v14, $0x1  }
0x242: {  	v5 =	vsel vm14, v12, v5;
	v3 =	vsel vm1, v12, v3;
	vm1 =	veq.s32 v14, $0x2  }
0x243: {  	v2 =	vsel vm1, v12, v2;
	vm1 =	veq.s32 v14, $0x3;
	v15 =	vmax.f32 v5, v3  }
0x244: {  	v4 =	vsel vm1, v12, v4;
	vm1 =	veq.s32 v14, $0x4;
	v15 =	vmax.f32 v15, v2  }
0x245: {  	v11 =	vsel vm1, v12, v11;
	vm1 =	veq.s32 v14, $0x5;
	v15 =	vmax.f32 v15, v4  }
0x246: {  	v6 =	vsel vm1, v12, v6;
	vm1 =	veq.s32 v14, $0x6;
	v15 =	vmax.f32 v15, v11  }
0x247: {  	(xrf0) =	vadd.scan.msk.s32 $0xffff, v16;
	v8 =	vsel vm1, v12, v8;
	vm1 =	veq.s32 v14, $0x7;
	v15 =	vmax.f32 v15, v6  }
0x248: {  	v9 =	vsel vm1, v12, v9;
	vm1 =	veq.s32 v14, $0x8;
	v15 =	vmax.f32 v15, v8  }
0x249: {  	v10 =	vsel vm1, v12, v10;
	vm1 =	veq.s32 v14, $0x9;
	v15 =	vmax.f32 v15, v9  }
0x24a: {  	v12 =	vsel vm1, v12, v13;
	v13 =	vmax.f32 v15, v10  }
0x24b: {  	v13 =	vmax.f32 v13, v12  }
0x24c: {  	v16 =	vsub.f32 v5, v13;
	vm1 =	veq.f32 v5, v13;
	vm12 =	veq.f32 v12, v13  }
0x24d: {  	v15, _, _ =	vpop (xrf0);
	vm10 =	veq.f32 v10, v13;
	vm13 =	veq.f32 v9, v13;
	vm14 =	veq.f32 v6, v13  }
0x24e: {  	vm11 =	veq.f32 v8, v13;
	(v2sf) =	vpush v15, $0xF;
	v15 =	vsub.f32 v3, v13  }
0x24f: {  	v5 =	vmul.f32 $1.442695020e+00, v16;
	v16 =	vsel vm2, $0x1, v20;
	vm2 =	veq.f32 v3, v13  }
0x250: {  	v3 =	vsel vm3, $0x1, v20;
	vm3 =	veq.f32 v2, v13;
	v15 =	vmul.f32 $1.442695020e+00, v15  }
0x251: {  	v2 =	vsub.f32 v2, v13;
	(erf) = vpow2.f32 v5;
	v5 =	vsel vm4, $0x1, v20  }
0x252: {  	(xrf0) =	vadd.scan.msk.s32 $0xffff, v16;
	vm4 =	veq.f32 v4, v13;
	(erf) = vpow2.f32 v15;
	v15 =	vsel vm12, $0x9, v19  }
0x253: {  	(xrf0) =	vadd.scan.msk.s32 $0xffff, v3;
	v2 =	vmul.f32 $1.442695020e+00, v2;
	v4 =	vsub.f32 v4, v13;
	v15 =	vsel vm10, $0x8, v15  }
0x254: {  	vm15 =	veq.f32 v11, v13;
	(xrf0) =	vadd.scan.msk.s32 $0xffff, v5;
	v5 =	vsub.f32 v11, v13;
	v15 =	vsel vm13, $0x7, v15  }
0x255: {  	(erf) = vpow2.f32 v2;
	v2 =	vmul.f32 $1.442695020e+00, v4;
	v3 =	vsel vm11, $0x6, v15  }
0x256: {  	v4 =	vsel vm5, $0x1, v20;
	v5 =	vmul.f32 $1.442695020e+00, v5;
	v3 =	vsel vm14, $0x5, v3  }
0x257: {  	(xrf0) =	vadd.scan.msk.s32 $0xffff, v4;
	v3 =	vsel vm15, $0x4, v3  }
0x258: {  	(erf) = vpow2.f32 v2;
	v2 =	vsub.f32 v6, v13;
	v3 =	vsel vm4, $0x3, v3  }
0x259: {  	v6 =	vsel vm6, $0x1, v20;
	v4, _, _ =	vpop (xrf0);
	(erf) = vpow2.f32 v5;
	v3 =	vsel vm3, $0x2, v3  }
0x25a: {  	(xrf0) =	vadd.scan.msk.s32 $0xffff, v6;
	v6 =	vsel vm7, $0x1, v20;
	v2 =	vmul.f32 $1.442695020e+00, v2;
	v5, _, _ =	vpop (xrf0);
	v3 =	vsel vm2, $0x1, v3  }
0x25b: {  	(v2sf) =	vpush v4, $0xF;
	(xrf0) =	vadd.scan.msk.s32 $0xffff, v6;
	v6 =	vsub.f32 v8, v13;
	v4, _, _ =	vpop (xrf0);
	v3 =	vsel vm1, $0x0, v3  }
0x25c: {  	v8 =	vsub.f32 v9, v13;
	(v2sf) =	vpush v5, $0xF;
	v5 =	vpop (erf);
	vm1 =	vne.s32 v3, v14  }
0x25d: {  	v6 =	vmul.f32 $1.442695020e+00, v6;
	(v2sf) =	vpush v4, $0xF;
	v4, _, _ =	vpop (xrf0);
	vm1 =	vmor vm8, vm1  }
0x25e: {  	(erf) = vpow2.f32 v2;
	v2 =	vpop (erf);
	v15 =	vsel vm1, $0x1, v20  }
0x25f: {  	v2 =	vadd.f32 v2, v5;
	(erf) = vpow2.f32 v6;
	v5 =	vpop (erf);
	v6 =	vmul.f32 $1.442695020e+00, v8;
	(xrf0) =	vadd.scan.msk.s32 $0xffff, v15  }
0x260: {  	(v2sf) =	vpush v4, $0xF;
	v8 =	vsub.f32 v10, v13;
	v4, _, _ =	vpop (xrf0)  }
0x261: {  	(v2sf) =	vpush v4, $0xF;
	v2 =	vadd.f32 v2, v5  }
0x262: {  	(erf) = vpow2.f32 v6;
	v5 =	vsub.f32 v12, v13;
	v8 =	vmul.f32 $1.442695020e+00, v8;
	v4 =	vpop (erf)  }
0x263: {  	v6, _, _ =	vpop (xrf0);
	v2 =	vadd.f32 v2, v4  }
0x264: {  	(erf) = vpow2.f32 v8;
	v4 =	vpop (erf);
	v5 =	vmul.f32 $1.442695020e+00, v5;
	(v2sf) =	vpush v6, $0xF  }
0x265: {  	v6, _, _ =	vpop (xrf0)  }
0x266: {  	v2 =	vadd.f32 v2, v4;
	(erf) = vpow2.f32 v5;
	(v2sf) =	vpush v6, $0xF  }
0x267: {  	v4 =	vpop (erf)  }
0x268: {  	v2 =	vadd.f32 v2, v4  }
0x269: {  	v4 =	vpop (erf)  }
0x26a: {  	v2 =	vadd.f32 v2, v4  }
0x26b: {  	[tilespmem:$0x5270] =	vst v1;
	v1 =	vld [tilespmem:$0x1FF60];
	v4 =	vpop (erf)  }
0x26c: {  	v2 =	vadd.f32 v2, v4  }
0x26d: {  	s22 =	spop (v2sf);
	v5 =	vld [tilespmem:$0x10F0];
	v4 =	vpop (erf)  }
0x26e: {  	s5 =	spop (v2sf);
	v2 =	vadd.f32 v2, v4  }
0x26f: {  	s18 =	spop (v2sf);
	v4 =	vpop (erf)  }
0x270: {  	v3 =	vmul.u32 $0x2710, v3;
	v1 =	vnsel vm1, $0x1000, v1;
	s9 =	spop (v2sf);
	v2 =	vadd.f32 v2, v4  }
0x271: {  	[tilespmem:$0x52F0] =	vst v1;
	s8 =	spop (v2sf)  }
0x272: {  	s10 =	spop (v2sf);
	[tilespmem:$0x5170] =	vst v2;
	v2 =	vadd.s32 v5, v3  }
0x273: {  	s26 =	simm.s32 $0x5100;
	s25 =	rddreg [dreg:$0x8];
	[tilespmem:$0x51F0] =	vst v2;
	s12 =	spop (v2sf)  }
0x274: {  	[hbm4b:s25+s4] =	stream.linear.scatter [tilespmem:s26], [sflag:$0x2], $0x80, $0x38;
	[tilespmem:$0x15300] =	vst v63  }
0x275: {  	s17 =	simm.s32 $0x2;
	s24 =	spop (v2sf)  }
0x276: {  	_ =	swait.ge [sflag:s17], $0x80  }
0x277: {  	[sflag:s17] =	ssyncset.done $0x0  }
0x278: {  	[sflag:s17] =	ssyncadd.s32 $0xFFFFFF80  }
0x279: {  	v1 =	vld [tilespmem:$0x5200];
	_ =	sdelay $0x4  }
0x27a: {  	v2 =	vshll.u32 v1, $0x2  }
0x27b: {  	v1 =	vand.u32 $0x7, v1;
	v2 =	vand.u32 $0xFFFFFFE0, v2  }
0x27c: {  	v4 =	vor.u32 v1, v2;
	v1 =	vand.u32 $0x7, v0;
	v2 =	vshrl.u32 v0, $0x3  }
0x27d: {  	v3 =	vperm.xlane v4, v1;
	v2 =	vmul.u32 $0x8, v2;
	_ =	sdelay $0x1  }
0x27e: {  	v5 =	vadd.s32 v2, v3  }
0x27f: {  	v3 =	vor.u32 $0x8, v0  }
0x280: {  	v4 =	vperm.xlane v4, v3;
	_ =	sdelay $0x1  }
0x281: {  	s0 =	simm.s32 $0x5300;
	v4 =	vadd.s32 v2, v4  }
0x282: {  	[tilespmem:s0], [sflag:$0x1] =	stream.indirect_vreg.gather [hbm4b:s6+s4], $0x80, v5, vm0, $0xb8;
	[tilespmem:$0x15300] =	vst v63  }
0x283: {  	s3 =	simm.s32 $0x5B00  }
0x284: {  	[tilespmem:s3], [sflag:$0x1] =	stream.indirect_vreg.gather [hbm4b:s11+s4], $0x80, v5, vm0, $0xb8;
	[tilespmem:$0x15300] =	vst v63  }
0x285: {  	s2 =	simm.s32 $0x6300  }
0x286: {  	[tilespmem:s2], [sflag:$0x1] =	stream.indirect_vreg.gather [hbm4b:s6+s4], $0x80, v4, vm0, $0xb8;
	[tilespmem:$0x15300] =	vst v63  }
0x287: {  	s28 =	simm.s32 $0x6B00  }
0x288: {  	[tilespmem:s28], [sflag:$0x1] =	stream.indirect_vreg.gather [hbm4b:s11+s4], $0x80, v4, vm0, $0xb8;
	[tilespmem:$0x15300] =	vst v63  }
0x289: {  	v4 =	vld [tilespmem:$0x5210];
	_ =	sdelay $0x4  }
0x28a: {  	v5 =	vshll.u32 v4, $0x2  }
0x28b: {  	v4 =	vand.u32 $0x7, v4;
	v5 =	vand.u32 $0xFFFFFFE0, v5  }
0x28c: {  	v4 =	vor.u32 v4, v5  }
0x28d: {  	v5 =	vperm.xlane v4, v1;
	_ =	sdelay $0x1  }
0x28e: {  	v5 =	vadd.s32 v2, v5;
	_ =	sdelay $0x1  }
0x28f: {  	v4 =	vperm.xlane v4, v3;
	_ =	sdelay $0x1  }
0x290: {  	s29 =	simm.s32 $0x7300;
	v4 =	vadd.s32 v2, v4  }
0x291: {  	[tilespmem:s29], [sflag:$0x1] =	stream.indirect_vreg.gather [hbm4b:s6+s4], $0x80, v5, vm0, $0xb8;
	[tilespmem:$0x15300] =	vst v63  }
0x292: {  	s30 =	simm.s32 $0x7B00  }
0x293: {  	[tilespmem:s30], [sflag:$0x1] =	stream.indirect_vreg.gather [hbm4b:s11+s4], $0x80, v5, vm0, $0xb8;
	[tilespmem:$0x15300] =	vst v63  }
0x294: {  	s31 =	simm.s32 $0x8300  }
0x295: {  	[tilespmem:s31], [sflag:$0x1] =	stream.indirect_vreg.gather [hbm4b:s6+s4], $0x80, v4, vm0, $0xb8;
	[tilespmem:$0x15300] =	vst v63  }
0x296: {  	s2 =	simm.s32 $0x8B00  }
0x297: {  	[tilespmem:s2], [sflag:$0x1] =	stream.indirect_vreg.gather [hbm4b:s11+s4], $0x80, v4, vm0, $0xb8;
	[tilespmem:$0x15300] =	vst v63  }
0x298: {  	v4 =	vld [tilespmem:$0x5220];
	_ =	sdelay $0x4  }
0x299: {  	v5 =	vshll.u32 v4, $0x2  }
0x29a: {  	v4 =	vand.u32 $0x7, v4;
	v5 =	vand.u32 $0xFFFFFFE0, v5  }
0x29b: {  	v4 =	vor.u32 v4, v5  }
0x29c: {  	v5 =	vperm.xlane v4, v1;
	_ =	sdelay $0x1  }
0x29d: {  	v5 =	vadd.s32 v2, v5;
	_ =	sdelay $0x1  }
0x29e: {  	v4 =	vperm.xlane v4, v3;
	_ =	sdelay $0x1  }
0x29f: {  	s19 =	simm.s32 $0x9300;
	v4 =	vadd.s32 v2, v4  }
0x2a0: {  	[tilespmem:s19], [sflag:$0x1] =	stream.indirect_vreg.gather [hbm4b:s6+s4], $0x80, v5, vm0, $0xb8;
	[tilespmem:$0x15300] =	vst v63  }
0x2a1: {  	s21 =	simm.s32 $0x9B00  }
0x2a2: {  	[tilespmem:s21], [sflag:$0x1] =	stream.indirect_vreg.gather [hbm4b:s11+s4], $0x80, v5, vm0, $0xb8;
	[tilespmem:$0x15300] =	vst v63  }
0x2a3: {  	s17 =	simm.s32 $0xA300  }
0x2a4: {  	[tilespmem:s17], [sflag:$0x1] =	stream.indirect_vreg.gather [hbm4b:s6+s4], $0x80, v4, vm0, $0xb8;
	[tilespmem:$0x15300] =	vst v63  }
0x2a5: {  	s19 =	simm.s32 $0xAB00  }
0x2a6: {  	[tilespmem:s19], [sflag:$0x1] =	stream.indirect_vreg.gather [hbm4b:s11+s4], $0x80, v4, vm0, $0xb8;
	[tilespmem:$0x15300] =	vst v63  }
0x2a7: {  	v4 =	vld [tilespmem:$0x5230];
	_ =	sdelay $0x4  }
0x2a8: {  	v5 =	vshll.u32 v4, $0x2  }
0x2a9: {  	v4 =	vand.u32 $0x7, v4;
	v5 =	vand.u32 $0xFFFFFFE0, v5  }
0x2aa: {  	v4 =	vor.u32 v4, v5  }
0x2ab: {  	v5 =	vperm.xlane v4, v1;
	_ =	sdelay $0x1  }
0x2ac: {  	v5 =	vadd.s32 v2, v5;
	_ =	sdelay $0x1  }
0x2ad: {  	v4 =	vperm.xlane v4, v3;
	_ =	sdelay $0x1  }
0x2ae: {  	s23 =	simm.s32 $0xB300;
	v4 =	vadd.s32 v2, v4  }
0x2af: {  	[tilespmem:s23], [sflag:$0x1] =	stream.indirect_vreg.gather [hbm4b:s6+s4], $0x80, v5, vm0, $0xb8;
	[tilespmem:$0x15300] =	vst v63  }
0x2b0: {  	s3 =	simm.s32 $0xBB00  }
0x2b1: {  	[tilespmem:s3], [sflag:$0x1] =	stream.indirect_vreg.gather [hbm4b:s11+s4], $0x80, v5, vm0, $0xb8;
	[tilespmem:$0x15300] =	vst v63  }
0x2b2: {  	s21 =	simm.s32 $0xC300  }
0x2b3: {  	[tilespmem:s21], [sflag:$0x1] =	stream.indirect_vreg.gather [hbm4b:s6+s4], $0x80, v4, vm0, $0xb8;
	[tilespmem:$0x15300] =	vst v63  }
0x2b4: {  	s7 =	simm.s32 $0xCB00  }
0x2b5: {  	[tilespmem:s7], [sflag:$0x1] =	stream.indirect_vreg.gather [hbm4b:s11+s4], $0x80, v4, vm0, $0xb8;
	[tilespmem:$0x15300] =	vst v63  }
0x2b6: {  	v4 =	vld [tilespmem:$0x5240];
	_ =	sdelay $0x4  }
0x2b7: {  	v5 =	vshll.u32 v4, $0x2  }
0x2b8: {  	v4 =	vand.u32 $0x7, v4;
	v5 =	vand.u32 $0xFFFFFFE0, v5  }
0x2b9: {  	v4 =	vor.u32 v4, v5  }
0x2ba: {  	v5 =	vperm.xlane v4, v1;
	_ =	sdelay $0x1  }
0x2bb: {  	v5 =	vadd.s32 v2, v5;
	_ =	sdelay $0x1  }
0x2bc: {  	v4 =	vperm.xlane v4, v3;
	_ =	sdelay $0x1  }
0x2bd: {  	s13 =	simm.s32 $0xD300;
	v4 =	vadd.s32 v2, v4  }
0x2be: {  	[tilespmem:s13], [sflag:$0x1] =	stream.indirect_vreg.gather [hbm4b:s6+s4], $0x80, v5, vm0, $0xb8;
	[tilespmem:$0x15300] =	vst v63  }
0x2bf: {  	s14 =	simm.s32 $0xDB00  }
0x2c0: {  	[tilespmem:s14], [sflag:$0x1] =	stream.indirect_vreg.gather [hbm4b:s11+s4], $0x80, v5, vm0, $0xb8;
	[tilespmem:$0x15300] =	vst v63  }
0x2c1: {  	s25 =	simm.s32 $0xE300  }
0x2c2: {  	[tilespmem:s25], [sflag:$0x1] =	stream.indirect_vreg.gather [hbm4b:s6+s4], $0x80, v4, vm0, $0xb8;
	[tilespmem:$0x15300] =	vst v63  }
0x2c3: {  	s26 =	simm.s32 $0xEB00  }
0x2c4: {  	[tilespmem:s26], [sflag:$0x1] =	stream.indirect_vreg.gather [hbm4b:s11+s4], $0x80, v4, vm0, $0xb8;
	[tilespmem:$0x15300] =	vst v63  }
0x2c5: {  	v4 =	vld [tilespmem:$0x5250];
	_ =	sdelay $0x4  }
0x2c6: {  	v5 =	vshll.u32 v4, $0x2  }
0x2c7: {  	v4 =	vand.u32 $0x7, v4;
	v5 =	vand.u32 $0xFFFFFFE0, v5  }
0x2c8: {  	v4 =	vor.u32 v4, v5  }
0x2c9: {  	v5 =	vperm.xlane v4, v1;
	_ =	sdelay $0x1  }
0x2ca: {  	v5 =	vadd.s32 v2, v5;
	_ =	sdelay $0x1  }
0x2cb: {  	v4 =	vperm.xlane v4, v3;
	_ =	sdelay $0x1  }
0x2cc: {  	s0 =	simm.s32 $0xF300;
	v4 =	vadd.s32 v2, v4  }
0x2cd: {  	[tilespmem:s0], [sflag:$0x1] =	stream.indirect_vreg.gather [hbm4b:s6+s4], $0x80, v5, vm0, $0xb8;
	[tilespmem:$0x15300] =	vst v63  }
0x2ce: {  	s0 =	simm.s32 $0xFB00  }
0x2cf: {  	[tilespmem:s0], [sflag:$0x1] =	stream.indirect_vreg.gather [hbm4b:s11+s4], $0x80, v5, vm0, $0xb8;
	[tilespmem:$0x15300] =	vst v63  }
0x2d0: {  	s0 =	simm.s32 $0x10300  }
0x2d1: {  	[tilespmem:s0], [sflag:$0x1] =	stream.indirect_vreg.gather [hbm4b:s6+s4], $0x80, v4, vm0, $0xb8;
	[tilespmem:$0x15300] =	vst v63  }
0x2d2: {  	s0 =	simm.s32 $0x10B00  }
0x2d3: {  	[tilespmem:s0], [sflag:$0x1] =	stream.indirect_vreg.gather [hbm4b:s11+s4], $0x80, v4, vm0, $0xb8;
	[tilespmem:$0x15300] =	vst v63  }
0x2d4: {  	v4 =	vld [tilespmem:$0x5260];
	_ =	sdelay $0x4  }
0x2d5: {  	v5 =	vshll.u32 v4, $0x2  }
0x2d6: {  	v4 =	vand.u32 $0x7, v4;
	v5 =	vand.u32 $0xFFFFFFE0, v5  }
0x2d7: {  	v4 =	vor.u32 v4, v5  }
0x2d8: {  	v5 =	vperm.xlane v4, v1;
	_ =	sdelay $0x1  }
0x2d9: {  	v5 =	vadd.s32 v2, v5;
	_ =	sdelay $0x1  }
0x2da: {  	v4 =	vperm.xlane v4, v3;
	_ =	sdelay $0x1  }
0x2db: {  	s0 =	simm.s32 $0x11300;
	v4 =	vadd.s32 v2, v4  }
0x2dc: {  	[tilespmem:s0], [sflag:$0x1] =	stream.indirect_vreg.gather [hbm4b:s6+s4], $0x80, v5, vm0, $0xb8;
	[tilespmem:$0x15300] =	vst v63  }
0x2dd: {  	s0 =	simm.s32 $0x11B00  }
0x2de: {  	[tilespmem:s0], [sflag:$0x1] =	stream.indirect_vreg.gather [hbm4b:s11+s4], $0x80, v5, vm0, $0xb8;
	[tilespmem:$0x15300] =	vst v63  }
0x2df: {  	s0 =	simm.s32 $0x12300  }
0x2e0: {  	[tilespmem:s0], [sflag:$0x1] =	stream.indirect_vreg.gather [hbm4b:s6+s4], $0x80, v4, vm0, $0xb8;
	[tilespmem:$0x15300] =	vst v63  }
0x2e1: {  	s0 =	simm.s32 $0x12B00  }
0x2e2: {  	[tilespmem:s0], [sflag:$0x1] =	stream.indirect_vreg.gather [hbm4b:s11+s4], $0x80, v4, vm0, $0xb8;
	[tilespmem:$0x15300] =	vst v63  }
0x2e3: {  	v4 =	vld [tilespmem:$0x5270];
	_ =	sdelay $0x4  }
0x2e4: {  	v5 =	vshll.u32 v4, $0x2  }
0x2e5: {  	v4 =	vand.u32 $0x7, v4;
	v5 =	vand.u32 $0xFFFFFFE0, v5  }
0x2e6: {  	v4 =	vor.u32 v4, v5  }
0x2e7: {  	v5 =	vperm.xlane v4, v1;
	_ =	sdelay $0x1  }
0x2e8: {  	v5 =	vadd.s32 v2, v5;
	_ =	sdelay $0x1  }
0x2e9: {  	s5 =	sadd.s32 s22, s5;
	v4 =	vperm.xlane v4, v3  }
0x2ea: {  	s5 =	sadd.s32 s18, s5  }
0x2eb: {  	s5 =	sadd.s32 s9, s5;
	s0 =	simm.s32 $0x13300;
	v4 =	vadd.s32 v2, v4  }
0x2ec: {  	[tilespmem:s0], [sflag:$0x1] =	stream.indirect_vreg.gather [hbm4b:s6+s4], $0x80, v5, vm0, $0xb8;
	[tilespmem:$0x15300] =	vst v63  }
0x2ed: {  	s22 =	simm.s32 $0x13B00;
	s5 =	sadd.s32 s8, s5  }
0x2ee: {  	[tilespmem:s22], [sflag:$0x1] =	stream.indirect_vreg.gather [hbm4b:s11+s4], $0x80, v5, vm0, $0xb8;
	[tilespmem:$0x15300] =	vst v63  }
0x2ef: {  	s1 =	simm.s32 $0x2;
	s5 =	sadd.s32 s10, s5;
	s22 =	simm.s32 $0x14300  }
0x2f0: {  	[tilespmem:s22], [sflag:$0x1] =	stream.indirect_vreg.gather [hbm4b:s6+s4], $0x80, v4, vm0, $0xb8;
	[tilespmem:$0x15300] =	vst v63  }
0x2f1: {  	s15 =	simm.s32 $0x1;
	s9 =	simm.s32 $0x14B00;
	s5 =	sadd.s32 s12, s5  }
0x2f2: {  	[tilespmem:s9], [sflag:$0x1] =	stream.indirect_vreg.gather [hbm4b:s11+s4], $0x80, v4, vm0, $0xb8;
	[tilespmem:$0x15300] =	vst v63  }
0x2f3: {  	s10 =	simm.s32 $0x1;
	s5 =	sadd.s32 s24, s5;
	_ =	swait.ge [sflag:s15], $0x10000  }
0x2f4: {  	p0 =	slt.s32 s5, $0x1;
	s22 =	simm.s32 $0x5300;
	[sflag:s10] =	ssyncset.done $0x0  }
.Ltmp2:
0x2f5: {  	s18 =	rddreg [dreg:$0x9];
	[sflag:s10] =	ssyncadd.s32 $0xFFFF0000;
	(pc) =	sbr.rel @p0 .LBB2_3-.Ltmp2, $4  }
0x2f6: {  	[hbm4b:s18+s4] =	stream.linear.scatter [tilespmem:s22], [sflag:$0x2], $0x10000, $0x38;
	[tilespmem:$0x15300] =	vst v63  }
0x2f7: {  	_ =	swait.ge [sflag:s1], $0x10000  }
0x2f8: {  	[sflag:s1] =	ssyncset.done $0x0  }
0x2f9: {  	s15 =	simm.s32 $0x5300;
	[sflag:s1] =	ssyncadd.s32 $0xFFFF0000  }
0x2fa: {  	v4 =	vld [tilespmem:$0x5180];
	_ =	sdelay $0x4  }
0x2fb: {  	v5 =	vshll.u32 v4, $0x2  }
0x2fc: {  	v4 =	vand.u32 $0x7, v4;
	v5 =	vand.u32 $0xFFFFFFE0, v5  }
0x2fd: {  	v4 =	vor.u32 v4, v5  }
0x2fe: {  	v5 =	vperm.xlane v4, v1;
	_ =	sdelay $0x1  }
0x2ff: {  	v5 =	vadd.s32 v2, v5;
	_ =	sdelay $0x1  }
0x300: {  	v4 =	vperm.xlane v4, v3;
	_ =	sdelay $0x1  }
0x301: {  	s5 =	rddreg [dreg:$0x3];
	v4 =	vadd.s32 v2, v4  }
0x302: {  	[tilespmem:s15], [sflag:$0x1] =	stream.indirect_vreg.gather [hbm4b:s5+s4], $0x80, v5, vm0, $0xb8;
	[tilespmem:$0x15300] =	vst v63  }
0x303: {  	s9 =	rddreg [dreg:$0xb];
	s12 =	simm.s32 $0x5B00  }
0x304: {  	[tilespmem:s12], [sflag:$0x1] =	stream.indirect_vreg.gather [hbm4b:s9+s4], $0x80, v5, vm0, $0xb8;
	[tilespmem:$0x15300] =	vst v63  }
0x305: {  	s1 =	simm.s32 $0x6300  }
0x306: {  	[tilespmem:s1], [sflag:$0x1] =	stream.indirect_vreg.gather [hbm4b:s5+s4], $0x80, v4, vm0, $0xb8;
	[tilespmem:$0x15300] =	vst v63  }
0x307: {  	_ = 	snop  }
0x308: {  	[tilespmem:s28], [sflag:$0x1] =	stream.indirect_vreg.gather [hbm4b:s9+s4], $0x80, v4, vm0, $0xb8;
	[tilespmem:$0x15300] =	vst v63  }
0x309: {  	v4 =	vld [tilespmem:$0x5190];
	_ =	sdelay $0x4  }
0x30a: {  	v5 =	vshll.u32 v4, $0x2  }
0x30b: {  	v4 =	vand.u32 $0x7, v4;
	v5 =	vand.u32 $0xFFFFFFE0, v5  }
0x30c: {  	v4 =	vor.u32 v4, v5  }
0x30d: {  	v5 =	vperm.xlane v4, v1;
	_ =	sdelay $0x1  }
0x30e: {  	v5 =	vadd.s32 v2, v5;
	_ =	sdelay $0x1  }
0x30f: {  	v4 =	vperm.xlane v4, v3;
	_ =	sdelay $0x1  }
0x310: {  	v4 =	vadd.s32 v2, v4  }
0x311: {  	[tilespmem:s29], [sflag:$0x1] =	stream.indirect_vreg.gather [hbm4b:s5+s4], $0x80, v5, vm0, $0xb8;
	[tilespmem:$0x15300] =	vst v63  }
0x312: {  	_ = 	snop  }
0x313: {  	[tilespmem:s30], [sflag:$0x1] =	stream.indirect_vreg.gather [hbm4b:s9+s4], $0x80, v5, vm0, $0xb8;
	[tilespmem:$0x15300] =	vst v63  }
0x314: {  	_ = 	snop  }
0x315: {  	[tilespmem:s31], [sflag:$0x1] =	stream.indirect_vreg.gather [hbm4b:s5+s4], $0x80, v4, vm0, $0xb8;
	[tilespmem:$0x15300] =	vst v63  }
0x316: {  	_ = 	snop  }
0x317: {  	[tilespmem:s2], [sflag:$0x1] =	stream.indirect_vreg.gather [hbm4b:s9+s4], $0x80, v4, vm0, $0xb8;
	[tilespmem:$0x15300] =	vst v63  }
0x318: {  	v4 =	vld [tilespmem:$0x51A0];
	_ =	sdelay $0x4  }
0x319: {  	v5 =	vshll.u32 v4, $0x2  }
0x31a: {  	v4 =	vand.u32 $0x7, v4;
	v5 =	vand.u32 $0xFFFFFFE0, v5  }
0x31b: {  	v4 =	vor.u32 v4, v5  }
0x31c: {  	v5 =	vperm.xlane v4, v1;
	_ =	sdelay $0x1  }
0x31d: {  	v5 =	vadd.s32 v2, v5;
	_ =	sdelay $0x1  }
0x31e: {  	v4 =	vperm.xlane v4, v3;
	_ =	sdelay $0x1  }
0x31f: {  	s0 =	simm.s32 $0x9300;
	v4 =	vadd.s32 v2, v4  }
0x320: {  	[tilespmem:s0], [sflag:$0x1] =	stream.indirect_vreg.gather [hbm4b:s5+s4], $0x80, v5, vm0, $0xb8;
	[tilespmem:$0x15300] =	vst v63  }
0x321: {  	s24 =	simm.s32 $0x9B00  }
0x322: {  	[tilespmem:s24], [sflag:$0x1] =	stream.indirect_vreg.gather [hbm4b:s9+s4], $0x80, v5, vm0, $0xb8;
	[tilespmem:$0x15300] =	vst v63  }
0x323: {  	_ = 	snop  }
0x324: {  	[tilespmem:s17], [sflag:$0x1] =	stream.indirect_vreg.gather [hbm4b:s5+s4], $0x80, v4, vm0, $0xb8;
	[tilespmem:$0x15300] =	vst v63  }
0x325: {  	_ = 	snop  }
0x326: {  	[tilespmem:s19], [sflag:$0x1] =	stream.indirect_vreg.gather [hbm4b:s9+s4], $0x80, v4, vm0, $0xb8;
	[tilespmem:$0x15300] =	vst v63  }
0x327: {  	v4 =	vld [tilespmem:$0x51B0];
	_ =	sdelay $0x4  }
0x328: {  	v5 =	vshll.u32 v4, $0x2  }
0x329: {  	v4 =	vand.u32 $0x7, v4;
	v5 =	vand.u32 $0xFFFFFFE0, v5  }
0x32a: {  	v4 =	vor.u32 v4, v5  }
0x32b: {  	v5 =	vperm.xlane v4, v1;
	_ =	sdelay $0x1  }
0x32c: {  	v5 =	vadd.s32 v2, v5;
	_ =	sdelay $0x1  }
0x32d: {  	v4 =	vperm.xlane v4, v3;
	_ =	sdelay $0x1  }
0x32e: {  	v4 =	vadd.s32 v2, v4  }
0x32f: {  	[tilespmem:s23], [sflag:$0x1] =	stream.indirect_vreg.gather [hbm4b:s5+s4], $0x80, v5, vm0, $0xb8;
	[tilespmem:$0x15300] =	vst v63  }
0x330: {  	_ = 	snop  }
0x331: {  	[tilespmem:s3], [sflag:$0x1] =	stream.indirect_vreg.gather [hbm4b:s9+s4], $0x80, v5, vm0, $0xb8;
	[tilespmem:$0x15300] =	vst v63  }
0x332: {  	_ = 	snop  }
0x333: {  	[tilespmem:s21], [sflag:$0x1] =	stream.indirect_vreg.gather [hbm4b:s5+s4], $0x80, v4, vm0, $0xb8;
	[tilespmem:$0x15300] =	vst v63  }
0x334: {  	_ = 	snop  }
0x335: {  	[tilespmem:s7], [sflag:$0x1] =	stream.indirect_vreg.gather [hbm4b:s9+s4], $0x80, v4, vm0, $0xb8;
	[tilespmem:$0x15300] =	vst v63  }
0x336: {  	v4 =	vld [tilespmem:$0x51C0];
	_ =	sdelay $0x4  }
0x337: {  	v5 =	vshll.u32 v4, $0x2  }
0x338: {  	v4 =	vand.u32 $0x7, v4;
	v5 =	vand.u32 $0xFFFFFFE0, v5  }
0x339: {  	v4 =	vor.u32 v4, v5  }
0x33a: {  	v5 =	vperm.xlane v4, v1;
	_ =	sdelay $0x1  }
0x33b: {  	v5 =	vadd.s32 v2, v5;
	_ =	sdelay $0x1  }
0x33c: {  	v4 =	vperm.xlane v4, v3;
	_ =	sdelay $0x1  }
0x33d: {  	v4 =	vadd.s32 v2, v4  }
0x33e: {  	[tilespmem:s13], [sflag:$0x1] =	stream.indirect_vreg.gather [hbm4b:s5+s4], $0x80, v5, vm0, $0xb8;
	[tilespmem:$0x15300] =	vst v63  }
0x33f: {  	_ = 	snop  }
0x340: {  	[tilespmem:s14], [sflag:$0x1] =	stream.indirect_vreg.gather [hbm4b:s9+s4], $0x80, v5, vm0, $0xb8;
	[tilespmem:$0x15300] =	vst v63  }
0x341: {  	_ = 	snop  }
0x342: {  	[tilespmem:s25], [sflag:$0x1] =	stream.indirect_vreg.gather [hbm4b:s5+s4], $0x80, v4, vm0, $0xb8;
	[tilespmem:$0x15300] =	vst v63  }
0x343: {  	_ = 	snop  }
0x344: {  	[tilespmem:s26], [sflag:$0x1] =	stream.indirect_vreg.gather [hbm4b:s9+s4], $0x80, v4, vm0, $0xb8;
	[tilespmem:$0x15300] =	vst v63  }
0x345: {  	v4 =	vld [tilespmem:$0x51D0];
	_ =	sdelay $0x4  }
0x346: {  	v5 =	vshll.u32 v4, $0x2  }
0x347: {  	v4 =	vand.u32 $0x7, v4;
	v5 =	vand.u32 $0xFFFFFFE0, v5  }
0x348: {  	v4 =	vor.u32 v4, v5  }
0x349: {  	v5 =	vperm.xlane v4, v1;
	_ =	sdelay $0x1  }
0x34a: {  	v5 =	vadd.s32 v2, v5;
	_ =	sdelay $0x1  }
0x34b: {  	v4 =	vperm.xlane v4, v3;
	_ =	sdelay $0x1  }
0x34c: {  	s2 =	simm.s32 $0xF300;
	v4 =	vadd.s32 v2, v4  }
0x34d: {  	[tilespmem:s2], [sflag:$0x1] =	stream.indirect_vreg.gather [hbm4b:s5+s4], $0x80, v5, vm0, $0xb8;
	[tilespmem:$0x15300] =	vst v63  }
0x34e: {  	s7 =	simm.s32 $0xFB00  }
0x34f: {  	[tilespmem:s7], [sflag:$0x1] =	stream.indirect_vreg.gather [hbm4b:s9+s4], $0x80, v5, vm0, $0xb8;
	[tilespmem:$0x15300] =	vst v63  }
0x350: {  	s13 =	simm.s32 $0x10300  }
0x351: {  	[tilespmem:s13], [sflag:$0x1] =	stream.indirect_vreg.gather [hbm4b:s5+s4], $0x80, v4, vm0, $0xb8;
	[tilespmem:$0x15300] =	vst v63  }
0x352: {  	s14 =	simm.s32 $0x10B00  }
0x353: {  	[tilespmem:s14], [sflag:$0x1] =	stream.indirect_vreg.gather [hbm4b:s9+s4], $0x80, v4, vm0, $0xb8;
	[tilespmem:$0x15300] =	vst v63  }
0x354: {  	v4 =	vld [tilespmem:$0x51E0];
	_ =	sdelay $0x4  }
0x355: {  	v5 =	vshll.u32 v4, $0x2  }
0x356: {  	v4 =	vand.u32 $0x7, v4;
	v5 =	vand.u32 $0xFFFFFFE0, v5  }
0x357: {  	v4 =	vor.u32 v4, v5  }
0x358: {  	v5 =	vperm.xlane v4, v1;
	_ =	sdelay $0x1  }
0x359: {  	v5 =	vadd.s32 v2, v5;
	_ =	sdelay $0x1  }
0x35a: {  	v4 =	vperm.xlane v4, v3;
	_ =	sdelay $0x1  }
0x35b: {  	s17 =	simm.s32 $0x11300;
	v4 =	vadd.s32 v2, v4  }
0x35c: {  	[tilespmem:s17], [sflag:$0x1] =	stream.indirect_vreg.gather [hbm4b:s5+s4], $0x80, v5, vm0, $0xb8;
	[tilespmem:$0x15300] =	vst v63  }
0x35d: {  	s26 =	simm.s32 $0x11B00  }
0x35e: {  	[tilespmem:s26], [sflag:$0x1] =	stream.indirect_vreg.gather [hbm4b:s9+s4], $0x80, v5, vm0, $0xb8;
	[tilespmem:$0x15300] =	vst v63  }
0x35f: {  	s28 =	simm.s32 $0x12300  }
0x360: {  	[tilespmem:s28], [sflag:$0x1] =	stream.indirect_vreg.gather [hbm4b:s5+s4], $0x80, v4, vm0, $0xb8;
	[tilespmem:$0x15300] =	vst v63  }
0x361: {  	s18 =	simm.s32 $0x12B00  }
0x362: {  	[tilespmem:s18], [sflag:$0x1] =	stream.indirect_vreg.gather [hbm4b:s9+s4], $0x80, v4, vm0, $0xb8;
	[tilespmem:$0x15300] =	vst v63  }
0x363: {  	v4 =	vld [tilespmem:$0x51F0];
	_ =	sdelay $0x4  }
0x364: {  	v5 =	vshll.u32 v4, $0x2  }
0x365: {  	v4 =	vand.u32 $0x7, v4;
	v5 =	vand.u32 $0xFFFFFFE0, v5  }
0x366: {  	v4 =	vor.u32 v4, v5  }
0x367: {  	v5 =	vperm.xlane v4, v1;
	_ =	sdelay $0x1  }
0x368: {  	v5 =	vadd.s32 v2, v5;
	_ =	sdelay $0x1  }
0x369: {  	v4 =	vperm.xlane v4, v3;
	_ =	sdelay $0x1  }
0x36a: {  	s23 =	simm.s32 $0x13300;
	v4 =	vadd.s32 v2, v4  }
0x36b: {  	[tilespmem:s23], [sflag:$0x1] =	stream.indirect_vreg.gather [hbm4b:s5+s4], $0x80, v5, vm0, $0xb8;
	[tilespmem:$0x15300] =	vst v63  }
0x36c: {  	s25 =	simm.s32 $0x13B00  }
0x36d: {  	[tilespmem:s25], [sflag:$0x1] =	stream.indirect_vreg.gather [hbm4b:s9+s4], $0x80, v5, vm0, $0xb8;
	[tilespmem:$0x15300] =	vst v63  }
0x36e: {  	s8 =	simm.s32 $0x14300  }
0x36f: {  	[tilespmem:s8], [sflag:$0x1] =	stream.indirect_vreg.gather [hbm4b:s5+s4], $0x80, v4, vm0, $0xb8;
	[tilespmem:$0x15300] =	vst v63  }
0x370: {  	s0 =	simm.s32 $0x14B00  }
0x371: {  	[tilespmem:s0], [sflag:$0x1] =	stream.indirect_vreg.gather [hbm4b:s9+s4], $0x80, v4, vm0, $0xb8;
	[tilespmem:$0x15300] =	vst v63  }
0x372: {  	_ =	swait.ge [sflag:s10], $0x10000  }
0x373: {  	[sflag:s10] =	ssyncset.done $0x0  }
0x374: {  	[sflag:s10] =	ssyncadd.s32 $0xFFFF0000  }
0x375: {  	v4 =	vld [tilespmem:$0x5280];
	_ =	sdelay $0x4  }
0x376: {  	v5 =	vshll.u32 v4, $0x2  }
0x377: {  	v4 =	vand.u32 $0x7, v4;
	v5 =	vand.u32 $0xFFFFFFE0, v5  }
0x378: {  	v4 =	vor.u32 v4, v5  }
0x379: {  	v5 =	vperm.xlane v4, v1;
	_ =	sdelay $0x1  }
0x37a: {  	v5 =	vadd.s32 v2, v5;
	_ =	sdelay $0x1  }
0x37b: {  	v4 =	vperm.xlane v4, v3;
	_ =	sdelay $0x1  }
0x37c: {  	s5 =	rddreg [dreg:$0xa];
	v4 =	vadd.s32 v2, v4  }
0x37d: {  	[hbm4b:s5+s4] =	stream.indirect_vreg.scatter [tilespmem:s15], [sflag:$0x1], $0x80, v5, vm0, $0xb8;
	[tilespmem:$0x15300] =	vst v63  }
0x37e: {  	s8 =	rddreg [dreg:$0xc]  }
0x37f: {  	[hbm4b:s8+s4] =	stream.indirect_vreg.scatter [tilespmem:s12], [sflag:$0x1], $0x80, v5, vm0, $0xb8;
	[tilespmem:$0x15300] =	vst v63  }
0x380: {  	_ = 	snop  }
0x381: {  	[hbm4b:s5+s4] =	stream.indirect_vreg.scatter [tilespmem:s1], [sflag:$0x1], $0x80, v4, vm0, $0xb8;
	[tilespmem:$0x15300] =	vst v63  }
0x382: {  	s29 =	simm.s32 $0x6B00  }
0x383: {  	[hbm4b:s8+s4] =	stream.indirect_vreg.scatter [tilespmem:s29], [sflag:$0x1], $0x80, v4, vm0, $0xb8;
	[tilespmem:$0x15300] =	vst v63  }
0x384: {  	v4 =	vld [tilespmem:$0x5290];
	_ =	sdelay $0x4  }
0x385: {  	v5 =	vshll.u32 v4, $0x2  }
0x386: {  	v4 =	vand.u32 $0x7, v4;
	v5 =	vand.u32 $0xFFFFFFE0, v5  }
0x387: {  	v4 =	vor.u32 v4, v5  }
0x388: {  	v5 =	vperm.xlane v4, v1;
	_ =	sdelay $0x1  }
0x389: {  	v5 =	vadd.s32 v2, v5;
	_ =	sdelay $0x1  }
0x38a: {  	v4 =	vperm.xlane v4, v3;
	_ =	sdelay $0x1  }
0x38b: {  	s30 =	simm.s32 $0x7300;
	v4 =	vadd.s32 v2, v4  }
0x38c: {  	[hbm4b:s5+s4] =	stream.indirect_vreg.scatter [tilespmem:s30], [sflag:$0x1], $0x80, v5, vm0, $0xb8;
	[tilespmem:$0x15300] =	vst v63  }
0x38d: {  	s31 =	simm.s32 $0x7B00  }
0x38e: {  	[hbm4b:s8+s4] =	stream.indirect_vreg.scatter [tilespmem:s31], [sflag:$0x1], $0x80, v5, vm0, $0xb8;
	[tilespmem:$0x15300] =	vst v63  }
0x38f: {  	s22 =	simm.s32 $0x8300  }
0x390: {  	[hbm4b:s5+s4] =	stream.indirect_vreg.scatter [tilespmem:s22], [sflag:$0x1], $0x80, v4, vm0, $0xb8;
	[tilespmem:$0x15300] =	vst v63  }
0x391: {  	s3 =	simm.s32 $0x8B00  }
0x392: {  	[hbm4b:s8+s4] =	stream.indirect_vreg.scatter [tilespmem:s3], [sflag:$0x1], $0x80, v4, vm0, $0xb8;
	[tilespmem:$0x15300] =	vst v63  }
0x393: {  	v4 =	vld [tilespmem:$0x52A0];
	_ =	sdelay $0x4  }
0x394: {  	v5 =	vshll.u32 v4, $0x2  }
0x395: {  	v4 =	vand.u32 $0x7, v4;
	v5 =	vand.u32 $0xFFFFFFE0, v5  }
0x396: {  	v4 =	vor.u32 v4, v5  }
0x397: {  	v5 =	vperm.xlane v4, v1;
	_ =	sdelay $0x1  }
0x398: {  	v5 =	vadd.s32 v2, v5;
	_ =	sdelay $0x1  }
0x399: {  	v4 =	vperm.xlane v4, v3;
	_ =	sdelay $0x1  }
0x39a: {  	s3 =	simm.s32 $0x9300;
	v4 =	vadd.s32 v2, v4  }
0x39b: {  	[hbm4b:s5+s4] =	stream.indirect_vreg.scatter [tilespmem:s3], [sflag:$0x1], $0x80, v5, vm0, $0xb8;
	[tilespmem:$0x15300] =	vst v63  }
0x39c: {  	_ = 	snop  }
0x39d: {  	[hbm4b:s8+s4] =	stream.indirect_vreg.scatter [tilespmem:s24], [sflag:$0x1], $0x80, v5, vm0, $0xb8;
	[tilespmem:$0x15300] =	vst v63  }
0x39e: {  	s19 =	simm.s32 $0xA300  }
0x39f: {  	[hbm4b:s5+s4] =	stream.indirect_vreg.scatter [tilespmem:s19], [sflag:$0x1], $0x80, v4, vm0, $0xb8;
	[tilespmem:$0x15300] =	vst v63  }
0x3a0: {  	s21 =	simm.s32 $0xAB00  }
0x3a1: {  	[hbm4b:s8+s4] =	stream.indirect_vreg.scatter [tilespmem:s21], [sflag:$0x1], $0x80, v4, vm0, $0xb8;
	[tilespmem:$0x15300] =	vst v63  }
0x3a2: {  	v4 =	vld [tilespmem:$0x52B0];
	_ =	sdelay $0x4  }
0x3a3: {  	v5 =	vshll.u32 v4, $0x2  }
0x3a4: {  	v4 =	vand.u32 $0x7, v4;
	v5 =	vand.u32 $0xFFFFFFE0, v5  }
0x3a5: {  	v4 =	vor.u32 v4, v5  }
0x3a6: {  	v5 =	vperm.xlane v4, v1;
	_ =	sdelay $0x1  }
0x3a7: {  	v5 =	vadd.s32 v2, v5;
	_ =	sdelay $0x1  }
0x3a8: {  	v4 =	vperm.xlane v4, v3;
	_ =	sdelay $0x1  }
0x3a9: {  	s12 =	simm.s32 $0xB300;
	v4 =	vadd.s32 v2, v4  }
0x3aa: {  	[hbm4b:s5+s4] =	stream.indirect_vreg.scatter [tilespmem:s12], [sflag:$0x1], $0x80, v5, vm0, $0xb8;
	[tilespmem:$0x15300] =	vst v63  }
0x3ab: {  	s15 =	simm.s32 $0xBB00  }
0x3ac: {  	[hbm4b:s8+s4] =	stream.indirect_vreg.scatter [tilespmem:s15], [sflag:$0x1], $0x80, v5, vm0, $0xb8;
	[tilespmem:$0x15300] =	vst v63  }
0x3ad: {  	s19 =	simm.s32 $0xC300  }
0x3ae: {  	[hbm4b:s5+s4] =	stream.indirect_vreg.scatter [tilespmem:s19], [sflag:$0x1], $0x80, v4, vm0, $0xb8;
	[tilespmem:$0x15300] =	vst v63  }
0x3af: {  	s21 =	simm.s32 $0xCB00  }
0x3b0: {  	[hbm4b:s8+s4] =	stream.indirect_vreg.scatter [tilespmem:s21], [sflag:$0x1], $0x80, v4, vm0, $0xb8;
	[tilespmem:$0x15300] =	vst v63  }
0x3b1: {  	v4 =	vld [tilespmem:$0x52C0];
	_ =	sdelay $0x4  }
0x3b2: {  	v5 =	vshll.u32 v4, $0x2  }
0x3b3: {  	v4 =	vand.u32 $0x7, v4;
	v5 =	vand.u32 $0xFFFFFFE0, v5  }
0x3b4: {  	v4 =	vor.u32 v4, v5  }
0x3b5: {  	v5 =	vperm.xlane v4, v1;
	_ =	sdelay $0x1  }
0x3b6: {  	v5 =	vadd.s32 v2, v5;
	_ =	sdelay $0x1  }
0x3b7: {  	v4 =	vperm.xlane v4, v3;
	_ =	sdelay $0x1  }
0x3b8: {  	s22 =	simm.s32 $0xD300;
	v4 =	vadd.s32 v2, v4  }
0x3b9: {  	[hbm4b:s5+s4] =	stream.indirect_vreg.scatter [tilespmem:s22], [sflag:$0x1], $0x80, v5, vm0, $0xb8;
	[tilespmem:$0x15300] =	vst v63  }
0x3ba: {  	s24 =	simm.s32 $0xDB00  }
0x3bb: {  	[hbm4b:s8+s4] =	stream.indirect_vreg.scatter [tilespmem:s24], [sflag:$0x1], $0x80, v5, vm0, $0xb8;
	[tilespmem:$0x15300] =	vst v63  }
0x3bc: {  	s29 =	simm.s32 $0xE300  }
0x3bd: {  	[hbm4b:s5+s4] =	stream.indirect_vreg.scatter [tilespmem:s29], [sflag:$0x1], $0x80, v4, vm0, $0xb8;
	[tilespmem:$0x15300] =	vst v63  }
0x3be: {  	s30 =	simm.s32 $0xEB00  }
0x3bf: {  	[hbm4b:s8+s4] =	stream.indirect_vreg.scatter [tilespmem:s30], [sflag:$0x1], $0x80, v4, vm0, $0xb8;
	[tilespmem:$0x15300] =	vst v63  }
0x3c0: {  	v4 =	vld [tilespmem:$0x52D0];
	_ =	sdelay $0x4  }
0x3c1: {  	v5 =	vshll.u32 v4, $0x2  }
0x3c2: {  	v4 =	vand.u32 $0x7, v4;
	v5 =	vand.u32 $0xFFFFFFE0, v5  }
0x3c3: {  	v4 =	vor.u32 v4, v5  }
0x3c4: {  	v5 =	vperm.xlane v4, v1;
	_ =	sdelay $0x1  }
0x3c5: {  	v5 =	vadd.s32 v2, v5;
	_ =	sdelay $0x1  }
0x3c6: {  	v4 =	vperm.xlane v4, v3;
	_ =	sdelay $0x1  }
0x3c7: {  	v4 =	vadd.s32 v2, v4  }
0x3c8: {  	[hbm4b:s5+s4] =	stream.indirect_vreg.scatter [tilespmem:s2], [sflag:$0x1], $0x80, v5, vm0, $0xb8;
	[tilespmem:$0x15300] =	vst v63  }
0x3c9: {  	_ = 	snop  }
0x3ca: {  	[hbm4b:s8+s4] =	stream.indirect_vreg.scatter [tilespmem:s7], [sflag:$0x1], $0x80, v5, vm0, $0xb8;
	[tilespmem:$0x15300] =	vst v63  }
0x3cb: {  	_ = 	snop  }
0x3cc: {  	[hbm4b:s5+s4] =	stream.indirect_vreg.scatter [tilespmem:s13], [sflag:$0x1], $0x80, v4, vm0, $0xb8;
	[tilespmem:$0x15300] =	vst v63  }
0x3cd: {  	_ = 	snop  }
0x3ce: {  	[hbm4b:s8+s4] =	stream.indirect_vreg.scatter [tilespmem:s14], [sflag:$0x1], $0x80, v4, vm0, $0xb8;
	[tilespmem:$0x15300] =	vst v63  }
0x3cf: {  	v4 =	vld [tilespmem:$0x52E0];
	_ =	sdelay $0x4  }
0x3d0: {  	v5 =	vshll.u32 v4, $0x2  }
0x3d1: {  	v4 =	vand.u32 $0x7, v4;
	v5 =	vand.u32 $0xFFFFFFE0, v5  }
0x3d2: {  	v4 =	vor.u32 v4, v5  }
0x3d3: {  	v5 =	vperm.xlane v4, v1;
	_ =	sdelay $0x1  }
0x3d4: {  	v5 =	vadd.s32 v2, v5;
	_ =	sdelay $0x1  }
0x3d5: {  	v4 =	vperm.xlane v4, v3;
	_ =	sdelay $0x1  }
0x3d6: {  	v4 =	vadd.s32 v2, v4  }
0x3d7: {  	[hbm4b:s5+s4] =	stream.indirect_vreg.scatter [tilespmem:s17], [sflag:$0x1], $0x80, v5, vm0, $0xb8;
	[tilespmem:$0x15300] =	vst v63  }
0x3d8: {  	_ = 	snop  }
0x3d9: {  	[hbm4b:s8+s4] =	stream.indirect_vreg.scatter [tilespmem:s26], [sflag:$0x1], $0x80, v5, vm0, $0xb8;
	[tilespmem:$0x15300] =	vst v63  }
0x3da: {  	_ = 	snop  }
0x3db: {  	[hbm4b:s5+s4] =	stream.indirect_vreg.scatter [tilespmem:s28], [sflag:$0x1], $0x80, v4, vm0, $0xb8;
	[tilespmem:$0x15300] =	vst v63  }
0x3dc: {  	_ = 	snop  }
0x3dd: {  	[hbm4b:s8+s4] =	stream.indirect_vreg.scatter [tilespmem:s18], [sflag:$0x1], $0x80, v4, vm0, $0xb8;
	[tilespmem:$0x15300] =	vst v63  }
0x3de: {  	v4 =	vld [tilespmem:$0x52F0];
	_ =	sdelay $0x4  }
0x3df: {  	v5 =	vshll.u32 v4, $0x2  }
0x3e0: {  	v4 =	vand.u32 $0x7, v4;
	v5 =	vand.u32 $0xFFFFFFE0, v5  }
0x3e1: {  	v4 =	vor.u32 v4, v5  }
0x3e2: {  	v1 =	vperm.xlane v4, v1;
	_ =	sdelay $0x1  }
0x3e3: {  	v1 =	vadd.s32 v2, v1;
	_ =	sdelay $0x1  }
0x3e4: {  	v3 =	vperm.xlane v4, v3;
	_ =	sdelay $0x1  }
0x3e5: {  	v2 =	vadd.s32 v2, v3  }
0x3e6: {  	[hbm4b:s5+s4] =	stream.indirect_vreg.scatter [tilespmem:s23], [sflag:$0x1], $0x80, v1, vm0, $0xb8;
	[tilespmem:$0x15300] =	vst v63  }
0x3e7: {  	_ = 	snop  }
0x3e8: {  	[hbm4b:s8+s4] =	stream.indirect_vreg.scatter [tilespmem:s25], [sflag:$0x1], $0x80, v1, vm0, $0xb8;
	[tilespmem:$0x15300] =	vst v63  }
0x3e9: {  	s31 =	simm.s32 $0x14300  }
0x3ea: {  	[hbm4b:s5+s4] =	stream.indirect_vreg.scatter [tilespmem:s31], [sflag:$0x1], $0x80, v2, vm0, $0xb8;
	[tilespmem:$0x15300] =	vst v63  }
.Ltmp3:
0x3eb: {  	s9 =	simm.s32 $0x14B00;
	(pc) =	sbr.rel .LBB2_3-.Ltmp3, $4  }
0x3ec: {  	[hbm4b:s8+s4] =	stream.indirect_vreg.scatter [tilespmem:s9], [sflag:$0x1], $0x80, v2, vm0, $0xb8;
	[tilespmem:$0x15300] =	vst v63  }
0x3ed: {  	_ =	swait.ge [sflag:s10], $0x10000  }
0x3ee: {  	[sflag:s10] =	ssyncset.done $0x0  }
0x3ef: {  	[sflag:s10] =	ssyncadd.s32 $0xFFFF0000  }
.LBB2_4:
0x3f0: {  	_ =	sfence.sel $0x180000  }
0x3f1: {  	[bflag:$0x0] =	sbarrier.arrive $0xFFFF  }
0x3f2: {  	_ =	strace $0x9000004A  }
0x3f3: {  	s0 =	stileid.u32;
	[bflag:$0x2] =	sbarrier.arrive $0xFFFF  }
0x3f4: {  	p0 =	sne.s32 s0, $0x0;
	s0 =	rddreg [dreg:$0x4]  }
0x3f5: {  	s0 =	sadd.s32 @!p0 $0x100000, s0  }
0x3f6: {  	[sflag:s0] =	ssyncadd.tile.s32 @!p0 $0x1;
	_ =	shalt  }
.Lfunc_end2:
_tile_overlayer_lowered:
.L_overlay_start_2:
0x3f7: {  	(tag) =	ssettag $0x2  }
0x3f8: {  	s0 =	rddreg [dreg:$0x0];
	s2 =	stileid.u32  }
0x3f9: {  	s1 =	rddreg [dreg:$0x1];
	p0 =	sne.s32 s2, $0x0  }
0x3fa: {  	s3 =	rddreg [dreg:$0x2];
	[bflag:$0x3] =	sbarrier.arrive $0xFFFF;
	s2 =	simm.s32 @!p0 $0x1C02  }
0x3fb: {  	[timem:s3], [sflag:s2] =	dma.local @!p0 [hbm:s0], s1  }
0x3fc: {  	s0 =	simm.s32 @!p0 $0x2  }
0x3fd: {  	_ =	swait.ge @!p0 [sflag:s0], s1  }
0x3fe: {  	s1 =	ssub.s32 @!p0 $0x0, s1;
	[sflag:s0] =	ssyncset.done @!p0 $0x0  }
0x3ff: {  	[sflag:s0] =	ssyncadd.s32 @!p0 s1  }
0x400: {  	[bflag:$0x3] =	sbarrier.arrive $0xFFFF  }
0x401: {  	_ =	shalt  }

</sc_bundles>
